<compile_context>
chip_gen: v7x
topology: tpu7x:2x2x1
jax: 0.10.2.dev20260603
libtpu: 0.0.44.dev20260713+nightly
codegen_flags: <defaults>
</compile_context>

<pallas_src>
import functools

import jax
import jax.numpy as jnp
from jax import lax
from jax.experimental import pallas as pl
from jax.experimental.pallas import tpu as pltpu
from jax.experimental.pallas import tpu_sc as plsc

_NSLOT = 10



def _make_gather(batch, dim, nwide, nc, ns):
    nw = nc * ns
    bpw = batch // nw
    ng = bpw // 2
    nchunk = bpw // 128
    gpc = ng // nchunk
    mesh = plsc.VectorSubcoreMesh(core_axis_name="c", subcore_axis_name="s")

    @functools.partial(
        pl.kernel,
        out_type=[
            jax.ShapeDtypeStruct((batch, nwide), jnp.float32),
            jax.ShapeDtypeStruct((batch, nwide), jnp.float32),
        ],
        mesh=mesh,
        compiler_params=pltpu.CompilerParams(needs_layout_passes=False),
        scratch_types=[
            pltpu.VMEM((bpw,), jnp.int32),
            pltpu.VMEM((bpw,), jnp.int32),
            pltpu.VMEM((nchunk, 128), jnp.int32),
            pltpu.VMEM((nchunk, 128), jnp.int32),
            pltpu.VMEM((_NSLOT, dim, 128), jnp.float32),
            pltpu.VMEM((128, nwide), jnp.float32),
            pltpu.VMEM((128, nwide), jnp.float32),
            pltpu.SemaphoreType.DMA((_NSLOT,)),
            pltpu.SemaphoreType.DMA,
            pltpu.SemaphoreType.DMA,
        ],
    )
    def gather(utT_hbm, itT_hbm, su_hbm, si_hbm, pu_hbm, pi_hbm,
               ue_hbm, ie_hbm, sidu_v, sidi_v, permu_v, permi_v,
               tile_v, outu_v, outi_v, tsem, uwsem, iwsem):
        wid = lax.axis_index("s") * nc + lax.axis_index("c")
        base = wid * bpw
        lanes = lax.iota(jnp.int32, 16)
        pltpu.sync_copy(su_hbm.at[pl.ds(base, bpw)], sidu_v)
        pltpu.sync_copy(si_hbm.at[pl.ds(base, bpw)], sidi_v)
        pltpu.sync_copy(pu_hbm.at[pl.ds(wid * nchunk, nchunk)], permu_v)
        pltpu.sync_copy(pi_hbm.at[pl.ds(wid * nchunk, nchunk)], permi_v)

        def ids_of_group(sid_v, g):
            vec = sid_v[pl.ds((g // 8) * 16, 16)]
            l0 = (2 * g) % 16
            s0 = jnp.max(jnp.where(lanes == l0, vec, 0))
            s1 = jnp.max(jnp.where(lanes == l0 + 1, vec, 0))
            return s0, s1

        def fire_one(tT_hbm, sid, cur, nf):
            t = sid >> 7
            ch = (t != cur).astype(jnp.int32)

            @pl.when(ch == 1)
            def _():
                off = pl.multiple_of(t * 128, 128)
                pltpu.async_copy(tT_hbm.at[:, pl.ds(off, 128)],
                                 tile_v.at[nf % _NSLOT],
                                 tsem.at[nf % _NSLOT])

            return t, nf + ch

        def extract_one(out_v, sid, row, cur, ne, slot):
            t = sid >> 7
            ch = (t != cur).astype(jnp.int32)

            @pl.when(ch == 1)
            def _():
                pltpu.make_async_copy(utT_hbm.at[:, pl.ds(0, 128)],
                                      tile_v.at[0],
                                      tsem.at[ne % _NSLOT]).wait()

            slot = jnp.where(ch == 1, ne % _NSLOT, slot)
            sv = jnp.full((16,), slot, jnp.int32)
            c = jnp.full((16,), sid & 127, jnp.int32)
            krow = jnp.full((16,), row, jnp.int32)
            for g in range(dim // 16):
                vals = plsc.load_gather(tile_v, [sv, g * 16 + lanes, c])
                plsc.store_scatter(out_v, [krow, g * 16 + lanes], vals)
            return t, ne + ch, slot

        def group_step(j, carry, extract):
            (cuf, cif, nf, cue, cie, ne, su, si) = carry
            u0, u1 = ids_of_group(sidu_v, jnp.minimum(j + 1, ng - 1))
            i0, i1 = ids_of_group(sidi_v, jnp.minimum(j + 1, ng - 1))
            live = (j + 1 < ng).astype(jnp.int32)
            u0 = jnp.where(live == 1, u0, cuf << 7)
            i0 = jnp.where(live == 1, i0, cif << 7)
            u1 = jnp.where(live == 1, u1, cuf << 7)
            i1 = jnp.where(live == 1, i1, cif << 7)
            cuf, nf = fire_one(utT_hbm, u0, cuf, nf)
            cif, nf = fire_one(itT_hbm, i0, cif, nf)
            cuf, nf = fire_one(utT_hbm, u1, cuf, nf)
            cif, nf = fire_one(itT_hbm, i1, cif, nf)
            eu0, eu1 = ids_of_group(sidu_v, j)
            ei0, ei1 = ids_of_group(sidi_v, j)
            row = 2 * j - extract
            cue, ne, su = extract_one(outu_v, eu0, row, cue, ne, su)
            cie, ne, si = extract_one(outi_v, ei0, row, cie, ne, si)
            cue, ne, su = extract_one(outu_v, eu1, row + 1, cue, ne, su)
            cie, ne, si = extract_one(outi_v, ei1, row + 1, cie, ne, si)
            return (cuf, cif, nf, cue, cie, ne, su, si)

        carry = (jnp.int32(-1), jnp.int32(-1), jnp.int32(0),
                 jnp.int32(-1), jnp.int32(-1), jnp.int32(0),
                 jnp.int32(0), jnp.int32(0))
        u0, u1 = ids_of_group(sidu_v, 0)
        i0, i1 = ids_of_group(sidi_v, 0)
        cuf, cif, nf = carry[0], carry[1], carry[2]
        cuf, nf = fire_one(utT_hbm, u0, cuf, nf)
        cif, nf = fire_one(itT_hbm, i0, cif, nf)
        cuf, nf = fire_one(utT_hbm, u1, cuf, nf)
        cif, nf = fire_one(itT_hbm, i1, cif, nf)
        carry = (cuf, cif, nf) + carry[3:]

        for c in range(nchunk):
            if c >= 1:
                pltpu.make_async_copy(
                    outu_v, ue_hbm.at[permu_v.at[c - 1]], uwsem).wait()
                pltpu.make_async_copy(
                    outi_v, ie_hbm.at[permi_v.at[c - 1]], iwsem).wait()
            carry = lax.fori_loop(
                c * gpc, (c + 1) * gpc,
                functools.partial(group_step, extract=c * 128), carry)
            pltpu.async_copy(outu_v, ue_hbm.at[permu_v.at[c]], uwsem)
            pltpu.async_copy(outi_v, ie_hbm.at[permi_v.at[c]], iwsem)
        pltpu.make_async_copy(
            outu_v, ue_hbm.at[permu_v.at[nchunk - 1]], uwsem).wait()
        pltpu.make_async_copy(
            outi_v, ie_hbm.at[permi_v.at[nchunk - 1]], iwsem).wait()

    return gather



def _mlp_body(ue_ref, ie_ref, uf_ref, if_ref, w1_ref, b1_ref, w2_ref,
              b2_ref, out_ref):
    dim = ue_ref.shape[1] // 2
    w1 = w1_ref[...]
    h = jnp.dot(ue_ref[:, :dim], w1[:dim],
                preferred_element_type=jnp.float32)
    h += jnp.dot(ie_ref[:, :dim], w1[dim:2 * dim],
                 preferred_element_type=jnp.float32)
    h += uf_ref[...] * w1[2 * dim:2 * dim + 1]
    h += if_ref[...] * w1[2 * dim + 1:2 * dim + 2]
    h = jnp.maximum(h + b1_ref[...], 0.0)
    y = jnp.dot(h, w2_ref[...], preferred_element_type=jnp.float32) + b2_ref[...]
    out_ref[...] = jax.nn.sigmoid(y)


def _make_mlp(batch, nwide, hidden, nrows, blk):
    grid = (batch // blk,)
    row = lambda i: (i, 0)
    fixed = lambda i: (0, 0)
    return pl.pallas_call(
        _mlp_body,
        grid=grid,
        in_specs=[
            pl.BlockSpec((blk, nwide), row),
            pl.BlockSpec((blk, nwide), row),
            pl.BlockSpec((blk, 1), row),
            pl.BlockSpec((blk, 1), row),
            pl.BlockSpec((nrows, hidden), fixed),
            pl.BlockSpec((1, hidden), fixed),
            pl.BlockSpec((hidden, 1), fixed),
            pl.BlockSpec((1, 1), fixed),
        ],
        out_specs=pl.BlockSpec((blk, 1), row),
        out_shape=jax.ShapeDtypeStruct((batch, 1), jnp.float32),
    )


def kernel(user_id, item_id, user_feature, item_feature, user_table,
           item_table, W1, b1, W2, b2):
    batch = user_id.shape[0]
    dim = user_table.shape[1]
    hidden = W1.shape[1]
    info = plsc.get_sparse_core_info()
    nc, ns = info.num_cores, info.num_subcores

    pos = lax.iota(jnp.int32, batch)
    su, pu = lax.sort_key_val(user_id, pos)
    si, pi = lax.sort_key_val(item_id, pos)

    gather = _make_gather(batch, dim, 128, nc, ns)
    ue, ie = gather(user_table.T, item_table.T, su, si,
                    pu.reshape(batch // 128, 128),
                    pi.reshape(batch // 128, 128))

    mlp = _make_mlp(batch, 128, hidden, W1.shape[0], 4096)
    y = mlp(ue, ie, user_feature.reshape(batch, 1),
            item_feature.reshape(batch, 1), W1, b1.reshape(1, hidden),
            W2, b2.reshape(1, 1))
    return y.reshape(batch)

# --- scband reference (transcript-rebuilt; emitter-appended) ---
"""Pipeline reference for scband-recommendation-model-3693671874929 (READ-ONLY COPY).

The authoritative reference and input builder live on the scoring server;
editing this copy changes nothing except your own understanding.
"""

import jax, jax.numpy as jnp
import numpy as np

NUM_USERS = 1000000
NUM_ITEMS = 1000000
EMBED_DIM = 64
HIDDEN_DIM = 256
BATCH = 16384


def setup_inputs(seed: int = 0) -> dict:
    key = jax.random.key(seed)
    ks = jax.random.split(key, 10)
    user_id = jax.random.randint(ks[0], (BATCH,), 0, NUM_USERS, dtype=jnp.int64 if jax.config.jax_enable_x64 else jnp.int32).astype(jnp.int32)
    item_id = jax.random.randint(ks[1], (BATCH,), 0, NUM_ITEMS, dtype=jnp.int64 if jax.config.jax_enable_x64 else jnp.int32).astype(jnp.int32)
    user_feature = jax.random.normal(ks[2], (BATCH,), dtype=jnp.float32)
    item_feature = jax.random.normal(ks[3], (BATCH,), dtype=jnp.float32)
    user_table = jax.random.normal(ks[4], (NUM_USERS, EMBED_DIM), dtype=jnp.float32) * 0.02
    item_table = jax.random.normal(ks[5], (NUM_ITEMS, EMBED_DIM), dtype=jnp.float32) * 0.02
    W1 = jax.random.normal(ks[6], (EMBED_DIM * 2 + 2, HIDDEN_DIM), dtype=jnp.float32) * 0.02
    b1 = jnp.zeros((HIDDEN_DIM,), dtype=jnp.float32)
    W2 = jax.random.normal(ks[7], (HIDDEN_DIM, 1), dtype=jnp.float32) * 0.02
    b2 = jnp.zeros((1,), dtype=jnp.float32)
    return {
        "user_id": user_id,
        "item_id": item_id,
        "user_feature": user_feature,
        "item_feature": item_feature,
        "user_table": user_table,
        "item_table": item_table,
        "W1": W1,
        "b1": b1,
        "W2": W2,
        "b2": b2,
    }


def reference(user_id, item_id, user_feature, item_feature, user_table, item_table, W1, b1, W2, b2):
    # Embedding lookups (gather) - maps to SparseCore
    user_emb = jnp.take(user_table, user_id, axis=0)
    item_emb = jnp.take(item_table, item_id, axis=0)
    x = jnp.concatenate([user_emb, item_emb, user_feature[:, None], item_feature[:, None]], axis=1)
    x = jax.nn.relu(x @ W1 + b1)
    # dropout is identity at inference (eval mode)
    x = x @ W2 + b2
    return jax.nn.sigmoid(x).squeeze(-1)

if __name__ == "__main__":
    import jax
    _d = setup_inputs()
    print(jax.jit(kernel)(*tuple(_d.values())))

</pallas_src>

<mosaic_0001>
#map = affine_map<(d0, d1) -> (0, 0)>
#map1 = affine_map<(d0, d1) -> (0)>
module attributes {stable_mosaic.version = 14 : i64} {
  func.func @gather(%arg0: i32, %arg1: i32, %arg2: memref<64x1000000xf32, #tpu.memory_space<hbm>>, %arg3: memref<64x1000000xf32, #tpu.memory_space<hbm>>, %arg4: memref<16384xi32, #tpu.memory_space<hbm>>, %arg5: memref<16384xi32, #tpu.memory_space<hbm>>, %arg6: memref<128x128xi32, #tpu.memory_space<hbm>>, %arg7: memref<128x128xi32, #tpu.memory_space<hbm>>, %arg8: memref<16384x128xf32, #tpu.memory_space<hbm>>, %arg9: memref<16384x128xf32, #tpu.memory_space<hbm>>, %arg10: memref<512xi32, #tpu.memory_space<vmem>>, %arg11: memref<512xi32, #tpu.memory_space<vmem>>, %arg12: memref<4x128xi32, #tpu.memory_space<vmem>>, %arg13: memref<4x128xi32, #tpu.memory_space<vmem>>, %arg14: memref<10x64x128xf32, #tpu.memory_space<vmem>>, %arg15: memref<128x128xf32, #tpu.memory_space<vmem>>, %arg16: memref<128x128xf32, #tpu.memory_space<vmem>>, %arg17: memref<10x!tpu.dma_semaphore, #tpu.memory_space<semaphore_mem>>, %arg18: memref<!tpu.dma_semaphore, #tpu.memory_space<semaphore_mem>>, %arg19: memref<!tpu.dma_semaphore, #tpu.memory_space<semaphore_mem>>) attributes {dimension_semantics = [#tpu.dimension_semantics<core_parallel>, #tpu.dimension_semantics<subcore_parallel>], iteration_bounds = array<i64: 2, 16>, scalar_prefetch = 0 : i64, scratch_operands = 10 : i64, tpu.core_type = #tpu.core_type<sc_vector_subcore>, window_params = [{transform_indices = #map}, {transform_indices = #map}, {transform_indices = #map1}, {transform_indices = #map1}, {transform_indices = #map}, {transform_indices = #map}, {transform_indices = #map}, {transform_indices = #map}]} {
    %mul3A = arith.constant 2 : i32
    %mul3A_0 = arith.muli %arg1, %mul3A : i32
    %add3A = arith.addi %mul3A_0, %arg0 : i32
    %mul3A_1 = arith.constant 512 : i32
    %mul3A_2 = arith.muli %add3A, %mul3A_1 : i32
    %iota3A = tpu.iota {dimensions = array<i32: 0>} : vector<16xi32>
    "tpu.region"() ({
      %run_scoped3A = tpu.sem_alloc : memref<!tpu.dma_semaphore, #tpu.memory_space<semaphore_mem>>
      %dma_start3A_239 = tpu.memref_slice %arg4[%mul3A_2] : memref<16384xi32, #tpu.memory_space<hbm>> -> memref<512xi32, #tpu.memory_space<hbm>>
      %dma_start3A_240 = tpu.memref_slice %arg4[%mul3A_2] : memref<16384xi32, #tpu.memory_space<hbm>> -> memref<512xi32, #tpu.memory_space<hbm>>
      tpu.enqueue_dma source(%dma_start3A_240 : memref<512xi32, #tpu.memory_space<hbm>>) target(%arg10 : memref<512xi32, #tpu.memory_space<vmem>>) target_semaphore(%run_scoped3A : memref<!tpu.dma_semaphore, #tpu.memory_space<semaphore_mem>>)
      %dma_wait3A_241 = tpu.memref_slice %arg4[%mul3A_2] : memref<16384xi32, #tpu.memory_space<hbm>> -> memref<512xi32, #tpu.memory_space<hbm>>
      %dma_wait3A_242 = tpu.memref_slice %arg4[%mul3A_2] : memref<16384xi32, #tpu.memory_space<hbm>> -> memref<512xi32, #tpu.memory_space<hbm>>
      tpu.wait_dma2 semaphore(%run_scoped3A : memref<!tpu.dma_semaphore, #tpu.memory_space<semaphore_mem>>) src(%dma_wait3A_242 : memref<512xi32, #tpu.memory_space<hbm>>) dst(%arg10 : memref<512xi32, #tpu.memory_space<vmem>>)
      tpu.yield
    }) : () -> ()
    "tpu.region"() ({
      %run_scoped3A = tpu.sem_alloc : memref<!tpu.dma_semaphore, #tpu.memory_space<semaphore_mem>>
      %dma_start3A_239 = tpu.memref_slice %arg5[%mul3A_2] : memref<16384xi32, #tpu.memory_space<hbm>> -> memref<512xi32, #tpu.memory_space<hbm>>
      %dma_start3A_240 = tpu.memref_slice %arg5[%mul3A_2] : memref<16384xi32, #tpu.memory_space<hbm>> -> memref<512xi32, #tpu.memory_space<hbm>>
      tpu.enqueue_dma source(%dma_start3A_240 : memref<512xi32, #tpu.memory_space<hbm>>) target(%arg11 : memref<512xi32, #tpu.memory_space<vmem>>) target_semaphore(%run_scoped3A : memref<!tpu.dma_semaphore, #tpu.memory_space<semaphore_mem>>)
      %dma_wait3A_241 = tpu.memref_slice %arg5[%mul3A_2] : memref<16384xi32, #tpu.memory_space<hbm>> -> memref<512xi32, #tpu.memory_space<hbm>>
      %dma_wait3A_242 = tpu.memref_slice %arg5[%mul3A_2] : memref<16384xi32, #tpu.memory_space<hbm>> -> memref<512xi32, #tpu.memory_space<hbm>>
      tpu.wait_dma2 semaphore(%run_scoped3A : memref<!tpu.dma_semaphore, #tpu.memory_space<semaphore_mem>>) src(%dma_wait3A_242 : memref<512xi32, #tpu.memory_space<hbm>>) dst(%arg11 : memref<512xi32, #tpu.memory_space<vmem>>)
      tpu.yield
    }) : () -> ()
    %mul3A_3 = arith.constant 4 : i32
    %mul3A_4 = arith.muli %add3A, %mul3A_3 : i32
    "tpu.region"() ({
      %run_scoped3A = tpu.sem_alloc : memref<!tpu.dma_semaphore, #tpu.memory_space<semaphore_mem>>
      %dma_start3A_239 = arith.constant 0 : i32
      %dma_start3A_240 = tpu.memref_slice %arg6[%mul3A_4, %dma_start3A_239] : memref<128x128xi32, #tpu.memory_space<hbm>> -> memref<4x128xi32, #tpu.memory_space<hbm>>
      %dma_start3A_241 = arith.constant 0 : i32
      %dma_start3A_242 = tpu.memref_slice %arg6[%mul3A_4, %dma_start3A_241] : memref<128x128xi32, #tpu.memory_space<hbm>> -> memref<4x128xi32, #tpu.memory_space<hbm>>
      tpu.enqueue_dma source(%dma_start3A_242 : memref<4x128xi32, #tpu.memory_space<hbm>>) target(%arg12 : memref<4x128xi32, #tpu.memory_space<vmem>>) target_semaphore(%run_scoped3A : memref<!tpu.dma_semaphore, #tpu.memory_space<semaphore_mem>>)
      %dma_wait3A_243 = arith.constant 0 : i32
      %dma_wait3A_244 = tpu.memref_slice %arg6[%mul3A_4, %dma_wait3A_243] : memref<128x128xi32, #tpu.memory_space<hbm>> -> memref<4x128xi32, #tpu.memory_space<hbm>>
      %dma_wait3A_245 = arith.constant 0 : i32
      %dma_wait3A_246 = tpu.memref_slice %arg6[%mul3A_4, %dma_wait3A_245] : memref<128x128xi32, #tpu.memory_space<hbm>> -> memref<4x128xi32, #tpu.memory_space<hbm>>
      tpu.wait_dma2 semaphore(%run_scoped3A : memref<!tpu.dma_semaphore, #tpu.memory_space<semaphore_mem>>) src(%dma_wait3A_246 : memref<4x128xi32, #tpu.memory_space<hbm>>) dst(%arg12 : memref<4x128xi32, #tpu.memory_space<vmem>>)
      tpu.yield
    }) : () -> ()
    %mul3A_5 = arith.constant 4 : i32
    %mul3A_6 = arith.muli %add3A, %mul3A_5 : i32
    "tpu.region"() ({
      %run_scoped3A = tpu.sem_alloc : memref<!tpu.dma_semaphore, #tpu.memory_space<semaphore_mem>>
      %dma_start3A_239 = arith.constant 0 : i32
      %dma_start3A_240 = tpu.memref_slice %arg7[%mul3A_6, %dma_start3A_239] : memref<128x128xi32, #tpu.memory_space<hbm>> -> memref<4x128xi32, #tpu.memory_space<hbm>>
      %dma_start3A_241 = arith.constant 0 : i32
      %dma_start3A_242 = tpu.memref_slice %arg7[%mul3A_6, %dma_start3A_241] : memref<128x128xi32, #tpu.memory_space<hbm>> -> memref<4x128xi32, #tpu.memory_space<hbm>>
      tpu.enqueue_dma source(%dma_start3A_242 : memref<4x128xi32, #tpu.memory_space<hbm>>) target(%arg13 : memref<4x128xi32, #tpu.memory_space<vmem>>) target_semaphore(%run_scoped3A : memref<!tpu.dma_semaphore, #tpu.memory_space<semaphore_mem>>)
      %dma_wait3A_243 = arith.constant 0 : i32
      %dma_wait3A_244 = tpu.memref_slice %arg7[%mul3A_6, %dma_wait3A_243] : memref<128x128xi32, #tpu.memory_space<hbm>> -> memref<4x128xi32, #tpu.memory_space<hbm>>
      %dma_wait3A_245 = arith.constant 0 : i32
      %dma_wait3A_246 = tpu.memref_slice %arg7[%mul3A_6, %dma_wait3A_245] : memref<128x128xi32, #tpu.memory_space<hbm>> -> memref<4x128xi32, #tpu.memory_space<hbm>>
      tpu.wait_dma2 semaphore(%run_scoped3A : memref<!tpu.dma_semaphore, #tpu.memory_space<semaphore_mem>>) src(%dma_wait3A_246 : memref<4x128xi32, #tpu.memory_space<hbm>>) dst(%arg13 : memref<4x128xi32, #tpu.memory_space<vmem>>)
      tpu.yield
    }) : () -> ()
    %get3A = arith.constant 0 : index
    %get3A_7 = tpu.vector_load %arg10[%get3A] {strides = array<i32>} : memref<512xi32, #tpu.memory_space<vmem>>, vector<16xi32>,
    %eq3A = arith.constant 0 : i32
    %eq3A_8 = vector.broadcast %eq3A : i32 to vector<16xi32>
    %eq3A_9 = arith.cmpi eq, %iota3A, %eq3A_8 : vector<16xi32>
    %jit3A = arith.constant 0 : i32
    %broadcast_in_dim3A = vector.broadcast %jit3A : i32 to vector<16xi32>
    %select_n3A = arith.select %eq3A_9, %get3A_7, %broadcast_in_dim3A : vector<16xi1>, vector<16xi32>
    %reduce_max3A = arith.constant true
    %reduce_max3A_10 = vector.broadcast %reduce_max3A : i1 to vector<16xi1>
    %reduce_max3A_11 = arith.constant -2147483648 : i32
    %reduce_max3A_12 = vector.broadcast %reduce_max3A_11 : i32 to vector<16xi32>
    %reduce_max3A_13 = arith.xori %select_n3A, %reduce_max3A_12 : vector<16xi32>
    %reduce_max3A_14 = tpu.scan <max>, %reduce_max3A_13 masked %reduce_max3A_10 : vector<16xi32>, vector<16xi1> -> vector<16xi32>
    %reduce_max3A_15 = arith.xori %reduce_max3A_14, %reduce_max3A_12 : vector<16xi32>
    %reduce_max3A_16 = vector.extract %reduce_max3A_15[15] : i32 from vector<16xi32>
    %eq3A_17 = arith.constant 1 : i32
    %eq3A_18 = vector.broadcast %eq3A_17 : i32 to vector<16xi32>
    %eq3A_19 = arith.cmpi eq, %iota3A, %eq3A_18 : vector<16xi32>
    %jit3A_20 = arith.constant 0 : i32
    %broadcast_in_dim3A_21 = vector.broadcast %jit3A_20 : i32 to vector<16xi32>
    %select_n3A_22 = arith.select %eq3A_19, %get3A_7, %broadcast_in_dim3A_21 : vector<16xi1>, vector<16xi32>
    %reduce_max3A_23 = arith.constant true
    %reduce_max3A_24 = vector.broadcast %reduce_max3A_23 : i1 to vector<16xi1>
    %reduce_max3A_25 = arith.constant -2147483648 : i32
    %reduce_max3A_26 = vector.broadcast %reduce_max3A_25 : i32 to vector<16xi32>
    %reduce_max3A_27 = arith.xori %select_n3A_22, %reduce_max3A_26 : vector<16xi32>
    %reduce_max3A_28 = tpu.scan <max>, %reduce_max3A_27 masked %reduce_max3A_24 : vector<16xi32>, vector<16xi1> -> vector<16xi32>
    %reduce_max3A_29 = arith.xori %reduce_max3A_28, %reduce_max3A_26 : vector<16xi32>
    %reduce_max3A_30 = vector.extract %reduce_max3A_29[15] : i32 from vector<16xi32>
    %get3A_31 = arith.constant 0 : index
    %get3A_32 = tpu.vector_load %arg11[%get3A_31] {strides = array<i32>} : memref<512xi32, #tpu.memory_space<vmem>>, vector<16xi32>,
    %eq3A_33 = arith.constant 0 : i32
    %eq3A_34 = vector.broadcast %eq3A_33 : i32 to vector<16xi32>
    %eq3A_35 = arith.cmpi eq, %iota3A, %eq3A_34 : vector<16xi32>
    %jit3A_36 = arith.constant 0 : i32
    %broadcast_in_dim3A_37 = vector.broadcast %jit3A_36 : i32 to vector<16xi32>
    %select_n3A_38 = arith.select %eq3A_35, %get3A_32, %broadcast_in_dim3A_37 : vector<16xi1>, vector<16xi32>
    %reduce_max3A_39 = arith.constant true
    %reduce_max3A_40 = vector.broadcast %reduce_max3A_39 : i1 to vector<16xi1>
    %reduce_max3A_41 = arith.constant -2147483648 : i32
    %reduce_max3A_42 = vector.broadcast %reduce_max3A_41 : i32 to vector<16xi32>
    %reduce_max3A_43 = arith.xori %select_n3A_38, %reduce_max3A_42 : vector<16xi32>
    %reduce_max3A_44 = tpu.scan <max>, %reduce_max3A_43 masked %reduce_max3A_40 : vector<16xi32>, vector<16xi1> -> vector<16xi32>
    %reduce_max3A_45 = arith.xori %reduce_max3A_44, %reduce_max3A_42 : vector<16xi32>
    %reduce_max3A_46 = vector.extract %reduce_max3A_45[15] : i32 from vector<16xi32>
    %eq3A_47 = arith.constant 1 : i32
    %eq3A_48 = vector.broadcast %eq3A_47 : i32 to vector<16xi32>
    %eq3A_49 = arith.cmpi eq, %iota3A, %eq3A_48 : vector<16xi32>
    %jit3A_50 = arith.constant 0 : i32
    %broadcast_in_dim3A_51 = vector.broadcast %jit3A_50 : i32 to vector<16xi32>
    %select_n3A_52 = arith.select %eq3A_49, %get3A_32, %broadcast_in_dim3A_51 : vector<16xi1>, vector<16xi32>
    %reduce_max3A_53 = arith.constant true
    %reduce_max3A_54 = vector.broadcast %reduce_max3A_53 : i1 to vector<16xi1>
    %reduce_max3A_55 = arith.constant -2147483648 : i32
    %reduce_max3A_56 = vector.broadcast %reduce_max3A_55 : i32 to vector<16xi32>
    %reduce_max3A_57 = arith.xori %select_n3A_52, %reduce_max3A_56 : vector<16xi32>
    %reduce_max3A_58 = tpu.scan <max>, %reduce_max3A_57 masked %reduce_max3A_54 : vector<16xi32>, vector<16xi1> -> vector<16xi32>
    %reduce_max3A_59 = arith.xori %reduce_max3A_58, %reduce_max3A_56 : vector<16xi32>
    %reduce_max3A_60 = vector.extract %reduce_max3A_59[15] : i32 from vector<16xi32>
    %shift_right_arithmetic3A = arith.constant 7 : i32
    %shift_right_arithmetic3A_61 = arith.shrsi %reduce_max3A_16, %shift_right_arithmetic3A : i32
    %ne3A = arith.constant -1 : i32
    %ne3A_62 = arith.cmpi ne, %shift_right_arithmetic3A_61, %ne3A : i32
    %convert_element_type3A = arith.extui %ne3A_62 : i1 to i32
    %eq3A_63 = arith.constant 1 : i32
    %eq3A_64 = arith.cmpi eq, %convert_element_type3A, %eq3A_63 : i32
    %convert_element_type3A_65 = arith.extui %eq3A_64 : i1 to i32
    %cond3A = arith.constant 0 : i32
    %cond3A_66 = arith.constant 0 : i32
    %cond3A_67 = arith.cmpi ne, %convert_element_type3A_65, %cond3A_66 : i32
    scf.if %cond3A_67 {
      %mul3A_239 = arith.constant 128 : i32
      %mul3A_240 = arith.muli %shift_right_arithmetic3A_61, %mul3A_239 : i32
      %multiple_of3A = tpu.assume_multiple %mul3A_240, 128 : i32
      %jit3A_241 = arith.constant 10 : i32
      %eq3A_242 = arith.constant 0 : i32
      %eq3A_243 = arith.cmpi eq, %jit3A_241, %eq3A_242 : i32
      %jit3A_244 = arith.constant 1 : i32
      %select_n3A_245 = arith.select %eq3A_243, %jit3A_244, %jit3A_241 : i32
      %rem3A = arith.remsi %cond3A, %select_n3A_245 : i32
      %ne3A_246 = arith.constant 0 : i32
      %ne3A_247 = arith.cmpi ne, %rem3A, %ne3A_246 : i32
      %lt3A = arith.constant 0 : i32
      %lt3A_248 = arith.cmpi slt, %rem3A, %lt3A : i32
      %lt3A_249 = arith.constant 0 : i32
      %lt3A_250 = arith.cmpi slt, %select_n3A_245, %lt3A_249 : i32
      %ne3A_251 = arith.xori %lt3A_248, %lt3A_250 : i1
      %and3A = arith.andi %ne3A_251, %ne3A_247 : i1
      %add3A_252 = arith.addi %rem3A, %select_n3A_245 : i32
      %select_n3A_253 = arith.select %and3A, %add3A_252, %rem3A : i32
      %jit3A_254 = arith.constant 10 : i32
      %eq3A_255 = arith.constant 0 : i32
      %eq3A_256 = arith.cmpi eq, %jit3A_254, %eq3A_255 : i32
      %jit3A_257 = arith.constant 1 : i32
      %select_n3A_258 = arith.select %eq3A_256, %jit3A_257, %jit3A_254 : i32
      %rem3A_259 = arith.remsi %cond3A, %select_n3A_258 : i32
      %ne3A_260 = arith.constant 0 : i32
      %ne3A_261 = arith.cmpi ne, %rem3A_259, %ne3A_260 : i32
      %lt3A_262 = arith.constant 0 : i32
      %lt3A_263 = arith.cmpi slt, %rem3A_259, %lt3A_262 : i32
      %lt3A_264 = arith.constant 0 : i32
      %lt3A_265 = arith.cmpi slt, %select_n3A_258, %lt3A_264 : i32
      %ne3A_266 = arith.xori %lt3A_263, %lt3A_265 : i1
      %and3A_267 = arith.andi %ne3A_266, %ne3A_261 : i1
      %add3A_268 = arith.addi %rem3A_259, %select_n3A_258 : i32
      %select_n3A_269 = arith.select %and3A_267, %add3A_268, %rem3A_259 : i32
      %dma_start3A_270 = arith.constant 0 : i32
      %dma_start3A_271 = arith.constant 0 : i32
      %dma_start3A_272 = tpu.memref_slice %arg14[%select_n3A_253, %dma_start3A_270, %dma_start3A_271] : memref<10x64x128xf32, #tpu.memory_space<vmem>> -> memref<1x64x128xf32, #tpu.memory_space<vmem>>
      %dma_start3A_273 = tpu.memref_squeeze %dma_start3A_272 : memref<1x64x128xf32, #tpu.memory_space<vmem>> -> memref<64x128xf32, #tpu.memory_space<vmem>>
      %dma_start3A_274 = arith.constant 0 : i32
      %dma_start3A_275 = tpu.memref_slice %arg2[%dma_start3A_274, %multiple_of3A] : memref<64x1000000xf32, #tpu.memory_space<hbm>> -> memref<64x128xf32, #tpu.memory_space<hbm>>
      %dma_start3A_276 = tpu.memref_slice %arg17[%select_n3A_269] : memref<10x!tpu.dma_semaphore, #tpu.memory_space<semaphore_mem>> -> memref<1x!tpu.dma_semaphore, #tpu.memory_space<semaphore_mem>>
      %dma_start3A_277 = tpu.memref_squeeze %dma_start3A_276 : memref<1x!tpu.dma_semaphore, #tpu.memory_space<semaphore_mem>> -> memref<!tpu.dma_semaphore, #tpu.memory_space<semaphore_mem>>
      %dma_start3A_278 = arith.constant 0 : i32
      %dma_start3A_279 = arith.constant 0 : i32
      %dma_start3A_280 = tpu.memref_slice %arg14[%select_n3A_253, %dma_start3A_278, %dma_start3A_279] : memref<10x64x128xf32, #tpu.memory_space<vmem>> -> memref<1x64x128xf32, #tpu.memory_space<vmem>>
      %dma_start3A_281 = tpu.memref_squeeze %dma_start3A_280 : memref<1x64x128xf32, #tpu.memory_space<vmem>> -> memref<64x128xf32, #tpu.memory_space<vmem>>
      %dma_start3A_282 = arith.constant 0 : i32
      %dma_start3A_283 = tpu.memref_slice %arg2[%dma_start3A_282, %multiple_of3A] : memref<64x1000000xf32, #tpu.memory_space<hbm>> -> memref<64x128xf32, #tpu.memory_space<hbm>>
      tpu.enqueue_dma source(%dma_start3A_283 : memref<64x128xf32, #tpu.memory_space<hbm>>) target(%dma_start3A_281 : memref<64x128xf32, #tpu.memory_space<vmem>>) target_semaphore(%dma_start3A_277 : memref<!tpu.dma_semaphore, #tpu.memory_space<semaphore_mem>>)
    } else {
    }
    %add3A_68 = arith.constant 0 : i32
    %add3A_69 = arith.addi %add3A_68, %convert_element_type3A : i32
    %shift_right_arithmetic3A_70 = arith.constant 7 : i32
    %shift_right_arithmetic3A_71 = arith.shrsi %reduce_max3A_46, %shift_right_arithmetic3A_70 : i32
    %ne3A_72 = arith.constant -1 : i32
    %ne3A_73 = arith.cmpi ne, %shift_right_arithmetic3A_71, %ne3A_72 : i32
    %convert_element_type3A_74 = arith.extui %ne3A_73 : i1 to i32
    %eq3A_75 = arith.constant 1 : i32
    %eq3A_76 = arith.cmpi eq, %convert_element_type3A_74, %eq3A_75 : i32
    %convert_element_type3A_77 = arith.extui %eq3A_76 : i1 to i32
    %cond3A_78 = arith.constant 0 : i32
    %cond3A_79 = arith.cmpi ne, %convert_element_type3A_77, %cond3A_78 : i32
    scf.if %cond3A_79 {
      %mul3A_239 = arith.constant 128 : i32
      %mul3A_240 = arith.muli %shift_right_arithmetic3A_71, %mul3A_239 : i32
      %multiple_of3A = tpu.assume_multiple %mul3A_240, 128 : i32
      %jit3A_241 = arith.constant 10 : i32
      %eq3A_242 = arith.constant 0 : i32
      %eq3A_243 = arith.cmpi eq, %jit3A_241, %eq3A_242 : i32
      %jit3A_244 = arith.constant 1 : i32
      %select_n3A_245 = arith.select %eq3A_243, %jit3A_244, %jit3A_241 : i32
      %rem3A = arith.remsi %add3A_69, %select_n3A_245 : i32
      %ne3A_246 = arith.constant 0 : i32
      %ne3A_247 = arith.cmpi ne, %rem3A, %ne3A_246 : i32
      %lt3A = arith.constant 0 : i32
      %lt3A_248 = arith.cmpi slt, %rem3A, %lt3A : i32
      %lt3A_249 = arith.constant 0 : i32
      %lt3A_250 = arith.cmpi slt, %select_n3A_245, %lt3A_249 : i32
      %ne3A_251 = arith.xori %lt3A_248, %lt3A_250 : i1
      %and3A = arith.andi %ne3A_251, %ne3A_247 : i1
      %add3A_252 = arith.addi %rem3A, %select_n3A_245 : i32
      %select_n3A_253 = arith.select %and3A, %add3A_252, %rem3A : i32
      %jit3A_254 = arith.constant 10 : i32
      %eq3A_255 = arith.constant 0 : i32
      %eq3A_256 = arith.cmpi eq, %jit3A_254, %eq3A_255 : i32
      %jit3A_257 = arith.constant 1 : i32
      %select_n3A_258 = arith.select %eq3A_256, %jit3A_257, %jit3A_254 : i32
      %rem3A_259 = arith.remsi %add3A_69, %select_n3A_258 : i32
      %ne3A_260 = arith.constant 0 : i32
      %ne3A_261 = arith.cmpi ne, %rem3A_259, %ne3A_260 : i32
      %lt3A_262 = arith.constant 0 : i32
      %lt3A_263 = arith.cmpi slt, %rem3A_259, %lt3A_262 : i32
      %lt3A_264 = arith.constant 0 : i32
      %lt3A_265 = arith.cmpi slt, %select_n3A_258, %lt3A_264 : i32
      %ne3A_266 = arith.xori %lt3A_263, %lt3A_265 : i1
      %and3A_267 = arith.andi %ne3A_266, %ne3A_261 : i1
      %add3A_268 = arith.addi %rem3A_259, %select_n3A_258 : i32
      %select_n3A_269 = arith.select %and3A_267, %add3A_268, %rem3A_259 : i32
      %dma_start3A_270 = arith.constant 0 : i32
      %dma_start3A_271 = arith.constant 0 : i32
      %dma_start3A_272 = tpu.memref_slice %arg14[%select_n3A_253, %dma_start3A_270, %dma_start3A_271] : memref<10x64x128xf32, #tpu.memory_space<vmem>> -> memref<1x64x128xf32, #tpu.memory_space<vmem>>
      %dma_start3A_273 = tpu.memref_squeeze %dma_start3A_272 : memref<1x64x128xf32, #tpu.memory_space<vmem>> -> memref<64x128xf32, #tpu.memory_space<vmem>>
      %dma_start3A_274 = arith.constant 0 : i32
      %dma_start3A_275 = tpu.memref_slice %arg3[%dma_start3A_274, %multiple_of3A] : memref<64x1000000xf32, #tpu.memory_space<hbm>> -> memref<64x128xf32, #tpu.memory_space<hbm>>
      %dma_start3A_276 = tpu.memref_slice %arg17[%select_n3A_269] : memref<10x!tpu.dma_semaphore, #tpu.memory_space<semaphore_mem>> -> memref<1x!tpu.dma_semaphore, #tpu.memory_space<semaphore_mem>>
      %dma_start3A_277 = tpu.memref_squeeze %dma_start3A_276 : memref<1x!tpu.dma_semaphore, #tpu.memory_space<semaphore_mem>> -> memref<!tpu.dma_semaphore, #tpu.memory_space<semaphore_mem>>
      %dma_start3A_278 = arith.constant 0 : i32
      %dma_start3A_279 = arith.constant 0 : i32
      %dma_start3A_280 = tpu.memref_slice %arg14[%select_n3A_253, %dma_start3A_278, %dma_start3A_279] : memref<10x64x128xf32, #tpu.memory_space<vmem>> -> memref<1x64x128xf32, #tpu.memory_space<vmem>>
      %dma_start3A_281 = tpu.memref_squeeze %dma_start3A_280 : memref<1x64x128xf32, #tpu.memory_space<vmem>> -> memref<64x128xf32, #tpu.memory_space<vmem>>
      %dma_start3A_282 = arith.constant 0 : i32
      %dma_start3A_283 = tpu.memref_slice %arg3[%dma_start3A_282, %multiple_of3A] : memref<64x1000000xf32, #tpu.memory_space<hbm>> -> memref<64x128xf32, #tpu.memory_space<hbm>>
      tpu.enqueue_dma source(%dma_start3A_283 : memref<64x128xf32, #tpu.memory_space<hbm>>) target(%dma_start3A_281 : memref<64x128xf32, #tpu.memory_space<vmem>>) target_semaphore(%dma_start3A_277 : memref<!tpu.dma_semaphore, #tpu.memory_space<semaphore_mem>>)
    } else {
    }
    %add3A_80 = arith.addi %add3A_69, %convert_element_type3A_74 : i32
    %shift_right_arithmetic3A_81 = arith.constant 7 : i32
    %shift_right_arithmetic3A_82 = arith.shrsi %reduce_max3A_30, %shift_right_arithmetic3A_81 : i32
    %ne3A_83 = arith.cmpi ne, %shift_right_arithmetic3A_82, %shift_right_arithmetic3A_61 : i32
    %convert_element_type3A_84 = arith.extui %ne3A_83 : i1 to i32
    %eq3A_85 = arith.constant 1 : i32
    %eq3A_86 = arith.cmpi eq, %convert_element_type3A_84, %eq3A_85 : i32
    %convert_element_type3A_87 = arith.extui %eq3A_86 : i1 to i32
    %cond3A_88 = arith.constant 0 : i32
    %cond3A_89 = arith.cmpi ne, %convert_element_type3A_87, %cond3A_88 : i32
    scf.if %cond3A_89 {
      %mul3A_239 = arith.constant 128 : i32
      %mul3A_240 = arith.muli %shift_right_arithmetic3A_82, %mul3A_239 : i32
      %multiple_of3A = tpu.assume_multiple %mul3A_240, 128 : i32
      %jit3A_241 = arith.constant 10 : i32
      %eq3A_242 = arith.constant 0 : i32
      %eq3A_243 = arith.cmpi eq, %jit3A_241, %eq3A_242 : i32
      %jit3A_244 = arith.constant 1 : i32
      %select_n3A_245 = arith.select %eq3A_243, %jit3A_244, %jit3A_241 : i32
      %rem3A = arith.remsi %add3A_80, %select_n3A_245 : i32
      %ne3A_246 = arith.constant 0 : i32
      %ne3A_247 = arith.cmpi ne, %rem3A, %ne3A_246 : i32
      %lt3A = arith.constant 0 : i32
      %lt3A_248 = arith.cmpi slt, %rem3A, %lt3A : i32
      %lt3A_249 = arith.constant 0 : i32
      %lt3A_250 = arith.cmpi slt, %select_n3A_245, %lt3A_249 : i32
      %ne3A_251 = arith.xori %lt3A_248, %lt3A_250 : i1
      %and3A = arith.andi %ne3A_251, %ne3A_247 : i1
      %add3A_252 = arith.addi %rem3A, %select_n3A_245 : i32
      %select_n3A_253 = arith.select %and3A, %add3A_252, %rem3A : i32
      %jit3A_254 = arith.constant 10 : i32
      %eq3A_255 = arith.constant 0 : i32
      %eq3A_256 = arith.cmpi eq, %jit3A_254, %eq3A_255 : i32
      %jit3A_257 = arith.constant 1 : i32
      %select_n3A_258 = arith.select %eq3A_256, %jit3A_257, %jit3A_254 : i32
      %rem3A_259 = arith.remsi %add3A_80, %select_n3A_258 : i32
      %ne3A_260 = arith.constant 0 : i32
      %ne3A_261 = arith.cmpi ne, %rem3A_259, %ne3A_260 : i32
      %lt3A_262 = arith.constant 0 : i32
      %lt3A_263 = arith.cmpi slt, %rem3A_259, %lt3A_262 : i32
      %lt3A_264 = arith.constant 0 : i32
      %lt3A_265 = arith.cmpi slt, %select_n3A_258, %lt3A_264 : i32
      %ne3A_266 = arith.xori %lt3A_263, %lt3A_265 : i1
      %and3A_267 = arith.andi %ne3A_266, %ne3A_261 : i1
      %add3A_268 = arith.addi %rem3A_259, %select_n3A_258 : i32
      %select_n3A_269 = arith.select %and3A_267, %add3A_268, %rem3A_259 : i32
      %dma_start3A_270 = arith.constant 0 : i32
      %dma_start3A_271 = arith.constant 0 : i32
      %dma_start3A_272 = tpu.memref_slice %arg14[%select_n3A_253, %dma_start3A_270, %dma_start3A_271] : memref<10x64x128xf32, #tpu.memory_space<vmem>> -> memref<1x64x128xf32, #tpu.memory_space<vmem>>
      %dma_start3A_273 = tpu.memref_squeeze %dma_start3A_272 : memref<1x64x128xf32, #tpu.memory_space<vmem>> -> memref<64x128xf32, #tpu.memory_space<vmem>>
      %dma_start3A_274 = arith.constant 0 : i32
      %dma_start3A_275 = tpu.memref_slice %arg2[%dma_start3A_274, %multiple_of3A] : memref<64x1000000xf32, #tpu.memory_space<hbm>> -> memref<64x128xf32, #tpu.memory_space<hbm>>
      %dma_start3A_276 = tpu.memref_slice %arg17[%select_n3A_269] : memref<10x!tpu.dma_semaphore, #tpu.memory_space<semaphore_mem>> -> memref<1x!tpu.dma_semaphore, #tpu.memory_space<semaphore_mem>>
      %dma_start3A_277 = tpu.memref_squeeze %dma_start3A_276 : memref<1x!tpu.dma_semaphore, #tpu.memory_space<semaphore_mem>> -> memref<!tpu.dma_semaphore, #tpu.memory_space<semaphore_mem>>
      %dma_start3A_278 = arith.constant 0 : i32
      %dma_start3A_279 = arith.constant 0 : i32
      %dma_start3A_280 = tpu.memref_slice %arg14[%select_n3A_253, %dma_start3A_278, %dma_start3A_279] : memref<10x64x128xf32, #tpu.memory_space<vmem>> -> memref<1x64x128xf32, #tpu.memory_space<vmem>>
      %dma_start3A_281 = tpu.memref_squeeze %dma_start3A_280 : memref<1x64x128xf32, #tpu.memory_space<vmem>> -> memref<64x128xf32, #tpu.memory_space<vmem>>
      %dma_start3A_282 = arith.constant 0 : i32
      %dma_start3A_283 = tpu.memref_slice %arg2[%dma_start3A_282, %multiple_of3A] : memref<64x1000000xf32, #tpu.memory_space<hbm>> -> memref<64x128xf32, #tpu.memory_space<hbm>>
      tpu.enqueue_dma source(%dma_start3A_283 : memref<64x128xf32, #tpu.memory_space<hbm>>) target(%dma_start3A_281 : memref<64x128xf32, #tpu.memory_space<vmem>>) target_semaphore(%dma_start3A_277 : memref<!tpu.dma_semaphore, #tpu.memory_space<semaphore_mem>>)
    } else {
    }
    %add3A_90 = arith.addi %add3A_80, %convert_element_type3A_84 : i32
    %shift_right_arithmetic3A_91 = arith.constant 7 : i32
    %shift_right_arithmetic3A_92 = arith.shrsi %reduce_max3A_60, %shift_right_arithmetic3A_91 : i32
    %ne3A_93 = arith.cmpi ne, %shift_right_arithmetic3A_92, %shift_right_arithmetic3A_71 : i32
    %convert_element_type3A_94 = arith.extui %ne3A_93 : i1 to i32
    %eq3A_95 = arith.constant 1 : i32
    %eq3A_96 = arith.cmpi eq, %convert_element_type3A_94, %eq3A_95 : i32
    %convert_element_type3A_97 = arith.extui %eq3A_96 : i1 to i32
    %cond3A_98 = arith.constant 0 : i32
    %cond3A_99 = arith.cmpi ne, %convert_element_type3A_97, %cond3A_98 : i32
    scf.if %cond3A_99 {
      %mul3A_239 = arith.constant 128 : i32
      %mul3A_240 = arith.muli %shift_right_arithmetic3A_92, %mul3A_239 : i32
      %multiple_of3A = tpu.assume_multiple %mul3A_240, 128 : i32
      %jit3A_241 = arith.constant 10 : i32
      %eq3A_242 = arith.constant 0 : i32
      %eq3A_243 = arith.cmpi eq, %jit3A_241, %eq3A_242 : i32
      %jit3A_244 = arith.constant 1 : i32
      %select_n3A_245 = arith.select %eq3A_243, %jit3A_244, %jit3A_241 : i32
      %rem3A = arith.remsi %add3A_90, %select_n3A_245 : i32
      %ne3A_246 = arith.constant 0 : i32
      %ne3A_247 = arith.cmpi ne, %rem3A, %ne3A_246 : i32
      %lt3A = arith.constant 0 : i32
      %lt3A_248 = arith.cmpi slt, %rem3A, %lt3A : i32
      %lt3A_249 = arith.constant 0 : i32
      %lt3A_250 = arith.cmpi slt, %select_n3A_245, %lt3A_249 : i32
      %ne3A_251 = arith.xori %lt3A_248, %lt3A_250 : i1
      %and3A = arith.andi %ne3A_251, %ne3A_247 : i1
      %add3A_252 = arith.addi %rem3A, %select_n3A_245 : i32
      %select_n3A_253 = arith.select %and3A, %add3A_252, %rem3A : i32
      %jit3A_254 = arith.constant 10 : i32
      %eq3A_255 = arith.constant 0 : i32
      %eq3A_256 = arith.cmpi eq, %jit3A_254, %eq3A_255 : i32
      %jit3A_257 = arith.constant 1 : i32
      %select_n3A_258 = arith.select %eq3A_256, %jit3A_257, %jit3A_254 : i32
      %rem3A_259 = arith.remsi %add3A_90, %select_n3A_258 : i32
      %ne3A_260 = arith.constant 0 : i32
      %ne3A_261 = arith.cmpi ne, %rem3A_259, %ne3A_260 : i32
      %lt3A_262 = arith.constant 0 : i32
      %lt3A_263 = arith.cmpi slt, %rem3A_259, %lt3A_262 : i32
      %lt3A_264 = arith.constant 0 : i32
      %lt3A_265 = arith.cmpi slt, %select_n3A_258, %lt3A_264 : i32
      %ne3A_266 = arith.xori %lt3A_263, %lt3A_265 : i1
      %and3A_267 = arith.andi %ne3A_266, %ne3A_261 : i1
      %add3A_268 = arith.addi %rem3A_259, %select_n3A_258 : i32
      %select_n3A_269 = arith.select %and3A_267, %add3A_268, %rem3A_259 : i32
      %dma_start3A_270 = arith.constant 0 : i32
      %dma_start3A_271 = arith.constant 0 : i32
      %dma_start3A_272 = tpu.memref_slice %arg14[%select_n3A_253, %dma_start3A_270, %dma_start3A_271] : memref<10x64x128xf32, #tpu.memory_space<vmem>> -> memref<1x64x128xf32, #tpu.memory_space<vmem>>
      %dma_start3A_273 = tpu.memref_squeeze %dma_start3A_272 : memref<1x64x128xf32, #tpu.memory_space<vmem>> -> memref<64x128xf32, #tpu.memory_space<vmem>>
      %dma_start3A_274 = arith.constant 0 : i32
      %dma_start3A_275 = tpu.memref_slice %arg3[%dma_start3A_274, %multiple_of3A] : memref<64x1000000xf32, #tpu.memory_space<hbm>> -> memref<64x128xf32, #tpu.memory_space<hbm>>
      %dma_start3A_276 = tpu.memref_slice %arg17[%select_n3A_269] : memref<10x!tpu.dma_semaphore, #tpu.memory_space<semaphore_mem>> -> memref<1x!tpu.dma_semaphore, #tpu.memory_space<semaphore_mem>>
      %dma_start3A_277 = tpu.memref_squeeze %dma_start3A_276 : memref<1x!tpu.dma_semaphore, #tpu.memory_space<semaphore_mem>> -> memref<!tpu.dma_semaphore, #tpu.memory_space<semaphore_mem>>
      %dma_start3A_278 = arith.constant 0 : i32
      %dma_start3A_279 = arith.constant 0 : i32
      %dma_start3A_280 = tpu.memref_slice %arg14[%select_n3A_253, %dma_start3A_278, %dma_start3A_279] : memref<10x64x128xf32, #tpu.memory_space<vmem>> -> memref<1x64x128xf32, #tpu.memory_space<vmem>>
      %dma_start3A_281 = tpu.memref_squeeze %dma_start3A_280 : memref<1x64x128xf32, #tpu.memory_space<vmem>> -> memref<64x128xf32, #tpu.memory_space<vmem>>
      %dma_start3A_282 = arith.constant 0 : i32
      %dma_start3A_283 = tpu.memref_slice %arg3[%dma_start3A_282, %multiple_of3A] : memref<64x1000000xf32, #tpu.memory_space<hbm>> -> memref<64x128xf32, #tpu.memory_space<hbm>>
      tpu.enqueue_dma source(%dma_start3A_283 : memref<64x128xf32, #tpu.memory_space<hbm>>) target(%dma_start3A_281 : memref<64x128xf32, #tpu.memory_space<vmem>>) target_semaphore(%dma_start3A_277 : memref<!tpu.dma_semaphore, #tpu.memory_space<semaphore_mem>>)
    } else {
    }
    %add3A_100 = arith.addi %add3A_90, %convert_element_type3A_94 : i32
    %scan3A = arith.constant -1 : i32
    %scan3A_101 = arith.constant -1 : i32
    %scan3A_102 = arith.constant 0 : i32
    %scan3A_103 = arith.constant 0 : i32
    %scan3A_104 = arith.constant 0 : i32
    %scan3A_105 = arith.constant 0 : i32
    %scan3A_106 = arith.constant 64 : i32
    %scan3A_107 = arith.addi %scan3A_105, %scan3A_106 : i32
    %scan3A_108 = arith.constant 1 : i32
    %scan3A_109:8 = scf.for %scan3A_239 = %scan3A_105 to %scan3A_107 step %scan3A_108 iter_args(%scan3A_240 = %shift_right_arithmetic3A_82, %scan3A_241 = %shift_right_arithmetic3A_92, %scan3A_242 = %add3A_100, %scan3A_243 = %scan3A, %scan3A_244 = %scan3A_101, %scan3A_245 = %scan3A_102, %scan3A_246 = %scan3A_103, %scan3A_247 = %scan3A_104) -> (i32, i32, i32, i32, i32, i32, i32, i32)  : i32 {
      %add3A_248 = arith.constant 1 : i32
      %add3A_249 = arith.addi %scan3A_239, %add3A_248 : i32
      %min3A = arith.constant 255 : i32
      %min3A_250 = arith.minsi %add3A_249, %min3A : i32
      %jit3A_251 = arith.constant 8 : i32
      %div3A = arith.divsi %min3A_250, %jit3A_251 : i32
      %sign3A = arith.constant 0 : i32
      %sign3A_252 = arith.cmpi sgt, %min3A_250, %sign3A : i32
      %sign3A_253 = arith.extui %sign3A_252 : i1 to i32
      %sign3A_254 = arith.constant 0 : i32
      %sign3A_255 = arith.cmpi slt, %min3A_250, %sign3A_254 : i32
      %sign3A_256 = arith.extui %sign3A_255 : i1 to i32
      %sign3A_257 = arith.subi %sign3A_253, %sign3A_256 : i32
      %sign3A_258 = arith.constant 0 : i32
      %sign3A_259 = arith.cmpi sgt, %jit3A_251, %sign3A_258 : i32
      %sign3A_260 = arith.extui %sign3A_259 : i1 to i32
      %sign3A_261 = arith.constant 0 : i32
      %sign3A_262 = arith.cmpi slt, %jit3A_251, %sign3A_261 : i32
      %sign3A_263 = arith.extui %sign3A_262 : i1 to i32
      %sign3A_264 = arith.subi %sign3A_260, %sign3A_263 : i32
      %ne3A_265 = arith.cmpi ne, %sign3A_257, %sign3A_264 : i32
      %rem3A = arith.remsi %min3A_250, %jit3A_251 : i32
      %ne3A_266 = arith.constant 0 : i32
      %ne3A_267 = arith.cmpi ne, %rem3A, %ne3A_266 : i32
      %and3A = arith.andi %ne3A_265, %ne3A_267 : i1
      %sub3A = arith.constant 1 : i32
      %sub3A_268 = arith.subi %div3A, %sub3A : i32
      %select_n3A_269 = arith.select %and3A, %sub3A_268, %div3A : i32
      %mul3A_270 = arith.constant 16 : i32
      %mul3A_271 = arith.muli %select_n3A_269, %mul3A_270 : i32
      %get3A_272 = arith.index_cast %mul3A_271 : i32 to index
      %get3A_273 = tpu.vector_load %arg10[%get3A_272] {strides = array<i32>} : memref<512xi32, #tpu.memory_space<vmem>>, vector<16xi32>,
      %mul3A_274 = arith.constant 2 : i32
      %mul3A_275 = arith.muli %mul3A_274, %min3A_250 : i32
      %jit3A_276 = arith.constant 16 : i32
      %eq3A_277 = arith.constant 0 : i32
      %eq3A_278 = arith.cmpi eq, %jit3A_276, %eq3A_277 : i32
      %jit3A_279 = arith.constant 1 : i32
      %select_n3A_280 = arith.select %eq3A_278, %jit3A_279, %jit3A_276 : i32
      %rem3A_281 = arith.remsi %mul3A_275, %select_n3A_280 : i32
      %ne3A_282 = arith.constant 0 : i32
      %ne3A_283 = arith.cmpi ne, %rem3A_281, %ne3A_282 : i32
      %lt3A = arith.constant 0 : i32
      %lt3A_284 = arith.cmpi slt, %rem3A_281, %lt3A : i32
      %lt3A_285 = arith.constant 0 : i32
      %lt3A_286 = arith.cmpi slt, %select_n3A_280, %lt3A_285 : i32
      %ne3A_287 = arith.xori %lt3A_284, %lt3A_286 : i1
      %and3A_288 = arith.andi %ne3A_287, %ne3A_283 : i1
      %add3A_289 = arith.addi %rem3A_281, %select_n3A_280 : i32
      %select_n3A_290 = arith.select %and3A_288, %add3A_289, %rem3A_281 : i32
      %eq3A_291 = vector.broadcast %select_n3A_290 : i32 to vector<16xi32>
      %eq3A_292 = arith.cmpi eq, %iota3A, %eq3A_291 : vector<16xi32>
      %jit3A_293 = arith.constant 0 : i32
      %broadcast_in_dim3A_294 = vector.broadcast %jit3A_293 : i32 to vector<16xi32>
      %select_n3A_295 = arith.select %eq3A_292, %get3A_273, %broadcast_in_dim3A_294 : vector<16xi1>, vector<16xi32>
      %reduce_max3A_296 = arith.constant true
      %reduce_max3A_297 = vector.broadcast %reduce_max3A_296 : i1 to vector<16xi1>
      %reduce_max3A_298 = arith.constant -2147483648 : i32
      %reduce_max3A_299 = vector.broadcast %reduce_max3A_298 : i32 to vector<16xi32>
      %reduce_max3A_300 = arith.xori %select_n3A_295, %reduce_max3A_299 : vector<16xi32>
      %reduce_max3A_301 = tpu.scan <max>, %reduce_max3A_300 masked %reduce_max3A_297 : vector<16xi32>, vector<16xi1> -> vector<16xi32>
      %reduce_max3A_302 = arith.xori %reduce_max3A_301, %reduce_max3A_299 : vector<16xi32>
      %reduce_max3A_303 = vector.extract %reduce_max3A_302[15] : i32 from vector<16xi32>
      %add3A_304 = arith.constant 1 : i32
      %add3A_305 = arith.addi %select_n3A_290, %add3A_304 : i32
      %eq3A_306 = vector.broadcast %add3A_305 : i32 to vector<16xi32>
      %eq3A_307 = arith.cmpi eq, %iota3A, %eq3A_306 : vector<16xi32>
      %jit3A_308 = arith.constant 0 : i32
      %broadcast_in_dim3A_309 = vector.broadcast %jit3A_308 : i32 to vector<16xi32>
      %select_n3A_310 = arith.select %eq3A_307, %get3A_273, %broadcast_in_dim3A_309 : vector<16xi1>, vector<16xi32>
      %reduce_max3A_311 = arith.constant true
      %reduce_max3A_312 = vector.broadcast %reduce_max3A_311 : i1 to vector<16xi1>
      %reduce_max3A_313 = arith.constant -2147483648 : i32
      %reduce_max3A_314 = vector.broadcast %reduce_max3A_313 : i32 to vector<16xi32>
      %reduce_max3A_315 = arith.xori %select_n3A_310, %reduce_max3A_314 : vector<16xi32>
      %reduce_max3A_316 = tpu.scan <max>, %reduce_max3A_315 masked %reduce_max3A_312 : vector<16xi32>, vector<16xi1> -> vector<16xi32>
      %reduce_max3A_317 = arith.xori %reduce_max3A_316, %reduce_max3A_314 : vector<16xi32>
      %reduce_max3A_318 = vector.extract %reduce_max3A_317[15] : i32 from vector<16xi32>
      %add3A_319 = arith.constant 1 : i32
      %add3A_320 = arith.addi %scan3A_239, %add3A_319 : i32
      %min3A_321 = arith.constant 255 : i32
      %min3A_322 = arith.minsi %add3A_320, %min3A_321 : i32
      %jit3A_323 = arith.constant 8 : i32
      %div3A_324 = arith.divsi %min3A_322, %jit3A_323 : i32
      %sign3A_325 = arith.constant 0 : i32
      %sign3A_326 = arith.cmpi sgt, %min3A_322, %sign3A_325 : i32
      %sign3A_327 = arith.extui %sign3A_326 : i1 to i32
      %sign3A_328 = arith.constant 0 : i32
      %sign3A_329 = arith.cmpi slt, %min3A_322, %sign3A_328 : i32
      %sign3A_330 = arith.extui %sign3A_329 : i1 to i32
      %sign3A_331 = arith.subi %sign3A_327, %sign3A_330 : i32
      %sign3A_332 = arith.constant 0 : i32
      %sign3A_333 = arith.cmpi sgt, %jit3A_323, %sign3A_332 : i32
      %sign3A_334 = arith.extui %sign3A_333 : i1 to i32
      %sign3A_335 = arith.constant 0 : i32
      %sign3A_336 = arith.cmpi slt, %jit3A_323, %sign3A_335 : i32
      %sign3A_337 = arith.extui %sign3A_336 : i1 to i32
      %sign3A_338 = arith.subi %sign3A_334, %sign3A_337 : i32
      %ne3A_339 = arith.cmpi ne, %sign3A_331, %sign3A_338 : i32
      %rem3A_340 = arith.remsi %min3A_322, %jit3A_323 : i32
      %ne3A_341 = arith.constant 0 : i32
      %ne3A_342 = arith.cmpi ne, %rem3A_340, %ne3A_341 : i32
      %and3A_343 = arith.andi %ne3A_339, %ne3A_342 : i1
      %sub3A_344 = arith.constant 1 : i32
      %sub3A_345 = arith.subi %div3A_324, %sub3A_344 : i32
      %select_n3A_346 = arith.select %and3A_343, %sub3A_345, %div3A_324 : i32
      %mul3A_347 = arith.constant 16 : i32
      %mul3A_348 = arith.muli %select_n3A_346, %mul3A_347 : i32
      %get3A_349 = arith.index_cast %mul3A_348 : i32 to index
      %get3A_350 = tpu.vector_load %arg11[%get3A_349] {strides = array<i32>} : memref<512xi32, #tpu.memory_space<vmem>>, vector<16xi32>,
      %mul3A_351 = arith.constant 2 : i32
      %mul3A_352 = arith.muli %mul3A_351, %min3A_322 : i32
      %jit3A_353 = arith.constant 16 : i32
      %eq3A_354 = arith.constant 0 : i32
      %eq3A_355 = arith.cmpi eq, %jit3A_353, %eq3A_354 : i32
      %jit3A_356 = arith.constant 1 : i32
      %select_n3A_357 = arith.select %eq3A_355, %jit3A_356, %jit3A_353 : i32
      %rem3A_358 = arith.remsi %mul3A_352, %select_n3A_357 : i32
      %ne3A_359 = arith.constant 0 : i32
      %ne3A_360 = arith.cmpi ne, %rem3A_358, %ne3A_359 : i32
      %lt3A_361 = arith.constant 0 : i32
      %lt3A_362 = arith.cmpi slt, %rem3A_358, %lt3A_361 : i32
      %lt3A_363 = arith.constant 0 : i32
      %lt3A_364 = arith.cmpi slt, %select_n3A_357, %lt3A_363 : i32
      %ne3A_365 = arith.xori %lt3A_362, %lt3A_364 : i1
      %and3A_366 = arith.andi %ne3A_365, %ne3A_360 : i1
      %add3A_367 = arith.addi %rem3A_358, %select_n3A_357 : i32
      %select_n3A_368 = arith.select %and3A_366, %add3A_367, %rem3A_358 : i32
      %eq3A_369 = vector.broadcast %select_n3A_368 : i32 to vector<16xi32>
      %eq3A_370 = arith.cmpi eq, %iota3A, %eq3A_369 : vector<16xi32>
      %jit3A_371 = arith.constant 0 : i32
      %broadcast_in_dim3A_372 = vector.broadcast %jit3A_371 : i32 to vector<16xi32>
      %select_n3A_373 = arith.select %eq3A_370, %get3A_350, %broadcast_in_dim3A_372 : vector<16xi1>, vector<16xi32>
      %reduce_max3A_374 = arith.constant true
      %reduce_max3A_375 = vector.broadcast %reduce_max3A_374 : i1 to vector<16xi1>
      %reduce_max3A_376 = arith.constant -2147483648 : i32
      %reduce_max3A_377 = vector.broadcast %reduce_max3A_376 : i32 to vector<16xi32>
      %reduce_max3A_378 = arith.xori %select_n3A_373, %reduce_max3A_377 : vector<16xi32>
      %reduce_max3A_379 = tpu.scan <max>, %reduce_max3A_378 masked %reduce_max3A_375 : vector<16xi32>, vector<16xi1> -> vector<16xi32>
      %reduce_max3A_380 = arith.xori %reduce_max3A_379, %reduce_max3A_377 : vector<16xi32>
      %reduce_max3A_381 = vector.extract %reduce_max3A_380[15] : i32 from vector<16xi32>
      %add3A_382 = arith.constant 1 : i32
      %add3A_383 = arith.addi %select_n3A_368, %add3A_382 : i32
      %eq3A_384 = vector.broadcast %add3A_383 : i32 to vector<16xi32>
      %eq3A_385 = arith.cmpi eq, %iota3A, %eq3A_384 : vector<16xi32>
      %jit3A_386 = arith.constant 0 : i32
      %broadcast_in_dim3A_387 = vector.broadcast %jit3A_386 : i32 to vector<16xi32>
      %select_n3A_388 = arith.select %eq3A_385, %get3A_350, %broadcast_in_dim3A_387 : vector<16xi1>, vector<16xi32>
      %reduce_max3A_389 = arith.constant true
      %reduce_max3A_390 = vector.broadcast %reduce_max3A_389 : i1 to vector<16xi1>
      %reduce_max3A_391 = arith.constant -2147483648 : i32
      %reduce_max3A_392 = vector.broadcast %reduce_max3A_391 : i32 to vector<16xi32>
      %reduce_max3A_393 = arith.xori %select_n3A_388, %reduce_max3A_392 : vector<16xi32>
      %reduce_max3A_394 = tpu.scan <max>, %reduce_max3A_393 masked %reduce_max3A_390 : vector<16xi32>, vector<16xi1> -> vector<16xi32>
      %reduce_max3A_395 = arith.xori %reduce_max3A_394, %reduce_max3A_392 : vector<16xi32>
      %reduce_max3A_396 = vector.extract %reduce_max3A_395[15] : i32 from vector<16xi32>
      %add3A_397 = arith.constant 1 : i32
      %add3A_398 = arith.addi %scan3A_239, %add3A_397 : i32
      %lt3A_399 = arith.constant 256 : i32
      %lt3A_400 = arith.cmpi slt, %add3A_398, %lt3A_399 : i32
      %convert_element_type3A_401 = arith.extui %lt3A_400 : i1 to i32
      %eq3A_402 = arith.constant 1 : i32
      %eq3A_403 = arith.cmpi eq, %convert_element_type3A_401, %eq3A_402 : i32
      %shift_left3A = arith.constant 7 : i32
      %shift_left3A_404 = arith.shli %scan3A_240, %shift_left3A : i32
      %select_n3A_405 = arith.select %eq3A_403, %reduce_max3A_303, %shift_left3A_404 : i32
      %eq3A_406 = arith.constant 1 : i32
      %eq3A_407 = arith.cmpi eq, %convert_element_type3A_401, %eq3A_406 : i32
      %shift_left3A_408 = arith.constant 7 : i32
      %shift_left3A_409 = arith.shli %scan3A_241, %shift_left3A_408 : i32
      %select_n3A_410 = arith.select %eq3A_407, %reduce_max3A_381, %shift_left3A_409 : i32
      %eq3A_411 = arith.constant 1 : i32
      %eq3A_412 = arith.cmpi eq, %convert_element_type3A_401, %eq3A_411 : i32
      %shift_left3A_413 = arith.constant 7 : i32
      %shift_left3A_414 = arith.shli %scan3A_240, %shift_left3A_413 : i32
      %select_n3A_415 = arith.select %eq3A_412, %reduce_max3A_318, %shift_left3A_414 : i32
      %eq3A_416 = arith.constant 1 : i32
      %eq3A_417 = arith.cmpi eq, %convert_element_type3A_401, %eq3A_416 : i32
      %shift_left3A_418 = arith.constant 7 : i32
      %shift_left3A_419 = arith.shli %scan3A_241, %shift_left3A_418 : i32
      %select_n3A_420 = arith.select %eq3A_417, %reduce_max3A_396, %shift_left3A_419 : i32
      %shift_right_arithmetic3A_421 = arith.constant 7 : i32
      %shift_right_arithmetic3A_422 = arith.shrsi %select_n3A_405, %shift_right_arithmetic3A_421 : i32
      %ne3A_423 = arith.cmpi ne, %shift_right_arithmetic3A_422, %scan3A_240 : i32
      %convert_element_type3A_424 = arith.extui %ne3A_423 : i1 to i32
      %eq3A_425 = arith.constant 1 : i32
      %eq3A_426 = arith.cmpi eq, %convert_element_type3A_424, %eq3A_425 : i32
      %convert_element_type3A_427 = arith.extui %eq3A_426 : i1 to i32
      %cond3A_428 = arith.constant 0 : i32
      %cond3A_429 = arith.cmpi ne, %convert_element_type3A_427, %cond3A_428 : i32
      scf.if %cond3A_429 {
        %mul3A_864 = arith.constant 128 : i32
        %mul3A_865 = arith.muli %shift_right_arithmetic3A_422, %mul3A_864 : i32
        %multiple_of3A = tpu.assume_multiple %mul3A_865, 128 : i32
        %jit3A_866 = arith.constant 10 : i32
        %eq3A_867 = arith.constant 0 : i32
        %eq3A_868 = arith.cmpi eq, %jit3A_866, %eq3A_867 : i32
        %jit3A_869 = arith.constant 1 : i32
        %select_n3A_870 = arith.select %eq3A_868, %jit3A_869, %jit3A_866 : i32
        %rem3A_871 = arith.remsi %scan3A_242, %select_n3A_870 : i32
        %ne3A_872 = arith.constant 0 : i32
        %ne3A_873 = arith.cmpi ne, %rem3A_871, %ne3A_872 : i32
        %lt3A_874 = arith.constant 0 : i32
        %lt3A_875 = arith.cmpi slt, %rem3A_871, %lt3A_874 : i32
        %lt3A_876 = arith.constant 0 : i32
        %lt3A_877 = arith.cmpi slt, %select_n3A_870, %lt3A_876 : i32
        %ne3A_878 = arith.xori %lt3A_875, %lt3A_877 : i1
        %and3A_879 = arith.andi %ne3A_878, %ne3A_873 : i1
        %add3A_880 = arith.addi %rem3A_871, %select_n3A_870 : i32
        %select_n3A_881 = arith.select %and3A_879, %add3A_880, %rem3A_871 : i32
        %jit3A_882 = arith.constant 10 : i32
        %eq3A_883 = arith.constant 0 : i32
        %eq3A_884 = arith.cmpi eq, %jit3A_882, %eq3A_883 : i32
        %jit3A_885 = arith.constant 1 : i32
        %select_n3A_886 = arith.select %eq3A_884, %jit3A_885, %jit3A_882 : i32
        %rem3A_887 = arith.remsi %scan3A_242, %select_n3A_886 : i32
        %ne3A_888 = arith.constant 0 : i32
        %ne3A_889 = arith.cmpi ne, %rem3A_887, %ne3A_888 : i32
        %lt3A_890 = arith.constant 0 : i32
        %lt3A_891 = arith.cmpi slt, %rem3A_887, %lt3A_890 : i32
        %lt3A_892 = arith.constant 0 : i32
        %lt3A_893 = arith.cmpi slt, %select_n3A_886, %lt3A_892 : i32
        %ne3A_894 = arith.xori %lt3A_891, %lt3A_893 : i1
        %and3A_895 = arith.andi %ne3A_894, %ne3A_889 : i1
        %add3A_896 = arith.addi %rem3A_887, %select_n3A_886 : i32
        %select_n3A_897 = arith.select %and3A_895, %add3A_896, %rem3A_887 : i32
        %dma_start3A_898 = arith.constant 0 : i32
        %dma_start3A_899 = arith.constant 0 : i32
        %dma_start3A_900 = tpu.memref_slice %arg14[%select_n3A_881, %dma_start3A_898, %dma_start3A_899] : memref<10x64x128xf32, #tpu.memory_space<vmem>> -> memref<1x64x128xf32, #tpu.memory_space<vmem>>
        %dma_start3A_901 = tpu.memref_squeeze %dma_start3A_900 : memref<1x64x128xf32, #tpu.memory_space<vmem>> -> memref<64x128xf32, #tpu.memory_space<vmem>>
        %dma_start3A_902 = arith.constant 0 : i32
        %dma_start3A_903 = tpu.memref_slice %arg2[%dma_start3A_902, %multiple_of3A] : memref<64x1000000xf32, #tpu.memory_space<hbm>> -> memref<64x128xf32, #tpu.memory_space<hbm>>
        %dma_start3A_904 = tpu.memref_slice %arg17[%select_n3A_897] : memref<10x!tpu.dma_semaphore, #tpu.memory_space<semaphore_mem>> -> memref<1x!tpu.dma_semaphore, #tpu.memory_space<semaphore_mem>>
        %dma_start3A_905 = tpu.memref_squeeze %dma_start3A_904 : memref<1x!tpu.dma_semaphore, #tpu.memory_space<semaphore_mem>> -> memref<!tpu.dma_semaphore, #tpu.memory_space<semaphore_mem>>
        %dma_start3A_906 = arith.constant 0 : i32
        %dma_start3A_907 = arith.constant 0 : i32
        %dma_start3A_908 = tpu.memref_slice %arg14[%select_n3A_881, %dma_start3A_906, %dma_start3A_907] : memref<10x64x128xf32, #tpu.memory_space<vmem>> -> memref<1x64x128xf32, #tpu.memory_space<vmem>>
        %dma_start3A_909 = tpu.memref_squeeze %dma_start3A_908 : memref<1x64x128xf32, #tpu.memory_space<vmem>> -> memref<64x128xf32, #tpu.memory_space<vmem>>
        %dma_start3A_910 = arith.constant 0 : i32
        %dma_start3A_911 = tpu.memref_slice %arg2[%dma_start3A_910, %multiple_of3A] : memref<64x1000000xf32, #tpu.memory_space<hbm>> -> memref<64x128xf32, #tpu.memory_space<hbm>>
        tpu.enqueue_dma source(%dma_start3A_911 : memref<64x128xf32, #tpu.memory_space<hbm>>) target(%dma_start3A_909 : memref<64x128xf32, #tpu.memory_space<vmem>>) target_semaphore(%dma_start3A_905 : memref<!tpu.dma_semaphore, #tpu.memory_space<semaphore_mem>>)
      } else {
      }
      %add3A_430 = arith.addi %scan3A_242, %convert_element_type3A_424 : i32
      %shift_right_arithmetic3A_431 = arith.constant 7 : i32
      %shift_right_arithmetic3A_432 = arith.shrsi %select_n3A_410, %shift_right_arithmetic3A_431 : i32
      %ne3A_433 = arith.cmpi ne, %shift_right_arithmetic3A_432, %scan3A_241 : i32
      %convert_element_type3A_434 = arith.extui %ne3A_433 : i1 to i32
      %eq3A_435 = arith.constant 1 : i32
      %eq3A_436 = arith.cmpi eq, %convert_element_type3A_434, %eq3A_435 : i32
      %convert_element_type3A_437 = arith.extui %eq3A_436 : i1 to i32
      %cond3A_438 = arith.constant 0 : i32
      %cond3A_439 = arith.cmpi ne, %convert_element_type3A_437, %cond3A_438 : i32
      scf.if %cond3A_439 {
        %mul3A_864 = arith.constant 128 : i32
        %mul3A_865 = arith.muli %shift_right_arithmetic3A_432, %mul3A_864 : i32
        %multiple_of3A = tpu.assume_multiple %mul3A_865, 128 : i32
        %jit3A_866 = arith.constant 10 : i32
        %eq3A_867 = arith.constant 0 : i32
        %eq3A_868 = arith.cmpi eq, %jit3A_866, %eq3A_867 : i32
        %jit3A_869 = arith.constant 1 : i32
        %select_n3A_870 = arith.select %eq3A_868, %jit3A_869, %jit3A_866 : i32
        %rem3A_871 = arith.remsi %add3A_430, %select_n3A_870 : i32
        %ne3A_872 = arith.constant 0 : i32
        %ne3A_873 = arith.cmpi ne, %rem3A_871, %ne3A_872 : i32
        %lt3A_874 = arith.constant 0 : i32
        %lt3A_875 = arith.cmpi slt, %rem3A_871, %lt3A_874 : i32
        %lt3A_876 = arith.constant 0 : i32
        %lt3A_877 = arith.cmpi slt, %select_n3A_870, %lt3A_876 : i32
        %ne3A_878 = arith.xori %lt3A_875, %lt3A_877 : i1
        %and3A_879 = arith.andi %ne3A_878, %ne3A_873 : i1
        %add3A_880 = arith.addi %rem3A_871, %select_n3A_870 : i32
        %select_n3A_881 = arith.select %and3A_879, %add3A_880, %rem3A_871 : i32
        %jit3A_882 = arith.constant 10 : i32
        %eq3A_883 = arith.constant 0 : i32
        %eq3A_884 = arith.cmpi eq, %jit3A_882, %eq3A_883 : i32
        %jit3A_885 = arith.constant 1 : i32
        %select_n3A_886 = arith.select %eq3A_884, %jit3A_885, %jit3A_882 : i32
        %rem3A_887 = arith.remsi %add3A_430, %select_n3A_886 : i32
        %ne3A_888 = arith.constant 0 : i32
        %ne3A_889 = arith.cmpi ne, %rem3A_887, %ne3A_888 : i32
        %lt3A_890 = arith.constant 0 : i32
        %lt3A_891 = arith.cmpi slt, %rem3A_887, %lt3A_890 : i32
        %lt3A_892 = arith.constant 0 : i32
        %lt3A_893 = arith.cmpi slt, %select_n3A_886, %lt3A_892 : i32
        %ne3A_894 = arith.xori %lt3A_891, %lt3A_893 : i1
        %and3A_895 = arith.andi %ne3A_894, %ne3A_889 : i1
        %add3A_896 = arith.addi %rem3A_887, %select_n3A_886 : i32
        %select_n3A_897 = arith.select %and3A_895, %add3A_896, %rem3A_887 : i32
        %dma_start3A_898 = arith.constant 0 : i32
        %dma_start3A_899 = arith.constant 0 : i32
        %dma_start3A_900 = tpu.memref_slice %arg14[%select_n3A_881, %dma_start3A_898, %dma_start3A_899] : memref<10x64x128xf32, #tpu.memory_space<vmem>> -> memref<1x64x128xf32, #tpu.memory_space<vmem>>
        %dma_start3A_901 = tpu.memref_squeeze %dma_start3A_900 : memref<1x64x128xf32, #tpu.memory_space<vmem>> -> memref<64x128xf32, #tpu.memory_space<vmem>>
        %dma_start3A_902 = arith.constant 0 : i32
        %dma_start3A_903 = tpu.memref_slice %arg3[%dma_start3A_902, %multiple_of3A] : memref<64x1000000xf32, #tpu.memory_space<hbm>> -> memref<64x128xf32, #tpu.memory_space<hbm>>
        %dma_start3A_904 = tpu.memref_slice %arg17[%select_n3A_897] : memref<10x!tpu.dma_semaphore, #tpu.memory_space<semaphore_mem>> -> memref<1x!tpu.dma_semaphore, #tpu.memory_space<semaphore_mem>>
        %dma_start3A_905 = tpu.memref_squeeze %dma_start3A_904 : memref<1x!tpu.dma_semaphore, #tpu.memory_space<semaphore_mem>> -> memref<!tpu.dma_semaphore, #tpu.memory_space<semaphore_mem>>
        %dma_start3A_906 = arith.constant 0 : i32
        %dma_start3A_907 = arith.constant 0 : i32
        %dma_start3A_908 = tpu.memref_slice %arg14[%select_n3A_881, %dma_start3A_906, %dma_start3A_907] : memref<10x64x128xf32, #tpu.memory_space<vmem>> -> memref<1x64x128xf32, #tpu.memory_space<vmem>>
        %dma_start3A_909 = tpu.memref_squeeze %dma_start3A_908 : memref<1x64x128xf32, #tpu.memory_space<vmem>> -> memref<64x128xf32, #tpu.memory_space<vmem>>
        %dma_start3A_910 = arith.constant 0 : i32
        %dma_start3A_911 = tpu.memref_slice %arg3[%dma_start3A_910, %multiple_of3A] : memref<64x1000000xf32, #tpu.memory_space<hbm>> -> memref<64x128xf32, #tpu.memory_space<hbm>>
        tpu.enqueue_dma source(%dma_start3A_911 : memref<64x128xf32, #tpu.memory_space<hbm>>) target(%dma_start3A_909 : memref<64x128xf32, #tpu.memory_space<vmem>>) target_semaphore(%dma_start3A_905 : memref<!tpu.dma_semaphore, #tpu.memory_space<semaphore_mem>>)
      } else {
      }
      %add3A_440 = arith.addi %add3A_430, %convert_element_type3A_434 : i32
      %shift_right_arithmetic3A_441 = arith.constant 7 : i32
      %shift_right_arithmetic3A_442 = arith.shrsi %select_n3A_415, %shift_right_arithmetic3A_441 : i32
      %ne3A_443 = arith.cmpi ne, %shift_right_arithmetic3A_442, %shift_right_arithmetic3A_422 : i32
      %convert_element_type3A_444 = arith.extui %ne3A_443 : i1 to i32
      %eq3A_445 = arith.constant 1 : i32
      %eq3A_446 = arith.cmpi eq, %convert_element_type3A_444, %eq3A_445 : i32
      %convert_element_type3A_447 = arith.extui %eq3A_446 : i1 to i32
      %cond3A_448 = arith.constant 0 : i32
      %cond3A_449 = arith.cmpi ne, %convert_element_type3A_447, %cond3A_448 : i32
      scf.if %cond3A_449 {
        %mul3A_864 = arith.constant 128 : i32
        %mul3A_865 = arith.muli %shift_right_arithmetic3A_442, %mul3A_864 : i32
        %multiple_of3A = tpu.assume_multiple %mul3A_865, 128 : i32
        %jit3A_866 = arith.constant 10 : i32
        %eq3A_867 = arith.constant 0 : i32
        %eq3A_868 = arith.cmpi eq, %jit3A_866, %eq3A_867 : i32
        %jit3A_869 = arith.constant 1 : i32
        %select_n3A_870 = arith.select %eq3A_868, %jit3A_869, %jit3A_866 : i32
        %rem3A_871 = arith.remsi %add3A_440, %select_n3A_870 : i32
        %ne3A_872 = arith.constant 0 : i32
        %ne3A_873 = arith.cmpi ne, %rem3A_871, %ne3A_872 : i32
        %lt3A_874 = arith.constant 0 : i32
        %lt3A_875 = arith.cmpi slt, %rem3A_871, %lt3A_874 : i32
        %lt3A_876 = arith.constant 0 : i32
        %lt3A_877 = arith.cmpi slt, %select_n3A_870, %lt3A_876 : i32
        %ne3A_878 = arith.xori %lt3A_875, %lt3A_877 : i1
        %and3A_879 = arith.andi %ne3A_878, %ne3A_873 : i1
        %add3A_880 = arith.addi %rem3A_871, %select_n3A_870 : i32
        %select_n3A_881 = arith.select %and3A_879, %add3A_880, %rem3A_871 : i32
        %jit3A_882 = arith.constant 10 : i32
        %eq3A_883 = arith.constant 0 : i32
        %eq3A_884 = arith.cmpi eq, %jit3A_882, %eq3A_883 : i32
        %jit3A_885 = arith.constant 1 : i32
        %select_n3A_886 = arith.select %eq3A_884, %jit3A_885, %jit3A_882 : i32
        %rem3A_887 = arith.remsi %add3A_440, %select_n3A_886 : i32
        %ne3A_888 = arith.constant 0 : i32
        %ne3A_889 = arith.cmpi ne, %rem3A_887, %ne3A_888 : i32
        %lt3A_890 = arith.constant 0 : i32
        %lt3A_891 = arith.cmpi slt, %rem3A_887, %lt3A_890 : i32
        %lt3A_892 = arith.constant 0 : i32
        %lt3A_893 = arith.cmpi slt, %select_n3A_886, %lt3A_892 : i32
        %ne3A_894 = arith.xori %lt3A_891, %lt3A_893 : i1
        %and3A_895 = arith.andi %ne3A_894, %ne3A_889 : i1
        %add3A_896 = arith.addi %rem3A_887, %select_n3A_886 : i32
        %select_n3A_897 = arith.select %and3A_895, %add3A_896, %rem3A_887 : i32
        %dma_start3A_898 = arith.constant 0 : i32
        %dma_start3A_899 = arith.constant 0 : i32
        %dma_start3A_900 = tpu.memref_slice %arg14[%select_n3A_881, %dma_start3A_898, %dma_start3A_899] : memref<10x64x128xf32, #tpu.memory_space<vmem>> -> memref<1x64x128xf32, #tpu.memory_space<vmem>>
        %dma_start3A_901 = tpu.memref_squeeze %dma_start3A_900 : memref<1x64x128xf32, #tpu.memory_space<vmem>> -> memref<64x128xf32, #tpu.memory_space<vmem>>
        %dma_start3A_902 = arith.constant 0 : i32
        %dma_start3A_903 = tpu.memref_slice %arg2[%dma_start3A_902, %multiple_of3A] : memref<64x1000000xf32, #tpu.memory_space<hbm>> -> memref<64x128xf32, #tpu.memory_space<hbm>>
        %dma_start3A_904 = tpu.memref_slice %arg17[%select_n3A_897] : memref<10x!tpu.dma_semaphore, #tpu.memory_space<semaphore_mem>> -> memref<1x!tpu.dma_semaphore, #tpu.memory_space<semaphore_mem>>
        %dma_start3A_905 = tpu.memref_squeeze %dma_start3A_904 : memref<1x!tpu.dma_semaphore, #tpu.memory_space<semaphore_mem>> -> memref<!tpu.dma_semaphore, #tpu.memory_space<semaphore_mem>>
        %dma_start3A_906 = arith.constant 0 : i32
        %dma_start3A_907 = arith.constant 0 : i32
        %dma_start3A_908 = tpu.memref_slice %arg14[%select_n3A_881, %dma_start3A_906, %dma_start3A_907] : memref<10x64x128xf32, #tpu.memory_space<vmem>> -> memref<1x64x128xf32, #tpu.memory_space<vmem>>
        %dma_start3A_909 = tpu.memref_squeeze %dma_start3A_908 : memref<1x64x128xf32, #tpu.memory_space<vmem>> -> memref<64x128xf32, #tpu.memory_space<vmem>>
        %dma_start3A_910 = arith.constant 0 : i32
        %dma_start3A_911 = tpu.memref_slice %arg2[%dma_start3A_910, %multiple_of3A] : memref<64x1000000xf32, #tpu.memory_space<hbm>> -> memref<64x128xf32, #tpu.memory_space<hbm>>
        tpu.enqueue_dma source(%dma_start3A_911 : memref<64x128xf32, #tpu.memory_space<hbm>>) target(%dma_start3A_909 : memref<64x128xf32, #tpu.memory_space<vmem>>) target_semaphore(%dma_start3A_905 : memref<!tpu.dma_semaphore, #tpu.memory_space<semaphore_mem>>)
      } else {
      }
      %add3A_450 = arith.addi %add3A_440, %convert_element_type3A_444 : i32
      %shift_right_arithmetic3A_451 = arith.constant 7 : i32
      %shift_right_arithmetic3A_452 = arith.shrsi %select_n3A_420, %shift_right_arithmetic3A_451 : i32
      %ne3A_453 = arith.cmpi ne, %shift_right_arithmetic3A_452, %shift_right_arithmetic3A_432 : i32
      %convert_element_type3A_454 = arith.extui %ne3A_453 : i1 to i32
      %eq3A_455 = arith.constant 1 : i32
      %eq3A_456 = arith.cmpi eq, %convert_element_type3A_454, %eq3A_455 : i32
      %convert_element_type3A_457 = arith.extui %eq3A_456 : i1 to i32
      %cond3A_458 = arith.constant 0 : i32
      %cond3A_459 = arith.cmpi ne, %convert_element_type3A_457, %cond3A_458 : i32
      scf.if %cond3A_459 {
        %mul3A_864 = arith.constant 128 : i32
        %mul3A_865 = arith.muli %shift_right_arithmetic3A_452, %mul3A_864 : i32
        %multiple_of3A = tpu.assume_multiple %mul3A_865, 128 : i32
        %jit3A_866 = arith.constant 10 : i32
        %eq3A_867 = arith.constant 0 : i32
        %eq3A_868 = arith.cmpi eq, %jit3A_866, %eq3A_867 : i32
        %jit3A_869 = arith.constant 1 : i32
        %select_n3A_870 = arith.select %eq3A_868, %jit3A_869, %jit3A_866 : i32
        %rem3A_871 = arith.remsi %add3A_450, %select_n3A_870 : i32
        %ne3A_872 = arith.constant 0 : i32
        %ne3A_873 = arith.cmpi ne, %rem3A_871, %ne3A_872 : i32
        %lt3A_874 = arith.constant 0 : i32
        %lt3A_875 = arith.cmpi slt, %rem3A_871, %lt3A_874 : i32
        %lt3A_876 = arith.constant 0 : i32
        %lt3A_877 = arith.cmpi slt, %select_n3A_870, %lt3A_876 : i32
        %ne3A_878 = arith.xori %lt3A_875, %lt3A_877 : i1
        %and3A_879 = arith.andi %ne3A_878, %ne3A_873 : i1
        %add3A_880 = arith.addi %rem3A_871, %select_n3A_870 : i32
        %select_n3A_881 = arith.select %and3A_879, %add3A_880, %rem3A_871 : i32
        %jit3A_882 = arith.constant 10 : i32
        %eq3A_883 = arith.constant 0 : i32
        %eq3A_884 = arith.cmpi eq, %jit3A_882, %eq3A_883 : i32
        %jit3A_885 = arith.constant 1 : i32
        %select_n3A_886 = arith.select %eq3A_884, %jit3A_885, %jit3A_882 : i32
        %rem3A_887 = arith.remsi %add3A_450, %select_n3A_886 : i32
        %ne3A_888 = arith.constant 0 : i32
        %ne3A_889 = arith.cmpi ne, %rem3A_887, %ne3A_888 : i32
        %lt3A_890 = arith.constant 0 : i32
        %lt3A_891 = arith.cmpi slt, %rem3A_887, %lt3A_890 : i32
        %lt3A_892 = arith.constant 0 : i32
        %lt3A_893 = arith.cmpi slt, %select_n3A_886, %lt3A_892 : i32
        %ne3A_894 = arith.xori %lt3A_891, %lt3A_893 : i1
        %and3A_895 = arith.andi %ne3A_894, %ne3A_889 : i1
        %add3A_896 = arith.addi %rem3A_887, %select_n3A_886 : i32
        %select_n3A_897 = arith.select %and3A_895, %add3A_896, %rem3A_887 : i32
        %dma_start3A_898 = arith.constant 0 : i32
        %dma_start3A_899 = arith.constant 0 : i32
        %dma_start3A_900 = tpu.memref_slice %arg14[%select_n3A_881, %dma_start3A_898, %dma_start3A_899] : memref<10x64x128xf32, #tpu.memory_space<vmem>> -> memref<1x64x128xf32, #tpu.memory_space<vmem>>
        %dma_start3A_901 = tpu.memref_squeeze %dma_start3A_900 : memref<1x64x128xf32, #tpu.memory_space<vmem>> -> memref<64x128xf32, #tpu.memory_space<vmem>>
        %dma_start3A_902 = arith.constant 0 : i32
        %dma_start3A_903 = tpu.memref_slice %arg3[%dma_start3A_902, %multiple_of3A] : memref<64x1000000xf32, #tpu.memory_space<hbm>> -> memref<64x128xf32, #tpu.memory_space<hbm>>
        %dma_start3A_904 = tpu.memref_slice %arg17[%select_n3A_897] : memref<10x!tpu.dma_semaphore, #tpu.memory_space<semaphore_mem>> -> memref<1x!tpu.dma_semaphore, #tpu.memory_space<semaphore_mem>>
        %dma_start3A_905 = tpu.memref_squeeze %dma_start3A_904 : memref<1x!tpu.dma_semaphore, #tpu.memory_space<semaphore_mem>> -> memref<!tpu.dma_semaphore, #tpu.memory_space<semaphore_mem>>
        %dma_start3A_906 = arith.constant 0 : i32
        %dma_start3A_907 = arith.constant 0 : i32
        %dma_start3A_908 = tpu.memref_slice %arg14[%select_n3A_881, %dma_start3A_906, %dma_start3A_907] : memref<10x64x128xf32, #tpu.memory_space<vmem>> -> memref<1x64x128xf32, #tpu.memory_space<vmem>>
        %dma_start3A_909 = tpu.memref_squeeze %dma_start3A_908 : memref<1x64x128xf32, #tpu.memory_space<vmem>> -> memref<64x128xf32, #tpu.memory_space<vmem>>
        %dma_start3A_910 = arith.constant 0 : i32
        %dma_start3A_911 = tpu.memref_slice %arg3[%dma_start3A_910, %multiple_of3A] : memref<64x1000000xf32, #tpu.memory_space<hbm>> -> memref<64x128xf32, #tpu.memory_space<hbm>>
        tpu.enqueue_dma source(%dma_start3A_911 : memref<64x128xf32, #tpu.memory_space<hbm>>) target(%dma_start3A_909 : memref<64x128xf32, #tpu.memory_space<vmem>>) target_semaphore(%dma_start3A_905 : memref<!tpu.dma_semaphore, #tpu.memory_space<semaphore_mem>>)
      } else {
      }
      %add3A_460 = arith.addi %add3A_450, %convert_element_type3A_454 : i32
      %jit3A_461 = arith.constant 8 : i32
      %div3A_462 = arith.divsi %scan3A_239, %jit3A_461 : i32
      %sign3A_463 = arith.constant 0 : i32
      %sign3A_464 = arith.cmpi sgt, %scan3A_239, %sign3A_463 : i32
      %sign3A_465 = arith.extui %sign3A_464 : i1 to i32
      %sign3A_466 = arith.constant 0 : i32
      %sign3A_467 = arith.cmpi slt, %scan3A_239, %sign3A_466 : i32
      %sign3A_468 = arith.extui %sign3A_467 : i1 to i32
      %sign3A_469 = arith.subi %sign3A_465, %sign3A_468 : i32
      %sign3A_470 = arith.constant 0 : i32
      %sign3A_471 = arith.cmpi sgt, %jit3A_461, %sign3A_470 : i32
      %sign3A_472 = arith.extui %sign3A_471 : i1 to i32
      %sign3A_473 = arith.constant 0 : i32
      %sign3A_474 = arith.cmpi slt, %jit3A_461, %sign3A_473 : i32
      %sign3A_475 = arith.extui %sign3A_474 : i1 to i32
      %sign3A_476 = arith.subi %sign3A_472, %sign3A_475 : i32
      %ne3A_477 = arith.cmpi ne, %sign3A_469, %sign3A_476 : i32
      %rem3A_478 = arith.remsi %scan3A_239, %jit3A_461 : i32
      %ne3A_479 = arith.constant 0 : i32
      %ne3A_480 = arith.cmpi ne, %rem3A_478, %ne3A_479 : i32
      %and3A_481 = arith.andi %ne3A_477, %ne3A_480 : i1
      %sub3A_482 = arith.constant 1 : i32
      %sub3A_483 = arith.subi %div3A_462, %sub3A_482 : i32
      %select_n3A_484 = arith.select %and3A_481, %sub3A_483, %div3A_462 : i32
      %mul3A_485 = arith.constant 16 : i32
      %mul3A_486 = arith.muli %select_n3A_484, %mul3A_485 : i32
      %get3A_487 = arith.index_cast %mul3A_486 : i32 to index
      %get3A_488 = tpu.vector_load %arg10[%get3A_487] {strides = array<i32>} : memref<512xi32, #tpu.memory_space<vmem>>, vector<16xi32>,
      %mul3A_489 = arith.constant 2 : i32
      %mul3A_490 = arith.muli %mul3A_489, %scan3A_239 : i32
      %jit3A_491 = arith.constant 16 : i32
      %eq3A_492 = arith.constant 0 : i32
      %eq3A_493 = arith.cmpi eq, %jit3A_491, %eq3A_492 : i32
      %jit3A_494 = arith.constant 1 : i32
      %select_n3A_495 = arith.select %eq3A_493, %jit3A_494, %jit3A_491 : i32
      %rem3A_496 = arith.remsi %mul3A_490, %select_n3A_495 : i32
      %ne3A_497 = arith.constant 0 : i32
      %ne3A_498 = arith.cmpi ne, %rem3A_496, %ne3A_497 : i32
      %lt3A_499 = arith.constant 0 : i32
      %lt3A_500 = arith.cmpi slt, %rem3A_496, %lt3A_499 : i32
      %lt3A_501 = arith.constant 0 : i32
      %lt3A_502 = arith.cmpi slt, %select_n3A_495, %lt3A_501 : i32
      %ne3A_503 = arith.xori %lt3A_500, %lt3A_502 : i1
      %and3A_504 = arith.andi %ne3A_503, %ne3A_498 : i1
      %add3A_505 = arith.addi %rem3A_496, %select_n3A_495 : i32
      %select_n3A_506 = arith.select %and3A_504, %add3A_505, %rem3A_496 : i32
      %eq3A_507 = vector.broadcast %select_n3A_506 : i32 to vector<16xi32>
      %eq3A_508 = arith.cmpi eq, %iota3A, %eq3A_507 : vector<16xi32>
      %jit3A_509 = arith.constant 0 : i32
      %broadcast_in_dim3A_510 = vector.broadcast %jit3A_509 : i32 to vector<16xi32>
      %select_n3A_511 = arith.select %eq3A_508, %get3A_488, %broadcast_in_dim3A_510 : vector<16xi1>, vector<16xi32>
      %reduce_max3A_512 = arith.constant true
      %reduce_max3A_513 = vector.broadcast %reduce_max3A_512 : i1 to vector<16xi1>
      %reduce_max3A_514 = arith.constant -2147483648 : i32
      %reduce_max3A_515 = vector.broadcast %reduce_max3A_514 : i32 to vector<16xi32>
      %reduce_max3A_516 = arith.xori %select_n3A_511, %reduce_max3A_515 : vector<16xi32>
      %reduce_max3A_517 = tpu.scan <max>, %reduce_max3A_516 masked %reduce_max3A_513 : vector<16xi32>, vector<16xi1> -> vector<16xi32>
      %reduce_max3A_518 = arith.xori %reduce_max3A_517, %reduce_max3A_515 : vector<16xi32>
      %reduce_max3A_519 = vector.extract %reduce_max3A_518[15] : i32 from vector<16xi32>
      %add3A_520 = arith.constant 1 : i32
      %add3A_521 = arith.addi %select_n3A_506, %add3A_520 : i32
      %eq3A_522 = vector.broadcast %add3A_521 : i32 to vector<16xi32>
      %eq3A_523 = arith.cmpi eq, %iota3A, %eq3A_522 : vector<16xi32>
      %jit3A_524 = arith.constant 0 : i32
      %broadcast_in_dim3A_525 = vector.broadcast %jit3A_524 : i32 to vector<16xi32>
      %select_n3A_526 = arith.select %eq3A_523, %get3A_488, %broadcast_in_dim3A_525 : vector<16xi1>, vector<16xi32>
      %reduce_max3A_527 = arith.constant true
      %reduce_max3A_528 = vector.broadcast %reduce_max3A_527 : i1 to vector<16xi1>
      %reduce_max3A_529 = arith.constant -2147483648 : i32
      %reduce_max3A_530 = vector.broadcast %reduce_max3A_529 : i32 to vector<16xi32>
      %reduce_max3A_531 = arith.xori %select_n3A_526, %reduce_max3A_530 : vector<16xi32>
      %reduce_max3A_532 = tpu.scan <max>, %reduce_max3A_531 masked %reduce_max3A_528 : vector<16xi32>, vector<16xi1> -> vector<16xi32>
      %reduce_max3A_533 = arith.xori %reduce_max3A_532, %reduce_max3A_530 : vector<16xi32>
      %reduce_max3A_534 = vector.extract %reduce_max3A_533[15] : i32 from vector<16xi32>
      %jit3A_535 = arith.constant 8 : i32
      %div3A_536 = arith.divsi %scan3A_239, %jit3A_535 : i32
      %sign3A_537 = arith.constant 0 : i32
      %sign3A_538 = arith.cmpi sgt, %scan3A_239, %sign3A_537 : i32
      %sign3A_539 = arith.extui %sign3A_538 : i1 to i32
      %sign3A_540 = arith.constant 0 : i32
      %sign3A_541 = arith.cmpi slt, %scan3A_239, %sign3A_540 : i32
      %sign3A_542 = arith.extui %sign3A_541 : i1 to i32
      %sign3A_543 = arith.subi %sign3A_539, %sign3A_542 : i32
      %sign3A_544 = arith.constant 0 : i32
      %sign3A_545 = arith.cmpi sgt, %jit3A_535, %sign3A_544 : i32
      %sign3A_546 = arith.extui %sign3A_545 : i1 to i32
      %sign3A_547 = arith.constant 0 : i32
      %sign3A_548 = arith.cmpi slt, %jit3A_535, %sign3A_547 : i32
      %sign3A_549 = arith.extui %sign3A_548 : i1 to i32
      %sign3A_550 = arith.subi %sign3A_546, %sign3A_549 : i32
      %ne3A_551 = arith.cmpi ne, %sign3A_543, %sign3A_550 : i32
      %rem3A_552 = arith.remsi %scan3A_239, %jit3A_535 : i32
      %ne3A_553 = arith.constant 0 : i32
      %ne3A_554 = arith.cmpi ne, %rem3A_552, %ne3A_553 : i32
      %and3A_555 = arith.andi %ne3A_551, %ne3A_554 : i1
      %sub3A_556 = arith.constant 1 : i32
      %sub3A_557 = arith.subi %div3A_536, %sub3A_556 : i32
      %select_n3A_558 = arith.select %and3A_555, %sub3A_557, %div3A_536 : i32
      %mul3A_559 = arith.constant 16 : i32
      %mul3A_560 = arith.muli %select_n3A_558, %mul3A_559 : i32
      %get3A_561 = arith.index_cast %mul3A_560 : i32 to index
      %get3A_562 = tpu.vector_load %arg11[%get3A_561] {strides = array<i32>} : memref<512xi32, #tpu.memory_space<vmem>>, vector<16xi32>,
      %mul3A_563 = arith.constant 2 : i32
      %mul3A_564 = arith.muli %mul3A_563, %scan3A_239 : i32
      %jit3A_565 = arith.constant 16 : i32
      %eq3A_566 = arith.constant 0 : i32
      %eq3A_567 = arith.cmpi eq, %jit3A_565, %eq3A_566 : i32
      %jit3A_568 = arith.constant 1 : i32
      %select_n3A_569 = arith.select %eq3A_567, %jit3A_568, %jit3A_565 : i32
      %rem3A_570 = arith.remsi %mul3A_564, %select_n3A_569 : i32
      %ne3A_571 = arith.constant 0 : i32
      %ne3A_572 = arith.cmpi ne, %rem3A_570, %ne3A_571 : i32
      %lt3A_573 = arith.constant 0 : i32
      %lt3A_574 = arith.cmpi slt, %rem3A_570, %lt3A_573 : i32
      %lt3A_575 = arith.constant 0 : i32
      %lt3A_576 = arith.cmpi slt, %select_n3A_569, %lt3A_575 : i32
      %ne3A_577 = arith.xori %lt3A_574, %lt3A_576 : i1
      %and3A_578 = arith.andi %ne3A_577, %ne3A_572 : i1
      %add3A_579 = arith.addi %rem3A_570, %select_n3A_569 : i32
      %select_n3A_580 = arith.select %and3A_578, %add3A_579, %rem3A_570 : i32
      %eq3A_581 = vector.broadcast %select_n3A_580 : i32 to vector<16xi32>
      %eq3A_582 = arith.cmpi eq, %iota3A, %eq3A_581 : vector<16xi32>
      %jit3A_583 = arith.constant 0 : i32
      %broadcast_in_dim3A_584 = vector.broadcast %jit3A_583 : i32 to vector<16xi32>
      %select_n3A_585 = arith.select %eq3A_582, %get3A_562, %broadcast_in_dim3A_584 : vector<16xi1>, vector<16xi32>
      %reduce_max3A_586 = arith.constant true
      %reduce_max3A_587 = vector.broadcast %reduce_max3A_586 : i1 to vector<16xi1>
      %reduce_max3A_588 = arith.constant -2147483648 : i32
      %reduce_max3A_589 = vector.broadcast %reduce_max3A_588 : i32 to vector<16xi32>
      %reduce_max3A_590 = arith.xori %select_n3A_585, %reduce_max3A_589 : vector<16xi32>
      %reduce_max3A_591 = tpu.scan <max>, %reduce_max3A_590 masked %reduce_max3A_587 : vector<16xi32>, vector<16xi1> -> vector<16xi32>
      %reduce_max3A_592 = arith.xori %reduce_max3A_591, %reduce_max3A_589 : vector<16xi32>
      %reduce_max3A_593 = vector.extract %reduce_max3A_592[15] : i32 from vector<16xi32>
      %add3A_594 = arith.constant 1 : i32
      %add3A_595 = arith.addi %select_n3A_580, %add3A_594 : i32
      %eq3A_596 = vector.broadcast %add3A_595 : i32 to vector<16xi32>
      %eq3A_597 = arith.cmpi eq, %iota3A, %eq3A_596 : vector<16xi32>
      %jit3A_598 = arith.constant 0 : i32
      %broadcast_in_dim3A_599 = vector.broadcast %jit3A_598 : i32 to vector<16xi32>
      %select_n3A_600 = arith.select %eq3A_597, %get3A_562, %broadcast_in_dim3A_599 : vector<16xi1>, vector<16xi32>
      %reduce_max3A_601 = arith.constant true
      %reduce_max3A_602 = vector.broadcast %reduce_max3A_601 : i1 to vector<16xi1>
      %reduce_max3A_603 = arith.constant -2147483648 : i32
      %reduce_max3A_604 = vector.broadcast %reduce_max3A_603 : i32 to vector<16xi32>
      %reduce_max3A_605 = arith.xori %select_n3A_600, %reduce_max3A_604 : vector<16xi32>
      %reduce_max3A_606 = tpu.scan <max>, %reduce_max3A_605 masked %reduce_max3A_602 : vector<16xi32>, vector<16xi1> -> vector<16xi32>
      %reduce_max3A_607 = arith.xori %reduce_max3A_606, %reduce_max3A_604 : vector<16xi32>
      %reduce_max3A_608 = vector.extract %reduce_max3A_607[15] : i32 from vector<16xi32>
      %mul3A_609 = arith.constant 2 : i32
      %mul3A_610 = arith.muli %mul3A_609, %scan3A_239 : i32
      %sub3A_611 = arith.constant 0 : i32
      %sub3A_612 = arith.subi %mul3A_610, %sub3A_611 : i32
      %shift_right_arithmetic3A_613 = arith.constant 7 : i32
      %shift_right_arithmetic3A_614 = arith.shrsi %reduce_max3A_519, %shift_right_arithmetic3A_613 : i32
      %ne3A_615 = arith.cmpi ne, %shift_right_arithmetic3A_614, %scan3A_243 : i32
      %convert_element_type3A_616 = arith.extui %ne3A_615 : i1 to i32
      %eq3A_617 = arith.constant 1 : i32
      %eq3A_618 = arith.cmpi eq, %convert_element_type3A_616, %eq3A_617 : i32
      %convert_element_type3A_619 = arith.extui %eq3A_618 : i1 to i32
      %cond3A_620 = arith.constant 0 : i32
      %cond3A_621 = arith.cmpi ne, %convert_element_type3A_619, %cond3A_620 : i32
      scf.if %cond3A_621 {
        %jit3A_864 = arith.constant 10 : i32
        %eq3A_865 = arith.constant 0 : i32
        %eq3A_866 = arith.cmpi eq, %jit3A_864, %eq3A_865 : i32
        %jit3A_867 = arith.constant 1 : i32
        %select_n3A_868 = arith.select %eq3A_866, %jit3A_867, %jit3A_864 : i32
        %rem3A_869 = arith.remsi %scan3A_245, %select_n3A_868 : i32
        %ne3A_870 = arith.constant 0 : i32
        %ne3A_871 = arith.cmpi ne, %rem3A_869, %ne3A_870 : i32
        %lt3A_872 = arith.constant 0 : i32
        %lt3A_873 = arith.cmpi slt, %rem3A_869, %lt3A_872 : i32
        %lt3A_874 = arith.constant 0 : i32
        %lt3A_875 = arith.cmpi slt, %select_n3A_868, %lt3A_874 : i32
        %ne3A_876 = arith.xori %lt3A_873, %lt3A_875 : i1
        %and3A_877 = arith.andi %ne3A_876, %ne3A_871 : i1
        %add3A_878 = arith.addi %rem3A_869, %select_n3A_868 : i32
        %select_n3A_879 = arith.select %and3A_877, %add3A_878, %rem3A_869 : i32
        %dma_wait3A_880 = arith.constant 0 : i32
        %dma_wait3A_881 = arith.constant 0 : i32
        %dma_wait3A_882 = arith.constant 0 : i32
        %dma_wait3A_883 = tpu.memref_slice %arg14[%dma_wait3A_880, %dma_wait3A_881, %dma_wait3A_882] : memref<10x64x128xf32, #tpu.memory_space<vmem>> -> memref<1x64x128xf32, #tpu.memory_space<vmem>>
        %dma_wait3A_884 = tpu.memref_squeeze %dma_wait3A_883 : memref<1x64x128xf32, #tpu.memory_space<vmem>> -> memref<64x128xf32, #tpu.memory_space<vmem>>
        %dma_wait3A_885 = arith.constant 0 : i32
        %dma_wait3A_886 = arith.constant 0 : i32
        %dma_wait3A_887 = tpu.memref_slice %arg2[%dma_wait3A_885, %dma_wait3A_886] : memref<64x1000000xf32, #tpu.memory_space<hbm>> -> memref<64x128xf32, #tpu.memory_space<hbm>>
        %dma_wait3A_888 = tpu.memref_slice %arg17[%select_n3A_879] : memref<10x!tpu.dma_semaphore, #tpu.memory_space<semaphore_mem>> -> memref<1x!tpu.dma_semaphore, #tpu.memory_space<semaphore_mem>>
        %dma_wait3A_889 = tpu.memref_squeeze %dma_wait3A_888 : memref<1x!tpu.dma_semaphore, #tpu.memory_space<semaphore_mem>> -> memref<!tpu.dma_semaphore, #tpu.memory_space<semaphore_mem>>
        %dma_wait3A_890 = arith.constant 0 : i32
        %dma_wait3A_891 = arith.constant 0 : i32
        %dma_wait3A_892 = tpu.memref_slice %arg14[%dma_wait3A_880, %dma_wait3A_890, %dma_wait3A_891] : memref<10x64x128xf32, #tpu.memory_space<vmem>> -> memref<1x64x128xf32, #tpu.memory_space<vmem>>
        %dma_wait3A_893 = tpu.memref_squeeze %dma_wait3A_892 : memref<1x64x128xf32, #tpu.memory_space<vmem>> -> memref<64x128xf32, #tpu.memory_space<vmem>>
        %dma_wait3A_894 = arith.constant 0 : i32
        %dma_wait3A_895 = arith.constant 0 : i32
        %dma_wait3A_896 = tpu.memref_slice %arg2[%dma_wait3A_894, %dma_wait3A_895] : memref<64x1000000xf32, #tpu.memory_space<hbm>> -> memref<64x128xf32, #tpu.memory_space<hbm>>
        tpu.wait_dma2 semaphore(%dma_wait3A_889 : memref<!tpu.dma_semaphore, #tpu.memory_space<semaphore_mem>>) src(%dma_wait3A_896 : memref<64x128xf32, #tpu.memory_space<hbm>>) dst(%dma_wait3A_893 : memref<64x128xf32, #tpu.memory_space<vmem>>)
      } else {
      }
      %eq3A_622 = arith.constant 1 : i32
      %eq3A_623 = arith.cmpi eq, %convert_element_type3A_616, %eq3A_622 : i32
      %jit3A_624 = arith.constant 10 : i32
      %eq3A_625 = arith.constant 0 : i32
      %eq3A_626 = arith.cmpi eq, %jit3A_624, %eq3A_625 : i32
      %jit3A_627 = arith.constant 1 : i32
      %select_n3A_628 = arith.select %eq3A_626, %jit3A_627, %jit3A_624 : i32
      %rem3A_629 = arith.remsi %scan3A_245, %select_n3A_628 : i32
      %ne3A_630 = arith.constant 0 : i32
      %ne3A_631 = arith.cmpi ne, %rem3A_629, %ne3A_630 : i32
      %lt3A_632 = arith.constant 0 : i32
      %lt3A_633 = arith.cmpi slt, %rem3A_629, %lt3A_632 : i32
      %lt3A_634 = arith.constant 0 : i32
      %lt3A_635 = arith.cmpi slt, %select_n3A_628, %lt3A_634 : i32
      %ne3A_636 = arith.xori %lt3A_633, %lt3A_635 : i1
      %and3A_637 = arith.andi %ne3A_636, %ne3A_631 : i1
      %add3A_638 = arith.addi %rem3A_629, %select_n3A_628 : i32
      %select_n3A_639 = arith.select %and3A_637, %add3A_638, %rem3A_629 : i32
      %select_n3A_640 = arith.select %eq3A_623, %select_n3A_639, %scan3A_246 : i32
      %broadcast_in_dim3A_641 = vector.broadcast %select_n3A_640 : i32 to vector<16xi32>
      %and3A_642 = arith.constant 127 : i32
      %and3A_643 = arith.andi %reduce_max3A_519, %and3A_642 : i32
      %broadcast_in_dim3A_644 = vector.broadcast %and3A_643 : i32 to vector<16xi32>
      %broadcast_in_dim3A_645 = vector.broadcast %sub3A_612 : i32 to vector<16xi32>
      %add3A_646 = arith.constant 0 : i32
      %add3A_647 = vector.broadcast %add3A_646 : i32 to vector<16xi32>
      %add3A_648 = arith.addi %add3A_647, %iota3A : vector<16xi32>
      %gather3A = tpu.vector_load_idx %arg14[%broadcast_in_dim3A_641, %add3A_648, %broadcast_in_dim3A_644] : memref<10x64x128xf32, #tpu.memory_space<vmem>>[vector<16xi32>, vector<16xi32>, vector<16xi32>], vector<16xf32>,
      %add3A_649 = arith.constant 0 : i32
      %add3A_650 = vector.broadcast %add3A_649 : i32 to vector<16xi32>
      %add3A_651 = arith.addi %add3A_650, %iota3A : vector<16xi32>
      tpu.vector_store_idx %arg15[%broadcast_in_dim3A_645, %add3A_651], %gather3A : memref<128x128xf32, #tpu.memory_space<vmem>>[vector<16xi32>, vector<16xi32>], vector<16xf32>,
      %add3A_652 = arith.constant 16 : i32
      %add3A_653 = vector.broadcast %add3A_652 : i32 to vector<16xi32>
      %add3A_654 = arith.addi %add3A_653, %iota3A : vector<16xi32>
      %gather3A_655 = tpu.vector_load_idx %arg14[%broadcast_in_dim3A_641, %add3A_654, %broadcast_in_dim3A_644] : memref<10x64x128xf32, #tpu.memory_space<vmem>>[vector<16xi32>, vector<16xi32>, vector<16xi32>], vector<16xf32>,
      %add3A_656 = arith.constant 16 : i32
      %add3A_657 = vector.broadcast %add3A_656 : i32 to vector<16xi32>
      %add3A_658 = arith.addi %add3A_657, %iota3A : vector<16xi32>
      tpu.vector_store_idx %arg15[%broadcast_in_dim3A_645, %add3A_658], %gather3A_655 : memref<128x128xf32, #tpu.memory_space<vmem>>[vector<16xi32>, vector<16xi32>], vector<16xf32>,
      %add3A_659 = arith.constant 32 : i32
      %add3A_660 = vector.broadcast %add3A_659 : i32 to vector<16xi32>
      %add3A_661 = arith.addi %add3A_660, %iota3A : vector<16xi32>
      %gather3A_662 = tpu.vector_load_idx %arg14[%broadcast_in_dim3A_641, %add3A_661, %broadcast_in_dim3A_644] : memref<10x64x128xf32, #tpu.memory_space<vmem>>[vector<16xi32>, vector<16xi32>, vector<16xi32>], vector<16xf32>,
      %add3A_663 = arith.constant 32 : i32
      %add3A_664 = vector.broadcast %add3A_663 : i32 to vector<16xi32>
      %add3A_665 = arith.addi %add3A_664, %iota3A : vector<16xi32>
      tpu.vector_store_idx %arg15[%broadcast_in_dim3A_645, %add3A_665], %gather3A_662 : memref<128x128xf32, #tpu.memory_space<vmem>>[vector<16xi32>, vector<16xi32>], vector<16xf32>,
      %add3A_666 = arith.constant 48 : i32
      %add3A_667 = vector.broadcast %add3A_666 : i32 to vector<16xi32>
      %add3A_668 = arith.addi %add3A_667, %iota3A : vector<16xi32>
      %gather3A_669 = tpu.vector_load_idx %arg14[%broadcast_in_dim3A_641, %add3A_668, %broadcast_in_dim3A_644] : memref<10x64x128xf32, #tpu.memory_space<vmem>>[vector<16xi32>, vector<16xi32>, vector<16xi32>], vector<16xf32>,
      %add3A_670 = arith.constant 48 : i32
      %add3A_671 = vector.broadcast %add3A_670 : i32 to vector<16xi32>
      %add3A_672 = arith.addi %add3A_671, %iota3A : vector<16xi32>
      tpu.vector_store_idx %arg15[%broadcast_in_dim3A_645, %add3A_672], %gather3A_669 : memref<128x128xf32, #tpu.memory_space<vmem>>[vector<16xi32>, vector<16xi32>], vector<16xf32>,
      %add3A_673 = arith.addi %scan3A_245, %convert_element_type3A_616 : i32
      %shift_right_arithmetic3A_674 = arith.constant 7 : i32
      %shift_right_arithmetic3A_675 = arith.shrsi %reduce_max3A_593, %shift_right_arithmetic3A_674 : i32
      %ne3A_676 = arith.cmpi ne, %shift_right_arithmetic3A_675, %scan3A_244 : i32
      %convert_element_type3A_677 = arith.extui %ne3A_676 : i1 to i32
      %eq3A_678 = arith.constant 1 : i32
      %eq3A_679 = arith.cmpi eq, %convert_element_type3A_677, %eq3A_678 : i32
      %convert_element_type3A_680 = arith.extui %eq3A_679 : i1 to i32
      %cond3A_681 = arith.constant 0 : i32
      %cond3A_682 = arith.cmpi ne, %convert_element_type3A_680, %cond3A_681 : i32
      scf.if %cond3A_682 {
        %jit3A_864 = arith.constant 10 : i32
        %eq3A_865 = arith.constant 0 : i32
        %eq3A_866 = arith.cmpi eq, %jit3A_864, %eq3A_865 : i32
        %jit3A_867 = arith.constant 1 : i32
        %select_n3A_868 = arith.select %eq3A_866, %jit3A_867, %jit3A_864 : i32
        %rem3A_869 = arith.remsi %add3A_673, %select_n3A_868 : i32
        %ne3A_870 = arith.constant 0 : i32
        %ne3A_871 = arith.cmpi ne, %rem3A_869, %ne3A_870 : i32
        %lt3A_872 = arith.constant 0 : i32
        %lt3A_873 = arith.cmpi slt, %rem3A_869, %lt3A_872 : i32
        %lt3A_874 = arith.constant 0 : i32
        %lt3A_875 = arith.cmpi slt, %select_n3A_868, %lt3A_874 : i32
        %ne3A_876 = arith.xori %lt3A_873, %lt3A_875 : i1
        %and3A_877 = arith.andi %ne3A_876, %ne3A_871 : i1
        %add3A_878 = arith.addi %rem3A_869, %select_n3A_868 : i32
        %select_n3A_879 = arith.select %and3A_877, %add3A_878, %rem3A_869 : i32
        %dma_wait3A_880 = arith.constant 0 : i32
        %dma_wait3A_881 = arith.constant 0 : i32
        %dma_wait3A_882 = arith.constant 0 : i32
        %dma_wait3A_883 = tpu.memref_slice %arg14[%dma_wait3A_880, %dma_wait3A_881, %dma_wait3A_882] : memref<10x64x128xf32, #tpu.memory_space<vmem>> -> memref<1x64x128xf32, #tpu.memory_space<vmem>>
        %dma_wait3A_884 = tpu.memref_squeeze %dma_wait3A_883 : memref<1x64x128xf32, #tpu.memory_space<vmem>> -> memref<64x128xf32, #tpu.memory_space<vmem>>
        %dma_wait3A_885 = arith.constant 0 : i32
        %dma_wait3A_886 = arith.constant 0 : i32
        %dma_wait3A_887 = tpu.memref_slice %arg2[%dma_wait3A_885, %dma_wait3A_886] : memref<64x1000000xf32, #tpu.memory_space<hbm>> -> memref<64x128xf32, #tpu.memory_space<hbm>>
        %dma_wait3A_888 = tpu.memref_slice %arg17[%select_n3A_879] : memref<10x!tpu.dma_semaphore, #tpu.memory_space<semaphore_mem>> -> memref<1x!tpu.dma_semaphore, #tpu.memory_space<semaphore_mem>>
        %dma_wait3A_889 = tpu.memref_squeeze %dma_wait3A_888 : memref<1x!tpu.dma_semaphore, #tpu.memory_space<semaphore_mem>> -> memref<!tpu.dma_semaphore, #tpu.memory_space<semaphore_mem>>
        %dma_wait3A_890 = arith.constant 0 : i32
        %dma_wait3A_891 = arith.constant 0 : i32
        %dma_wait3A_892 = tpu.memref_slice %arg14[%dma_wait3A_880, %dma_wait3A_890, %dma_wait3A_891] : memref<10x64x128xf32, #tpu.memory_space<vmem>> -> memref<1x64x128xf32, #tpu.memory_space<vmem>>
        %dma_wait3A_893 = tpu.memref_squeeze %dma_wait3A_892 : memref<1x64x128xf32, #tpu.memory_space<vmem>> -> memref<64x128xf32, #tpu.memory_space<vmem>>
        %dma_wait3A_894 = arith.constant 0 : i32
        %dma_wait3A_895 = arith.constant 0 : i32
        %dma_wait3A_896 = tpu.memref_slice %arg2[%dma_wait3A_894, %dma_wait3A_895] : memref<64x1000000xf32, #tpu.memory_space<hbm>> -> memref<64x128xf32, #tpu.memory_space<hbm>>
        tpu.wait_dma2 semaphore(%dma_wait3A_889 : memref<!tpu.dma_semaphore, #tpu.memory_space<semaphore_mem>>) src(%dma_wait3A_896 : memref<64x128xf32, #tpu.memory_space<hbm>>) dst(%dma_wait3A_893 : memref<64x128xf32, #tpu.memory_space<vmem>>)
      } else {
      }
      %eq3A_683 = arith.constant 1 : i32
      %eq3A_684 = arith.cmpi eq, %convert_element_type3A_677, %eq3A_683 : i32
      %jit3A_685 = arith.constant 10 : i32
      %eq3A_686 = arith.constant 0 : i32
      %eq3A_687 = arith.cmpi eq, %jit3A_685, %eq3A_686 : i32
      %jit3A_688 = arith.constant 1 : i32
      %select_n3A_689 = arith.select %eq3A_687, %jit3A_688, %jit3A_685 : i32
      %rem3A_690 = arith.remsi %add3A_673, %select_n3A_689 : i32
      %ne3A_691 = arith.constant 0 : i32
      %ne3A_692 = arith.cmpi ne, %rem3A_690, %ne3A_691 : i32
      %lt3A_693 = arith.constant 0 : i32
      %lt3A_694 = arith.cmpi slt, %rem3A_690, %lt3A_693 : i32
      %lt3A_695 = arith.constant 0 : i32
      %lt3A_696 = arith.cmpi slt, %select_n3A_689, %lt3A_695 : i32
      %ne3A_697 = arith.xori %lt3A_694, %lt3A_696 : i1
      %and3A_698 = arith.andi %ne3A_697, %ne3A_692 : i1
      %add3A_699 = arith.addi %rem3A_690, %select_n3A_689 : i32
      %select_n3A_700 = arith.select %and3A_698, %add3A_699, %rem3A_690 : i32
      %select_n3A_701 = arith.select %eq3A_684, %select_n3A_700, %scan3A_247 : i32
      %broadcast_in_dim3A_702 = vector.broadcast %select_n3A_701 : i32 to vector<16xi32>
      %and3A_703 = arith.constant 127 : i32
      %and3A_704 = arith.andi %reduce_max3A_593, %and3A_703 : i32
      %broadcast_in_dim3A_705 = vector.broadcast %and3A_704 : i32 to vector<16xi32>
      %broadcast_in_dim3A_706 = vector.broadcast %sub3A_612 : i32 to vector<16xi32>
      %add3A_707 = arith.constant 0 : i32
      %add3A_708 = vector.broadcast %add3A_707 : i32 to vector<16xi32>
      %add3A_709 = arith.addi %add3A_708, %iota3A : vector<16xi32>
      %gather3A_710 = tpu.vector_load_idx %arg14[%broadcast_in_dim3A_702, %add3A_709, %broadcast_in_dim3A_705] : memref<10x64x128xf32, #tpu.memory_space<vmem>>[vector<16xi32>, vector<16xi32>, vector<16xi32>], vector<16xf32>,
      %add3A_711 = arith.constant 0 : i32
      %add3A_712 = vector.broadcast %add3A_711 : i32 to vector<16xi32>
      %add3A_713 = arith.addi %add3A_712, %iota3A : vector<16xi32>
      tpu.vector_store_idx %arg16[%broadcast_in_dim3A_706, %add3A_713], %gather3A_710 : memref<128x128xf32, #tpu.memory_space<vmem>>[vector<16xi32>, vector<16xi32>], vector<16xf32>,
      %add3A_714 = arith.constant 16 : i32
      %add3A_715 = vector.broadcast %add3A_714 : i32 to vector<16xi32>
      %add3A_716 = arith.addi %add3A_715, %iota3A : vector<16xi32>
      %gather3A_717 = tpu.vector_load_idx %arg14[%broadcast_in_dim3A_702, %add3A_716, %broadcast_in_dim3A_705] : memref<10x64x128xf32, #tpu.memory_space<vmem>>[vector<16xi32>, vector<16xi32>, vector<16xi32>], vector<16xf32>,
      %add3A_718 = arith.constant 16 : i32
      %add3A_719 = vector.broadcast %add3A_718 : i32 to vector<16xi32>
      %add3A_720 = arith.addi %add3A_719, %iota3A : vector<16xi32>
      tpu.vector_store_idx %arg16[%broadcast_in_dim3A_706, %add3A_720], %gather3A_717 : memref<128x128xf32, #tpu.memory_space<vmem>>[vector<16xi32>, vector<16xi32>], vector<16xf32>,
      %add3A_721 = arith.constant 32 : i32
      %add3A_722 = vector.broadcast %add3A_721 : i32 to vector<16xi32>
      %add3A_723 = arith.addi %add3A_722, %iota3A : vector<16xi32>
      %gather3A_724 = tpu.vector_load_idx %arg14[%broadcast_in_dim3A_702, %add3A_723, %broadcast_in_dim3A_705] : memref<10x64x128xf32, #tpu.memory_space<vmem>>[vector<16xi32>, vector<16xi32>, vector<16xi32>], vector<16xf32>,
      %add3A_725 = arith.constant 32 : i32
      %add3A_726 = vector.broadcast %add3A_725 : i32 to vector<16xi32>
      %add3A_727 = arith.addi %add3A_726, %iota3A : vector<16xi32>
      tpu.vector_store_idx %arg16[%broadcast_in_dim3A_706, %add3A_727], %gather3A_724 : memref<128x128xf32, #tpu.memory_space<vmem>>[vector<16xi32>, vector<16xi32>], vector<16xf32>,
      %add3A_728 = arith.constant 48 : i32
      %add3A_729 = vector.broadcast %add3A_728 : i32 to vector<16xi32>
      %add3A_730 = arith.addi %add3A_729, %iota3A : vector<16xi32>
      %gather3A_731 = tpu.vector_load_idx %arg14[%broadcast_in_dim3A_702, %add3A_730, %broadcast_in_dim3A_705] : memref<10x64x128xf32, #tpu.memory_space<vmem>>[vector<16xi32>, vector<16xi32>, vector<16xi32>], vector<16xf32>,
      %add3A_732 = arith.constant 48 : i32
      %add3A_733 = vector.broadcast %add3A_732 : i32 to vector<16xi32>
      %add3A_734 = arith.addi %add3A_733, %iota3A : vector<16xi32>
      tpu.vector_store_idx %arg16[%broadcast_in_dim3A_706, %add3A_734], %gather3A_731 : memref<128x128xf32, #tpu.memory_space<vmem>>[vector<16xi32>, vector<16xi32>], vector<16xf32>,
      %add3A_735 = arith.addi %add3A_673, %convert_element_type3A_677 : i32
      %add3A_736 = arith.constant 1 : i32
      %add3A_737 = arith.addi %sub3A_612, %add3A_736 : i32
      %shift_right_arithmetic3A_738 = arith.constant 7 : i32
      %shift_right_arithmetic3A_739 = arith.shrsi %reduce_max3A_534, %shift_right_arithmetic3A_738 : i32
      %ne3A_740 = arith.cmpi ne, %shift_right_arithmetic3A_739, %shift_right_arithmetic3A_614 : i32
      %convert_element_type3A_741 = arith.extui %ne3A_740 : i1 to i32
      %eq3A_742 = arith.constant 1 : i32
      %eq3A_743 = arith.cmpi eq, %convert_element_type3A_741, %eq3A_742 : i32
      %convert_element_type3A_744 = arith.extui %eq3A_743 : i1 to i32
      %cond3A_745 = arith.constant 0 : i32
      %cond3A_746 = arith.cmpi ne, %convert_element_type3A_744, %cond3A_745 : i32
      scf.if %cond3A_746 {
        %jit3A_864 = arith.constant 10 : i32
        %eq3A_865 = arith.constant 0 : i32
        %eq3A_866 = arith.cmpi eq, %jit3A_864, %eq3A_865 : i32
        %jit3A_867 = arith.constant 1 : i32
        %select_n3A_868 = arith.select %eq3A_866, %jit3A_867, %jit3A_864 : i32
        %rem3A_869 = arith.remsi %add3A_735, %select_n3A_868 : i32
        %ne3A_870 = arith.constant 0 : i32
        %ne3A_871 = arith.cmpi ne, %rem3A_869, %ne3A_870 : i32
        %lt3A_872 = arith.constant 0 : i32
        %lt3A_873 = arith.cmpi slt, %rem3A_869, %lt3A_872 : i32
        %lt3A_874 = arith.constant 0 : i32
        %lt3A_875 = arith.cmpi slt, %select_n3A_868, %lt3A_874 : i32
        %ne3A_876 = arith.xori %lt3A_873, %lt3A_875 : i1
        %and3A_877 = arith.andi %ne3A_876, %ne3A_871 : i1
        %add3A_878 = arith.addi %rem3A_869, %select_n3A_868 : i32
        %select_n3A_879 = arith.select %and3A_877, %add3A_878, %rem3A_869 : i32
        %dma_wait3A_880 = arith.constant 0 : i32
        %dma_wait3A_881 = arith.constant 0 : i32
        %dma_wait3A_882 = arith.constant 0 : i32
        %dma_wait3A_883 = tpu.memref_slice %arg14[%dma_wait3A_880, %dma_wait3A_881, %dma_wait3A_882] : memref<10x64x128xf32, #tpu.memory_space<vmem>> -> memref<1x64x128xf32, #tpu.memory_space<vmem>>
        %dma_wait3A_884 = tpu.memref_squeeze %dma_wait3A_883 : memref<1x64x128xf32, #tpu.memory_space<vmem>> -> memref<64x128xf32, #tpu.memory_space<vmem>>
        %dma_wait3A_885 = arith.constant 0 : i32
        %dma_wait3A_886 = arith.constant 0 : i32
        %dma_wait3A_887 = tpu.memref_slice %arg2[%dma_wait3A_885, %dma_wait3A_886] : memref<64x1000000xf32, #tpu.memory_space<hbm>> -> memref<64x128xf32, #tpu.memory_space<hbm>>
        %dma_wait3A_888 = tpu.memref_slice %arg17[%select_n3A_879] : memref<10x!tpu.dma_semaphore, #tpu.memory_space<semaphore_mem>> -> memref<1x!tpu.dma_semaphore, #tpu.memory_space<semaphore_mem>>
        %dma_wait3A_889 = tpu.memref_squeeze %dma_wait3A_888 : memref<1x!tpu.dma_semaphore, #tpu.memory_space<semaphore_mem>> -> memref<!tpu.dma_semaphore, #tpu.memory_space<semaphore_mem>>
        %dma_wait3A_890 = arith.constant 0 : i32
        %dma_wait3A_891 = arith.constant 0 : i32
        %dma_wait3A_892 = tpu.memref_slice %arg14[%dma_wait3A_880, %dma_wait3A_890, %dma_wait3A_891] : memref<10x64x128xf32, #tpu.memory_space<vmem>> -> memref<1x64x128xf32, #tpu.memory_space<vmem>>
        %dma_wait3A_893 = tpu.memref_squeeze %dma_wait3A_892 : memref<1x64x128xf32, #tpu.memory_space<vmem>> -> memref<64x128xf32, #tpu.memory_space<vmem>>
        %dma_wait3A_894 = arith.constant 0 : i32
        %dma_wait3A_895 = arith.constant 0 : i32
        %dma_wait3A_896 = tpu.memref_slice %arg2[%dma_wait3A_894, %dma_wait3A_895] : memref<64x1000000xf32, #tpu.memory_space<hbm>> -> memref<64x128xf32, #tpu.memory_space<hbm>>
        tpu.wait_dma2 semaphore(%dma_wait3A_889 : memref<!tpu.dma_semaphore, #tpu.memory_space<semaphore_mem>>) src(%dma_wait3A_896 : memref<64x128xf32, #tpu.memory_space<hbm>>) dst(%dma_wait3A_893 : memref<64x128xf32, #tpu.memory_space<vmem>>)
      } else {
      }
      %eq3A_747 = arith.constant 1 : i32
      %eq3A_748 = arith.cmpi eq, %convert_element_type3A_741, %eq3A_747 : i32
      %jit3A_749 = arith.constant 10 : i32
      %eq3A_750 = arith.constant 0 : i32
      %eq3A_751 = arith.cmpi eq, %jit3A_749, %eq3A_750 : i32
      %jit3A_752 = arith.constant 1 : i32
      %select_n3A_753 = arith.select %eq3A_751, %jit3A_752, %jit3A_749 : i32
      %rem3A_754 = arith.remsi %add3A_735, %select_n3A_753 : i32
      %ne3A_755 = arith.constant 0 : i32
      %ne3A_756 = arith.cmpi ne, %rem3A_754, %ne3A_755 : i32
      %lt3A_757 = arith.constant 0 : i32
      %lt3A_758 = arith.cmpi slt, %rem3A_754, %lt3A_757 : i32
      %lt3A_759 = arith.constant 0 : i32
      %lt3A_760 = arith.cmpi slt, %select_n3A_753, %lt3A_759 : i32
      %ne3A_761 = arith.xori %lt3A_758, %lt3A_760 : i1
      %and3A_762 = arith.andi %ne3A_761, %ne3A_756 : i1
      %add3A_763 = arith.addi %rem3A_754, %select_n3A_753 : i32
      %select_n3A_764 = arith.select %and3A_762, %add3A_763, %rem3A_754 : i32
      %select_n3A_765 = arith.select %eq3A_748, %select_n3A_764, %select_n3A_640 : i32
      %broadcast_in_dim3A_766 = vector.broadcast %select_n3A_765 : i32 to vector<16xi32>
      %and3A_767 = arith.constant 127 : i32
      %and3A_768 = arith.andi %reduce_max3A_534, %and3A_767 : i32
      %broadcast_in_dim3A_769 = vector.broadcast %and3A_768 : i32 to vector<16xi32>
      %broadcast_in_dim3A_770 = vector.broadcast %add3A_737 : i32 to vector<16xi32>
      %add3A_771 = arith.constant 0 : i32
      %add3A_772 = vector.broadcast %add3A_771 : i32 to vector<16xi32>
      %add3A_773 = arith.addi %add3A_772, %iota3A : vector<16xi32>
      %gather3A_774 = tpu.vector_load_idx %arg14[%broadcast_in_dim3A_766, %add3A_773, %broadcast_in_dim3A_769] : memref<10x64x128xf32, #tpu.memory_space<vmem>>[vector<16xi32>, vector<16xi32>, vector<16xi32>], vector<16xf32>,
      %add3A_775 = arith.constant 0 : i32
      %add3A_776 = vector.broadcast %add3A_775 : i32 to vector<16xi32>
      %add3A_777 = arith.addi %add3A_776, %iota3A : vector<16xi32>
      tpu.vector_store_idx %arg15[%broadcast_in_dim3A_770, %add3A_777], %gather3A_774 : memref<128x128xf32, #tpu.memory_space<vmem>>[vector<16xi32>, vector<16xi32>], vector<16xf32>,
      %add3A_778 = arith.constant 16 : i32
      %add3A_779 = vector.broadcast %add3A_778 : i32 to vector<16xi32>
      %add3A_780 = arith.addi %add3A_779, %iota3A : vector<16xi32>
      %gather3A_781 = tpu.vector_load_idx %arg14[%broadcast_in_dim3A_766, %add3A_780, %broadcast_in_dim3A_769] : memref<10x64x128xf32, #tpu.memory_space<vmem>>[vector<16xi32>, vector<16xi32>, vector<16xi32>], vector<16xf32>,
      %add3A_782 = arith.constant 16 : i32
      %add3A_783 = vector.broadcast %add3A_782 : i32 to vector<16xi32>
      %add3A_784 = arith.addi %add3A_783, %iota3A : vector<16xi32>
      tpu.vector_store_idx %arg15[%broadcast_in_dim3A_770, %add3A_784], %gather3A_781 : memref<128x128xf32, #tpu.memory_space<vmem>>[vector<16xi32>, vector<16xi32>], vector<16xf32>,
      %add3A_785 = arith.constant 32 : i32
      %add3A_786 = vector.broadcast %add3A_785 : i32 to vector<16xi32>
      %add3A_787 = arith.addi %add3A_786, %iota3A : vector<16xi32>
      %gather3A_788 = tpu.vector_load_idx %arg14[%broadcast_in_dim3A_766, %add3A_787, %broadcast_in_dim3A_769] : memref<10x64x128xf32, #tpu.memory_space<vmem>>[vector<16xi32>, vector<16xi32>, vector<16xi32>], vector<16xf32>,
      %add3A_789 = arith.constant 32 : i32
      %add3A_790 = vector.broadcast %add3A_789 : i32 to vector<16xi32>
      %add3A_791 = arith.addi %add3A_790, %iota3A : vector<16xi32>
      tpu.vector_store_idx %arg15[%broadcast_in_dim3A_770, %add3A_791], %gather3A_788 : memref<128x128xf32, #tpu.memory_space<vmem>>[vector<16xi32>, vector<16xi32>], vector<16xf32>,
      %add3A_792 = arith.constant 48 : i32
      %add3A_793 = vector.broadcast %add3A_792 : i32 to vector<16xi32>
      %add3A_794 = arith.addi %add3A_793, %iota3A : vector<16xi32>
      %gather3A_795 = tpu.vector_load_idx %arg14[%broadcast_in_dim3A_766, %add3A_794, %broadcast_in_dim3A_769] : memref<10x64x128xf32, #tpu.memory_space<vmem>>[vector<16xi32>, vector<16xi32>, vector<16xi32>], vector<16xf32>,
      %add3A_796 = arith.constant 48 : i32
      %add3A_797 = vector.broadcast %add3A_796 : i32 to vector<16xi32>
      %add3A_798 = arith.addi %add3A_797, %iota3A : vector<16xi32>
      tpu.vector_store_idx %arg15[%broadcast_in_dim3A_770, %add3A_798], %gather3A_795 : memref<128x128xf32, #tpu.memory_space<vmem>>[vector<16xi32>, vector<16xi32>], vector<16xf32>,
      %add3A_799 = arith.addi %add3A_735, %convert_element_type3A_741 : i32
      %add3A_800 = arith.constant 1 : i32
      %add3A_801 = arith.addi %sub3A_612, %add3A_800 : i32
      %shift_right_arithmetic3A_802 = arith.constant 7 : i32
      %shift_right_arithmetic3A_803 = arith.shrsi %reduce_max3A_608, %shift_right_arithmetic3A_802 : i32
      %ne3A_804 = arith.cmpi ne, %shift_right_arithmetic3A_803, %shift_right_arithmetic3A_675 : i32
      %convert_element_type3A_805 = arith.extui %ne3A_804 : i1 to i32
      %eq3A_806 = arith.constant 1 : i32
      %eq3A_807 = arith.cmpi eq, %convert_element_type3A_805, %eq3A_806 : i32
      %convert_element_type3A_808 = arith.extui %eq3A_807 : i1 to i32
      %cond3A_809 = arith.constant 0 : i32
      %cond3A_810 = arith.cmpi ne, %convert_element_type3A_808, %cond3A_809 : i32
      scf.if %cond3A_810 {
        %jit3A_864 = arith.constant 10 : i32
        %eq3A_865 = arith.constant 0 : i32
        %eq3A_866 = arith.cmpi eq, %jit3A_864, %eq3A_865 : i32
        %jit3A_867 = arith.constant 1 : i32
        %select_n3A_868 = arith.select %eq3A_866, %jit3A_867, %jit3A_864 : i32
        %rem3A_869 = arith.remsi %add3A_799, %select_n3A_868 : i32
        %ne3A_870 = arith.constant 0 : i32
        %ne3A_871 = arith.cmpi ne, %rem3A_869, %ne3A_870 : i32
        %lt3A_872 = arith.constant 0 : i32
        %lt3A_873 = arith.cmpi slt, %rem3A_869, %lt3A_872 : i32
        %lt3A_874 = arith.constant 0 : i32
        %lt3A_875 = arith.cmpi slt, %select_n3A_868, %lt3A_874 : i32
        %ne3A_876 = arith.xori %lt3A_873, %lt3A_875 : i1
        %and3A_877 = arith.andi %ne3A_876, %ne3A_871 : i1
        %add3A_878 = arith.addi %rem3A_869, %select_n3A_868 : i32
        %select_n3A_879 = arith.select %and3A_877, %add3A_878, %rem3A_869 : i32
        %dma_wait3A_880 = arith.constant 0 : i32
        %dma_wait3A_881 = arith.constant 0 : i32
        %dma_wait3A_882 = arith.constant 0 : i32
        %dma_wait3A_883 = tpu.memref_slice %arg14[%dma_wait3A_880, %dma_wait3A_881, %dma_wait3A_882] : memref<10x64x128xf32, #tpu.memory_space<vmem>> -> memref<1x64x128xf32, #tpu.memory_space<vmem>>
        %dma_wait3A_884 = tpu.memref_squeeze %dma_wait3A_883 : memref<1x64x128xf32, #tpu.memory_space<vmem>> -> memref<64x128xf32, #tpu.memory_space<vmem>>
        %dma_wait3A_885 = arith.constant 0 : i32
        %dma_wait3A_886 = arith.constant 0 : i32
        %dma_wait3A_887 = tpu.memref_slice %arg2[%dma_wait3A_885, %dma_wait3A_886] : memref<64x1000000xf32, #tpu.memory_space<hbm>> -> memref<64x128xf32, #tpu.memory_space<hbm>>
        %dma_wait3A_888 = tpu.memref_slice %arg17[%select_n3A_879] : memref<10x!tpu.dma_semaphore, #tpu.memory_space<semaphore_mem>> -> memref<1x!tpu.dma_semaphore, #tpu.memory_space<semaphore_mem>>
        %dma_wait3A_889 = tpu.memref_squeeze %dma_wait3A_888 : memref<1x!tpu.dma_semaphore, #tpu.memory_space<semaphore_mem>> -> memref<!tpu.dma_semaphore, #tpu.memory_space<semaphore_mem>>
        %dma_wait3A_890 = arith.constant 0 : i32
        %dma_wait3A_891 = arith.constant 0 : i32
        %dma_wait3A_892 = tpu.memref_slice %arg14[%dma_wait3A_880, %dma_wait3A_890, %dma_wait3A_891] : memref<10x64x128xf32, #tpu.memory_space<vmem>> -> memref<1x64x128xf32, #tpu.memory_space<vmem>>
        %dma_wait3A_893 = tpu.memref_squeeze %dma_wait3A_892 : memref<1x64x128xf32, #tpu.memory_space<vmem>> -> memref<64x128xf32, #tpu.memory_space<vmem>>
        %dma_wait3A_894 = arith.constant 0 : i32
        %dma_wait3A_895 = arith.constant 0 : i32
        %dma_wait3A_896 = tpu.memref_slice %arg2[%dma_wait3A_894, %dma_wait3A_895] : memref<64x1000000xf32, #tpu.memory_space<hbm>> -> memref<64x128xf32, #tpu.memory_space<hbm>>
        tpu.wait_dma2 semaphore(%dma_wait3A_889 : memref<!tpu.dma_semaphore, #tpu.memory_space<semaphore_mem>>) src(%dma_wait3A_896 : memref<64x128xf32, #tpu.memory_space<hbm>>) dst(%dma_wait3A_893 : memref<64x128xf32, #tpu.memory_space<vmem>>)
      } else {
      }
      %eq3A_811 = arith.constant 1 : i32
      %eq3A_812 = arith.cmpi eq, %convert_element_type3A_805, %eq3A_811 : i32
      %jit3A_813 = arith.constant 10 : i32
      %eq3A_814 = arith.constant 0 : i32
      %eq3A_815 = arith.cmpi eq, %jit3A_813, %eq3A_814 : i32
      %jit3A_816 = arith.constant 1 : i32
      %select_n3A_817 = arith.select %eq3A_815, %jit3A_816, %jit3A_813 : i32
      %rem3A_818 = arith.remsi %add3A_799, %select_n3A_817 : i32
      %ne3A_819 = arith.constant 0 : i32
      %ne3A_820 = arith.cmpi ne, %rem3A_818, %ne3A_819 : i32
      %lt3A_821 = arith.constant 0 : i32
      %lt3A_822 = arith.cmpi slt, %rem3A_818, %lt3A_821 : i32
      %lt3A_823 = arith.constant 0 : i32
      %lt3A_824 = arith.cmpi slt, %select_n3A_817, %lt3A_823 : i32
      %ne3A_825 = arith.xori %lt3A_822, %lt3A_824 : i1
      %and3A_826 = arith.andi %ne3A_825, %ne3A_820 : i1
      %add3A_827 = arith.addi %rem3A_818, %select_n3A_817 : i32
      %select_n3A_828 = arith.select %and3A_826, %add3A_827, %rem3A_818 : i32
      %select_n3A_829 = arith.select %eq3A_812, %select_n3A_828, %select_n3A_701 : i32
      %broadcast_in_dim3A_830 = vector.broadcast %select_n3A_829 : i32 to vector<16xi32>
      %and3A_831 = arith.constant 127 : i32
      %and3A_832 = arith.andi %reduce_max3A_608, %and3A_831 : i32
      %broadcast_in_dim3A_833 = vector.broadcast %and3A_832 : i32 to vector<16xi32>
      %broadcast_in_dim3A_834 = vector.broadcast %add3A_801 : i32 to vector<16xi32>
      %add3A_835 = arith.constant 0 : i32
      %add3A_836 = vector.broadcast %add3A_835 : i32 to vector<16xi32>
      %add3A_837 = arith.addi %add3A_836, %iota3A : vector<16xi32>
      %gather3A_838 = tpu.vector_load_idx %arg14[%broadcast_in_dim3A_830, %add3A_837, %broadcast_in_dim3A_833] : memref<10x64x128xf32, #tpu.memory_space<vmem>>[vector<16xi32>, vector<16xi32>, vector<16xi32>], vector<16xf32>,
      %add3A_839 = arith.constant 0 : i32
      %add3A_840 = vector.broadcast %add3A_839 : i32 to vector<16xi32>
      %add3A_841 = arith.addi %add3A_840, %iota3A : vector<16xi32>
      tpu.vector_store_idx %arg16[%broadcast_in_dim3A_834, %add3A_841], %gather3A_838 : memref<128x128xf32, #tpu.memory_space<vmem>>[vector<16xi32>, vector<16xi32>], vector<16xf32>,
      %add3A_842 = arith.constant 16 : i32
      %add3A_843 = vector.broadcast %add3A_842 : i32 to vector<16xi32>
      %add3A_844 = arith.addi %add3A_843, %iota3A : vector<16xi32>
      %gather3A_845 = tpu.vector_load_idx %arg14[%broadcast_in_dim3A_830, %add3A_844, %broadcast_in_dim3A_833] : memref<10x64x128xf32, #tpu.memory_space<vmem>>[vector<16xi32>, vector<16xi32>, vector<16xi32>], vector<16xf32>,
      %add3A_846 = arith.constant 16 : i32
      %add3A_847 = vector.broadcast %add3A_846 : i32 to vector<16xi32>
      %add3A_848 = arith.addi %add3A_847, %iota3A : vector<16xi32>
      tpu.vector_store_idx %arg16[%broadcast_in_dim3A_834, %add3A_848], %gather3A_845 : memref<128x128xf32, #tpu.memory_space<vmem>>[vector<16xi32>, vector<16xi32>], vector<16xf32>,
      %add3A_849 = arith.constant 32 : i32
      %add3A_850 = vector.broadcast %add3A_849 : i32 to vector<16xi32>
      %add3A_851 = arith.addi %add3A_850, %iota3A : vector<16xi32>
      %gather3A_852 = tpu.vector_load_idx %arg14[%broadcast_in_dim3A_830, %add3A_851, %broadcast_in_dim3A_833] : memref<10x64x128xf32, #tpu.memory_space<vmem>>[vector<16xi32>, vector<16xi32>, vector<16xi32>], vector<16xf32>,
      %add3A_853 = arith.constant 32 : i32
      %add3A_854 = vector.broadcast %add3A_853 : i32 to vector<16xi32>
      %add3A_855 = arith.addi %add3A_854, %iota3A : vector<16xi32>
      tpu.vector_store_idx %arg16[%broadcast_in_dim3A_834, %add3A_855], %gather3A_852 : memref<128x128xf32, #tpu.memory_space<vmem>>[vector<16xi32>, vector<16xi32>], vector<16xf32>,
      %add3A_856 = arith.constant 48 : i32
      %add3A_857 = vector.broadcast %add3A_856 : i32 to vector<16xi32>
      %add3A_858 = arith.addi %add3A_857, %iota3A : vector<16xi32>
      %gather3A_859 = tpu.vector_load_idx %arg14[%broadcast_in_dim3A_830, %add3A_858, %broadcast_in_dim3A_833] : memref<10x64x128xf32, #tpu.memory_space<vmem>>[vector<16xi32>, vector<16xi32>, vector<16xi32>], vector<16xf32>,
      %add3A_860 = arith.constant 48 : i32
      %add3A_861 = vector.broadcast %add3A_860 : i32 to vector<16xi32>
      %add3A_862 = arith.addi %add3A_861, %iota3A : vector<16xi32>
      tpu.vector_store_idx %arg16[%broadcast_in_dim3A_834, %add3A_862], %gather3A_859 : memref<128x128xf32, #tpu.memory_space<vmem>>[vector<16xi32>, vector<16xi32>], vector<16xf32>,
      %add3A_863 = arith.addi %add3A_799, %convert_element_type3A_805 : i32
      scf.yield %shift_right_arithmetic3A_442, %shift_right_arithmetic3A_452, %add3A_460, %shift_right_arithmetic3A_739, %shift_right_arithmetic3A_803, %add3A_863, %select_n3A_765, %select_n3A_829 : i32, i32, i32, i32, i32, i32, i32, i32
    }
    %scan3A_110 = arith.constant 64 : i32
    %dma_start3A = arith.constant 0 : i32
    %dma_start3A_111 = arith.constant 0 : i32
    %dma_start3A_112 = tpu.memref_slice %arg12[%dma_start3A, %dma_start3A_111] : memref<4x128xi32, #tpu.memory_space<vmem>> -> memref<1x128xi32, #tpu.memory_space<vmem>>
    %dma_start3A_113 = tpu.memref_squeeze %dma_start3A_112 : memref<1x128xi32, #tpu.memory_space<vmem>> -> memref<128xi32, #tpu.memory_space<vmem>>
    %dma_start3A_114 = arith.constant 0 : i32
    %dma_start3A_115 = arith.constant 0 : i32
    %dma_start3A_116 = tpu.memref_slice %arg8[%dma_start3A_114, %dma_start3A_115] : memref<16384x128xf32, #tpu.memory_space<hbm>> -> memref<16384x128xf32, #tpu.memory_space<hbm>>
    tpu.enqueue_indirect_dma source(%arg15 : memref<128x128xf32, #tpu.memory_space<vmem>>) target(%dma_start3A_116 : memref<16384x128xf32, #tpu.memory_space<hbm>>) offsets(%dma_start3A_113 : memref<128xi32, #tpu.memory_space<vmem>>) semaphore(%arg18 : memref<!tpu.dma_semaphore, #tpu.memory_space<semaphore_mem>>)
    %dma_start3A_117 = arith.constant 0 : i32
    %dma_start3A_118 = arith.constant 0 : i32
    %dma_start3A_119 = tpu.memref_slice %arg13[%dma_start3A_117, %dma_start3A_118] : memref<4x128xi32, #tpu.memory_space<vmem>> -> memref<1x128xi32, #tpu.memory_space<vmem>>
    %dma_start3A_120 = tpu.memref_squeeze %dma_start3A_119 : memref<1x128xi32, #tpu.memory_space<vmem>> -> memref<128xi32, #tpu.memory_space<vmem>>
    %dma_start3A_121 = arith.constant 0 : i32
    %dma_start3A_122 = arith.constant 0 : i32
    %dma_start3A_123 = tpu.memref_slice %arg9[%dma_start3A_121, %dma_start3A_122] : memref<16384x128xf32, #tpu.memory_space<hbm>> -> memref<16384x128xf32, #tpu.memory_space<hbm>>
    tpu.enqueue_indirect_dma source(%arg16 : memref<128x128xf32, #tpu.memory_space<vmem>>) target(%dma_start3A_123 : memref<16384x128xf32, #tpu.memory_space<hbm>>) offsets(%dma_start3A_120 : memref<128xi32, #tpu.memory_space<vmem>>) semaphore(%arg19 : memref<!tpu.dma_semaphore, #tpu.memory_space<semaphore_mem>>)
    %dma_wait3A = arith.constant 0 : i32
    %dma_wait3A_124 = arith.constant 0 : i32
    %dma_wait3A_125 = tpu.memref_slice %arg12[%dma_wait3A, %dma_wait3A_124] : memref<4x128xi32, #tpu.memory_space<vmem>> -> memref<1x128xi32, #tpu.memory_space<vmem>>
    %dma_wait3A_126 = tpu.memref_squeeze %dma_wait3A_125 : memref<1x128xi32, #tpu.memory_space<vmem>> -> memref<128xi32, #tpu.memory_space<vmem>>
    %dma_wait3A_127 = arith.constant 0 : i32
    %dma_wait3A_128 = arith.constant 0 : i32
    %dma_wait3A_129 = tpu.memref_slice %arg8[%dma_wait3A_127, %dma_wait3A_128] : memref<16384x128xf32, #tpu.memory_space<hbm>> -> memref<16384x128xf32, #tpu.memory_space<hbm>>
    tpu.wait_indirect_dma semaphore(%arg18 : memref<!tpu.dma_semaphore, #tpu.memory_space<semaphore_mem>>) src(%arg15 : memref<128x128xf32, #tpu.memory_space<vmem>>) dst(%dma_wait3A_129 : memref<16384x128xf32, #tpu.memory_space<hbm>>)
    %dma_wait3A_130 = arith.constant 0 : i32
    %dma_wait3A_131 = arith.constant 0 : i32
    %dma_wait3A_132 = tpu.memref_slice %arg13[%dma_wait3A_130, %dma_wait3A_131] : memref<4x128xi32, #tpu.memory_space<vmem>> -> memref<1x128xi32, #tpu.memory_space<vmem>>
    %dma_wait3A_133 = tpu.memref_squeeze %dma_wait3A_132 : memref<1x128xi32, #tpu.memory_space<vmem>> -> memref<128xi32, #tpu.memory_space<vmem>>
    %dma_wait3A_134 = arith.constant 0 : i32
    %dma_wait3A_135 = arith.constant 0 : i32
    %dma_wait3A_136 = tpu.memref_slice %arg9[%dma_wait3A_134, %dma_wait3A_135] : memref<16384x128xf32, #tpu.memory_space<hbm>> -> memref<16384x128xf32, #tpu.memory_space<hbm>>
    tpu.wait_indirect_dma semaphore(%arg19 : memref<!tpu.dma_semaphore, #tpu.memory_space<semaphore_mem>>) src(%arg16 : memref<128x128xf32, #tpu.memory_space<vmem>>) dst(%dma_wait3A_136 : memref<16384x128xf32, #tpu.memory_space<hbm>>)
    %scan3A_137 = arith.constant 64 : i32
    %scan3A_138 = arith.constant 64 : i32
    %scan3A_139 = arith.addi %scan3A_137, %scan3A_138 : i32
    %scan3A_140 = arith.constant 1 : i32
    %scan3A_141:8 = scf.for %scan3A_239 = %scan3A_137 to %scan3A_139 step %scan3A_140 iter_args(%scan3A_240 = %scan3A_109#0, %scan3A_241 = %scan3A_109#1, %scan3A_242 = %scan3A_109#2, %scan3A_243 = %scan3A_109#3, %scan3A_244 = %scan3A_109#4, %scan3A_245 = %scan3A_109#5, %scan3A_246 = %scan3A_109#6, %scan3A_247 = %scan3A_109#7) -> (i32, i32, i32, i32, i32, i32, i32, i32)  : i32 {
      %add3A_248 = arith.constant 1 : i32
      %add3A_249 = arith.addi %scan3A_239, %add3A_248 : i32
      %min3A = arith.constant 255 : i32
      %min3A_250 = arith.minsi %add3A_249, %min3A : i32
      %jit3A_251 = arith.constant 8 : i32
      %div3A = arith.divsi %min3A_250, %jit3A_251 : i32
      %sign3A = arith.constant 0 : i32
      %sign3A_252 = arith.cmpi sgt, %min3A_250, %sign3A : i32
      %sign3A_253 = arith.extui %sign3A_252 : i1 to i32
      %sign3A_254 = arith.constant 0 : i32
      %sign3A_255 = arith.cmpi slt, %min3A_250, %sign3A_254 : i32
      %sign3A_256 = arith.extui %sign3A_255 : i1 to i32
      %sign3A_257 = arith.subi %sign3A_253, %sign3A_256 : i32
      %sign3A_258 = arith.constant 0 : i32
      %sign3A_259 = arith.cmpi sgt, %jit3A_251, %sign3A_258 : i32
      %sign3A_260 = arith.extui %sign3A_259 : i1 to i32
      %sign3A_261 = arith.constant 0 : i32
      %sign3A_262 = arith.cmpi slt, %jit3A_251, %sign3A_261 : i32
      %sign3A_263 = arith.extui %sign3A_262 : i1 to i32
      %sign3A_264 = arith.subi %sign3A_260, %sign3A_263 : i32
      %ne3A_265 = arith.cmpi ne, %sign3A_257, %sign3A_264 : i32
      %rem3A = arith.remsi %min3A_250, %jit3A_251 : i32
      %ne3A_266 = arith.constant 0 : i32
      %ne3A_267 = arith.cmpi ne, %rem3A, %ne3A_266 : i32
      %and3A = arith.andi %ne3A_265, %ne3A_267 : i1
      %sub3A = arith.constant 1 : i32
      %sub3A_268 = arith.subi %div3A, %sub3A : i32
      %select_n3A_269 = arith.select %and3A, %sub3A_268, %div3A : i32
      %mul3A_270 = arith.constant 16 : i32
      %mul3A_271 = arith.muli %select_n3A_269, %mul3A_270 : i32
      %get3A_272 = arith.index_cast %mul3A_271 : i32 to index
      %get3A_273 = tpu.vector_load %arg10[%get3A_272] {strides = array<i32>} : memref<512xi32, #tpu.memory_space<vmem>>, vector<16xi32>,
      %mul3A_274 = arith.constant 2 : i32
      %mul3A_275 = arith.muli %mul3A_274, %min3A_250 : i32
      %jit3A_276 = arith.constant 16 : i32
      %eq3A_277 = arith.constant 0 : i32
      %eq3A_278 = arith.cmpi eq, %jit3A_276, %eq3A_277 : i32
      %jit3A_279 = arith.constant 1 : i32
      %select_n3A_280 = arith.select %eq3A_278, %jit3A_279, %jit3A_276 : i32
      %rem3A_281 = arith.remsi %mul3A_275, %select_n3A_280 : i32
      %ne3A_282 = arith.constant 0 : i32
      %ne3A_283 = arith.cmpi ne, %rem3A_281, %ne3A_282 : i32
      %lt3A = arith.constant 0 : i32
      %lt3A_284 = arith.cmpi slt, %rem3A_281, %lt3A : i32
      %lt3A_285 = arith.constant 0 : i32
      %lt3A_286 = arith.cmpi slt, %select_n3A_280, %lt3A_285 : i32
      %ne3A_287 = arith.xori %lt3A_284, %lt3A_286 : i1
      %and3A_288 = arith.andi %ne3A_287, %ne3A_283 : i1
      %add3A_289 = arith.addi %rem3A_281, %select_n3A_280 : i32
      %select_n3A_290 = arith.select %and3A_288, %add3A_289, %rem3A_281 : i32
      %eq3A_291 = vector.broadcast %select_n3A_290 : i32 to vector<16xi32>
      %eq3A_292 = arith.cmpi eq, %iota3A, %eq3A_291 : vector<16xi32>
      %jit3A_293 = arith.constant 0 : i32
      %broadcast_in_dim3A_294 = vector.broadcast %jit3A_293 : i32 to vector<16xi32>
      %select_n3A_295 = arith.select %eq3A_292, %get3A_273, %broadcast_in_dim3A_294 : vector<16xi1>, vector<16xi32>
      %reduce_max3A_296 = arith.constant true
      %reduce_max3A_297 = vector.broadcast %reduce_max3A_296 : i1 to vector<16xi1>
      %reduce_max3A_298 = arith.constant -2147483648 : i32
      %reduce_max3A_299 = vector.broadcast %reduce_max3A_298 : i32 to vector<16xi32>
      %reduce_max3A_300 = arith.xori %select_n3A_295, %reduce_max3A_299 : vector<16xi32>
      %reduce_max3A_301 = tpu.scan <max>, %reduce_max3A_300 masked %reduce_max3A_297 : vector<16xi32>, vector<16xi1> -> vector<16xi32>
      %reduce_max3A_302 = arith.xori %reduce_max3A_301, %reduce_max3A_299 : vector<16xi32>
      %reduce_max3A_303 = vector.extract %reduce_max3A_302[15] : i32 from vector<16xi32>
      %add3A_304 = arith.constant 1 : i32
      %add3A_305 = arith.addi %select_n3A_290, %add3A_304 : i32
      %eq3A_306 = vector.broadcast %add3A_305 : i32 to vector<16xi32>
      %eq3A_307 = arith.cmpi eq, %iota3A, %eq3A_306 : vector<16xi32>
      %jit3A_308 = arith.constant 0 : i32
      %broadcast_in_dim3A_309 = vector.broadcast %jit3A_308 : i32 to vector<16xi32>
      %select_n3A_310 = arith.select %eq3A_307, %get3A_273, %broadcast_in_dim3A_309 : vector<16xi1>, vector<16xi32>
      %reduce_max3A_311 = arith.constant true
      %reduce_max3A_312 = vector.broadcast %reduce_max3A_311 : i1 to vector<16xi1>
      %reduce_max3A_313 = arith.constant -2147483648 : i32
      %reduce_max3A_314 = vector.broadcast %reduce_max3A_313 : i32 to vector<16xi32>
      %reduce_max3A_315 = arith.xori %select_n3A_310, %reduce_max3A_314 : vector<16xi32>
      %reduce_max3A_316 = tpu.scan <max>, %reduce_max3A_315 masked %reduce_max3A_312 : vector<16xi32>, vector<16xi1> -> vector<16xi32>
      %reduce_max3A_317 = arith.xori %reduce_max3A_316, %reduce_max3A_314 : vector<16xi32>
      %reduce_max3A_318 = vector.extract %reduce_max3A_317[15] : i32 from vector<16xi32>
      %add3A_319 = arith.constant 1 : i32
      %add3A_320 = arith.addi %scan3A_239, %add3A_319 : i32
      %min3A_321 = arith.constant 255 : i32
      %min3A_322 = arith.minsi %add3A_320, %min3A_321 : i32
      %jit3A_323 = arith.constant 8 : i32
      %div3A_324 = arith.divsi %min3A_322, %jit3A_323 : i32
      %sign3A_325 = arith.constant 0 : i32
      %sign3A_326 = arith.cmpi sgt, %min3A_322, %sign3A_325 : i32
      %sign3A_327 = arith.extui %sign3A_326 : i1 to i32
      %sign3A_328 = arith.constant 0 : i32
      %sign3A_329 = arith.cmpi slt, %min3A_322, %sign3A_328 : i32
      %sign3A_330 = arith.extui %sign3A_329 : i1 to i32
      %sign3A_331 = arith.subi %sign3A_327, %sign3A_330 : i32
      %sign3A_332 = arith.constant 0 : i32
      %sign3A_333 = arith.cmpi sgt, %jit3A_323, %sign3A_332 : i32
      %sign3A_334 = arith.extui %sign3A_333 : i1 to i32
      %sign3A_335 = arith.constant 0 : i32
      %sign3A_336 = arith.cmpi slt, %jit3A_323, %sign3A_335 : i32
      %sign3A_337 = arith.extui %sign3A_336 : i1 to i32
      %sign3A_338 = arith.subi %sign3A_334, %sign3A_337 : i32
      %ne3A_339 = arith.cmpi ne, %sign3A_331, %sign3A_338 : i32
      %rem3A_340 = arith.remsi %min3A_322, %jit3A_323 : i32
      %ne3A_341 = arith.constant 0 : i32
      %ne3A_342 = arith.cmpi ne, %rem3A_340, %ne3A_341 : i32
      %and3A_343 = arith.andi %ne3A_339, %ne3A_342 : i1
      %sub3A_344 = arith.constant 1 : i32
      %sub3A_345 = arith.subi %div3A_324, %sub3A_344 : i32
      %select_n3A_346 = arith.select %and3A_343, %sub3A_345, %div3A_324 : i32
      %mul3A_347 = arith.constant 16 : i32
      %mul3A_348 = arith.muli %select_n3A_346, %mul3A_347 : i32
      %get3A_349 = arith.index_cast %mul3A_348 : i32 to index
      %get3A_350 = tpu.vector_load %arg11[%get3A_349] {strides = array<i32>} : memref<512xi32, #tpu.memory_space<vmem>>, vector<16xi32>,
      %mul3A_351 = arith.constant 2 : i32
      %mul3A_352 = arith.muli %mul3A_351, %min3A_322 : i32
      %jit3A_353 = arith.constant 16 : i32
      %eq3A_354 = arith.constant 0 : i32
      %eq3A_355 = arith.cmpi eq, %jit3A_353, %eq3A_354 : i32
      %jit3A_356 = arith.constant 1 : i32
      %select_n3A_357 = arith.select %eq3A_355, %jit3A_356, %jit3A_353 : i32
      %rem3A_358 = arith.remsi %mul3A_352, %select_n3A_357 : i32
      %ne3A_359 = arith.constant 0 : i32
      %ne3A_360 = arith.cmpi ne, %rem3A_358, %ne3A_359 : i32
      %lt3A_361 = arith.constant 0 : i32
      %lt3A_362 = arith.cmpi slt, %rem3A_358, %lt3A_361 : i32
      %lt3A_363 = arith.constant 0 : i32
      %lt3A_364 = arith.cmpi slt, %select_n3A_357, %lt3A_363 : i32
      %ne3A_365 = arith.xori %lt3A_362, %lt3A_364 : i1
      %and3A_366 = arith.andi %ne3A_365, %ne3A_360 : i1
      %add3A_367 = arith.addi %rem3A_358, %select_n3A_357 : i32
      %select_n3A_368 = arith.select %and3A_366, %add3A_367, %rem3A_358 : i32
      %eq3A_369 = vector.broadcast %select_n3A_368 : i32 to vector<16xi32>
      %eq3A_370 = arith.cmpi eq, %iota3A, %eq3A_369 : vector<16xi32>
      %jit3A_371 = arith.constant 0 : i32
      %broadcast_in_dim3A_372 = vector.broadcast %jit3A_371 : i32 to vector<16xi32>
      %select_n3A_373 = arith.select %eq3A_370, %get3A_350, %broadcast_in_dim3A_372 : vector<16xi1>, vector<16xi32>
      %reduce_max3A_374 = arith.constant true
      %reduce_max3A_375 = vector.broadcast %reduce_max3A_374 : i1 to vector<16xi1>
      %reduce_max3A_376 = arith.constant -2147483648 : i32
      %reduce_max3A_377 = vector.broadcast %reduce_max3A_376 : i32 to vector<16xi32>
      %reduce_max3A_378 = arith.xori %select_n3A_373, %reduce_max3A_377 : vector<16xi32>
      %reduce_max3A_379 = tpu.scan <max>, %reduce_max3A_378 masked %reduce_max3A_375 : vector<16xi32>, vector<16xi1> -> vector<16xi32>
      %reduce_max3A_380 = arith.xori %reduce_max3A_379, %reduce_max3A_377 : vector<16xi32>
      %reduce_max3A_381 = vector.extract %reduce_max3A_380[15] : i32 from vector<16xi32>
      %add3A_382 = arith.constant 1 : i32
      %add3A_383 = arith.addi %select_n3A_368, %add3A_382 : i32
      %eq3A_384 = vector.broadcast %add3A_383 : i32 to vector<16xi32>
      %eq3A_385 = arith.cmpi eq, %iota3A, %eq3A_384 : vector<16xi32>
      %jit3A_386 = arith.constant 0 : i32
      %broadcast_in_dim3A_387 = vector.broadcast %jit3A_386 : i32 to vector<16xi32>
      %select_n3A_388 = arith.select %eq3A_385, %get3A_350, %broadcast_in_dim3A_387 : vector<16xi1>, vector<16xi32>
      %reduce_max3A_389 = arith.constant true
      %reduce_max3A_390 = vector.broadcast %reduce_max3A_389 : i1 to vector<16xi1>
      %reduce_max3A_391 = arith.constant -2147483648 : i32
      %reduce_max3A_392 = vector.broadcast %reduce_max3A_391 : i32 to vector<16xi32>
      %reduce_max3A_393 = arith.xori %select_n3A_388, %reduce_max3A_392 : vector<16xi32>
      %reduce_max3A_394 = tpu.scan <max>, %reduce_max3A_393 masked %reduce_max3A_390 : vector<16xi32>, vector<16xi1> -> vector<16xi32>
      %reduce_max3A_395 = arith.xori %reduce_max3A_394, %reduce_max3A_392 : vector<16xi32>
      %reduce_max3A_396 = vector.extract %reduce_max3A_395[15] : i32 from vector<16xi32>
      %add3A_397 = arith.constant 1 : i32
      %add3A_398 = arith.addi %scan3A_239, %add3A_397 : i32
      %lt3A_399 = arith.constant 256 : i32
      %lt3A_400 = arith.cmpi slt, %add3A_398, %lt3A_399 : i32
      %convert_element_type3A_401 = arith.extui %lt3A_400 : i1 to i32
      %eq3A_402 = arith.constant 1 : i32
      %eq3A_403 = arith.cmpi eq, %convert_element_type3A_401, %eq3A_402 : i32
      %shift_left3A = arith.constant 7 : i32
      %shift_left3A_404 = arith.shli %scan3A_240, %shift_left3A : i32
      %select_n3A_405 = arith.select %eq3A_403, %reduce_max3A_303, %shift_left3A_404 : i32
      %eq3A_406 = arith.constant 1 : i32
      %eq3A_407 = arith.cmpi eq, %convert_element_type3A_401, %eq3A_406 : i32
      %shift_left3A_408 = arith.constant 7 : i32
      %shift_left3A_409 = arith.shli %scan3A_241, %shift_left3A_408 : i32
      %select_n3A_410 = arith.select %eq3A_407, %reduce_max3A_381, %shift_left3A_409 : i32
      %eq3A_411 = arith.constant 1 : i32
      %eq3A_412 = arith.cmpi eq, %convert_element_type3A_401, %eq3A_411 : i32
      %shift_left3A_413 = arith.constant 7 : i32
      %shift_left3A_414 = arith.shli %scan3A_240, %shift_left3A_413 : i32
      %select_n3A_415 = arith.select %eq3A_412, %reduce_max3A_318, %shift_left3A_414 : i32
      %eq3A_416 = arith.constant 1 : i32
      %eq3A_417 = arith.cmpi eq, %convert_element_type3A_401, %eq3A_416 : i32
      %shift_left3A_418 = arith.constant 7 : i32
      %shift_left3A_419 = arith.shli %scan3A_241, %shift_left3A_418 : i32
      %select_n3A_420 = arith.select %eq3A_417, %reduce_max3A_396, %shift_left3A_419 : i32
      %shift_right_arithmetic3A_421 = arith.constant 7 : i32
      %shift_right_arithmetic3A_422 = arith.shrsi %select_n3A_405, %shift_right_arithmetic3A_421 : i32
      %ne3A_423 = arith.cmpi ne, %shift_right_arithmetic3A_422, %scan3A_240 : i32
      %convert_element_type3A_424 = arith.extui %ne3A_423 : i1 to i32
      %eq3A_425 = arith.constant 1 : i32
      %eq3A_426 = arith.cmpi eq, %convert_element_type3A_424, %eq3A_425 : i32
      %convert_element_type3A_427 = arith.extui %eq3A_426 : i1 to i32
      %cond3A_428 = arith.constant 0 : i32
      %cond3A_429 = arith.cmpi ne, %convert_element_type3A_427, %cond3A_428 : i32
      scf.if %cond3A_429 {
        %mul3A_864 = arith.constant 128 : i32
        %mul3A_865 = arith.muli %shift_right_arithmetic3A_422, %mul3A_864 : i32
        %multiple_of3A = tpu.assume_multiple %mul3A_865, 128 : i32
        %jit3A_866 = arith.constant 10 : i32
        %eq3A_867 = arith.constant 0 : i32
        %eq3A_868 = arith.cmpi eq, %jit3A_866, %eq3A_867 : i32
        %jit3A_869 = arith.constant 1 : i32
        %select_n3A_870 = arith.select %eq3A_868, %jit3A_869, %jit3A_866 : i32
        %rem3A_871 = arith.remsi %scan3A_242, %select_n3A_870 : i32
        %ne3A_872 = arith.constant 0 : i32
        %ne3A_873 = arith.cmpi ne, %rem3A_871, %ne3A_872 : i32
        %lt3A_874 = arith.constant 0 : i32
        %lt3A_875 = arith.cmpi slt, %rem3A_871, %lt3A_874 : i32
        %lt3A_876 = arith.constant 0 : i32
        %lt3A_877 = arith.cmpi slt, %select_n3A_870, %lt3A_876 : i32
        %ne3A_878 = arith.xori %lt3A_875, %lt3A_877 : i1
        %and3A_879 = arith.andi %ne3A_878, %ne3A_873 : i1
        %add3A_880 = arith.addi %rem3A_871, %select_n3A_870 : i32
        %select_n3A_881 = arith.select %and3A_879, %add3A_880, %rem3A_871 : i32
        %jit3A_882 = arith.constant 10 : i32
        %eq3A_883 = arith.constant 0 : i32
        %eq3A_884 = arith.cmpi eq, %jit3A_882, %eq3A_883 : i32
        %jit3A_885 = arith.constant 1 : i32
        %select_n3A_886 = arith.select %eq3A_884, %jit3A_885, %jit3A_882 : i32
        %rem3A_887 = arith.remsi %scan3A_242, %select_n3A_886 : i32
        %ne3A_888 = arith.constant 0 : i32
        %ne3A_889 = arith.cmpi ne, %rem3A_887, %ne3A_888 : i32
        %lt3A_890 = arith.constant 0 : i32
        %lt3A_891 = arith.cmpi slt, %rem3A_887, %lt3A_890 : i32
        %lt3A_892 = arith.constant 0 : i32
        %lt3A_893 = arith.cmpi slt, %select_n3A_886, %lt3A_892 : i32
        %ne3A_894 = arith.xori %lt3A_891, %lt3A_893 : i1
        %and3A_895 = arith.andi %ne3A_894, %ne3A_889 : i1
        %add3A_896 = arith.addi %rem3A_887, %select_n3A_886 : i32
        %select_n3A_897 = arith.select %and3A_895, %add3A_896, %rem3A_887 : i32
        %dma_start3A_898 = arith.constant 0 : i32
        %dma_start3A_899 = arith.constant 0 : i32
        %dma_start3A_900 = tpu.memref_slice %arg14[%select_n3A_881, %dma_start3A_898, %dma_start3A_899] : memref<10x64x128xf32, #tpu.memory_space<vmem>> -> memref<1x64x128xf32, #tpu.memory_space<vmem>>
        %dma_start3A_901 = tpu.memref_squeeze %dma_start3A_900 : memref<1x64x128xf32, #tpu.memory_space<vmem>> -> memref<64x128xf32, #tpu.memory_space<vmem>>
        %dma_start3A_902 = arith.constant 0 : i32
        %dma_start3A_903 = tpu.memref_slice %arg2[%dma_start3A_902, %multiple_of3A] : memref<64x1000000xf32, #tpu.memory_space<hbm>> -> memref<64x128xf32, #tpu.memory_space<hbm>>
        %dma_start3A_904 = tpu.memref_slice %arg17[%select_n3A_897] : memref<10x!tpu.dma_semaphore, #tpu.memory_space<semaphore_mem>> -> memref<1x!tpu.dma_semaphore, #tpu.memory_space<semaphore_mem>>
        %dma_start3A_905 = tpu.memref_squeeze %dma_start3A_904 : memref<1x!tpu.dma_semaphore, #tpu.memory_space<semaphore_mem>> -> memref<!tpu.dma_semaphore, #tpu.memory_space<semaphore_mem>>
        %dma_start3A_906 = arith.constant 0 : i32
        %dma_start3A_907 = arith.constant 0 : i32
        %dma_start3A_908 = tpu.memref_slice %arg14[%select_n3A_881, %dma_start3A_906, %dma_start3A_907] : memref<10x64x128xf32, #tpu.memory_space<vmem>> -> memref<1x64x128xf32, #tpu.memory_space<vmem>>
        %dma_start3A_909 = tpu.memref_squeeze %dma_start3A_908 : memref<1x64x128xf32, #tpu.memory_space<vmem>> -> memref<64x128xf32, #tpu.memory_space<vmem>>
        %dma_start3A_910 = arith.constant 0 : i32
        %dma_start3A_911 = tpu.memref_slice %arg2[%dma_start3A_910, %multiple_of3A] : memref<64x1000000xf32, #tpu.memory_space<hbm>> -> memref<64x128xf32, #tpu.memory_space<hbm>>
        tpu.enqueue_dma source(%dma_start3A_911 : memref<64x128xf32, #tpu.memory_space<hbm>>) target(%dma_start3A_909 : memref<64x128xf32, #tpu.memory_space<vmem>>) target_semaphore(%dma_start3A_905 : memref<!tpu.dma_semaphore, #tpu.memory_space<semaphore_mem>>)
      } else {
      }
      %add3A_430 = arith.addi %scan3A_242, %convert_element_type3A_424 : i32
      %shift_right_arithmetic3A_431 = arith.constant 7 : i32
      %shift_right_arithmetic3A_432 = arith.shrsi %select_n3A_410, %shift_right_arithmetic3A_431 : i32
      %ne3A_433 = arith.cmpi ne, %shift_right_arithmetic3A_432, %scan3A_241 : i32
      %convert_element_type3A_434 = arith.extui %ne3A_433 : i1 to i32
      %eq3A_435 = arith.constant 1 : i32
      %eq3A_436 = arith.cmpi eq, %convert_element_type3A_434, %eq3A_435 : i32
      %convert_element_type3A_437 = arith.extui %eq3A_436 : i1 to i32
      %cond3A_438 = arith.constant 0 : i32
      %cond3A_439 = arith.cmpi ne, %convert_element_type3A_437, %cond3A_438 : i32
      scf.if %cond3A_439 {
        %mul3A_864 = arith.constant 128 : i32
        %mul3A_865 = arith.muli %shift_right_arithmetic3A_432, %mul3A_864 : i32
        %multiple_of3A = tpu.assume_multiple %mul3A_865, 128 : i32
        %jit3A_866 = arith.constant 10 : i32
        %eq3A_867 = arith.constant 0 : i32
        %eq3A_868 = arith.cmpi eq, %jit3A_866, %eq3A_867 : i32
        %jit3A_869 = arith.constant 1 : i32
        %select_n3A_870 = arith.select %eq3A_868, %jit3A_869, %jit3A_866 : i32
        %rem3A_871 = arith.remsi %add3A_430, %select_n3A_870 : i32
        %ne3A_872 = arith.constant 0 : i32
        %ne3A_873 = arith.cmpi ne, %rem3A_871, %ne3A_872 : i32
        %lt3A_874 = arith.constant 0 : i32
        %lt3A_875 = arith.cmpi slt, %rem3A_871, %lt3A_874 : i32
        %lt3A_876 = arith.constant 0 : i32
        %lt3A_877 = arith.cmpi slt, %select_n3A_870, %lt3A_876 : i32
        %ne3A_878 = arith.xori %lt3A_875, %lt3A_877 : i1
        %and3A_879 = arith.andi %ne3A_878, %ne3A_873 : i1
        %add3A_880 = arith.addi %rem3A_871, %select_n3A_870 : i32
        %select_n3A_881 = arith.select %and3A_879, %add3A_880, %rem3A_871 : i32
        %jit3A_882 = arith.constant 10 : i32
        %eq3A_883 = arith.constant 0 : i32
        %eq3A_884 = arith.cmpi eq, %jit3A_882, %eq3A_883 : i32
        %jit3A_885 = arith.constant 1 : i32
        %select_n3A_886 = arith.select %eq3A_884, %jit3A_885, %jit3A_882 : i32
        %rem3A_887 = arith.remsi %add3A_430, %select_n3A_886 : i32
        %ne3A_888 = arith.constant 0 : i32
        %ne3A_889 = arith.cmpi ne, %rem3A_887, %ne3A_888 : i32
        %lt3A_890 = arith.constant 0 : i32
        %lt3A_891 = arith.cmpi slt, %rem3A_887, %lt3A_890 : i32
        %lt3A_892 = arith.constant 0 : i32
        %lt3A_893 = arith.cmpi slt, %select_n3A_886, %lt3A_892 : i32
        %ne3A_894 = arith.xori %lt3A_891, %lt3A_893 : i1
        %and3A_895 = arith.andi %ne3A_894, %ne3A_889 : i1
        %add3A_896 = arith.addi %rem3A_887, %select_n3A_886 : i32
        %select_n3A_897 = arith.select %and3A_895, %add3A_896, %rem3A_887 : i32
        %dma_start3A_898 = arith.constant 0 : i32
        %dma_start3A_899 = arith.constant 0 : i32
        %dma_start3A_900 = tpu.memref_slice %arg14[%select_n3A_881, %dma_start3A_898, %dma_start3A_899] : memref<10x64x128xf32, #tpu.memory_space<vmem>> -> memref<1x64x128xf32, #tpu.memory_space<vmem>>
        %dma_start3A_901 = tpu.memref_squeeze %dma_start3A_900 : memref<1x64x128xf32, #tpu.memory_space<vmem>> -> memref<64x128xf32, #tpu.memory_space<vmem>>
        %dma_start3A_902 = arith.constant 0 : i32
        %dma_start3A_903 = tpu.memref_slice %arg3[%dma_start3A_902, %multiple_of3A] : memref<64x1000000xf32, #tpu.memory_space<hbm>> -> memref<64x128xf32, #tpu.memory_space<hbm>>
        %dma_start3A_904 = tpu.memref_slice %arg17[%select_n3A_897] : memref<10x!tpu.dma_semaphore, #tpu.memory_space<semaphore_mem>> -> memref<1x!tpu.dma_semaphore, #tpu.memory_space<semaphore_mem>>
        %dma_start3A_905 = tpu.memref_squeeze %dma_start3A_904 : memref<1x!tpu.dma_semaphore, #tpu.memory_space<semaphore_mem>> -> memref<!tpu.dma_semaphore, #tpu.memory_space<semaphore_mem>>
        %dma_start3A_906 = arith.constant 0 : i32
        %dma_start3A_907 = arith.constant 0 : i32
        %dma_start3A_908 = tpu.memref_slice %arg14[%select_n3A_881, %dma_start3A_906, %dma_start3A_907] : memref<10x64x128xf32, #tpu.memory_space<vmem>> -> memref<1x64x128xf32, #tpu.memory_space<vmem>>
        %dma_start3A_909 = tpu.memref_squeeze %dma_start3A_908 : memref<1x64x128xf32, #tpu.memory_space<vmem>> -> memref<64x128xf32, #tpu.memory_space<vmem>>
        %dma_start3A_910 = arith.constant 0 : i32
        %dma_start3A_911 = tpu.memref_slice %arg3[%dma_start3A_910, %multiple_of3A] : memref<64x1000000xf32, #tpu.memory_space<hbm>> -> memref<64x128xf32, #tpu.memory_space<hbm>>
        tpu.enqueue_dma source(%dma_start3A_911 : memref<64x128xf32, #tpu.memory_space<hbm>>) target(%dma_start3A_909 : memref<64x128xf32, #tpu.memory_space<vmem>>) target_semaphore(%dma_start3A_905 : memref<!tpu.dma_semaphore, #tpu.memory_space<semaphore_mem>>)
      } else {
      }
      %add3A_440 = arith.addi %add3A_430, %convert_element_type3A_434 : i32
      %shift_right_arithmetic3A_441 = arith.constant 7 : i32
      %shift_right_arithmetic3A_442 = arith.shrsi %select_n3A_415, %shift_right_arithmetic3A_441 : i32
      %ne3A_443 = arith.cmpi ne, %shift_right_arithmetic3A_442, %shift_right_arithmetic3A_422 : i32
      %convert_element_type3A_444 = arith.extui %ne3A_443 : i1 to i32
      %eq3A_445 = arith.constant 1 : i32
      %eq3A_446 = arith.cmpi eq, %convert_element_type3A_444, %eq3A_445 : i32
      %convert_element_type3A_447 = arith.extui %eq3A_446 : i1 to i32
      %cond3A_448 = arith.constant 0 : i32
      %cond3A_449 = arith.cmpi ne, %convert_element_type3A_447, %cond3A_448 : i32
      scf.if %cond3A_449 {
        %mul3A_864 = arith.constant 128 : i32
        %mul3A_865 = arith.muli %shift_right_arithmetic3A_442, %mul3A_864 : i32
        %multiple_of3A = tpu.assume_multiple %mul3A_865, 128 : i32
        %jit3A_866 = arith.constant 10 : i32
        %eq3A_867 = arith.constant 0 : i32
        %eq3A_868 = arith.cmpi eq, %jit3A_866, %eq3A_867 : i32
        %jit3A_869 = arith.constant 1 : i32
        %select_n3A_870 = arith.select %eq3A_868, %jit3A_869, %jit3A_866 : i32
        %rem3A_871 = arith.remsi %add3A_440, %select_n3A_870 : i32
        %ne3A_872 = arith.constant 0 : i32
        %ne3A_873 = arith.cmpi ne, %rem3A_871, %ne3A_872 : i32
        %lt3A_874 = arith.constant 0 : i32
        %lt3A_875 = arith.cmpi slt, %rem3A_871, %lt3A_874 : i32
        %lt3A_876 = arith.constant 0 : i32
        %lt3A_877 = arith.cmpi slt, %select_n3A_870, %lt3A_876 : i32
        %ne3A_878 = arith.xori %lt3A_875, %lt3A_877 : i1
        %and3A_879 = arith.andi %ne3A_878, %ne3A_873 : i1
        %add3A_880 = arith.addi %rem3A_871, %select_n3A_870 : i32
        %select_n3A_881 = arith.select %and3A_879, %add3A_880, %rem3A_871 : i32
        %jit3A_882 = arith.constant 10 : i32
        %eq3A_883 = arith.constant 0 : i32
        %eq3A_884 = arith.cmpi eq, %jit3A_882, %eq3A_883 : i32
        %jit3A_885 = arith.constant 1 : i32
        %select_n3A_886 = arith.select %eq3A_884, %jit3A_885, %jit3A_882 : i32
        %rem3A_887 = arith.remsi %add3A_440, %select_n3A_886 : i32
        %ne3A_888 = arith.constant 0 : i32
        %ne3A_889 = arith.cmpi ne, %rem3A_887, %ne3A_888 : i32
        %lt3A_890 = arith.constant 0 : i32
        %lt3A_891 = arith.cmpi slt, %rem3A_887, %lt3A_890 : i32
        %lt3A_892 = arith.constant 0 : i32
        %lt3A_893 = arith.cmpi slt, %select_n3A_886, %lt3A_892 : i32
        %ne3A_894 = arith.xori %lt3A_891, %lt3A_893 : i1
        %and3A_895 = arith.andi %ne3A_894, %ne3A_889 : i1
        %add3A_896 = arith.addi %rem3A_887, %select_n3A_886 : i32
        %select_n3A_897 = arith.select %and3A_895, %add3A_896, %rem3A_887 : i32
        %dma_start3A_898 = arith.constant 0 : i32
        %dma_start3A_899 = arith.constant 0 : i32
        %dma_start3A_900 = tpu.memref_slice %arg14[%select_n3A_881, %dma_start3A_898, %dma_start3A_899] : memref<10x64x128xf32, #tpu.memory_space<vmem>> -> memref<1x64x128xf32, #tpu.memory_space<vmem>>
        %dma_start3A_901 = tpu.memref_squeeze %dma_start3A_900 : memref<1x64x128xf32, #tpu.memory_space<vmem>> -> memref<64x128xf32, #tpu.memory_space<vmem>>
        %dma_start3A_902 = arith.constant 0 : i32
        %dma_start3A_903 = tpu.memref_slice %arg2[%dma_start3A_902, %multiple_of3A] : memref<64x1000000xf32, #tpu.memory_space<hbm>> -> memref<64x128xf32, #tpu.memory_space<hbm>>
        %dma_start3A_904 = tpu.memref_slice %arg17[%select_n3A_897] : memref<10x!tpu.dma_semaphore, #tpu.memory_space<semaphore_mem>> -> memref<1x!tpu.dma_semaphore, #tpu.memory_space<semaphore_mem>>
        %dma_start3A_905 = tpu.memref_squeeze %dma_start3A_904 : memref<1x!tpu.dma_semaphore, #tpu.memory_space<semaphore_mem>> -> memref<!tpu.dma_semaphore, #tpu.memory_space<semaphore_mem>>
        %dma_start3A_906 = arith.constant 0 : i32
        %dma_start3A_907 = arith.constant 0 : i32
        %dma_start3A_908 = tpu.memref_slice %arg14[%select_n3A_881, %dma_start3A_906, %dma_start3A_907] : memref<10x64x128xf32, #tpu.memory_space<vmem>> -> memref<1x64x128xf32, #tpu.memory_space<vmem>>
        %dma_start3A_909 = tpu.memref_squeeze %dma_start3A_908 : memref<1x64x128xf32, #tpu.memory_space<vmem>> -> memref<64x128xf32, #tpu.memory_space<vmem>>
        %dma_start3A_910 = arith.constant 0 : i32
        %dma_start3A_911 = tpu.memref_slice %arg2[%dma_start3A_910, %multiple_of3A] : memref<64x1000000xf32, #tpu.memory_space<hbm>> -> memref<64x128xf32, #tpu.memory_space<hbm>>
        tpu.enqueue_dma source(%dma_start3A_911 : memref<64x128xf32, #tpu.memory_space<hbm>>) target(%dma_start3A_909 : memref<64x128xf32, #tpu.memory_space<vmem>>) target_semaphore(%dma_start3A_905 : memref<!tpu.dma_semaphore, #tpu.memory_space<semaphore_mem>>)
      } else {
      }
      %add3A_450 = arith.addi %add3A_440, %convert_element_type3A_444 : i32
      %shift_right_arithmetic3A_451 = arith.constant 7 : i32
      %shift_right_arithmetic3A_452 = arith.shrsi %select_n3A_420, %shift_right_arithmetic3A_451 : i32
      %ne3A_453 = arith.cmpi ne, %shift_right_arithmetic3A_452, %shift_right_arithmetic3A_432 : i32
      %convert_element_type3A_454 = arith.extui %ne3A_453 : i1 to i32
      %eq3A_455 = arith.constant 1 : i32
      %eq3A_456 = arith.cmpi eq, %convert_element_type3A_454, %eq3A_455 : i32
      %convert_element_type3A_457 = arith.extui %eq3A_456 : i1 to i32
      %cond3A_458 = arith.constant 0 : i32
      %cond3A_459 = arith.cmpi ne, %convert_element_type3A_457, %cond3A_458 : i32
      scf.if %cond3A_459 {
        %mul3A_864 = arith.constant 128 : i32
        %mul3A_865 = arith.muli %shift_right_arithmetic3A_452, %mul3A_864 : i32
        %multiple_of3A = tpu.assume_multiple %mul3A_865, 128 : i32
        %jit3A_866 = arith.constant 10 : i32
        %eq3A_867 = arith.constant 0 : i32
        %eq3A_868 = arith.cmpi eq, %jit3A_866, %eq3A_867 : i32
        %jit3A_869 = arith.constant 1 : i32
        %select_n3A_870 = arith.select %eq3A_868, %jit3A_869, %jit3A_866 : i32
        %rem3A_871 = arith.remsi %add3A_450, %select_n3A_870 : i32
        %ne3A_872 = arith.constant 0 : i32
        %ne3A_873 = arith.cmpi ne, %rem3A_871, %ne3A_872 : i32
        %lt3A_874 = arith.constant 0 : i32
        %lt3A_875 = arith.cmpi slt, %rem3A_871, %lt3A_874 : i32
        %lt3A_876 = arith.constant 0 : i32
        %lt3A_877 = arith.cmpi slt, %select_n3A_870, %lt3A_876 : i32
        %ne3A_878 = arith.xori %lt3A_875, %lt3A_877 : i1
        %and3A_879 = arith.andi %ne3A_878, %ne3A_873 : i1
        %add3A_880 = arith.addi %rem3A_871, %select_n3A_870 : i32
        %select_n3A_881 = arith.select %and3A_879, %add3A_880, %rem3A_871 : i32
        %jit3A_882 = arith.constant 10 : i32
        %eq3A_883 = arith.constant 0 : i32
        %eq3A_884 = arith.cmpi eq, %jit3A_882, %eq3A_883 : i32
        %jit3A_885 = arith.constant 1 : i32
        %select_n3A_886 = arith.select %eq3A_884, %jit3A_885, %jit3A_882 : i32
        %rem3A_887 = arith.remsi %add3A_450, %select_n3A_886 : i32
        %ne3A_888 = arith.constant 0 : i32
        %ne3A_889 = arith.cmpi ne, %rem3A_887, %ne3A_888 : i32
        %lt3A_890 = arith.constant 0 : i32
        %lt3A_891 = arith.cmpi slt, %rem3A_887, %lt3A_890 : i32
        %lt3A_892 = arith.constant 0 : i32
        %lt3A_893 = arith.cmpi slt, %select_n3A_886, %lt3A_892 : i32
        %ne3A_894 = arith.xori %lt3A_891, %lt3A_893 : i1
        %and3A_895 = arith.andi %ne3A_894, %ne3A_889 : i1
        %add3A_896 = arith.addi %rem3A_887, %select_n3A_886 : i32
        %select_n3A_897 = arith.select %and3A_895, %add3A_896, %rem3A_887 : i32
        %dma_start3A_898 = arith.constant 0 : i32
        %dma_start3A_899 = arith.constant 0 : i32
        %dma_start3A_900 = tpu.memref_slice %arg14[%select_n3A_881, %dma_start3A_898, %dma_start3A_899] : memref<10x64x128xf32, #tpu.memory_space<vmem>> -> memref<1x64x128xf32, #tpu.memory_space<vmem>>
        %dma_start3A_901 = tpu.memref_squeeze %dma_start3A_900 : memref<1x64x128xf32, #tpu.memory_space<vmem>> -> memref<64x128xf32, #tpu.memory_space<vmem>>
        %dma_start3A_902 = arith.constant 0 : i32
        %dma_start3A_903 = tpu.memref_slice %arg3[%dma_start3A_902, %multiple_of3A] : memref<64x1000000xf32, #tpu.memory_space<hbm>> -> memref<64x128xf32, #tpu.memory_space<hbm>>
        %dma_start3A_904 = tpu.memref_slice %arg17[%select_n3A_897] : memref<10x!tpu.dma_semaphore, #tpu.memory_space<semaphore_mem>> -> memref<1x!tpu.dma_semaphore, #tpu.memory_space<semaphore_mem>>
        %dma_start3A_905 = tpu.memref_squeeze %dma_start3A_904 : memref<1x!tpu.dma_semaphore, #tpu.memory_space<semaphore_mem>> -> memref<!tpu.dma_semaphore, #tpu.memory_space<semaphore_mem>>
        %dma_start3A_906 = arith.constant 0 : i32
        %dma_start3A_907 = arith.constant 0 : i32
        %dma_start3A_908 = tpu.memref_slice %arg14[%select_n3A_881, %dma_start3A_906, %dma_start3A_907] : memref<10x64x128xf32, #tpu.memory_space<vmem>> -> memref<1x64x128xf32, #tpu.memory_space<vmem>>
        %dma_start3A_909 = tpu.memref_squeeze %dma_start3A_908 : memref<1x64x128xf32, #tpu.memory_space<vmem>> -> memref<64x128xf32, #tpu.memory_space<vmem>>
        %dma_start3A_910 = arith.constant 0 : i32
        %dma_start3A_911 = tpu.memref_slice %arg3[%dma_start3A_910, %multiple_of3A] : memref<64x1000000xf32, #tpu.memory_space<hbm>> -> memref<64x128xf32, #tpu.memory_space<hbm>>
        tpu.enqueue_dma source(%dma_start3A_911 : memref<64x128xf32, #tpu.memory_space<hbm>>) target(%dma_start3A_909 : memref<64x128xf32, #tpu.memory_space<vmem>>) target_semaphore(%dma_start3A_905 : memref<!tpu.dma_semaphore, #tpu.memory_space<semaphore_mem>>)
      } else {
      }
      %add3A_460 = arith.addi %add3A_450, %convert_element_type3A_454 : i32
      %jit3A_461 = arith.constant 8 : i32
      %div3A_462 = arith.divsi %scan3A_239, %jit3A_461 : i32
      %sign3A_463 = arith.constant 0 : i32
      %sign3A_464 = arith.cmpi sgt, %scan3A_239, %sign3A_463 : i32
      %sign3A_465 = arith.extui %sign3A_464 : i1 to i32
      %sign3A_466 = arith.constant 0 : i32
      %sign3A_467 = arith.cmpi slt, %scan3A_239, %sign3A_466 : i32
      %sign3A_468 = arith.extui %sign3A_467 : i1 to i32
      %sign3A_469 = arith.subi %sign3A_465, %sign3A_468 : i32
      %sign3A_470 = arith.constant 0 : i32
      %sign3A_471 = arith.cmpi sgt, %jit3A_461, %sign3A_470 : i32
      %sign3A_472 = arith.extui %sign3A_471 : i1 to i32
      %sign3A_473 = arith.constant 0 : i32
      %sign3A_474 = arith.cmpi slt, %jit3A_461, %sign3A_473 : i32
      %sign3A_475 = arith.extui %sign3A_474 : i1 to i32
      %sign3A_476 = arith.subi %sign3A_472, %sign3A_475 : i32
      %ne3A_477 = arith.cmpi ne, %sign3A_469, %sign3A_476 : i32
      %rem3A_478 = arith.remsi %scan3A_239, %jit3A_461 : i32
      %ne3A_479 = arith.constant 0 : i32
      %ne3A_480 = arith.cmpi ne, %rem3A_478, %ne3A_479 : i32
      %and3A_481 = arith.andi %ne3A_477, %ne3A_480 : i1
      %sub3A_482 = arith.constant 1 : i32
      %sub3A_483 = arith.subi %div3A_462, %sub3A_482 : i32
      %select_n3A_484 = arith.select %and3A_481, %sub3A_483, %div3A_462 : i32
      %mul3A_485 = arith.constant 16 : i32
      %mul3A_486 = arith.muli %select_n3A_484, %mul3A_485 : i32
      %get3A_487 = arith.index_cast %mul3A_486 : i32 to index
      %get3A_488 = tpu.vector_load %arg10[%get3A_487] {strides = array<i32>} : memref<512xi32, #tpu.memory_space<vmem>>, vector<16xi32>,
      %mul3A_489 = arith.constant 2 : i32
      %mul3A_490 = arith.muli %mul3A_489, %scan3A_239 : i32
      %jit3A_491 = arith.constant 16 : i32
      %eq3A_492 = arith.constant 0 : i32
      %eq3A_493 = arith.cmpi eq, %jit3A_491, %eq3A_492 : i32
      %jit3A_494 = arith.constant 1 : i32
      %select_n3A_495 = arith.select %eq3A_493, %jit3A_494, %jit3A_491 : i32
      %rem3A_496 = arith.remsi %mul3A_490, %select_n3A_495 : i32
      %ne3A_497 = arith.constant 0 : i32
      %ne3A_498 = arith.cmpi ne, %rem3A_496, %ne3A_497 : i32
      %lt3A_499 = arith.constant 0 : i32
      %lt3A_500 = arith.cmpi slt, %rem3A_496, %lt3A_499 : i32
      %lt3A_501 = arith.constant 0 : i32
      %lt3A_502 = arith.cmpi slt, %select_n3A_495, %lt3A_501 : i32
      %ne3A_503 = arith.xori %lt3A_500, %lt3A_502 : i1
      %and3A_504 = arith.andi %ne3A_503, %ne3A_498 : i1
      %add3A_505 = arith.addi %rem3A_496, %select_n3A_495 : i32
      %select_n3A_506 = arith.select %and3A_504, %add3A_505, %rem3A_496 : i32
      %eq3A_507 = vector.broadcast %select_n3A_506 : i32 to vector<16xi32>
      %eq3A_508 = arith.cmpi eq, %iota3A, %eq3A_507 : vector<16xi32>
      %jit3A_509 = arith.constant 0 : i32
      %broadcast_in_dim3A_510 = vector.broadcast %jit3A_509 : i32 to vector<16xi32>
      %select_n3A_511 = arith.select %eq3A_508, %get3A_488, %broadcast_in_dim3A_510 : vector<16xi1>, vector<16xi32>
      %reduce_max3A_512 = arith.constant true
      %reduce_max3A_513 = vector.broadcast %reduce_max3A_512 : i1 to vector<16xi1>
      %reduce_max3A_514 = arith.constant -2147483648 : i32
      %reduce_max3A_515 = vector.broadcast %reduce_max3A_514 : i32 to vector<16xi32>
      %reduce_max3A_516 = arith.xori %select_n3A_511, %reduce_max3A_515 : vector<16xi32>
      %reduce_max3A_517 = tpu.scan <max>, %reduce_max3A_516 masked %reduce_max3A_513 : vector<16xi32>, vector<16xi1> -> vector<16xi32>
      %reduce_max3A_518 = arith.xori %reduce_max3A_517, %reduce_max3A_515 : vector<16xi32>
      %reduce_max3A_519 = vector.extract %reduce_max3A_518[15] : i32 from vector<16xi32>
      %add3A_520 = arith.constant 1 : i32
      %add3A_521 = arith.addi %select_n3A_506, %add3A_520 : i32
      %eq3A_522 = vector.broadcast %add3A_521 : i32 to vector<16xi32>
      %eq3A_523 = arith.cmpi eq, %iota3A, %eq3A_522 : vector<16xi32>
      %jit3A_524 = arith.constant 0 : i32
      %broadcast_in_dim3A_525 = vector.broadcast %jit3A_524 : i32 to vector<16xi32>
      %select_n3A_526 = arith.select %eq3A_523, %get3A_488, %broadcast_in_dim3A_525 : vector<16xi1>, vector<16xi32>
      %reduce_max3A_527 = arith.constant true
      %reduce_max3A_528 = vector.broadcast %reduce_max3A_527 : i1 to vector<16xi1>
      %reduce_max3A_529 = arith.constant -2147483648 : i32
      %reduce_max3A_530 = vector.broadcast %reduce_max3A_529 : i32 to vector<16xi32>
      %reduce_max3A_531 = arith.xori %select_n3A_526, %reduce_max3A_530 : vector<16xi32>
      %reduce_max3A_532 = tpu.scan <max>, %reduce_max3A_531 masked %reduce_max3A_528 : vector<16xi32>, vector<16xi1> -> vector<16xi32>
      %reduce_max3A_533 = arith.xori %reduce_max3A_532, %reduce_max3A_530 : vector<16xi32>
      %reduce_max3A_534 = vector.extract %reduce_max3A_533[15] : i32 from vector<16xi32>
      %jit3A_535 = arith.constant 8 : i32
      %div3A_536 = arith.divsi %scan3A_239, %jit3A_535 : i32
      %sign3A_537 = arith.constant 0 : i32
      %sign3A_538 = arith.cmpi sgt, %scan3A_239, %sign3A_537 : i32
      %sign3A_539 = arith.extui %sign3A_538 : i1 to i32
      %sign3A_540 = arith.constant 0 : i32
      %sign3A_541 = arith.cmpi slt, %scan3A_239, %sign3A_540 : i32
      %sign3A_542 = arith.extui %sign3A_541 : i1 to i32
      %sign3A_543 = arith.subi %sign3A_539, %sign3A_542 : i32
      %sign3A_544 = arith.constant 0 : i32
      %sign3A_545 = arith.cmpi sgt, %jit3A_535, %sign3A_544 : i32
      %sign3A_546 = arith.extui %sign3A_545 : i1 to i32
      %sign3A_547 = arith.constant 0 : i32
      %sign3A_548 = arith.cmpi slt, %jit3A_535, %sign3A_547 : i32
      %sign3A_549 = arith.extui %sign3A_548 : i1 to i32
      %sign3A_550 = arith.subi %sign3A_546, %sign3A_549 : i32
      %ne3A_551 = arith.cmpi ne, %sign3A_543, %sign3A_550 : i32
      %rem3A_552 = arith.remsi %scan3A_239, %jit3A_535 : i32
      %ne3A_553 = arith.constant 0 : i32
      %ne3A_554 = arith.cmpi ne, %rem3A_552, %ne3A_553 : i32
      %and3A_555 = arith.andi %ne3A_551, %ne3A_554 : i1
      %sub3A_556 = arith.constant 1 : i32
      %sub3A_557 = arith.subi %div3A_536, %sub3A_556 : i32
      %select_n3A_558 = arith.select %and3A_555, %sub3A_557, %div3A_536 : i32
      %mul3A_559 = arith.constant 16 : i32
      %mul3A_560 = arith.muli %select_n3A_558, %mul3A_559 : i32
      %get3A_561 = arith.index_cast %mul3A_560 : i32 to index
      %get3A_562 = tpu.vector_load %arg11[%get3A_561] {strides = array<i32>} : memref<512xi32, #tpu.memory_space<vmem>>, vector<16xi32>,
      %mul3A_563 = arith.constant 2 : i32
      %mul3A_564 = arith.muli %mul3A_563, %scan3A_239 : i32
      %jit3A_565 = arith.constant 16 : i32
      %eq3A_566 = arith.constant 0 : i32
      %eq3A_567 = arith.cmpi eq, %jit3A_565, %eq3A_566 : i32
      %jit3A_568 = arith.constant 1 : i32
      %select_n3A_569 = arith.select %eq3A_567, %jit3A_568, %jit3A_565 : i32
      %rem3A_570 = arith.remsi %mul3A_564, %select_n3A_569 : i32
      %ne3A_571 = arith.constant 0 : i32
      %ne3A_572 = arith.cmpi ne, %rem3A_570, %ne3A_571 : i32
      %lt3A_573 = arith.constant 0 : i32
      %lt3A_574 = arith.cmpi slt, %rem3A_570, %lt3A_573 : i32
      %lt3A_575 = arith.constant 0 : i32
      %lt3A_576 = arith.cmpi slt, %select_n3A_569, %lt3A_575 : i32
      %ne3A_577 = arith.xori %lt3A_574, %lt3A_576 : i1
      %and3A_578 = arith.andi %ne3A_577, %ne3A_572 : i1
      %add3A_579 = arith.addi %rem3A_570, %select_n3A_569 : i32
      %select_n3A_580 = arith.select %and3A_578, %add3A_579, %rem3A_570 : i32
      %eq3A_581 = vector.broadcast %select_n3A_580 : i32 to vector<16xi32>
      %eq3A_582 = arith.cmpi eq, %iota3A, %eq3A_581 : vector<16xi32>
      %jit3A_583 = arith.constant 0 : i32
      %broadcast_in_dim3A_584 = vector.broadcast %jit3A_583 : i32 to vector<16xi32>
      %select_n3A_585 = arith.select %eq3A_582, %get3A_562, %broadcast_in_dim3A_584 : vector<16xi1>, vector<16xi32>
      %reduce_max3A_586 = arith.constant true
      %reduce_max3A_587 = vector.broadcast %reduce_max3A_586 : i1 to vector<16xi1>
      %reduce_max3A_588 = arith.constant -2147483648 : i32
      %reduce_max3A_589 = vector.broadcast %reduce_max3A_588 : i32 to vector<16xi32>
      %reduce_max3A_590 = arith.xori %select_n3A_585, %reduce_max3A_589 : vector<16xi32>
      %reduce_max3A_591 = tpu.scan <max>, %reduce_max3A_590 masked %reduce_max3A_587 : vector<16xi32>, vector<16xi1> -> vector<16xi32>
      %reduce_max3A_592 = arith.xori %reduce_max3A_591, %reduce_max3A_589 : vector<16xi32>
      %reduce_max3A_593 = vector.extract %reduce_max3A_592[15] : i32 from vector<16xi32>
      %add3A_594 = arith.constant 1 : i32
      %add3A_595 = arith.addi %select_n3A_580, %add3A_594 : i32
      %eq3A_596 = vector.broadcast %add3A_595 : i32 to vector<16xi32>
      %eq3A_597 = arith.cmpi eq, %iota3A, %eq3A_596 : vector<16xi32>
      %jit3A_598 = arith.constant 0 : i32
      %broadcast_in_dim3A_599 = vector.broadcast %jit3A_598 : i32 to vector<16xi32>
      %select_n3A_600 = arith.select %eq3A_597, %get3A_562, %broadcast_in_dim3A_599 : vector<16xi1>, vector<16xi32>
      %reduce_max3A_601 = arith.constant true
      %reduce_max3A_602 = vector.broadcast %reduce_max3A_601 : i1 to vector<16xi1>
      %reduce_max3A_603 = arith.constant -2147483648 : i32
      %reduce_max3A_604 = vector.broadcast %reduce_max3A_603 : i32 to vector<16xi32>
      %reduce_max3A_605 = arith.xori %select_n3A_600, %reduce_max3A_604 : vector<16xi32>
      %reduce_max3A_606 = tpu.scan <max>, %reduce_max3A_605 masked %reduce_max3A_602 : vector<16xi32>, vector<16xi1> -> vector<16xi32>
      %reduce_max3A_607 = arith.xori %reduce_max3A_606, %reduce_max3A_604 : vector<16xi32>
      %reduce_max3A_608 = vector.extract %reduce_max3A_607[15] : i32 from vector<16xi32>
      %mul3A_609 = arith.constant 2 : i32
      %mul3A_610 = arith.muli %mul3A_609, %scan3A_239 : i32
      %sub3A_611 = arith.constant 128 : i32
      %sub3A_612 = arith.subi %mul3A_610, %sub3A_611 : i32
      %shift_right_arithmetic3A_613 = arith.constant 7 : i32
      %shift_right_arithmetic3A_614 = arith.shrsi %reduce_max3A_519, %shift_right_arithmetic3A_613 : i32
      %ne3A_615 = arith.cmpi ne, %shift_right_arithmetic3A_614, %scan3A_243 : i32
      %convert_element_type3A_616 = arith.extui %ne3A_615 : i1 to i32
      %eq3A_617 = arith.constant 1 : i32
      %eq3A_618 = arith.cmpi eq, %convert_element_type3A_616, %eq3A_617 : i32
      %convert_element_type3A_619 = arith.extui %eq3A_618 : i1 to i32
      %cond3A_620 = arith.constant 0 : i32
      %cond3A_621 = arith.cmpi ne, %convert_element_type3A_619, %cond3A_620 : i32
      scf.if %cond3A_621 {
        %jit3A_864 = arith.constant 10 : i32
        %eq3A_865 = arith.constant 0 : i32
        %eq3A_866 = arith.cmpi eq, %jit3A_864, %eq3A_865 : i32
        %jit3A_867 = arith.constant 1 : i32
        %select_n3A_868 = arith.select %eq3A_866, %jit3A_867, %jit3A_864 : i32
        %rem3A_869 = arith.remsi %scan3A_245, %select_n3A_868 : i32
        %ne3A_870 = arith.constant 0 : i32
        %ne3A_871 = arith.cmpi ne, %rem3A_869, %ne3A_870 : i32
        %lt3A_872 = arith.constant 0 : i32
        %lt3A_873 = arith.cmpi slt, %rem3A_869, %lt3A_872 : i32
        %lt3A_874 = arith.constant 0 : i32
        %lt3A_875 = arith.cmpi slt, %select_n3A_868, %lt3A_874 : i32
        %ne3A_876 = arith.xori %lt3A_873, %lt3A_875 : i1
        %and3A_877 = arith.andi %ne3A_876, %ne3A_871 : i1
        %add3A_878 = arith.addi %rem3A_869, %select_n3A_868 : i32
        %select_n3A_879 = arith.select %and3A_877, %add3A_878, %rem3A_869 : i32
        %dma_wait3A_880 = arith.constant 0 : i32
        %dma_wait3A_881 = arith.constant 0 : i32
        %dma_wait3A_882 = arith.constant 0 : i32
        %dma_wait3A_883 = tpu.memref_slice %arg14[%dma_wait3A_880, %dma_wait3A_881, %dma_wait3A_882] : memref<10x64x128xf32, #tpu.memory_space<vmem>> -> memref<1x64x128xf32, #tpu.memory_space<vmem>>
        %dma_wait3A_884 = tpu.memref_squeeze %dma_wait3A_883 : memref<1x64x128xf32, #tpu.memory_space<vmem>> -> memref<64x128xf32, #tpu.memory_space<vmem>>
        %dma_wait3A_885 = arith.constant 0 : i32
        %dma_wait3A_886 = arith.constant 0 : i32
        %dma_wait3A_887 = tpu.memref_slice %arg2[%dma_wait3A_885, %dma_wait3A_886] : memref<64x1000000xf32, #tpu.memory_space<hbm>> -> memref<64x128xf32, #tpu.memory_space<hbm>>
        %dma_wait3A_888 = tpu.memref_slice %arg17[%select_n3A_879] : memref<10x!tpu.dma_semaphore, #tpu.memory_space<semaphore_mem>> -> memref<1x!tpu.dma_semaphore, #tpu.memory_space<semaphore_mem>>
        %dma_wait3A_889 = tpu.memref_squeeze %dma_wait3A_888 : memref<1x!tpu.dma_semaphore, #tpu.memory_space<semaphore_mem>> -> memref<!tpu.dma_semaphore, #tpu.memory_space<semaphore_mem>>
        %dma_wait3A_890 = arith.constant 0 : i32
        %dma_wait3A_891 = arith.constant 0 : i32
        %dma_wait3A_892 = tpu.memref_slice %arg14[%dma_wait3A_880, %dma_wait3A_890, %dma_wait3A_891] : memref<10x64x128xf32, #tpu.memory_space<vmem>> -> memref<1x64x128xf32, #tpu.memory_space<vmem>>
        %dma_wait3A_893 = tpu.memref_squeeze %dma_wait3A_892 : memref<1x64x128xf32, #tpu.memory_space<vmem>> -> memref<64x128xf32, #tpu.memory_space<vmem>>
        %dma_wait3A_894 = arith.constant 0 : i32
        %dma_wait3A_895 = arith.constant 0 : i32
        %dma_wait3A_896 = tpu.memref_slice %arg2[%dma_wait3A_894, %dma_wait3A_895] : memref<64x1000000xf32, #tpu.memory_space<hbm>> -> memref<64x128xf32, #tpu.memory_space<hbm>>
        tpu.wait_dma2 semaphore(%dma_wait3A_889 : memref<!tpu.dma_semaphore, #tpu.memory_space<semaphore_mem>>) src(%dma_wait3A_896 : memref<64x128xf32, #tpu.memory_space<hbm>>) dst(%dma_wait3A_893 : memref<64x128xf32, #tpu.memory_space<vmem>>)
      } else {
      }
      %eq3A_622 = arith.constant 1 : i32
      %eq3A_623 = arith.cmpi eq, %convert_element_type3A_616, %eq3A_622 : i32
      %jit3A_624 = arith.constant 10 : i32
      %eq3A_625 = arith.constant 0 : i32
      %eq3A_626 = arith.cmpi eq, %jit3A_624, %eq3A_625 : i32
      %jit3A_627 = arith.constant 1 : i32
      %select_n3A_628 = arith.select %eq3A_626, %jit3A_627, %jit3A_624 : i32
      %rem3A_629 = arith.remsi %scan3A_245, %select_n3A_628 : i32
      %ne3A_630 = arith.constant 0 : i32
      %ne3A_631 = arith.cmpi ne, %rem3A_629, %ne3A_630 : i32
      %lt3A_632 = arith.constant 0 : i32
      %lt3A_633 = arith.cmpi slt, %rem3A_629, %lt3A_632 : i32
      %lt3A_634 = arith.constant 0 : i32
      %lt3A_635 = arith.cmpi slt, %select_n3A_628, %lt3A_634 : i32
      %ne3A_636 = arith.xori %lt3A_633, %lt3A_635 : i1
      %and3A_637 = arith.andi %ne3A_636, %ne3A_631 : i1
      %add3A_638 = arith.addi %rem3A_629, %select_n3A_628 : i32
      %select_n3A_639 = arith.select %and3A_637, %add3A_638, %rem3A_629 : i32
      %select_n3A_640 = arith.select %eq3A_623, %select_n3A_639, %scan3A_246 : i32
      %broadcast_in_dim3A_641 = vector.broadcast %select_n3A_640 : i32 to vector<16xi32>
      %and3A_642 = arith.constant 127 : i32
      %and3A_643 = arith.andi %reduce_max3A_519, %and3A_642 : i32
      %broadcast_in_dim3A_644 = vector.broadcast %and3A_643 : i32 to vector<16xi32>
      %broadcast_in_dim3A_645 = vector.broadcast %sub3A_612 : i32 to vector<16xi32>
      %add3A_646 = arith.constant 0 : i32
      %add3A_647 = vector.broadcast %add3A_646 : i32 to vector<16xi32>
      %add3A_648 = arith.addi %add3A_647, %iota3A : vector<16xi32>
      %gather3A = tpu.vector_load_idx %arg14[%broadcast_in_dim3A_641, %add3A_648, %broadcast_in_dim3A_644] : memref<10x64x128xf32, #tpu.memory_space<vmem>>[vector<16xi32>, vector<16xi32>, vector<16xi32>], vector<16xf32>,
      %add3A_649 = arith.constant 0 : i32
      %add3A_650 = vector.broadcast %add3A_649 : i32 to vector<16xi32>
      %add3A_651 = arith.addi %add3A_650, %iota3A : vector<16xi32>
      tpu.vector_store_idx %arg15[%broadcast_in_dim3A_645, %add3A_651], %gather3A : memref<128x128xf32, #tpu.memory_space<vmem>>[vector<16xi32>, vector<16xi32>], vector<16xf32>,
      %add3A_652 = arith.constant 16 : i32
      %add3A_653 = vector.broadcast %add3A_652 : i32 to vector<16xi32>
      %add3A_654 = arith.addi %add3A_653, %iota3A : vector<16xi32>
      %gather3A_655 = tpu.vector_load_idx %arg14[%broadcast_in_dim3A_641, %add3A_654, %broadcast_in_dim3A_644] : memref<10x64x128xf32, #tpu.memory_space<vmem>>[vector<16xi32>, vector<16xi32>, vector<16xi32>], vector<16xf32>,
      %add3A_656 = arith.constant 16 : i32
      %add3A_657 = vector.broadcast %add3A_656 : i32 to vector<16xi32>
      %add3A_658 = arith.addi %add3A_657, %iota3A : vector<16xi32>
      tpu.vector_store_idx %arg15[%broadcast_in_dim3A_645, %add3A_658], %gather3A_655 : memref<128x128xf32, #tpu.memory_space<vmem>>[vector<16xi32>, vector<16xi32>], vector<16xf32>,
      %add3A_659 = arith.constant 32 : i32
      %add3A_660 = vector.broadcast %add3A_659 : i32 to vector<16xi32>
      %add3A_661 = arith.addi %add3A_660, %iota3A : vector<16xi32>
      %gather3A_662 = tpu.vector_load_idx %arg14[%broadcast_in_dim3A_641, %add3A_661, %broadcast_in_dim3A_644] : memref<10x64x128xf32, #tpu.memory_space<vmem>>[vector<16xi32>, vector<16xi32>, vector<16xi32>], vector<16xf32>,
      %add3A_663 = arith.constant 32 : i32
      %add3A_664 = vector.broadcast %add3A_663 : i32 to vector<16xi32>
      %add3A_665 = arith.addi %add3A_664, %iota3A : vector<16xi32>
      tpu.vector_store_idx %arg15[%broadcast_in_dim3A_645, %add3A_665], %gather3A_662 : memref<128x128xf32, #tpu.memory_space<vmem>>[vector<16xi32>, vector<16xi32>], vector<16xf32>,
      %add3A_666 = arith.constant 48 : i32
      %add3A_667 = vector.broadcast %add3A_666 : i32 to vector<16xi32>
      %add3A_668 = arith.addi %add3A_667, %iota3A : vector<16xi32>
      %gather3A_669 = tpu.vector_load_idx %arg14[%broadcast_in_dim3A_641, %add3A_668, %broadcast_in_dim3A_644] : memref<10x64x128xf32, #tpu.memory_space<vmem>>[vector<16xi32>, vector<16xi32>, vector<16xi32>], vector<16xf32>,
      %add3A_670 = arith.constant 48 : i32
      %add3A_671 = vector.broadcast %add3A_670 : i32 to vector<16xi32>
      %add3A_672 = arith.addi %add3A_671, %iota3A : vector<16xi32>
      tpu.vector_store_idx %arg15[%broadcast_in_dim3A_645, %add3A_672], %gather3A_669 : memref<128x128xf32, #tpu.memory_space<vmem>>[vector<16xi32>, vector<16xi32>], vector<16xf32>,
      %add3A_673 = arith.addi %scan3A_245, %convert_element_type3A_616 : i32
      %shift_right_arithmetic3A_674 = arith.constant 7 : i32
      %shift_right_arithmetic3A_675 = arith.shrsi %reduce_max3A_593, %shift_right_arithmetic3A_674 : i32
      %ne3A_676 = arith.cmpi ne, %shift_right_arithmetic3A_675, %scan3A_244 : i32
      %convert_element_type3A_677 = arith.extui %ne3A_676 : i1 to i32
      %eq3A_678 = arith.constant 1 : i32
      %eq3A_679 = arith.cmpi eq, %convert_element_type3A_677, %eq3A_678 : i32
      %convert_element_type3A_680 = arith.extui %eq3A_679 : i1 to i32
      %cond3A_681 = arith.constant 0 : i32
      %cond3A_682 = arith.cmpi ne, %convert_element_type3A_680, %cond3A_681 : i32
      scf.if %cond3A_682 {
        %jit3A_864 = arith.constant 10 : i32
        %eq3A_865 = arith.constant 0 : i32
        %eq3A_866 = arith.cmpi eq, %jit3A_864, %eq3A_865 : i32
        %jit3A_867 = arith.constant 1 : i32
        %select_n3A_868 = arith.select %eq3A_866, %jit3A_867, %jit3A_864 : i32
        %rem3A_869 = arith.remsi %add3A_673, %select_n3A_868 : i32
        %ne3A_870 = arith.constant 0 : i32
        %ne3A_871 = arith.cmpi ne, %rem3A_869, %ne3A_870 : i32
        %lt3A_872 = arith.constant 0 : i32
        %lt3A_873 = arith.cmpi slt, %rem3A_869, %lt3A_872 : i32
        %lt3A_874 = arith.constant 0 : i32
        %lt3A_875 = arith.cmpi slt, %select_n3A_868, %lt3A_874 : i32
        %ne3A_876 = arith.xori %lt3A_873, %lt3A_875 : i1
        %and3A_877 = arith.andi %ne3A_876, %ne3A_871 : i1
        %add3A_878 = arith.addi %rem3A_869, %select_n3A_868 : i32
        %select_n3A_879 = arith.select %and3A_877, %add3A_878, %rem3A_869 : i32
        %dma_wait3A_880 = arith.constant 0 : i32
        %dma_wait3A_881 = arith.constant 0 : i32
        %dma_wait3A_882 = arith.constant 0 : i32
        %dma_wait3A_883 = tpu.memref_slice %arg14[%dma_wait3A_880, %dma_wait3A_881, %dma_wait3A_882] : memref<10x64x128xf32, #tpu.memory_space<vmem>> -> memref<1x64x128xf32, #tpu.memory_space<vmem>>
        %dma_wait3A_884 = tpu.memref_squeeze %dma_wait3A_883 : memref<1x64x128xf32, #tpu.memory_space<vmem>> -> memref<64x128xf32, #tpu.memory_space<vmem>>
        %dma_wait3A_885 = arith.constant 0 : i32
        %dma_wait3A_886 = arith.constant 0 : i32
        %dma_wait3A_887 = tpu.memref_slice %arg2[%dma_wait3A_885, %dma_wait3A_886] : memref<64x1000000xf32, #tpu.memory_space<hbm>> -> memref<64x128xf32, #tpu.memory_space<hbm>>
        %dma_wait3A_888 = tpu.memref_slice %arg17[%select_n3A_879] : memref<10x!tpu.dma_semaphore, #tpu.memory_space<semaphore_mem>> -> memref<1x!tpu.dma_semaphore, #tpu.memory_space<semaphore_mem>>
        %dma_wait3A_889 = tpu.memref_squeeze %dma_wait3A_888 : memref<1x!tpu.dma_semaphore, #tpu.memory_space<semaphore_mem>> -> memref<!tpu.dma_semaphore, #tpu.memory_space<semaphore_mem>>
        %dma_wait3A_890 = arith.constant 0 : i32
        %dma_wait3A_891 = arith.constant 0 : i32
        %dma_wait3A_892 = tpu.memref_slice %arg14[%dma_wait3A_880, %dma_wait3A_890, %dma_wait3A_891] : memref<10x64x128xf32, #tpu.memory_space<vmem>> -> memref<1x64x128xf32, #tpu.memory_space<vmem>>
        %dma_wait3A_893 = tpu.memref_squeeze %dma_wait3A_892 : memref<1x64x128xf32, #tpu.memory_space<vmem>> -> memref<64x128xf32, #tpu.memory_space<vmem>>
        %dma_wait3A_894 = arith.constant 0 : i32
        %dma_wait3A_895 = arith.constant 0 : i32
        %dma_wait3A_896 = tpu.memref_slice %arg2[%dma_wait3A_894, %dma_wait3A_895] : memref<64x1000000xf32, #tpu.memory_space<hbm>> -> memref<64x128xf32, #tpu.memory_space<hbm>>
        tpu.wait_dma2 semaphore(%dma_wait3A_889 : memref<!tpu.dma_semaphore, #tpu.memory_space<semaphore_mem>>) src(%dma_wait3A_896 : memref<64x128xf32, #tpu.memory_space<hbm>>) dst(%dma_wait3A_893 : memref<64x128xf32, #tpu.memory_space<vmem>>)
      } else {
      }
      %eq3A_683 = arith.constant 1 : i32
      %eq3A_684 = arith.cmpi eq, %convert_element_type3A_677, %eq3A_683 : i32
      %jit3A_685 = arith.constant 10 : i32
      %eq3A_686 = arith.constant 0 : i32
      %eq3A_687 = arith.cmpi eq, %jit3A_685, %eq3A_686 : i32
      %jit3A_688 = arith.constant 1 : i32
      %select_n3A_689 = arith.select %eq3A_687, %jit3A_688, %jit3A_685 : i32
      %rem3A_690 = arith.remsi %add3A_673, %select_n3A_689 : i32
      %ne3A_691 = arith.constant 0 : i32
      %ne3A_692 = arith.cmpi ne, %rem3A_690, %ne3A_691 : i32
      %lt3A_693 = arith.constant 0 : i32
      %lt3A_694 = arith.cmpi slt, %rem3A_690, %lt3A_693 : i32
      %lt3A_695 = arith.constant 0 : i32
      %lt3A_696 = arith.cmpi slt, %select_n3A_689, %lt3A_695 : i32
      %ne3A_697 = arith.xori %lt3A_694, %lt3A_696 : i1
      %and3A_698 = arith.andi %ne3A_697, %ne3A_692 : i1
      %add3A_699 = arith.addi %rem3A_690, %select_n3A_689 : i32
      %select_n3A_700 = arith.select %and3A_698, %add3A_699, %rem3A_690 : i32
      %select_n3A_701 = arith.select %eq3A_684, %select_n3A_700, %scan3A_247 : i32
      %broadcast_in_dim3A_702 = vector.broadcast %select_n3A_701 : i32 to vector<16xi32>
      %and3A_703 = arith.constant 127 : i32
      %and3A_704 = arith.andi %reduce_max3A_593, %and3A_703 : i32
      %broadcast_in_dim3A_705 = vector.broadcast %and3A_704 : i32 to vector<16xi32>
      %broadcast_in_dim3A_706 = vector.broadcast %sub3A_612 : i32 to vector<16xi32>
      %add3A_707 = arith.constant 0 : i32
      %add3A_708 = vector.broadcast %add3A_707 : i32 to vector<16xi32>
      %add3A_709 = arith.addi %add3A_708, %iota3A : vector<16xi32>
      %gather3A_710 = tpu.vector_load_idx %arg14[%broadcast_in_dim3A_702, %add3A_709, %broadcast_in_dim3A_705] : memref<10x64x128xf32, #tpu.memory_space<vmem>>[vector<16xi32>, vector<16xi32>, vector<16xi32>], vector<16xf32>,
      %add3A_711 = arith.constant 0 : i32
      %add3A_712 = vector.broadcast %add3A_711 : i32 to vector<16xi32>
      %add3A_713 = arith.addi %add3A_712, %iota3A : vector<16xi32>
      tpu.vector_store_idx %arg16[%broadcast_in_dim3A_706, %add3A_713], %gather3A_710 : memref<128x128xf32, #tpu.memory_space<vmem>>[vector<16xi32>, vector<16xi32>], vector<16xf32>,
      %add3A_714 = arith.constant 16 : i32
      %add3A_715 = vector.broadcast %add3A_714 : i32 to vector<16xi32>
      %add3A_716 = arith.addi %add3A_715, %iota3A : vector<16xi32>
      %gather3A_717 = tpu.vector_load_idx %arg14[%broadcast_in_dim3A_702, %add3A_716, %broadcast_in_dim3A_705] : memref<10x64x128xf32, #tpu.memory_space<vmem>>[vector<16xi32>, vector<16xi32>, vector<16xi32>], vector<16xf32>,
      %add3A_718 = arith.constant 16 : i32
      %add3A_719 = vector.broadcast %add3A_718 : i32 to vector<16xi32>
      %add3A_720 = arith.addi %add3A_719, %iota3A : vector<16xi32>
      tpu.vector_store_idx %arg16[%broadcast_in_dim3A_706, %add3A_720], %gather3A_717 : memref<128x128xf32, #tpu.memory_space<vmem>>[vector<16xi32>, vector<16xi32>], vector<16xf32>,
      %add3A_721 = arith.constant 32 : i32
      %add3A_722 = vector.broadcast %add3A_721 : i32 to vector<16xi32>
      %add3A_723 = arith.addi %add3A_722, %iota3A : vector<16xi32>
      %gather3A_724 = tpu.vector_load_idx %arg14[%broadcast_in_dim3A_702, %add3A_723, %broadcast_in_dim3A_705] : memref<10x64x128xf32, #tpu.memory_space<vmem>>[vector<16xi32>, vector<16xi32>, vector<16xi32>], vector<16xf32>,
      %add3A_725 = arith.constant 32 : i32
      %add3A_726 = vector.broadcast %add3A_725 : i32 to vector<16xi32>
      %add3A_727 = arith.addi %add3A_726, %iota3A : vector<16xi32>
      tpu.vector_store_idx %arg16[%broadcast_in_dim3A_706, %add3A_727], %gather3A_724 : memref<128x128xf32, #tpu.memory_space<vmem>>[vector<16xi32>, vector<16xi32>], vector<16xf32>,
      %add3A_728 = arith.constant 48 : i32
      %add3A_729 = vector.broadcast %add3A_728 : i32 to vector<16xi32>
      %add3A_730 = arith.addi %add3A_729, %iota3A : vector<16xi32>
      %gather3A_731 = tpu.vector_load_idx %arg14[%broadcast_in_dim3A_702, %add3A_730, %broadcast_in_dim3A_705] : memref<10x64x128xf32, #tpu.memory_space<vmem>>[vector<16xi32>, vector<16xi32>, vector<16xi32>], vector<16xf32>,
      %add3A_732 = arith.constant 48 : i32
      %add3A_733 = vector.broadcast %add3A_732 : i32 to vector<16xi32>
      %add3A_734 = arith.addi %add3A_733, %iota3A : vector<16xi32>
      tpu.vector_store_idx %arg16[%broadcast_in_dim3A_706, %add3A_734], %gather3A_731 : memref<128x128xf32, #tpu.memory_space<vmem>>[vector<16xi32>, vector<16xi32>], vector<16xf32>,
      %add3A_735 = arith.addi %add3A_673, %convert_element_type3A_677 : i32
      %add3A_736 = arith.constant 1 : i32
      %add3A_737 = arith.addi %sub3A_612, %add3A_736 : i32
      %shift_right_arithmetic3A_738 = arith.constant 7 : i32
      %shift_right_arithmetic3A_739 = arith.shrsi %reduce_max3A_534, %shift_right_arithmetic3A_738 : i32
      %ne3A_740 = arith.cmpi ne, %shift_right_arithmetic3A_739, %shift_right_arithmetic3A_614 : i32
      %convert_element_type3A_741 = arith.extui %ne3A_740 : i1 to i32
      %eq3A_742 = arith.constant 1 : i32
      %eq3A_743 = arith.cmpi eq, %convert_element_type3A_741, %eq3A_742 : i32
      %convert_element_type3A_744 = arith.extui %eq3A_743 : i1 to i32
      %cond3A_745 = arith.constant 0 : i32
      %cond3A_746 = arith.cmpi ne, %convert_element_type3A_744, %cond3A_745 : i32
      scf.if %cond3A_746 {
        %jit3A_864 = arith.constant 10 : i32
        %eq3A_865 = arith.constant 0 : i32
        %eq3A_866 = arith.cmpi eq, %jit3A_864, %eq3A_865 : i32
        %jit3A_867 = arith.constant 1 : i32
        %select_n3A_868 = arith.select %eq3A_866, %jit3A_867, %jit3A_864 : i32
        %rem3A_869 = arith.remsi %add3A_735, %select_n3A_868 : i32
        %ne3A_870 = arith.constant 0 : i32
        %ne3A_871 = arith.cmpi ne, %rem3A_869, %ne3A_870 : i32
        %lt3A_872 = arith.constant 0 : i32
        %lt3A_873 = arith.cmpi slt, %rem3A_869, %lt3A_872 : i32
        %lt3A_874 = arith.constant 0 : i32
        %lt3A_875 = arith.cmpi slt, %select_n3A_868, %lt3A_874 : i32
        %ne3A_876 = arith.xori %lt3A_873, %lt3A_875 : i1
        %and3A_877 = arith.andi %ne3A_876, %ne3A_871 : i1
        %add3A_878 = arith.addi %rem3A_869, %select_n3A_868 : i32
        %select_n3A_879 = arith.select %and3A_877, %add3A_878, %rem3A_869 : i32
        %dma_wait3A_880 = arith.constant 0 : i32
        %dma_wait3A_881 = arith.constant 0 : i32
        %dma_wait3A_882 = arith.constant 0 : i32
        %dma_wait3A_883 = tpu.memref_slice %arg14[%dma_wait3A_880, %dma_wait3A_881, %dma_wait3A_882] : memref<10x64x128xf32, #tpu.memory_space<vmem>> -> memref<1x64x128xf32, #tpu.memory_space<vmem>>
        %dma_wait3A_884 = tpu.memref_squeeze %dma_wait3A_883 : memref<1x64x128xf32, #tpu.memory_space<vmem>> -> memref<64x128xf32, #tpu.memory_space<vmem>>
        %dma_wait3A_885 = arith.constant 0 : i32
        %dma_wait3A_886 = arith.constant 0 : i32
        %dma_wait3A_887 = tpu.memref_slice %arg2[%dma_wait3A_885, %dma_wait3A_886] : memref<64x1000000xf32, #tpu.memory_space<hbm>> -> memref<64x128xf32, #tpu.memory_space<hbm>>
        %dma_wait3A_888 = tpu.memref_slice %arg17[%select_n3A_879] : memref<10x!tpu.dma_semaphore, #tpu.memory_space<semaphore_mem>> -> memref<1x!tpu.dma_semaphore, #tpu.memory_space<semaphore_mem>>
        %dma_wait3A_889 = tpu.memref_squeeze %dma_wait3A_888 : memref<1x!tpu.dma_semaphore, #tpu.memory_space<semaphore_mem>> -> memref<!tpu.dma_semaphore, #tpu.memory_space<semaphore_mem>>
        %dma_wait3A_890 = arith.constant 0 : i32
        %dma_wait3A_891 = arith.constant 0 : i32
        %dma_wait3A_892 = tpu.memref_slice %arg14[%dma_wait3A_880, %dma_wait3A_890, %dma_wait3A_891] : memref<10x64x128xf32, #tpu.memory_space<vmem>> -> memref<1x64x128xf32, #tpu.memory_space<vmem>>
        %dma_wait3A_893 = tpu.memref_squeeze %dma_wait3A_892 : memref<1x64x128xf32, #tpu.memory_space<vmem>> -> memref<64x128xf32, #tpu.memory_space<vmem>>
        %dma_wait3A_894 = arith.constant 0 : i32
        %dma_wait3A_895 = arith.constant 0 : i32
        %dma_wait3A_896 = tpu.memref_slice %arg2[%dma_wait3A_894, %dma_wait3A_895] : memref<64x1000000xf32, #tpu.memory_space<hbm>> -> memref<64x128xf32, #tpu.memory_space<hbm>>
        tpu.wait_dma2 semaphore(%dma_wait3A_889 : memref<!tpu.dma_semaphore, #tpu.memory_space<semaphore_mem>>) src(%dma_wait3A_896 : memref<64x128xf32, #tpu.memory_space<hbm>>) dst(%dma_wait3A_893 : memref<64x128xf32, #tpu.memory_space<vmem>>)
      } else {
      }
      %eq3A_747 = arith.constant 1 : i32
      %eq3A_748 = arith.cmpi eq, %convert_element_type3A_741, %eq3A_747 : i32
      %jit3A_749 = arith.constant 10 : i32
      %eq3A_750 = arith.constant 0 : i32
      %eq3A_751 = arith.cmpi eq, %jit3A_749, %eq3A_750 : i32
      %jit3A_752 = arith.constant 1 : i32
      %select_n3A_753 = arith.select %eq3A_751, %jit3A_752, %jit3A_749 : i32
      %rem3A_754 = arith.remsi %add3A_735, %select_n3A_753 : i32
      %ne3A_755 = arith.constant 0 : i32
      %ne3A_756 = arith.cmpi ne, %rem3A_754, %ne3A_755 : i32
      %lt3A_757 = arith.constant 0 : i32
      %lt3A_758 = arith.cmpi slt, %rem3A_754, %lt3A_757 : i32
      %lt3A_759 = arith.constant 0 : i32
      %lt3A_760 = arith.cmpi slt, %select_n3A_753, %lt3A_759 : i32
      %ne3A_761 = arith.xori %lt3A_758, %lt3A_760 : i1
      %and3A_762 = arith.andi %ne3A_761, %ne3A_756 : i1
      %add3A_763 = arith.addi %rem3A_754, %select_n3A_753 : i32
      %select_n3A_764 = arith.select %and3A_762, %add3A_763, %rem3A_754 : i32
      %select_n3A_765 = arith.select %eq3A_748, %select_n3A_764, %select_n3A_640 : i32
      %broadcast_in_dim3A_766 = vector.broadcast %select_n3A_765 : i32 to vector<16xi32>
      %and3A_767 = arith.constant 127 : i32
      %and3A_768 = arith.andi %reduce_max3A_534, %and3A_767 : i32
      %broadcast_in_dim3A_769 = vector.broadcast %and3A_768 : i32 to vector<16xi32>
      %broadcast_in_dim3A_770 = vector.broadcast %add3A_737 : i32 to vector<16xi32>
      %add3A_771 = arith.constant 0 : i32
      %add3A_772 = vector.broadcast %add3A_771 : i32 to vector<16xi32>
      %add3A_773 = arith.addi %add3A_772, %iota3A : vector<16xi32>
      %gather3A_774 = tpu.vector_load_idx %arg14[%broadcast_in_dim3A_766, %add3A_773, %broadcast_in_dim3A_769] : memref<10x64x128xf32, #tpu.memory_space<vmem>>[vector<16xi32>, vector<16xi32>, vector<16xi32>], vector<16xf32>,
      %add3A_775 = arith.constant 0 : i32
      %add3A_776 = vector.broadcast %add3A_775 : i32 to vector<16xi32>
      %add3A_777 = arith.addi %add3A_776, %iota3A : vector<16xi32>
      tpu.vector_store_idx %arg15[%broadcast_in_dim3A_770, %add3A_777], %gather3A_774 : memref<128x128xf32, #tpu.memory_space<vmem>>[vector<16xi32>, vector<16xi32>], vector<16xf32>,
      %add3A_778 = arith.constant 16 : i32
      %add3A_779 = vector.broadcast %add3A_778 : i32 to vector<16xi32>
      %add3A_780 = arith.addi %add3A_779, %iota3A : vector<16xi32>
      %gather3A_781 = tpu.vector_load_idx %arg14[%broadcast_in_dim3A_766, %add3A_780, %broadcast_in_dim3A_769] : memref<10x64x128xf32, #tpu.memory_space<vmem>>[vector<16xi32>, vector<16xi32>, vector<16xi32>], vector<16xf32>,
      %add3A_782 = arith.constant 16 : i32
      %add3A_783 = vector.broadcast %add3A_782 : i32 to vector<16xi32>
      %add3A_784 = arith.addi %add3A_783, %iota3A : vector<16xi32>
      tpu.vector_store_idx %arg15[%broadcast_in_dim3A_770, %add3A_784], %gather3A_781 : memref<128x128xf32, #tpu.memory_space<vmem>>[vector<16xi32>, vector<16xi32>], vector<16xf32>,
      %add3A_785 = arith.constant 32 : i32
      %add3A_786 = vector.broadcast %add3A_785 : i32 to vector<16xi32>
      %add3A_787 = arith.addi %add3A_786, %iota3A : vector<16xi32>
      %gather3A_788 = tpu.vector_load_idx %arg14[%broadcast_in_dim3A_766, %add3A_787, %broadcast_in_dim3A_769] : memref<10x64x128xf32, #tpu.memory_space<vmem>>[vector<16xi32>, vector<16xi32>, vector<16xi32>], vector<16xf32>,
      %add3A_789 = arith.constant 32 : i32
      %add3A_790 = vector.broadcast %add3A_789 : i32 to vector<16xi32>
      %add3A_791 = arith.addi %add3A_790, %iota3A : vector<16xi32>
      tpu.vector_store_idx %arg15[%broadcast_in_dim3A_770, %add3A_791], %gather3A_788 : memref<128x128xf32, #tpu.memory_space<vmem>>[vector<16xi32>, vector<16xi32>], vector<16xf32>,
      %add3A_792 = arith.constant 48 : i32
      %add3A_793 = vector.broadcast %add3A_792 : i32 to vector<16xi32>
      %add3A_794 = arith.addi %add3A_793, %iota3A : vector<16xi32>
      %gather3A_795 = tpu.vector_load_idx %arg14[%broadcast_in_dim3A_766, %add3A_794, %broadcast_in_dim3A_769] : memref<10x64x128xf32, #tpu.memory_space<vmem>>[vector<16xi32>, vector<16xi32>, vector<16xi32>], vector<16xf32>,
      %add3A_796 = arith.constant 48 : i32
      %add3A_797 = vector.broadcast %add3A_796 : i32 to vector<16xi32>
      %add3A_798 = arith.addi %add3A_797, %iota3A : vector<16xi32>
      tpu.vector_store_idx %arg15[%broadcast_in_dim3A_770, %add3A_798], %gather3A_795 : memref<128x128xf32, #tpu.memory_space<vmem>>[vector<16xi32>, vector<16xi32>], vector<16xf32>,
      %add3A_799 = arith.addi %add3A_735, %convert_element_type3A_741 : i32
      %add3A_800 = arith.constant 1 : i32
      %add3A_801 = arith.addi %sub3A_612, %add3A_800 : i32
      %shift_right_arithmetic3A_802 = arith.constant 7 : i32
      %shift_right_arithmetic3A_803 = arith.shrsi %reduce_max3A_608, %shift_right_arithmetic3A_802 : i32
      %ne3A_804 = arith.cmpi ne, %shift_right_arithmetic3A_803, %shift_right_arithmetic3A_675 : i32
      %convert_element_type3A_805 = arith.extui %ne3A_804 : i1 to i32
      %eq3A_806 = arith.constant 1 : i32
      %eq3A_807 = arith.cmpi eq, %convert_element_type3A_805, %eq3A_806 : i32
      %convert_element_type3A_808 = arith.extui %eq3A_807 : i1 to i32
      %cond3A_809 = arith.constant 0 : i32
      %cond3A_810 = arith.cmpi ne, %convert_element_type3A_808, %cond3A_809 : i32
      scf.if %cond3A_810 {
        %jit3A_864 = arith.constant 10 : i32
        %eq3A_865 = arith.constant 0 : i32
        %eq3A_866 = arith.cmpi eq, %jit3A_864, %eq3A_865 : i32
        %jit3A_867 = arith.constant 1 : i32
        %select_n3A_868 = arith.select %eq3A_866, %jit3A_867, %jit3A_864 : i32
        %rem3A_869 = arith.remsi %add3A_799, %select_n3A_868 : i32
        %ne3A_870 = arith.constant 0 : i32
        %ne3A_871 = arith.cmpi ne, %rem3A_869, %ne3A_870 : i32
        %lt3A_872 = arith.constant 0 : i32
        %lt3A_873 = arith.cmpi slt, %rem3A_869, %lt3A_872 : i32
        %lt3A_874 = arith.constant 0 : i32
        %lt3A_875 = arith.cmpi slt, %select_n3A_868, %lt3A_874 : i32
        %ne3A_876 = arith.xori %lt3A_873, %lt3A_875 : i1
        %and3A_877 = arith.andi %ne3A_876, %ne3A_871 : i1
        %add3A_878 = arith.addi %rem3A_869, %select_n3A_868 : i32
        %select_n3A_879 = arith.select %and3A_877, %add3A_878, %rem3A_869 : i32
        %dma_wait3A_880 = arith.constant 0 : i32
        %dma_wait3A_881 = arith.constant 0 : i32
        %dma_wait3A_882 = arith.constant 0 : i32
        %dma_wait3A_883 = tpu.memref_slice %arg14[%dma_wait3A_880, %dma_wait3A_881, %dma_wait3A_882] : memref<10x64x128xf32, #tpu.memory_space<vmem>> -> memref<1x64x128xf32, #tpu.memory_space<vmem>>
        %dma_wait3A_884 = tpu.memref_squeeze %dma_wait3A_883 : memref<1x64x128xf32, #tpu.memory_space<vmem>> -> memref<64x128xf32, #tpu.memory_space<vmem>>
        %dma_wait3A_885 = arith.constant 0 : i32
        %dma_wait3A_886 = arith.constant 0 : i32
        %dma_wait3A_887 = tpu.memref_slice %arg2[%dma_wait3A_885, %dma_wait3A_886] : memref<64x1000000xf32, #tpu.memory_space<hbm>> -> memref<64x128xf32, #tpu.memory_space<hbm>>
        %dma_wait3A_888 = tpu.memref_slice %arg17[%select_n3A_879] : memref<10x!tpu.dma_semaphore, #tpu.memory_space<semaphore_mem>> -> memref<1x!tpu.dma_semaphore, #tpu.memory_space<semaphore_mem>>
        %dma_wait3A_889 = tpu.memref_squeeze %dma_wait3A_888 : memref<1x!tpu.dma_semaphore, #tpu.memory_space<semaphore_mem>> -> memref<!tpu.dma_semaphore, #tpu.memory_space<semaphore_mem>>
        %dma_wait3A_890 = arith.constant 0 : i32
        %dma_wait3A_891 = arith.constant 0 : i32
        %dma_wait3A_892 = tpu.memref_slice %arg14[%dma_wait3A_880, %dma_wait3A_890, %dma_wait3A_891] : memref<10x64x128xf32, #tpu.memory_space<vmem>> -> memref<1x64x128xf32, #tpu.memory_space<vmem>>
        %dma_wait3A_893 = tpu.memref_squeeze %dma_wait3A_892 : memref<1x64x128xf32, #tpu.memory_space<vmem>> -> memref<64x128xf32, #tpu.memory_space<vmem>>
        %dma_wait3A_894 = arith.constant 0 : i32
        %dma_wait3A_895 = arith.constant 0 : i32
        %dma_wait3A_896 = tpu.memref_slice %arg2[%dma_wait3A_894, %dma_wait3A_895] : memref<64x1000000xf32, #tpu.memory_space<hbm>> -> memref<64x128xf32, #tpu.memory_space<hbm>>
        tpu.wait_dma2 semaphore(%dma_wait3A_889 : memref<!tpu.dma_semaphore, #tpu.memory_space<semaphore_mem>>) src(%dma_wait3A_896 : memref<64x128xf32, #tpu.memory_space<hbm>>) dst(%dma_wait3A_893 : memref<64x128xf32, #tpu.memory_space<vmem>>)
      } else {
      }
      %eq3A_811 = arith.constant 1 : i32
      %eq3A_812 = arith.cmpi eq, %convert_element_type3A_805, %eq3A_811 : i32
      %jit3A_813 = arith.constant 10 : i32
      %eq3A_814 = arith.constant 0 : i32
      %eq3A_815 = arith.cmpi eq, %jit3A_813, %eq3A_814 : i32
      %jit3A_816 = arith.constant 1 : i32
      %select_n3A_817 = arith.select %eq3A_815, %jit3A_816, %jit3A_813 : i32
      %rem3A_818 = arith.remsi %add3A_799, %select_n3A_817 : i32
      %ne3A_819 = arith.constant 0 : i32
      %ne3A_820 = arith.cmpi ne, %rem3A_818, %ne3A_819 : i32
      %lt3A_821 = arith.constant 0 : i32
      %lt3A_822 = arith.cmpi slt, %rem3A_818, %lt3A_821 : i32
      %lt3A_823 = arith.constant 0 : i32
      %lt3A_824 = arith.cmpi slt, %select_n3A_817, %lt3A_823 : i32
      %ne3A_825 = arith.xori %lt3A_822, %lt3A_824 : i1
      %and3A_826 = arith.andi %ne3A_825, %ne3A_820 : i1
      %add3A_827 = arith.addi %rem3A_818, %select_n3A_817 : i32
      %select_n3A_828 = arith.select %and3A_826, %add3A_827, %rem3A_818 : i32
      %select_n3A_829 = arith.select %eq3A_812, %select_n3A_828, %select_n3A_701 : i32
      %broadcast_in_dim3A_830 = vector.broadcast %select_n3A_829 : i32 to vector<16xi32>
      %and3A_831 = arith.constant 127 : i32
      %and3A_832 = arith.andi %reduce_max3A_608, %and3A_831 : i32
      %broadcast_in_dim3A_833 = vector.broadcast %and3A_832 : i32 to vector<16xi32>
      %broadcast_in_dim3A_834 = vector.broadcast %add3A_801 : i32 to vector<16xi32>
      %add3A_835 = arith.constant 0 : i32
      %add3A_836 = vector.broadcast %add3A_835 : i32 to vector<16xi32>
      %add3A_837 = arith.addi %add3A_836, %iota3A : vector<16xi32>
      %gather3A_838 = tpu.vector_load_idx %arg14[%broadcast_in_dim3A_830, %add3A_837, %broadcast_in_dim3A_833] : memref<10x64x128xf32, #tpu.memory_space<vmem>>[vector<16xi32>, vector<16xi32>, vector<16xi32>], vector<16xf32>,
      %add3A_839 = arith.constant 0 : i32
      %add3A_840 = vector.broadcast %add3A_839 : i32 to vector<16xi32>
      %add3A_841 = arith.addi %add3A_840, %iota3A : vector<16xi32>
      tpu.vector_store_idx %arg16[%broadcast_in_dim3A_834, %add3A_841], %gather3A_838 : memref<128x128xf32, #tpu.memory_space<vmem>>[vector<16xi32>, vector<16xi32>], vector<16xf32>,
      %add3A_842 = arith.constant 16 : i32
      %add3A_843 = vector.broadcast %add3A_842 : i32 to vector<16xi32>
      %add3A_844 = arith.addi %add3A_843, %iota3A : vector<16xi32>
      %gather3A_845 = tpu.vector_load_idx %arg14[%broadcast_in_dim3A_830, %add3A_844, %broadcast_in_dim3A_833] : memref<10x64x128xf32, #tpu.memory_space<vmem>>[vector<16xi32>, vector<16xi32>, vector<16xi32>], vector<16xf32>,
      %add3A_846 = arith.constant 16 : i32
      %add3A_847 = vector.broadcast %add3A_846 : i32 to vector<16xi32>
      %add3A_848 = arith.addi %add3A_847, %iota3A : vector<16xi32>
      tpu.vector_store_idx %arg16[%broadcast_in_dim3A_834, %add3A_848], %gather3A_845 : memref<128x128xf32, #tpu.memory_space<vmem>>[vector<16xi32>, vector<16xi32>], vector<16xf32>,
      %add3A_849 = arith.constant 32 : i32
      %add3A_850 = vector.broadcast %add3A_849 : i32 to vector<16xi32>
      %add3A_851 = arith.addi %add3A_850, %iota3A : vector<16xi32>
      %gather3A_852 = tpu.vector_load_idx %arg14[%broadcast_in_dim3A_830, %add3A_851, %broadcast_in_dim3A_833] : memref<10x64x128xf32, #tpu.memory_space<vmem>>[vector<16xi32>, vector<16xi32>, vector<16xi32>], vector<16xf32>,
      %add3A_853 = arith.constant 32 : i32
      %add3A_854 = vector.broadcast %add3A_853 : i32 to vector<16xi32>
      %add3A_855 = arith.addi %add3A_854, %iota3A : vector<16xi32>
      tpu.vector_store_idx %arg16[%broadcast_in_dim3A_834, %add3A_855], %gather3A_852 : memref<128x128xf32, #tpu.memory_space<vmem>>[vector<16xi32>, vector<16xi32>], vector<16xf32>,
      %add3A_856 = arith.constant 48 : i32
      %add3A_857 = vector.broadcast %add3A_856 : i32 to vector<16xi32>
      %add3A_858 = arith.addi %add3A_857, %iota3A : vector<16xi32>
      %gather3A_859 = tpu.vector_load_idx %arg14[%broadcast_in_dim3A_830, %add3A_858, %broadcast_in_dim3A_833] : memref<10x64x128xf32, #tpu.memory_space<vmem>>[vector<16xi32>, vector<16xi32>, vector<16xi32>], vector<16xf32>,
      %add3A_860 = arith.constant 48 : i32
      %add3A_861 = vector.broadcast %add3A_860 : i32 to vector<16xi32>
      %add3A_862 = arith.addi %add3A_861, %iota3A : vector<16xi32>
      tpu.vector_store_idx %arg16[%broadcast_in_dim3A_834, %add3A_862], %gather3A_859 : memref<128x128xf32, #tpu.memory_space<vmem>>[vector<16xi32>, vector<16xi32>], vector<16xf32>,
      %add3A_863 = arith.addi %add3A_799, %convert_element_type3A_805 : i32
      scf.yield %shift_right_arithmetic3A_442, %shift_right_arithmetic3A_452, %add3A_460, %shift_right_arithmetic3A_739, %shift_right_arithmetic3A_803, %add3A_863, %select_n3A_765, %select_n3A_829 : i32, i32, i32, i32, i32, i32, i32, i32
    }
    %scan3A_142 = arith.constant 64 : i32
    %dma_start3A_143 = arith.constant 1 : i32
    %dma_start3A_144 = arith.constant 0 : i32
    %dma_start3A_145 = tpu.memref_slice %arg12[%dma_start3A_143, %dma_start3A_144] : memref<4x128xi32, #tpu.memory_space<vmem>> -> memref<1x128xi32, #tpu.memory_space<vmem>>
    %dma_start3A_146 = tpu.memref_squeeze %dma_start3A_145 : memref<1x128xi32, #tpu.memory_space<vmem>> -> memref<128xi32, #tpu.memory_space<vmem>>
    %dma_start3A_147 = arith.constant 0 : i32
    %dma_start3A_148 = arith.constant 0 : i32
    %dma_start3A_149 = tpu.memref_slice %arg8[%dma_start3A_147, %dma_start3A_148] : memref<16384x128xf32, #tpu.memory_space<hbm>> -> memref<16384x128xf32, #tpu.memory_space<hbm>>
    tpu.enqueue_indirect_dma source(%arg15 : memref<128x128xf32, #tpu.memory_space<vmem>>) target(%dma_start3A_149 : memref<16384x128xf32, #tpu.memory_space<hbm>>) offsets(%dma_start3A_146 : memref<128xi32, #tpu.memory_space<vmem>>) semaphore(%arg18 : memref<!tpu.dma_semaphore, #tpu.memory_space<semaphore_mem>>)
    %dma_start3A_150 = arith.constant 1 : i32
    %dma_start3A_151 = arith.constant 0 : i32
    %dma_start3A_152 = tpu.memref_slice %arg13[%dma_start3A_150, %dma_start3A_151] : memref<4x128xi32, #tpu.memory_space<vmem>> -> memref<1x128xi32, #tpu.memory_space<vmem>>
    %dma_start3A_153 = tpu.memref_squeeze %dma_start3A_152 : memref<1x128xi32, #tpu.memory_space<vmem>> -> memref<128xi32, #tpu.memory_space<vmem>>
    %dma_start3A_154 = arith.constant 0 : i32
    %dma_start3A_155 = arith.constant 0 : i32
    %dma_start3A_156 = tpu.memref_slice %arg9[%dma_start3A_154, %dma_start3A_155] : memref<16384x128xf32, #tpu.memory_space<hbm>> -> memref<16384x128xf32, #tpu.memory_space<hbm>>
    tpu.enqueue_indirect_dma source(%arg16 : memref<128x128xf32, #tpu.memory_space<vmem>>) target(%dma_start3A_156 : memref<16384x128xf32, #tpu.memory_space<hbm>>) offsets(%dma_start3A_153 : memref<128xi32, #tpu.memory_space<vmem>>) semaphore(%arg19 : memref<!tpu.dma_semaphore, #tpu.memory_space<semaphore_mem>>)
    %dma_wait3A_157 = arith.constant 1 : i32
    %dma_wait3A_158 = arith.constant 0 : i32
    %dma_wait3A_159 = tpu.memref_slice %arg12[%dma_wait3A_157, %dma_wait3A_158] : memref<4x128xi32, #tpu.memory_space<vmem>> -> memref<1x128xi32, #tpu.memory_space<vmem>>
    %dma_wait3A_160 = tpu.memref_squeeze %dma_wait3A_159 : memref<1x128xi32, #tpu.memory_space<vmem>> -> memref<128xi32, #tpu.memory_space<vmem>>
    %dma_wait3A_161 = arith.constant 0 : i32
    %dma_wait3A_162 = arith.constant 0 : i32
    %dma_wait3A_163 = tpu.memref_slice %arg8[%dma_wait3A_161, %dma_wait3A_162] : memref<16384x128xf32, #tpu.memory_space<hbm>> -> memref<16384x128xf32, #tpu.memory_space<hbm>>
    tpu.wait_indirect_dma semaphore(%arg18 : memref<!tpu.dma_semaphore, #tpu.memory_space<semaphore_mem>>) src(%arg15 : memref<128x128xf32, #tpu.memory_space<vmem>>) dst(%dma_wait3A_163 : memref<16384x128xf32, #tpu.memory_space<hbm>>)
    %dma_wait3A_164 = arith.constant 1 : i32
    %dma_wait3A_165 = arith.constant 0 : i32
    %dma_wait3A_166 = tpu.memref_slice %arg13[%dma_wait3A_164, %dma_wait3A_165] : memref<4x128xi32, #tpu.memory_space<vmem>> -> memref<1x128xi32, #tpu.memory_space<vmem>>
    %dma_wait3A_167 = tpu.memref_squeeze %dma_wait3A_166 : memref<1x128xi32, #tpu.memory_space<vmem>> -> memref<128xi32, #tpu.memory_space<vmem>>
    %dma_wait3A_168 = arith.constant 0 : i32
    %dma_wait3A_169 = arith.constant 0 : i32
    %dma_wait3A_170 = tpu.memref_slice %arg9[%dma_wait3A_168, %dma_wait3A_169] : memref<16384x128xf32, #tpu.memory_space<hbm>> -> memref<16384x128xf32, #tpu.memory_space<hbm>>
    tpu.wait_indirect_dma semaphore(%arg19 : memref<!tpu.dma_semaphore, #tpu.memory_space<semaphore_mem>>) src(%arg16 : memref<128x128xf32, #tpu.memory_space<vmem>>) dst(%dma_wait3A_170 : memref<16384x128xf32, #tpu.memory_space<hbm>>)
    %scan3A_171 = arith.constant 128 : i32
    %scan3A_172 = arith.constant 64 : i32
    %scan3A_173 = arith.addi %scan3A_171, %scan3A_172 : i32
    %scan3A_174 = arith.constant 1 : i32
    %scan3A_175:8 = scf.for %scan3A_239 = %scan3A_171 to %scan3A_173 step %scan3A_174 iter_args(%scan3A_240 = %scan3A_141#0, %scan3A_241 = %scan3A_141#1, %scan3A_242 = %scan3A_141#2, %scan3A_243 = %scan3A_141#3, %scan3A_244 = %scan3A_141#4, %scan3A_245 = %scan3A_141#5, %scan3A_246 = %scan3A_141#6, %scan3A_247 = %scan3A_141#7) -> (i32, i32, i32, i32, i32, i32, i32, i32)  : i32 {
      %add3A_248 = arith.constant 1 : i32
      %add3A_249 = arith.addi %scan3A_239, %add3A_248 : i32
      %min3A = arith.constant 255 : i32
      %min3A_250 = arith.minsi %add3A_249, %min3A : i32
      %jit3A_251 = arith.constant 8 : i32
      %div3A = arith.divsi %min3A_250, %jit3A_251 : i32
      %sign3A = arith.constant 0 : i32
      %sign3A_252 = arith.cmpi sgt, %min3A_250, %sign3A : i32
      %sign3A_253 = arith.extui %sign3A_252 : i1 to i32
      %sign3A_254 = arith.constant 0 : i32
      %sign3A_255 = arith.cmpi slt, %min3A_250, %sign3A_254 : i32
      %sign3A_256 = arith.extui %sign3A_255 : i1 to i32
      %sign3A_257 = arith.subi %sign3A_253, %sign3A_256 : i32
      %sign3A_258 = arith.constant 0 : i32
      %sign3A_259 = arith.cmpi sgt, %jit3A_251, %sign3A_258 : i32
      %sign3A_260 = arith.extui %sign3A_259 : i1 to i32
      %sign3A_261 = arith.constant 0 : i32
      %sign3A_262 = arith.cmpi slt, %jit3A_251, %sign3A_261 : i32
      %sign3A_263 = arith.extui %sign3A_262 : i1 to i32
      %sign3A_264 = arith.subi %sign3A_260, %sign3A_263 : i32
      %ne3A_265 = arith.cmpi ne, %sign3A_257, %sign3A_264 : i32
      %rem3A = arith.remsi %min3A_250, %jit3A_251 : i32
      %ne3A_266 = arith.constant 0 : i32
      %ne3A_267 = arith.cmpi ne, %rem3A, %ne3A_266 : i32
      %and3A = arith.andi %ne3A_265, %ne3A_267 : i1
      %sub3A = arith.constant 1 : i32
      %sub3A_268 = arith.subi %div3A, %sub3A : i32
      %select_n3A_269 = arith.select %and3A, %sub3A_268, %div3A : i32
      %mul3A_270 = arith.constant 16 : i32
      %mul3A_271 = arith.muli %select_n3A_269, %mul3A_270 : i32
      %get3A_272 = arith.index_cast %mul3A_271 : i32 to index
      %get3A_273 = tpu.vector_load %arg10[%get3A_272] {strides = array<i32>} : memref<512xi32, #tpu.memory_space<vmem>>, vector<16xi32>,
      %mul3A_274 = arith.constant 2 : i32
      %mul3A_275 = arith.muli %mul3A_274, %min3A_250 : i32
      %jit3A_276 = arith.constant 16 : i32
      %eq3A_277 = arith.constant 0 : i32
      %eq3A_278 = arith.cmpi eq, %jit3A_276, %eq3A_277 : i32
      %jit3A_279 = arith.constant 1 : i32
      %select_n3A_280 = arith.select %eq3A_278, %jit3A_279, %jit3A_276 : i32
      %rem3A_281 = arith.remsi %mul3A_275, %select_n3A_280 : i32
      %ne3A_282 = arith.constant 0 : i32
      %ne3A_283 = arith.cmpi ne, %rem3A_281, %ne3A_282 : i32
      %lt3A = arith.constant 0 : i32
      %lt3A_284 = arith.cmpi slt, %rem3A_281, %lt3A : i32
      %lt3A_285 = arith.constant 0 : i32
      %lt3A_286 = arith.cmpi slt, %select_n3A_280, %lt3A_285 : i32
      %ne3A_287 = arith.xori %lt3A_284, %lt3A_286 : i1
      %and3A_288 = arith.andi %ne3A_287, %ne3A_283 : i1
      %add3A_289 = arith.addi %rem3A_281, %select_n3A_280 : i32
      %select_n3A_290 = arith.select %and3A_288, %add3A_289, %rem3A_281 : i32
      %eq3A_291 = vector.broadcast %select_n3A_290 : i32 to vector<16xi32>
      %eq3A_292 = arith.cmpi eq, %iota3A, %eq3A_291 : vector<16xi32>
      %jit3A_293 = arith.constant 0 : i32
      %broadcast_in_dim3A_294 = vector.broadcast %jit3A_293 : i32 to vector<16xi32>
      %select_n3A_295 = arith.select %eq3A_292, %get3A_273, %broadcast_in_dim3A_294 : vector<16xi1>, vector<16xi32>
      %reduce_max3A_296 = arith.constant true
      %reduce_max3A_297 = vector.broadcast %reduce_max3A_296 : i1 to vector<16xi1>
      %reduce_max3A_298 = arith.constant -2147483648 : i32
      %reduce_max3A_299 = vector.broadcast %reduce_max3A_298 : i32 to vector<16xi32>
      %reduce_max3A_300 = arith.xori %select_n3A_295, %reduce_max3A_299 : vector<16xi32>
      %reduce_max3A_301 = tpu.scan <max>, %reduce_max3A_300 masked %reduce_max3A_297 : vector<16xi32>, vector<16xi1> -> vector<16xi32>
      %reduce_max3A_302 = arith.xori %reduce_max3A_301, %reduce_max3A_299 : vector<16xi32>
      %reduce_max3A_303 = vector.extract %reduce_max3A_302[15] : i32 from vector<16xi32>
      %add3A_304 = arith.constant 1 : i32
      %add3A_305 = arith.addi %select_n3A_290, %add3A_304 : i32
      %eq3A_306 = vector.broadcast %add3A_305 : i32 to vector<16xi32>
      %eq3A_307 = arith.cmpi eq, %iota3A, %eq3A_306 : vector<16xi32>
      %jit3A_308 = arith.constant 0 : i32
      %broadcast_in_dim3A_309 = vector.broadcast %jit3A_308 : i32 to vector<16xi32>
      %select_n3A_310 = arith.select %eq3A_307, %get3A_273, %broadcast_in_dim3A_309 : vector<16xi1>, vector<16xi32>
      %reduce_max3A_311 = arith.constant true
      %reduce_max3A_312 = vector.broadcast %reduce_max3A_311 : i1 to vector<16xi1>
      %reduce_max3A_313 = arith.constant -2147483648 : i32
      %reduce_max3A_314 = vector.broadcast %reduce_max3A_313 : i32 to vector<16xi32>
      %reduce_max3A_315 = arith.xori %select_n3A_310, %reduce_max3A_314 : vector<16xi32>
      %reduce_max3A_316 = tpu.scan <max>, %reduce_max3A_315 masked %reduce_max3A_312 : vector<16xi32>, vector<16xi1> -> vector<16xi32>
      %reduce_max3A_317 = arith.xori %reduce_max3A_316, %reduce_max3A_314 : vector<16xi32>
      %reduce_max3A_318 = vector.extract %reduce_max3A_317[15] : i32 from vector<16xi32>
      %add3A_319 = arith.constant 1 : i32
      %add3A_320 = arith.addi %scan3A_239, %add3A_319 : i32
      %min3A_321 = arith.constant 255 : i32
      %min3A_322 = arith.minsi %add3A_320, %min3A_321 : i32
      %jit3A_323 = arith.constant 8 : i32
      %div3A_324 = arith.divsi %min3A_322, %jit3A_323 : i32
      %sign3A_325 = arith.constant 0 : i32
      %sign3A_326 = arith.cmpi sgt, %min3A_322, %sign3A_325 : i32
      %sign3A_327 = arith.extui %sign3A_326 : i1 to i32
      %sign3A_328 = arith.constant 0 : i32
      %sign3A_329 = arith.cmpi slt, %min3A_322, %sign3A_328 : i32
      %sign3A_330 = arith.extui %sign3A_329 : i1 to i32
      %sign3A_331 = arith.subi %sign3A_327, %sign3A_330 : i32
      %sign3A_332 = arith.constant 0 : i32
      %sign3A_333 = arith.cmpi sgt, %jit3A_323, %sign3A_332 : i32
      %sign3A_334 = arith.extui %sign3A_333 : i1 to i32
      %sign3A_335 = arith.constant 0 : i32
      %sign3A_336 = arith.cmpi slt, %jit3A_323, %sign3A_335 : i32
      %sign3A_337 = arith.extui %sign3A_336 : i1 to i32
      %sign3A_338 = arith.subi %sign3A_334, %sign3A_337 : i32
      %ne3A_339 = arith.cmpi ne, %sign3A_331, %sign3A_338 : i32
      %rem3A_340 = arith.remsi %min3A_322, %jit3A_323 : i32
      %ne3A_341 = arith.constant 0 : i32
      %ne3A_342 = arith.cmpi ne, %rem3A_340, %ne3A_341 : i32
      %and3A_343 = arith.andi %ne3A_339, %ne3A_342 : i1
      %sub3A_344 = arith.constant 1 : i32
      %sub3A_345 = arith.subi %div3A_324, %sub3A_344 : i32
      %select_n3A_346 = arith.select %and3A_343, %sub3A_345, %div3A_324 : i32
      %mul3A_347 = arith.constant 16 : i32
      %mul3A_348 = arith.muli %select_n3A_346, %mul3A_347 : i32
      %get3A_349 = arith.index_cast %mul3A_348 : i32 to index
      %get3A_350 = tpu.vector_load %arg11[%get3A_349] {strides = array<i32>} : memref<512xi32, #tpu.memory_space<vmem>>, vector<16xi32>,
      %mul3A_351 = arith.constant 2 : i32
      %mul3A_352 = arith.muli %mul3A_351, %min3A_322 : i32
      %jit3A_353 = arith.constant 16 : i32
      %eq3A_354 = arith.constant 0 : i32
      %eq3A_355 = arith.cmpi eq, %jit3A_353, %eq3A_354 : i32
      %jit3A_356 = arith.constant 1 : i32
      %select_n3A_357 = arith.select %eq3A_355, %jit3A_356, %jit3A_353 : i32
      %rem3A_358 = arith.remsi %mul3A_352, %select_n3A_357 : i32
      %ne3A_359 = arith.constant 0 : i32
      %ne3A_360 = arith.cmpi ne, %rem3A_358, %ne3A_359 : i32
      %lt3A_361 = arith.constant 0 : i32
      %lt3A_362 = arith.cmpi slt, %rem3A_358, %lt3A_361 : i32
      %lt3A_363 = arith.constant 0 : i32
      %lt3A_364 = arith.cmpi slt, %select_n3A_357, %lt3A_363 : i32
      %ne3A_365 = arith.xori %lt3A_362, %lt3A_364 : i1
      %and3A_366 = arith.andi %ne3A_365, %ne3A_360 : i1
      %add3A_367 = arith.addi %rem3A_358, %select_n3A_357 : i32
      %select_n3A_368 = arith.select %and3A_366, %add3A_367, %rem3A_358 : i32
      %eq3A_369 = vector.broadcast %select_n3A_368 : i32 to vector<16xi32>
      %eq3A_370 = arith.cmpi eq, %iota3A, %eq3A_369 : vector<16xi32>
      %jit3A_371 = arith.constant 0 : i32
      %broadcast_in_dim3A_372 = vector.broadcast %jit3A_371 : i32 to vector<16xi32>
      %select_n3A_373 = arith.select %eq3A_370, %get3A_350, %broadcast_in_dim3A_372 : vector<16xi1>, vector<16xi32>
      %reduce_max3A_374 = arith.constant true
      %reduce_max3A_375 = vector.broadcast %reduce_max3A_374 : i1 to vector<16xi1>
      %reduce_max3A_376 = arith.constant -2147483648 : i32
      %reduce_max3A_377 = vector.broadcast %reduce_max3A_376 : i32 to vector<16xi32>
      %reduce_max3A_378 = arith.xori %select_n3A_373, %reduce_max3A_377 : vector<16xi32>
      %reduce_max3A_379 = tpu.scan <max>, %reduce_max3A_378 masked %reduce_max3A_375 : vector<16xi32>, vector<16xi1> -> vector<16xi32>
      %reduce_max3A_380 = arith.xori %reduce_max3A_379, %reduce_max3A_377 : vector<16xi32>
      %reduce_max3A_381 = vector.extract %reduce_max3A_380[15] : i32 from vector<16xi32>
      %add3A_382 = arith.constant 1 : i32
      %add3A_383 = arith.addi %select_n3A_368, %add3A_382 : i32
      %eq3A_384 = vector.broadcast %add3A_383 : i32 to vector<16xi32>
      %eq3A_385 = arith.cmpi eq, %iota3A, %eq3A_384 : vector<16xi32>
      %jit3A_386 = arith.constant 0 : i32
      %broadcast_in_dim3A_387 = vector.broadcast %jit3A_386 : i32 to vector<16xi32>
      %select_n3A_388 = arith.select %eq3A_385, %get3A_350, %broadcast_in_dim3A_387 : vector<16xi1>, vector<16xi32>
      %reduce_max3A_389 = arith.constant true
      %reduce_max3A_390 = vector.broadcast %reduce_max3A_389 : i1 to vector<16xi1>
      %reduce_max3A_391 = arith.constant -2147483648 : i32
      %reduce_max3A_392 = vector.broadcast %reduce_max3A_391 : i32 to vector<16xi32>
      %reduce_max3A_393 = arith.xori %select_n3A_388, %reduce_max3A_392 : vector<16xi32>
      %reduce_max3A_394 = tpu.scan <max>, %reduce_max3A_393 masked %reduce_max3A_390 : vector<16xi32>, vector<16xi1> -> vector<16xi32>
      %reduce_max3A_395 = arith.xori %reduce_max3A_394, %reduce_max3A_392 : vector<16xi32>
      %reduce_max3A_396 = vector.extract %reduce_max3A_395[15] : i32 from vector<16xi32>
      %add3A_397 = arith.constant 1 : i32
      %add3A_398 = arith.addi %scan3A_239, %add3A_397 : i32
      %lt3A_399 = arith.constant 256 : i32
      %lt3A_400 = arith.cmpi slt, %add3A_398, %lt3A_399 : i32
      %convert_element_type3A_401 = arith.extui %lt3A_400 : i1 to i32
      %eq3A_402 = arith.constant 1 : i32
      %eq3A_403 = arith.cmpi eq, %convert_element_type3A_401, %eq3A_402 : i32
      %shift_left3A = arith.constant 7 : i32
      %shift_left3A_404 = arith.shli %scan3A_240, %shift_left3A : i32
      %select_n3A_405 = arith.select %eq3A_403, %reduce_max3A_303, %shift_left3A_404 : i32
      %eq3A_406 = arith.constant 1 : i32
      %eq3A_407 = arith.cmpi eq, %convert_element_type3A_401, %eq3A_406 : i32
      %shift_left3A_408 = arith.constant 7 : i32
      %shift_left3A_409 = arith.shli %scan3A_241, %shift_left3A_408 : i32
      %select_n3A_410 = arith.select %eq3A_407, %reduce_max3A_381, %shift_left3A_409 : i32
      %eq3A_411 = arith.constant 1 : i32
      %eq3A_412 = arith.cmpi eq, %convert_element_type3A_401, %eq3A_411 : i32
      %shift_left3A_413 = arith.constant 7 : i32
      %shift_left3A_414 = arith.shli %scan3A_240, %shift_left3A_413 : i32
      %select_n3A_415 = arith.select %eq3A_412, %reduce_max3A_318, %shift_left3A_414 : i32
      %eq3A_416 = arith.constant 1 : i32
      %eq3A_417 = arith.cmpi eq, %convert_element_type3A_401, %eq3A_416 : i32
      %shift_left3A_418 = arith.constant 7 : i32
      %shift_left3A_419 = arith.shli %scan3A_241, %shift_left3A_418 : i32
      %select_n3A_420 = arith.select %eq3A_417, %reduce_max3A_396, %shift_left3A_419 : i32
      %shift_right_arithmetic3A_421 = arith.constant 7 : i32
      %shift_right_arithmetic3A_422 = arith.shrsi %select_n3A_405, %shift_right_arithmetic3A_421 : i32
      %ne3A_423 = arith.cmpi ne, %shift_right_arithmetic3A_422, %scan3A_240 : i32
      %convert_element_type3A_424 = arith.extui %ne3A_423 : i1 to i32
      %eq3A_425 = arith.constant 1 : i32
      %eq3A_426 = arith.cmpi eq, %convert_element_type3A_424, %eq3A_425 : i32
      %convert_element_type3A_427 = arith.extui %eq3A_426 : i1 to i32
      %cond3A_428 = arith.constant 0 : i32
      %cond3A_429 = arith.cmpi ne, %convert_element_type3A_427, %cond3A_428 : i32
      scf.if %cond3A_429 {
        %mul3A_864 = arith.constant 128 : i32
        %mul3A_865 = arith.muli %shift_right_arithmetic3A_422, %mul3A_864 : i32
        %multiple_of3A = tpu.assume_multiple %mul3A_865, 128 : i32
        %jit3A_866 = arith.constant 10 : i32
        %eq3A_867 = arith.constant 0 : i32
        %eq3A_868 = arith.cmpi eq, %jit3A_866, %eq3A_867 : i32
        %jit3A_869 = arith.constant 1 : i32
        %select_n3A_870 = arith.select %eq3A_868, %jit3A_869, %jit3A_866 : i32
        %rem3A_871 = arith.remsi %scan3A_242, %select_n3A_870 : i32
        %ne3A_872 = arith.constant 0 : i32
        %ne3A_873 = arith.cmpi ne, %rem3A_871, %ne3A_872 : i32
        %lt3A_874 = arith.constant 0 : i32
        %lt3A_875 = arith.cmpi slt, %rem3A_871, %lt3A_874 : i32
        %lt3A_876 = arith.constant 0 : i32
        %lt3A_877 = arith.cmpi slt, %select_n3A_870, %lt3A_876 : i32
        %ne3A_878 = arith.xori %lt3A_875, %lt3A_877 : i1
        %and3A_879 = arith.andi %ne3A_878, %ne3A_873 : i1
        %add3A_880 = arith.addi %rem3A_871, %select_n3A_870 : i32
        %select_n3A_881 = arith.select %and3A_879, %add3A_880, %rem3A_871 : i32
        %jit3A_882 = arith.constant 10 : i32
        %eq3A_883 = arith.constant 0 : i32
        %eq3A_884 = arith.cmpi eq, %jit3A_882, %eq3A_883 : i32
        %jit3A_885 = arith.constant 1 : i32
        %select_n3A_886 = arith.select %eq3A_884, %jit3A_885, %jit3A_882 : i32
        %rem3A_887 = arith.remsi %scan3A_242, %select_n3A_886 : i32
        %ne3A_888 = arith.constant 0 : i32
        %ne3A_889 = arith.cmpi ne, %rem3A_887, %ne3A_888 : i32
        %lt3A_890 = arith.constant 0 : i32
        %lt3A_891 = arith.cmpi slt, %rem3A_887, %lt3A_890 : i32
        %lt3A_892 = arith.constant 0 : i32
        %lt3A_893 = arith.cmpi slt, %select_n3A_886, %lt3A_892 : i32
        %ne3A_894 = arith.xori %lt3A_891, %lt3A_893 : i1
        %and3A_895 = arith.andi %ne3A_894, %ne3A_889 : i1
        %add3A_896 = arith.addi %rem3A_887, %select_n3A_886 : i32
        %select_n3A_897 = arith.select %and3A_895, %add3A_896, %rem3A_887 : i32
        %dma_start3A_898 = arith.constant 0 : i32
        %dma_start3A_899 = arith.constant 0 : i32
        %dma_start3A_900 = tpu.memref_slice %arg14[%select_n3A_881, %dma_start3A_898, %dma_start3A_899] : memref<10x64x128xf32, #tpu.memory_space<vmem>> -> memref<1x64x128xf32, #tpu.memory_space<vmem>>
        %dma_start3A_901 = tpu.memref_squeeze %dma_start3A_900 : memref<1x64x128xf32, #tpu.memory_space<vmem>> -> memref<64x128xf32, #tpu.memory_space<vmem>>
        %dma_start3A_902 = arith.constant 0 : i32
        %dma_start3A_903 = tpu.memref_slice %arg2[%dma_start3A_902, %multiple_of3A] : memref<64x1000000xf32, #tpu.memory_space<hbm>> -> memref<64x128xf32, #tpu.memory_space<hbm>>
        %dma_start3A_904 = tpu.memref_slice %arg17[%select_n3A_897] : memref<10x!tpu.dma_semaphore, #tpu.memory_space<semaphore_mem>> -> memref<1x!tpu.dma_semaphore, #tpu.memory_space<semaphore_mem>>
        %dma_start3A_905 = tpu.memref_squeeze %dma_start3A_904 : memref<1x!tpu.dma_semaphore, #tpu.memory_space<semaphore_mem>> -> memref<!tpu.dma_semaphore, #tpu.memory_space<semaphore_mem>>
        %dma_start3A_906 = arith.constant 0 : i32
        %dma_start3A_907 = arith.constant 0 : i32
        %dma_start3A_908 = tpu.memref_slice %arg14[%select_n3A_881, %dma_start3A_906, %dma_start3A_907] : memref<10x64x128xf32, #tpu.memory_space<vmem>> -> memref<1x64x128xf32, #tpu.memory_space<vmem>>
        %dma_start3A_909 = tpu.memref_squeeze %dma_start3A_908 : memref<1x64x128xf32, #tpu.memory_space<vmem>> -> memref<64x128xf32, #tpu.memory_space<vmem>>
        %dma_start3A_910 = arith.constant 0 : i32
        %dma_start3A_911 = tpu.memref_slice %arg2[%dma_start3A_910, %multiple_of3A] : memref<64x1000000xf32, #tpu.memory_space<hbm>> -> memref<64x128xf32, #tpu.memory_space<hbm>>
        tpu.enqueue_dma source(%dma_start3A_911 : memref<64x128xf32, #tpu.memory_space<hbm>>) target(%dma_start3A_909 : memref<64x128xf32, #tpu.memory_space<vmem>>) target_semaphore(%dma_start3A_905 : memref<!tpu.dma_semaphore, #tpu.memory_space<semaphore_mem>>)
      } else {
      }
      %add3A_430 = arith.addi %scan3A_242, %convert_element_type3A_424 : i32
      %shift_right_arithmetic3A_431 = arith.constant 7 : i32
      %shift_right_arithmetic3A_432 = arith.shrsi %select_n3A_410, %shift_right_arithmetic3A_431 : i32
      %ne3A_433 = arith.cmpi ne, %shift_right_arithmetic3A_432, %scan3A_241 : i32
      %convert_element_type3A_434 = arith.extui %ne3A_433 : i1 to i32
      %eq3A_435 = arith.constant 1 : i32
      %eq3A_436 = arith.cmpi eq, %convert_element_type3A_434, %eq3A_435 : i32
      %convert_element_type3A_437 = arith.extui %eq3A_436 : i1 to i32
      %cond3A_438 = arith.constant 0 : i32
      %cond3A_439 = arith.cmpi ne, %convert_element_type3A_437, %cond3A_438 : i32
      scf.if %cond3A_439 {
        %mul3A_864 = arith.constant 128 : i32
        %mul3A_865 = arith.muli %shift_right_arithmetic3A_432, %mul3A_864 : i32
        %multiple_of3A = tpu.assume_multiple %mul3A_865, 128 : i32
        %jit3A_866 = arith.constant 10 : i32
        %eq3A_867 = arith.constant 0 : i32
        %eq3A_868 = arith.cmpi eq, %jit3A_866, %eq3A_867 : i32
        %jit3A_869 = arith.constant 1 : i32
        %select_n3A_870 = arith.select %eq3A_868, %jit3A_869, %jit3A_866 : i32
        %rem3A_871 = arith.remsi %add3A_430, %select_n3A_870 : i32
        %ne3A_872 = arith.constant 0 : i32
        %ne3A_873 = arith.cmpi ne, %rem3A_871, %ne3A_872 : i32
        %lt3A_874 = arith.constant 0 : i32
        %lt3A_875 = arith.cmpi slt, %rem3A_871, %lt3A_874 : i32
        %lt3A_876 = arith.constant 0 : i32
        %lt3A_877 = arith.cmpi slt, %select_n3A_870, %lt3A_876 : i32
        %ne3A_878 = arith.xori %lt3A_875, %lt3A_877 : i1
        %and3A_879 = arith.andi %ne3A_878, %ne3A_873 : i1
        %add3A_880 = arith.addi %rem3A_871, %select_n3A_870 : i32
        %select_n3A_881 = arith.select %and3A_879, %add3A_880, %rem3A_871 : i32
        %jit3A_882 = arith.constant 10 : i32
        %eq3A_883 = arith.constant 0 : i32
        %eq3A_884 = arith.cmpi eq, %jit3A_882, %eq3A_883 : i32
        %jit3A_885 = arith.constant 1 : i32
        %select_n3A_886 = arith.select %eq3A_884, %jit3A_885, %jit3A_882 : i32
        %rem3A_887 = arith.remsi %add3A_430, %select_n3A_886 : i32
        %ne3A_888 = arith.constant 0 : i32
        %ne3A_889 = arith.cmpi ne, %rem3A_887, %ne3A_888 : i32
        %lt3A_890 = arith.constant 0 : i32
        %lt3A_891 = arith.cmpi slt, %rem3A_887, %lt3A_890 : i32
        %lt3A_892 = arith.constant 0 : i32
        %lt3A_893 = arith.cmpi slt, %select_n3A_886, %lt3A_892 : i32
        %ne3A_894 = arith.xori %lt3A_891, %lt3A_893 : i1
        %and3A_895 = arith.andi %ne3A_894, %ne3A_889 : i1
        %add3A_896 = arith.addi %rem3A_887, %select_n3A_886 : i32
        %select_n3A_897 = arith.select %and3A_895, %add3A_896, %rem3A_887 : i32
        %dma_start3A_898 = arith.constant 0 : i32
        %dma_start3A_899 = arith.constant 0 : i32
        %dma_start3A_900 = tpu.memref_slice %arg14[%select_n3A_881, %dma_start3A_898, %dma_start3A_899] : memref<10x64x128xf32, #tpu.memory_space<vmem>> -> memref<1x64x128xf32, #tpu.memory_space<vmem>>
        %dma_start3A_901 = tpu.memref_squeeze %dma_start3A_900 : memref<1x64x128xf32, #tpu.memory_space<vmem>> -> memref<64x128xf32, #tpu.memory_space<vmem>>
        %dma_start3A_902 = arith.constant 0 : i32
        %dma_start3A_903 = tpu.memref_slice %arg3[%dma_start3A_902, %multiple_of3A] : memref<64x1000000xf32, #tpu.memory_space<hbm>> -> memref<64x128xf32, #tpu.memory_space<hbm>>
        %dma_start3A_904 = tpu.memref_slice %arg17[%select_n3A_897] : memref<10x!tpu.dma_semaphore, #tpu.memory_space<semaphore_mem>> -> memref<1x!tpu.dma_semaphore, #tpu.memory_space<semaphore_mem>>
        %dma_start3A_905 = tpu.memref_squeeze %dma_start3A_904 : memref<1x!tpu.dma_semaphore, #tpu.memory_space<semaphore_mem>> -> memref<!tpu.dma_semaphore, #tpu.memory_space<semaphore_mem>>
        %dma_start3A_906 = arith.constant 0 : i32
        %dma_start3A_907 = arith.constant 0 : i32
        %dma_start3A_908 = tpu.memref_slice %arg14[%select_n3A_881, %dma_start3A_906, %dma_start3A_907] : memref<10x64x128xf32, #tpu.memory_space<vmem>> -> memref<1x64x128xf32, #tpu.memory_space<vmem>>
        %dma_start3A_909 = tpu.memref_squeeze %dma_start3A_908 : memref<1x64x128xf32, #tpu.memory_space<vmem>> -> memref<64x128xf32, #tpu.memory_space<vmem>>
        %dma_start3A_910 = arith.constant 0 : i32
        %dma_start3A_911 = tpu.memref_slice %arg3[%dma_start3A_910, %multiple_of3A] : memref<64x1000000xf32, #tpu.memory_space<hbm>> -> memref<64x128xf32, #tpu.memory_space<hbm>>
        tpu.enqueue_dma source(%dma_start3A_911 : memref<64x128xf32, #tpu.memory_space<hbm>>) target(%dma_start3A_909 : memref<64x128xf32, #tpu.memory_space<vmem>>) target_semaphore(%dma_start3A_905 : memref<!tpu.dma_semaphore, #tpu.memory_space<semaphore_mem>>)
      } else {
      }
      %add3A_440 = arith.addi %add3A_430, %convert_element_type3A_434 : i32
      %shift_right_arithmetic3A_441 = arith.constant 7 : i32
      %shift_right_arithmetic3A_442 = arith.shrsi %select_n3A_415, %shift_right_arithmetic3A_441 : i32
      %ne3A_443 = arith.cmpi ne, %shift_right_arithmetic3A_442, %shift_right_arithmetic3A_422 : i32
      %convert_element_type3A_444 = arith.extui %ne3A_443 : i1 to i32
      %eq3A_445 = arith.constant 1 : i32
      %eq3A_446 = arith.cmpi eq, %convert_element_type3A_444, %eq3A_445 : i32
      %convert_element_type3A_447 = arith.extui %eq3A_446 : i1 to i32
      %cond3A_448 = arith.constant 0 : i32
      %cond3A_449 = arith.cmpi ne, %convert_element_type3A_447, %cond3A_448 : i32
      scf.if %cond3A_449 {
        %mul3A_864 = arith.constant 128 : i32
        %mul3A_865 = arith.muli %shift_right_arithmetic3A_442, %mul3A_864 : i32
        %multiple_of3A = tpu.assume_multiple %mul3A_865, 128 : i32
        %jit3A_866 = arith.constant 10 : i32
        %eq3A_867 = arith.constant 0 : i32
        %eq3A_868 = arith.cmpi eq, %jit3A_866, %eq3A_867 : i32
        %jit3A_869 = arith.constant 1 : i32
        %select_n3A_870 = arith.select %eq3A_868, %jit3A_869, %jit3A_866 : i32
        %rem3A_871 = arith.remsi %add3A_440, %select_n3A_870 : i32
        %ne3A_872 = arith.constant 0 : i32
        %ne3A_873 = arith.cmpi ne, %rem3A_871, %ne3A_872 : i32
        %lt3A_874 = arith.constant 0 : i32
        %lt3A_875 = arith.cmpi slt, %rem3A_871, %lt3A_874 : i32
        %lt3A_876 = arith.constant 0 : i32
        %lt3A_877 = arith.cmpi slt, %select_n3A_870, %lt3A_876 : i32
        %ne3A_878 = arith.xori %lt3A_875, %lt3A_877 : i1
        %and3A_879 = arith.andi %ne3A_878, %ne3A_873 : i1
        %add3A_880 = arith.addi %rem3A_871, %select_n3A_870 : i32
        %select_n3A_881 = arith.select %and3A_879, %add3A_880, %rem3A_871 : i32
        %jit3A_882 = arith.constant 10 : i32
        %eq3A_883 = arith.constant 0 : i32
        %eq3A_884 = arith.cmpi eq, %jit3A_882, %eq3A_883 : i32
        %jit3A_885 = arith.constant 1 : i32
        %select_n3A_886 = arith.select %eq3A_884, %jit3A_885, %jit3A_882 : i32
        %rem3A_887 = arith.remsi %add3A_440, %select_n3A_886 : i32
        %ne3A_888 = arith.constant 0 : i32
        %ne3A_889 = arith.cmpi ne, %rem3A_887, %ne3A_888 : i32
        %lt3A_890 = arith.constant 0 : i32
        %lt3A_891 = arith.cmpi slt, %rem3A_887, %lt3A_890 : i32
        %lt3A_892 = arith.constant 0 : i32
        %lt3A_893 = arith.cmpi slt, %select_n3A_886, %lt3A_892 : i32
        %ne3A_894 = arith.xori %lt3A_891, %lt3A_893 : i1
        %and3A_895 = arith.andi %ne3A_894, %ne3A_889 : i1
        %add3A_896 = arith.addi %rem3A_887, %select_n3A_886 : i32
        %select_n3A_897 = arith.select %and3A_895, %add3A_896, %rem3A_887 : i32
        %dma_start3A_898 = arith.constant 0 : i32
        %dma_start3A_899 = arith.constant 0 : i32
        %dma_start3A_900 = tpu.memref_slice %arg14[%select_n3A_881, %dma_start3A_898, %dma_start3A_899] : memref<10x64x128xf32, #tpu.memory_space<vmem>> -> memref<1x64x128xf32, #tpu.memory_space<vmem>>
        %dma_start3A_901 = tpu.memref_squeeze %dma_start3A_900 : memref<1x64x128xf32, #tpu.memory_space<vmem>> -> memref<64x128xf32, #tpu.memory_space<vmem>>
        %dma_start3A_902 = arith.constant 0 : i32
        %dma_start3A_903 = tpu.memref_slice %arg2[%dma_start3A_902, %multiple_of3A] : memref<64x1000000xf32, #tpu.memory_space<hbm>> -> memref<64x128xf32, #tpu.memory_space<hbm>>
        %dma_start3A_904 = tpu.memref_slice %arg17[%select_n3A_897] : memref<10x!tpu.dma_semaphore, #tpu.memory_space<semaphore_mem>> -> memref<1x!tpu.dma_semaphore, #tpu.memory_space<semaphore_mem>>
        %dma_start3A_905 = tpu.memref_squeeze %dma_start3A_904 : memref<1x!tpu.dma_semaphore, #tpu.memory_space<semaphore_mem>> -> memref<!tpu.dma_semaphore, #tpu.memory_space<semaphore_mem>>
        %dma_start3A_906 = arith.constant 0 : i32
        %dma_start3A_907 = arith.constant 0 : i32
        %dma_start3A_908 = tpu.memref_slice %arg14[%select_n3A_881, %dma_start3A_906, %dma_start3A_907] : memref<10x64x128xf32, #tpu.memory_space<vmem>> -> memref<1x64x128xf32, #tpu.memory_space<vmem>>
        %dma_start3A_909 = tpu.memref_squeeze %dma_start3A_908 : memref<1x64x128xf32, #tpu.memory_space<vmem>> -> memref<64x128xf32, #tpu.memory_space<vmem>>
        %dma_start3A_910 = arith.constant 0 : i32
        %dma_start3A_911 = tpu.memref_slice %arg2[%dma_start3A_910, %multiple_of3A] : memref<64x1000000xf32, #tpu.memory_space<hbm>> -> memref<64x128xf32, #tpu.memory_space<hbm>>
        tpu.enqueue_dma source(%dma_start3A_911 : memref<64x128xf32, #tpu.memory_space<hbm>>) target(%dma_start3A_909 : memref<64x128xf32, #tpu.memory_space<vmem>>) target_semaphore(%dma_start3A_905 : memref<!tpu.dma_semaphore, #tpu.memory_space<semaphore_mem>>)
      } else {
      }
      %add3A_450 = arith.addi %add3A_440, %convert_element_type3A_444 : i32
      %shift_right_arithmetic3A_451 = arith.constant 7 : i32
      %shift_right_arithmetic3A_452 = arith.shrsi %select_n3A_420, %shift_right_arithmetic3A_451 : i32
      %ne3A_453 = arith.cmpi ne, %shift_right_arithmetic3A_452, %shift_right_arithmetic3A_432 : i32
      %convert_element_type3A_454 = arith.extui %ne3A_453 : i1 to i32
      %eq3A_455 = arith.constant 1 : i32
      %eq3A_456 = arith.cmpi eq, %convert_element_type3A_454, %eq3A_455 : i32
      %convert_element_type3A_457 = arith.extui %eq3A_456 : i1 to i32
      %cond3A_458 = arith.constant 0 : i32
      %cond3A_459 = arith.cmpi ne, %convert_element_type3A_457, %cond3A_458 : i32
      scf.if %cond3A_459 {
        %mul3A_864 = arith.constant 128 : i32
        %mul3A_865 = arith.muli %shift_right_arithmetic3A_452, %mul3A_864 : i32
        %multiple_of3A = tpu.assume_multiple %mul3A_865, 128 : i32
        %jit3A_866 = arith.constant 10 : i32
        %eq3A_867 = arith.constant 0 : i32
        %eq3A_868 = arith.cmpi eq, %jit3A_866, %eq3A_867 : i32
        %jit3A_869 = arith.constant 1 : i32
        %select_n3A_870 = arith.select %eq3A_868, %jit3A_869, %jit3A_866 : i32
        %rem3A_871 = arith.remsi %add3A_450, %select_n3A_870 : i32
        %ne3A_872 = arith.constant 0 : i32
        %ne3A_873 = arith.cmpi ne, %rem3A_871, %ne3A_872 : i32
        %lt3A_874 = arith.constant 0 : i32
        %lt3A_875 = arith.cmpi slt, %rem3A_871, %lt3A_874 : i32
        %lt3A_876 = arith.constant 0 : i32
        %lt3A_877 = arith.cmpi slt, %select_n3A_870, %lt3A_876 : i32
        %ne3A_878 = arith.xori %lt3A_875, %lt3A_877 : i1
        %and3A_879 = arith.andi %ne3A_878, %ne3A_873 : i1
        %add3A_880 = arith.addi %rem3A_871, %select_n3A_870 : i32
        %select_n3A_881 = arith.select %and3A_879, %add3A_880, %rem3A_871 : i32
        %jit3A_882 = arith.constant 10 : i32
        %eq3A_883 = arith.constant 0 : i32
        %eq3A_884 = arith.cmpi eq, %jit3A_882, %eq3A_883 : i32
        %jit3A_885 = arith.constant 1 : i32
        %select_n3A_886 = arith.select %eq3A_884, %jit3A_885, %jit3A_882 : i32
        %rem3A_887 = arith.remsi %add3A_450, %select_n3A_886 : i32
        %ne3A_888 = arith.constant 0 : i32
        %ne3A_889 = arith.cmpi ne, %rem3A_887, %ne3A_888 : i32
        %lt3A_890 = arith.constant 0 : i32
        %lt3A_891 = arith.cmpi slt, %rem3A_887, %lt3A_890 : i32
        %lt3A_892 = arith.constant 0 : i32
        %lt3A_893 = arith.cmpi slt, %select_n3A_886, %lt3A_892 : i32
        %ne3A_894 = arith.xori %lt3A_891, %lt3A_893 : i1
        %and3A_895 = arith.andi %ne3A_894, %ne3A_889 : i1
        %add3A_896 = arith.addi %rem3A_887, %select_n3A_886 : i32
        %select_n3A_897 = arith.select %and3A_895, %add3A_896, %rem3A_887 : i32
        %dma_start3A_898 = arith.constant 0 : i32
        %dma_start3A_899 = arith.constant 0 : i32
        %dma_start3A_900 = tpu.memref_slice %arg14[%select_n3A_881, %dma_start3A_898, %dma_start3A_899] : memref<10x64x128xf32, #tpu.memory_space<vmem>> -> memref<1x64x128xf32, #tpu.memory_space<vmem>>
        %dma_start3A_901 = tpu.memref_squeeze %dma_start3A_900 : memref<1x64x128xf32, #tpu.memory_space<vmem>> -> memref<64x128xf32, #tpu.memory_space<vmem>>
        %dma_start3A_902 = arith.constant 0 : i32
        %dma_start3A_903 = tpu.memref_slice %arg3[%dma_start3A_902, %multiple_of3A] : memref<64x1000000xf32, #tpu.memory_space<hbm>> -> memref<64x128xf32, #tpu.memory_space<hbm>>
        %dma_start3A_904 = tpu.memref_slice %arg17[%select_n3A_897] : memref<10x!tpu.dma_semaphore, #tpu.memory_space<semaphore_mem>> -> memref<1x!tpu.dma_semaphore, #tpu.memory_space<semaphore_mem>>
        %dma_start3A_905 = tpu.memref_squeeze %dma_start3A_904 : memref<1x!tpu.dma_semaphore, #tpu.memory_space<semaphore_mem>> -> memref<!tpu.dma_semaphore, #tpu.memory_space<semaphore_mem>>
        %dma_start3A_906 = arith.constant 0 : i32
        %dma_start3A_907 = arith.constant 0 : i32
        %dma_start3A_908 = tpu.memref_slice %arg14[%select_n3A_881, %dma_start3A_906, %dma_start3A_907] : memref<10x64x128xf32, #tpu.memory_space<vmem>> -> memref<1x64x128xf32, #tpu.memory_space<vmem>>
        %dma_start3A_909 = tpu.memref_squeeze %dma_start3A_908 : memref<1x64x128xf32, #tpu.memory_space<vmem>> -> memref<64x128xf32, #tpu.memory_space<vmem>>
        %dma_start3A_910 = arith.constant 0 : i32
        %dma_start3A_911 = tpu.memref_slice %arg3[%dma_start3A_910, %multiple_of3A] : memref<64x1000000xf32, #tpu.memory_space<hbm>> -> memref<64x128xf32, #tpu.memory_space<hbm>>
        tpu.enqueue_dma source(%dma_start3A_911 : memref<64x128xf32, #tpu.memory_space<hbm>>) target(%dma_start3A_909 : memref<64x128xf32, #tpu.memory_space<vmem>>) target_semaphore(%dma_start3A_905 : memref<!tpu.dma_semaphore, #tpu.memory_space<semaphore_mem>>)
      } else {
      }
      %add3A_460 = arith.addi %add3A_450, %convert_element_type3A_454 : i32
      %jit3A_461 = arith.constant 8 : i32
      %div3A_462 = arith.divsi %scan3A_239, %jit3A_461 : i32
      %sign3A_463 = arith.constant 0 : i32
      %sign3A_464 = arith.cmpi sgt, %scan3A_239, %sign3A_463 : i32
      %sign3A_465 = arith.extui %sign3A_464 : i1 to i32
      %sign3A_466 = arith.constant 0 : i32
      %sign3A_467 = arith.cmpi slt, %scan3A_239, %sign3A_466 : i32
      %sign3A_468 = arith.extui %sign3A_467 : i1 to i32
      %sign3A_469 = arith.subi %sign3A_465, %sign3A_468 : i32
      %sign3A_470 = arith.constant 0 : i32
      %sign3A_471 = arith.cmpi sgt, %jit3A_461, %sign3A_470 : i32
      %sign3A_472 = arith.extui %sign3A_471 : i1 to i32
      %sign3A_473 = arith.constant 0 : i32
      %sign3A_474 = arith.cmpi slt, %jit3A_461, %sign3A_473 : i32
      %sign3A_475 = arith.extui %sign3A_474 : i1 to i32
      %sign3A_476 = arith.subi %sign3A_472, %sign3A_475 : i32
      %ne3A_477 = arith.cmpi ne, %sign3A_469, %sign3A_476 : i32
      %rem3A_478 = arith.remsi %scan3A_239, %jit3A_461 : i32
      %ne3A_479 = arith.constant 0 : i32
      %ne3A_480 = arith.cmpi ne, %rem3A_478, %ne3A_479 : i32
      %and3A_481 = arith.andi %ne3A_477, %ne3A_480 : i1
      %sub3A_482 = arith.constant 1 : i32
      %sub3A_483 = arith.subi %div3A_462, %sub3A_482 : i32
      %select_n3A_484 = arith.select %and3A_481, %sub3A_483, %div3A_462 : i32
      %mul3A_485 = arith.constant 16 : i32
      %mul3A_486 = arith.muli %select_n3A_484, %mul3A_485 : i32
      %get3A_487 = arith.index_cast %mul3A_486 : i32 to index
      %get3A_488 = tpu.vector_load %arg10[%get3A_487] {strides = array<i32>} : memref<512xi32, #tpu.memory_space<vmem>>, vector<16xi32>,
      %mul3A_489 = arith.constant 2 : i32
      %mul3A_490 = arith.muli %mul3A_489, %scan3A_239 : i32
      %jit3A_491 = arith.constant 16 : i32
      %eq3A_492 = arith.constant 0 : i32
      %eq3A_493 = arith.cmpi eq, %jit3A_491, %eq3A_492 : i32
      %jit3A_494 = arith.constant 1 : i32
      %select_n3A_495 = arith.select %eq3A_493, %jit3A_494, %jit3A_491 : i32
      %rem3A_496 = arith.remsi %mul3A_490, %select_n3A_495 : i32
      %ne3A_497 = arith.constant 0 : i32
      %ne3A_498 = arith.cmpi ne, %rem3A_496, %ne3A_497 : i32
      %lt3A_499 = arith.constant 0 : i32
      %lt3A_500 = arith.cmpi slt, %rem3A_496, %lt3A_499 : i32
      %lt3A_501 = arith.constant 0 : i32
      %lt3A_502 = arith.cmpi slt, %select_n3A_495, %lt3A_501 : i32
      %ne3A_503 = arith.xori %lt3A_500, %lt3A_502 : i1
      %and3A_504 = arith.andi %ne3A_503, %ne3A_498 : i1
      %add3A_505 = arith.addi %rem3A_496, %select_n3A_495 : i32
      %select_n3A_506 = arith.select %and3A_504, %add3A_505, %rem3A_496 : i32
      %eq3A_507 = vector.broadcast %select_n3A_506 : i32 to vector<16xi32>
      %eq3A_508 = arith.cmpi eq, %iota3A, %eq3A_507 : vector<16xi32>
      %jit3A_509 = arith.constant 0 : i32
      %broadcast_in_dim3A_510 = vector.broadcast %jit3A_509 : i32 to vector<16xi32>
      %select_n3A_511 = arith.select %eq3A_508, %get3A_488, %broadcast_in_dim3A_510 : vector<16xi1>, vector<16xi32>
      %reduce_max3A_512 = arith.constant true
      %reduce_max3A_513 = vector.broadcast %reduce_max3A_512 : i1 to vector<16xi1>
      %reduce_max3A_514 = arith.constant -2147483648 : i32
      %reduce_max3A_515 = vector.broadcast %reduce_max3A_514 : i32 to vector<16xi32>
      %reduce_max3A_516 = arith.xori %select_n3A_511, %reduce_max3A_515 : vector<16xi32>
      %reduce_max3A_517 = tpu.scan <max>, %reduce_max3A_516 masked %reduce_max3A_513 : vector<16xi32>, vector<16xi1> -> vector<16xi32>
      %reduce_max3A_518 = arith.xori %reduce_max3A_517, %reduce_max3A_515 : vector<16xi32>
      %reduce_max3A_519 = vector.extract %reduce_max3A_518[15] : i32 from vector<16xi32>
      %add3A_520 = arith.constant 1 : i32
      %add3A_521 = arith.addi %select_n3A_506, %add3A_520 : i32
      %eq3A_522 = vector.broadcast %add3A_521 : i32 to vector<16xi32>
      %eq3A_523 = arith.cmpi eq, %iota3A, %eq3A_522 : vector<16xi32>
      %jit3A_524 = arith.constant 0 : i32
      %broadcast_in_dim3A_525 = vector.broadcast %jit3A_524 : i32 to vector<16xi32>
      %select_n3A_526 = arith.select %eq3A_523, %get3A_488, %broadcast_in_dim3A_525 : vector<16xi1>, vector<16xi32>
      %reduce_max3A_527 = arith.constant true
      %reduce_max3A_528 = vector.broadcast %reduce_max3A_527 : i1 to vector<16xi1>
      %reduce_max3A_529 = arith.constant -2147483648 : i32
      %reduce_max3A_530 = vector.broadcast %reduce_max3A_529 : i32 to vector<16xi32>
      %reduce_max3A_531 = arith.xori %select_n3A_526, %reduce_max3A_530 : vector<16xi32>
      %reduce_max3A_532 = tpu.scan <max>, %reduce_max3A_531 masked %reduce_max3A_528 : vector<16xi32>, vector<16xi1> -> vector<16xi32>
      %reduce_max3A_533 = arith.xori %reduce_max3A_532, %reduce_max3A_530 : vector<16xi32>
      %reduce_max3A_534 = vector.extract %reduce_max3A_533[15] : i32 from vector<16xi32>
      %jit3A_535 = arith.constant 8 : i32
      %div3A_536 = arith.divsi %scan3A_239, %jit3A_535 : i32
      %sign3A_537 = arith.constant 0 : i32
      %sign3A_538 = arith.cmpi sgt, %scan3A_239, %sign3A_537 : i32
      %sign3A_539 = arith.extui %sign3A_538 : i1 to i32
      %sign3A_540 = arith.constant 0 : i32
      %sign3A_541 = arith.cmpi slt, %scan3A_239, %sign3A_540 : i32
      %sign3A_542 = arith.extui %sign3A_541 : i1 to i32
      %sign3A_543 = arith.subi %sign3A_539, %sign3A_542 : i32
      %sign3A_544 = arith.constant 0 : i32
      %sign3A_545 = arith.cmpi sgt, %jit3A_535, %sign3A_544 : i32
      %sign3A_546 = arith.extui %sign3A_545 : i1 to i32
      %sign3A_547 = arith.constant 0 : i32
      %sign3A_548 = arith.cmpi slt, %jit3A_535, %sign3A_547 : i32
      %sign3A_549 = arith.extui %sign3A_548 : i1 to i32
      %sign3A_550 = arith.subi %sign3A_546, %sign3A_549 : i32
      %ne3A_551 = arith.cmpi ne, %sign3A_543, %sign3A_550 : i32
      %rem3A_552 = arith.remsi %scan3A_239, %jit3A_535 : i32
      %ne3A_553 = arith.constant 0 : i32
      %ne3A_554 = arith.cmpi ne, %rem3A_552, %ne3A_553 : i32
      %and3A_555 = arith.andi %ne3A_551, %ne3A_554 : i1
      %sub3A_556 = arith.constant 1 : i32
      %sub3A_557 = arith.subi %div3A_536, %sub3A_556 : i32
      %select_n3A_558 = arith.select %and3A_555, %sub3A_557, %div3A_536 : i32
      %mul3A_559 = arith.constant 16 : i32
      %mul3A_560 = arith.muli %select_n3A_558, %mul3A_559 : i32
      %get3A_561 = arith.index_cast %mul3A_560 : i32 to index
      %get3A_562 = tpu.vector_load %arg11[%get3A_561] {strides = array<i32>} : memref<512xi32, #tpu.memory_space<vmem>>, vector<16xi32>,
      %mul3A_563 = arith.constant 2 : i32
      %mul3A_564 = arith.muli %mul3A_563, %scan3A_239 : i32
      %jit3A_565 = arith.constant 16 : i32
      %eq3A_566 = arith.constant 0 : i32
      %eq3A_567 = arith.cmpi eq, %jit3A_565, %eq3A_566 : i32
      %jit3A_568 = arith.constant 1 : i32
      %select_n3A_569 = arith.select %eq3A_567, %jit3A_568, %jit3A_565 : i32
      %rem3A_570 = arith.remsi %mul3A_564, %select_n3A_569 : i32
      %ne3A_571 = arith.constant 0 : i32
      %ne3A_572 = arith.cmpi ne, %rem3A_570, %ne3A_571 : i32
      %lt3A_573 = arith.constant 0 : i32
      %lt3A_574 = arith.cmpi slt, %rem3A_570, %lt3A_573 : i32
      %lt3A_575 = arith.constant 0 : i32
      %lt3A_576 = arith.cmpi slt, %select_n3A_569, %lt3A_575 : i32
      %ne3A_577 = arith.xori %lt3A_574, %lt3A_576 : i1
      %and3A_578 = arith.andi %ne3A_577, %ne3A_572 : i1
      %add3A_579 = arith.addi %rem3A_570, %select_n3A_569 : i32
      %select_n3A_580 = arith.select %and3A_578, %add3A_579, %rem3A_570 : i32
      %eq3A_581 = vector.broadcast %select_n3A_580 : i32 to vector<16xi32>
      %eq3A_582 = arith.cmpi eq, %iota3A, %eq3A_581 : vector<16xi32>
      %jit3A_583 = arith.constant 0 : i32
      %broadcast_in_dim3A_584 = vector.broadcast %jit3A_583 : i32 to vector<16xi32>
      %select_n3A_585 = arith.select %eq3A_582, %get3A_562, %broadcast_in_dim3A_584 : vector<16xi1>, vector<16xi32>
      %reduce_max3A_586 = arith.constant true
      %reduce_max3A_587 = vector.broadcast %reduce_max3A_586 : i1 to vector<16xi1>
      %reduce_max3A_588 = arith.constant -2147483648 : i32
      %reduce_max3A_589 = vector.broadcast %reduce_max3A_588 : i32 to vector<16xi32>
      %reduce_max3A_590 = arith.xori %select_n3A_585, %reduce_max3A_589 : vector<16xi32>
      %reduce_max3A_591 = tpu.scan <max>, %reduce_max3A_590 masked %reduce_max3A_587 : vector<16xi32>, vector<16xi1> -> vector<16xi32>
      %reduce_max3A_592 = arith.xori %reduce_max3A_591, %reduce_max3A_589 : vector<16xi32>
      %reduce_max3A_593 = vector.extract %reduce_max3A_592[15] : i32 from vector<16xi32>
      %add3A_594 = arith.constant 1 : i32
      %add3A_595 = arith.addi %select_n3A_580, %add3A_594 : i32
      %eq3A_596 = vector.broadcast %add3A_595 : i32 to vector<16xi32>
      %eq3A_597 = arith.cmpi eq, %iota3A, %eq3A_596 : vector<16xi32>
      %jit3A_598 = arith.constant 0 : i32
      %broadcast_in_dim3A_599 = vector.broadcast %jit3A_598 : i32 to vector<16xi32>
      %select_n3A_600 = arith.select %eq3A_597, %get3A_562, %broadcast_in_dim3A_599 : vector<16xi1>, vector<16xi32>
      %reduce_max3A_601 = arith.constant true
      %reduce_max3A_602 = vector.broadcast %reduce_max3A_601 : i1 to vector<16xi1>
      %reduce_max3A_603 = arith.constant -2147483648 : i32
      %reduce_max3A_604 = vector.broadcast %reduce_max3A_603 : i32 to vector<16xi32>
      %reduce_max3A_605 = arith.xori %select_n3A_600, %reduce_max3A_604 : vector<16xi32>
      %reduce_max3A_606 = tpu.scan <max>, %reduce_max3A_605 masked %reduce_max3A_602 : vector<16xi32>, vector<16xi1> -> vector<16xi32>
      %reduce_max3A_607 = arith.xori %reduce_max3A_606, %reduce_max3A_604 : vector<16xi32>
      %reduce_max3A_608 = vector.extract %reduce_max3A_607[15] : i32 from vector<16xi32>
      %mul3A_609 = arith.constant 2 : i32
      %mul3A_610 = arith.muli %mul3A_609, %scan3A_239 : i32
      %sub3A_611 = arith.constant 256 : i32
      %sub3A_612 = arith.subi %mul3A_610, %sub3A_611 : i32
      %shift_right_arithmetic3A_613 = arith.constant 7 : i32
      %shift_right_arithmetic3A_614 = arith.shrsi %reduce_max3A_519, %shift_right_arithmetic3A_613 : i32
      %ne3A_615 = arith.cmpi ne, %shift_right_arithmetic3A_614, %scan3A_243 : i32
      %convert_element_type3A_616 = arith.extui %ne3A_615 : i1 to i32
      %eq3A_617 = arith.constant 1 : i32
      %eq3A_618 = arith.cmpi eq, %convert_element_type3A_616, %eq3A_617 : i32
      %convert_element_type3A_619 = arith.extui %eq3A_618 : i1 to i32
      %cond3A_620 = arith.constant 0 : i32
      %cond3A_621 = arith.cmpi ne, %convert_element_type3A_619, %cond3A_620 : i32
      scf.if %cond3A_621 {
        %jit3A_864 = arith.constant 10 : i32
        %eq3A_865 = arith.constant 0 : i32
        %eq3A_866 = arith.cmpi eq, %jit3A_864, %eq3A_865 : i32
        %jit3A_867 = arith.constant 1 : i32
        %select_n3A_868 = arith.select %eq3A_866, %jit3A_867, %jit3A_864 : i32
        %rem3A_869 = arith.remsi %scan3A_245, %select_n3A_868 : i32
        %ne3A_870 = arith.constant 0 : i32
        %ne3A_871 = arith.cmpi ne, %rem3A_869, %ne3A_870 : i32
        %lt3A_872 = arith.constant 0 : i32
        %lt3A_873 = arith.cmpi slt, %rem3A_869, %lt3A_872 : i32
        %lt3A_874 = arith.constant 0 : i32
        %lt3A_875 = arith.cmpi slt, %select_n3A_868, %lt3A_874 : i32
        %ne3A_876 = arith.xori %lt3A_873, %lt3A_875 : i1
        %and3A_877 = arith.andi %ne3A_876, %ne3A_871 : i1
        %add3A_878 = arith.addi %rem3A_869, %select_n3A_868 : i32
        %select_n3A_879 = arith.select %and3A_877, %add3A_878, %rem3A_869 : i32
        %dma_wait3A_880 = arith.constant 0 : i32
        %dma_wait3A_881 = arith.constant 0 : i32
        %dma_wait3A_882 = arith.constant 0 : i32
        %dma_wait3A_883 = tpu.memref_slice %arg14[%dma_wait3A_880, %dma_wait3A_881, %dma_wait3A_882] : memref<10x64x128xf32, #tpu.memory_space<vmem>> -> memref<1x64x128xf32, #tpu.memory_space<vmem>>
        %dma_wait3A_884 = tpu.memref_squeeze %dma_wait3A_883 : memref<1x64x128xf32, #tpu.memory_space<vmem>> -> memref<64x128xf32, #tpu.memory_space<vmem>>
        %dma_wait3A_885 = arith.constant 0 : i32
        %dma_wait3A_886 = arith.constant 0 : i32
        %dma_wait3A_887 = tpu.memref_slice %arg2[%dma_wait3A_885, %dma_wait3A_886] : memref<64x1000000xf32, #tpu.memory_space<hbm>> -> memref<64x128xf32, #tpu.memory_space<hbm>>
        %dma_wait3A_888 = tpu.memref_slice %arg17[%select_n3A_879] : memref<10x!tpu.dma_semaphore, #tpu.memory_space<semaphore_mem>> -> memref<1x!tpu.dma_semaphore, #tpu.memory_space<semaphore_mem>>
        %dma_wait3A_889 = tpu.memref_squeeze %dma_wait3A_888 : memref<1x!tpu.dma_semaphore, #tpu.memory_space<semaphore_mem>> -> memref<!tpu.dma_semaphore, #tpu.memory_space<semaphore_mem>>
        %dma_wait3A_890 = arith.constant 0 : i32
        %dma_wait3A_891 = arith.constant 0 : i32
        %dma_wait3A_892 = tpu.memref_slice %arg14[%dma_wait3A_880, %dma_wait3A_890, %dma_wait3A_891] : memref<10x64x128xf32, #tpu.memory_space<vmem>> -> memref<1x64x128xf32, #tpu.memory_space<vmem>>
        %dma_wait3A_893 = tpu.memref_squeeze %dma_wait3A_892 : memref<1x64x128xf32, #tpu.memory_space<vmem>> -> memref<64x128xf32, #tpu.memory_space<vmem>>
        %dma_wait3A_894 = arith.constant 0 : i32
        %dma_wait3A_895 = arith.constant 0 : i32
        %dma_wait3A_896 = tpu.memref_slice %arg2[%dma_wait3A_894, %dma_wait3A_895] : memref<64x1000000xf32, #tpu.memory_space<hbm>> -> memref<64x128xf32, #tpu.memory_space<hbm>>
        tpu.wait_dma2 semaphore(%dma_wait3A_889 : memref<!tpu.dma_semaphore, #tpu.memory_space<semaphore_mem>>) src(%dma_wait3A_896 : memref<64x128xf32, #tpu.memory_space<hbm>>) dst(%dma_wait3A_893 : memref<64x128xf32, #tpu.memory_space<vmem>>)
      } else {
      }
      %eq3A_622 = arith.constant 1 : i32
      %eq3A_623 = arith.cmpi eq, %convert_element_type3A_616, %eq3A_622 : i32
      %jit3A_624 = arith.constant 10 : i32
      %eq3A_625 = arith.constant 0 : i32
      %eq3A_626 = arith.cmpi eq, %jit3A_624, %eq3A_625 : i32
      %jit3A_627 = arith.constant 1 : i32
      %select_n3A_628 = arith.select %eq3A_626, %jit3A_627, %jit3A_624 : i32
      %rem3A_629 = arith.remsi %scan3A_245, %select_n3A_628 : i32
      %ne3A_630 = arith.constant 0 : i32
      %ne3A_631 = arith.cmpi ne, %rem3A_629, %ne3A_630 : i32
      %lt3A_632 = arith.constant 0 : i32
      %lt3A_633 = arith.cmpi slt, %rem3A_629, %lt3A_632 : i32
      %lt3A_634 = arith.constant 0 : i32
      %lt3A_635 = arith.cmpi slt, %select_n3A_628, %lt3A_634 : i32
      %ne3A_636 = arith.xori %lt3A_633, %lt3A_635 : i1
      %and3A_637 = arith.andi %ne3A_636, %ne3A_631 : i1
      %add3A_638 = arith.addi %rem3A_629, %select_n3A_628 : i32
      %select_n3A_639 = arith.select %and3A_637, %add3A_638, %rem3A_629 : i32
      %select_n3A_640 = arith.select %eq3A_623, %select_n3A_639, %scan3A_246 : i32
      %broadcast_in_dim3A_641 = vector.broadcast %select_n3A_640 : i32 to vector<16xi32>
      %and3A_642 = arith.constant 127 : i32
      %and3A_643 = arith.andi %reduce_max3A_519, %and3A_642 : i32
      %broadcast_in_dim3A_644 = vector.broadcast %and3A_643 : i32 to vector<16xi32>
      %broadcast_in_dim3A_645 = vector.broadcast %sub3A_612 : i32 to vector<16xi32>
      %add3A_646 = arith.constant 0 : i32
      %add3A_647 = vector.broadcast %add3A_646 : i32 to vector<16xi32>
      %add3A_648 = arith.addi %add3A_647, %iota3A : vector<16xi32>
      %gather3A = tpu.vector_load_idx %arg14[%broadcast_in_dim3A_641, %add3A_648, %broadcast_in_dim3A_644] : memref<10x64x128xf32, #tpu.memory_space<vmem>>[vector<16xi32>, vector<16xi32>, vector<16xi32>], vector<16xf32>,
      %add3A_649 = arith.constant 0 : i32
      %add3A_650 = vector.broadcast %add3A_649 : i32 to vector<16xi32>
      %add3A_651 = arith.addi %add3A_650, %iota3A : vector<16xi32>
      tpu.vector_store_idx %arg15[%broadcast_in_dim3A_645, %add3A_651], %gather3A : memref<128x128xf32, #tpu.memory_space<vmem>>[vector<16xi32>, vector<16xi32>], vector<16xf32>,
      %add3A_652 = arith.constant 16 : i32
      %add3A_653 = vector.broadcast %add3A_652 : i32 to vector<16xi32>
      %add3A_654 = arith.addi %add3A_653, %iota3A : vector<16xi32>
      %gather3A_655 = tpu.vector_load_idx %arg14[%broadcast_in_dim3A_641, %add3A_654, %broadcast_in_dim3A_644] : memref<10x64x128xf32, #tpu.memory_space<vmem>>[vector<16xi32>, vector<16xi32>, vector<16xi32>], vector<16xf32>,
      %add3A_656 = arith.constant 16 : i32
      %add3A_657 = vector.broadcast %add3A_656 : i32 to vector<16xi32>
      %add3A_658 = arith.addi %add3A_657, %iota3A : vector<16xi32>
      tpu.vector_store_idx %arg15[%broadcast_in_dim3A_645, %add3A_658], %gather3A_655 : memref<128x128xf32, #tpu.memory_space<vmem>>[vector<16xi32>, vector<16xi32>], vector<16xf32>,
      %add3A_659 = arith.constant 32 : i32
      %add3A_660 = vector.broadcast %add3A_659 : i32 to vector<16xi32>
      %add3A_661 = arith.addi %add3A_660, %iota3A : vector<16xi32>
      %gather3A_662 = tpu.vector_load_idx %arg14[%broadcast_in_dim3A_641, %add3A_661, %broadcast_in_dim3A_644] : memref<10x64x128xf32, #tpu.memory_space<vmem>>[vector<16xi32>, vector<16xi32>, vector<16xi32>], vector<16xf32>,
      %add3A_663 = arith.constant 32 : i32
      %add3A_664 = vector.broadcast %add3A_663 : i32 to vector<16xi32>
      %add3A_665 = arith.addi %add3A_664, %iota3A : vector<16xi32>
      tpu.vector_store_idx %arg15[%broadcast_in_dim3A_645, %add3A_665], %gather3A_662 : memref<128x128xf32, #tpu.memory_space<vmem>>[vector<16xi32>, vector<16xi32>], vector<16xf32>,
      %add3A_666 = arith.constant 48 : i32
      %add3A_667 = vector.broadcast %add3A_666 : i32 to vector<16xi32>
      %add3A_668 = arith.addi %add3A_667, %iota3A : vector<16xi32>
      %gather3A_669 = tpu.vector_load_idx %arg14[%broadcast_in_dim3A_641, %add3A_668, %broadcast_in_dim3A_644] : memref<10x64x128xf32, #tpu.memory_space<vmem>>[vector<16xi32>, vector<16xi32>, vector<16xi32>], vector<16xf32>,
      %add3A_670 = arith.constant 48 : i32
      %add3A_671 = vector.broadcast %add3A_670 : i32 to vector<16xi32>
      %add3A_672 = arith.addi %add3A_671, %iota3A : vector<16xi32>
      tpu.vector_store_idx %arg15[%broadcast_in_dim3A_645, %add3A_672], %gather3A_669 : memref<128x128xf32, #tpu.memory_space<vmem>>[vector<16xi32>, vector<16xi32>], vector<16xf32>,
      %add3A_673 = arith.addi %scan3A_245, %convert_element_type3A_616 : i32
      %shift_right_arithmetic3A_674 = arith.constant 7 : i32
      %shift_right_arithmetic3A_675 = arith.shrsi %reduce_max3A_593, %shift_right_arithmetic3A_674 : i32
      %ne3A_676 = arith.cmpi ne, %shift_right_arithmetic3A_675, %scan3A_244 : i32
      %convert_element_type3A_677 = arith.extui %ne3A_676 : i1 to i32
      %eq3A_678 = arith.constant 1 : i32
      %eq3A_679 = arith.cmpi eq, %convert_element_type3A_677, %eq3A_678 : i32
      %convert_element_type3A_680 = arith.extui %eq3A_679 : i1 to i32
      %cond3A_681 = arith.constant 0 : i32
      %cond3A_682 = arith.cmpi ne, %convert_element_type3A_680, %cond3A_681 : i32
      scf.if %cond3A_682 {
        %jit3A_864 = arith.constant 10 : i32
        %eq3A_865 = arith.constant 0 : i32
        %eq3A_866 = arith.cmpi eq, %jit3A_864, %eq3A_865 : i32
        %jit3A_867 = arith.constant 1 : i32
        %select_n3A_868 = arith.select %eq3A_866, %jit3A_867, %jit3A_864 : i32
        %rem3A_869 = arith.remsi %add3A_673, %select_n3A_868 : i32
        %ne3A_870 = arith.constant 0 : i32
        %ne3A_871 = arith.cmpi ne, %rem3A_869, %ne3A_870 : i32
        %lt3A_872 = arith.constant 0 : i32
        %lt3A_873 = arith.cmpi slt, %rem3A_869, %lt3A_872 : i32
        %lt3A_874 = arith.constant 0 : i32
        %lt3A_875 = arith.cmpi slt, %select_n3A_868, %lt3A_874 : i32
        %ne3A_876 = arith.xori %lt3A_873, %lt3A_875 : i1
        %and3A_877 = arith.andi %ne3A_876, %ne3A_871 : i1
        %add3A_878 = arith.addi %rem3A_869, %select_n3A_868 : i32
        %select_n3A_879 = arith.select %and3A_877, %add3A_878, %rem3A_869 : i32
        %dma_wait3A_880 = arith.constant 0 : i32
        %dma_wait3A_881 = arith.constant 0 : i32
        %dma_wait3A_882 = arith.constant 0 : i32
        %dma_wait3A_883 = tpu.memref_slice %arg14[%dma_wait3A_880, %dma_wait3A_881, %dma_wait3A_882] : memref<10x64x128xf32, #tpu.memory_space<vmem>> -> memref<1x64x128xf32, #tpu.memory_space<vmem>>
        %dma_wait3A_884 = tpu.memref_squeeze %dma_wait3A_883 : memref<1x64x128xf32, #tpu.memory_space<vmem>> -> memref<64x128xf32, #tpu.memory_space<vmem>>
        %dma_wait3A_885 = arith.constant 0 : i32
        %dma_wait3A_886 = arith.constant 0 : i32
        %dma_wait3A_887 = tpu.memref_slice %arg2[%dma_wait3A_885, %dma_wait3A_886] : memref<64x1000000xf32, #tpu.memory_space<hbm>> -> memref<64x128xf32, #tpu.memory_space<hbm>>
        %dma_wait3A_888 = tpu.memref_slice %arg17[%select_n3A_879] : memref<10x!tpu.dma_semaphore, #tpu.memory_space<semaphore_mem>> -> memref<1x!tpu.dma_semaphore, #tpu.memory_space<semaphore_mem>>
        %dma_wait3A_889 = tpu.memref_squeeze %dma_wait3A_888 : memref<1x!tpu.dma_semaphore, #tpu.memory_space<semaphore_mem>> -> memref<!tpu.dma_semaphore, #tpu.memory_space<semaphore_mem>>
        %dma_wait3A_890 = arith.constant 0 : i32
        %dma_wait3A_891 = arith.constant 0 : i32
        %dma_wait3A_892 = tpu.memref_slice %arg14[%dma_wait3A_880, %dma_wait3A_890, %dma_wait3A_891] : memref<10x64x128xf32, #tpu.memory_space<vmem>> -> memref<1x64x128xf32, #tpu.memory_space<vmem>>
        %dma_wait3A_893 = tpu.memref_squeeze %dma_wait3A_892 : memref<1x64x128xf32, #tpu.memory_space<vmem>> -> memref<64x128xf32, #tpu.memory_space<vmem>>
        %dma_wait3A_894 = arith.constant 0 : i32
        %dma_wait3A_895 = arith.constant 0 : i32
        %dma_wait3A_896 = tpu.memref_slice %arg2[%dma_wait3A_894, %dma_wait3A_895] : memref<64x1000000xf32, #tpu.memory_space<hbm>> -> memref<64x128xf32, #tpu.memory_space<hbm>>
        tpu.wait_dma2 semaphore(%dma_wait3A_889 : memref<!tpu.dma_semaphore, #tpu.memory_space<semaphore_mem>>) src(%dma_wait3A_896 : memref<64x128xf32, #tpu.memory_space<hbm>>) dst(%dma_wait3A_893 : memref<64x128xf32, #tpu.memory_space<vmem>>)
      } else {
      }
      %eq3A_683 = arith.constant 1 : i32
      %eq3A_684 = arith.cmpi eq, %convert_element_type3A_677, %eq3A_683 : i32
      %jit3A_685 = arith.constant 10 : i32
      %eq3A_686 = arith.constant 0 : i32
      %eq3A_687 = arith.cmpi eq, %jit3A_685, %eq3A_686 : i32
      %jit3A_688 = arith.constant 1 : i32
      %select_n3A_689 = arith.select %eq3A_687, %jit3A_688, %jit3A_685 : i32
      %rem3A_690 = arith.remsi %add3A_673, %select_n3A_689 : i32
      %ne3A_691 = arith.constant 0 : i32
      %ne3A_692 = arith.cmpi ne, %rem3A_690, %ne3A_691 : i32
      %lt3A_693 = arith.constant 0 : i32
      %lt3A_694 = arith.cmpi slt, %rem3A_690, %lt3A_693 : i32
      %lt3A_695 = arith.constant 0 : i32
      %lt3A_696 = arith.cmpi slt, %select_n3A_689, %lt3A_695 : i32
      %ne3A_697 = arith.xori %lt3A_694, %lt3A_696 : i1
      %and3A_698 = arith.andi %ne3A_697, %ne3A_692 : i1
      %add3A_699 = arith.addi %rem3A_690, %select_n3A_689 : i32
      %select_n3A_700 = arith.select %and3A_698, %add3A_699, %rem3A_690 : i32
      %select_n3A_701 = arith.select %eq3A_684, %select_n3A_700, %scan3A_247 : i32
      %broadcast_in_dim3A_702 = vector.broadcast %select_n3A_701 : i32 to vector<16xi32>
      %and3A_703 = arith.constant 127 : i32
      %and3A_704 = arith.andi %reduce_max3A_593, %and3A_703 : i32
      %broadcast_in_dim3A_705 = vector.broadcast %and3A_704 : i32 to vector<16xi32>
      %broadcast_in_dim3A_706 = vector.broadcast %sub3A_612 : i32 to vector<16xi32>
      %add3A_707 = arith.constant 0 : i32
      %add3A_708 = vector.broadcast %add3A_707 : i32 to vector<16xi32>
      %add3A_709 = arith.addi %add3A_708, %iota3A : vector<16xi32>
      %gather3A_710 = tpu.vector_load_idx %arg14[%broadcast_in_dim3A_702, %add3A_709, %broadcast_in_dim3A_705] : memref<10x64x128xf32, #tpu.memory_space<vmem>>[vector<16xi32>, vector<16xi32>, vector<16xi32>], vector<16xf32>,
      %add3A_711 = arith.constant 0 : i32
      %add3A_712 = vector.broadcast %add3A_711 : i32 to vector<16xi32>
      %add3A_713 = arith.addi %add3A_712, %iota3A : vector<16xi32>
      tpu.vector_store_idx %arg16[%broadcast_in_dim3A_706, %add3A_713], %gather3A_710 : memref<128x128xf32, #tpu.memory_space<vmem>>[vector<16xi32>, vector<16xi32>], vector<16xf32>,
      %add3A_714 = arith.constant 16 : i32
      %add3A_715 = vector.broadcast %add3A_714 : i32 to vector<16xi32>
      %add3A_716 = arith.addi %add3A_715, %iota3A : vector<16xi32>
      %gather3A_717 = tpu.vector_load_idx %arg14[%broadcast_in_dim3A_702, %add3A_716, %broadcast_in_dim3A_705] : memref<10x64x128xf32, #tpu.memory_space<vmem>>[vector<16xi32>, vector<16xi32>, vector<16xi32>], vector<16xf32>,
      %add3A_718 = arith.constant 16 : i32
      %add3A_719 = vector.broadcast %add3A_718 : i32 to vector<16xi32>
      %add3A_720 = arith.addi %add3A_719, %iota3A : vector<16xi32>
      tpu.vector_store_idx %arg16[%broadcast_in_dim3A_706, %add3A_720], %gather3A_717 : memref<128x128xf32, #tpu.memory_space<vmem>>[vector<16xi32>, vector<16xi32>], vector<16xf32>,
      %add3A_721 = arith.constant 32 : i32
      %add3A_722 = vector.broadcast %add3A_721 : i32 to vector<16xi32>
      %add3A_723 = arith.addi %add3A_722, %iota3A : vector<16xi32>
      %gather3A_724 = tpu.vector_load_idx %arg14[%broadcast_in_dim3A_702, %add3A_723, %broadcast_in_dim3A_705] : memref<10x64x128xf32, #tpu.memory_space<vmem>>[vector<16xi32>, vector<16xi32>, vector<16xi32>], vector<16xf32>,
      %add3A_725 = arith.constant 32 : i32
      %add3A_726 = vector.broadcast %add3A_725 : i32 to vector<16xi32>
      %add3A_727 = arith.addi %add3A_726, %iota3A : vector<16xi32>
      tpu.vector_store_idx %arg16[%broadcast_in_dim3A_706, %add3A_727], %gather3A_724 : memref<128x128xf32, #tpu.memory_space<vmem>>[vector<16xi32>, vector<16xi32>], vector<16xf32>,
      %add3A_728 = arith.constant 48 : i32
      %add3A_729 = vector.broadcast %add3A_728 : i32 to vector<16xi32>
      %add3A_730 = arith.addi %add3A_729, %iota3A : vector<16xi32>
      %gather3A_731 = tpu.vector_load_idx %arg14[%broadcast_in_dim3A_702, %add3A_730, %broadcast_in_dim3A_705] : memref<10x64x128xf32, #tpu.memory_space<vmem>>[vector<16xi32>, vector<16xi32>, vector<16xi32>], vector<16xf32>,
      %add3A_732 = arith.constant 48 : i32
      %add3A_733 = vector.broadcast %add3A_732 : i32 to vector<16xi32>
      %add3A_734 = arith.addi %add3A_733, %iota3A : vector<16xi32>
      tpu.vector_store_idx %arg16[%broadcast_in_dim3A_706, %add3A_734], %gather3A_731 : memref<128x128xf32, #tpu.memory_space<vmem>>[vector<16xi32>, vector<16xi32>], vector<16xf32>,
      %add3A_735 = arith.addi %add3A_673, %convert_element_type3A_677 : i32
      %add3A_736 = arith.constant 1 : i32
      %add3A_737 = arith.addi %sub3A_612, %add3A_736 : i32
      %shift_right_arithmetic3A_738 = arith.constant 7 : i32
      %shift_right_arithmetic3A_739 = arith.shrsi %reduce_max3A_534, %shift_right_arithmetic3A_738 : i32
      %ne3A_740 = arith.cmpi ne, %shift_right_arithmetic3A_739, %shift_right_arithmetic3A_614 : i32
      %convert_element_type3A_741 = arith.extui %ne3A_740 : i1 to i32
      %eq3A_742 = arith.constant 1 : i32
      %eq3A_743 = arith.cmpi eq, %convert_element_type3A_741, %eq3A_742 : i32
      %convert_element_type3A_744 = arith.extui %eq3A_743 : i1 to i32
      %cond3A_745 = arith.constant 0 : i32
      %cond3A_746 = arith.cmpi ne, %convert_element_type3A_744, %cond3A_745 : i32
      scf.if %cond3A_746 {
        %jit3A_864 = arith.constant 10 : i32
        %eq3A_865 = arith.constant 0 : i32
        %eq3A_866 = arith.cmpi eq, %jit3A_864, %eq3A_865 : i32
        %jit3A_867 = arith.constant 1 : i32
        %select_n3A_868 = arith.select %eq3A_866, %jit3A_867, %jit3A_864 : i32
        %rem3A_869 = arith.remsi %add3A_735, %select_n3A_868 : i32
        %ne3A_870 = arith.constant 0 : i32
        %ne3A_871 = arith.cmpi ne, %rem3A_869, %ne3A_870 : i32
        %lt3A_872 = arith.constant 0 : i32
        %lt3A_873 = arith.cmpi slt, %rem3A_869, %lt3A_872 : i32
        %lt3A_874 = arith.constant 0 : i32
        %lt3A_875 = arith.cmpi slt, %select_n3A_868, %lt3A_874 : i32
        %ne3A_876 = arith.xori %lt3A_873, %lt3A_875 : i1
        %and3A_877 = arith.andi %ne3A_876, %ne3A_871 : i1
        %add3A_878 = arith.addi %rem3A_869, %select_n3A_868 : i32
        %select_n3A_879 = arith.select %and3A_877, %add3A_878, %rem3A_869 : i32
        %dma_wait3A_880 = arith.constant 0 : i32
        %dma_wait3A_881 = arith.constant 0 : i32
        %dma_wait3A_882 = arith.constant 0 : i32
        %dma_wait3A_883 = tpu.memref_slice %arg14[%dma_wait3A_880, %dma_wait3A_881, %dma_wait3A_882] : memref<10x64x128xf32, #tpu.memory_space<vmem>> -> memref<1x64x128xf32, #tpu.memory_space<vmem>>
        %dma_wait3A_884 = tpu.memref_squeeze %dma_wait3A_883 : memref<1x64x128xf32, #tpu.memory_space<vmem>> -> memref<64x128xf32, #tpu.memory_space<vmem>>
        %dma_wait3A_885 = arith.constant 0 : i32
        %dma_wait3A_886 = arith.constant 0 : i32
        %dma_wait3A_887 = tpu.memref_slice %arg2[%dma_wait3A_885, %dma_wait3A_886] : memref<64x1000000xf32, #tpu.memory_space<hbm>> -> memref<64x128xf32, #tpu.memory_space<hbm>>
        %dma_wait3A_888 = tpu.memref_slice %arg17[%select_n3A_879] : memref<10x!tpu.dma_semaphore, #tpu.memory_space<semaphore_mem>> -> memref<1x!tpu.dma_semaphore, #tpu.memory_space<semaphore_mem>>
        %dma_wait3A_889 = tpu.memref_squeeze %dma_wait3A_888 : memref<1x!tpu.dma_semaphore, #tpu.memory_space<semaphore_mem>> -> memref<!tpu.dma_semaphore, #tpu.memory_space<semaphore_mem>>
        %dma_wait3A_890 = arith.constant 0 : i32
        %dma_wait3A_891 = arith.constant 0 : i32
        %dma_wait3A_892 = tpu.memref_slice %arg14[%dma_wait3A_880, %dma_wait3A_890, %dma_wait3A_891] : memref<10x64x128xf32, #tpu.memory_space<vmem>> -> memref<1x64x128xf32, #tpu.memory_space<vmem>>
        %dma_wait3A_893 = tpu.memref_squeeze %dma_wait3A_892 : memref<1x64x128xf32, #tpu.memory_space<vmem>> -> memref<64x128xf32, #tpu.memory_space<vmem>>
        %dma_wait3A_894 = arith.constant 0 : i32
        %dma_wait3A_895 = arith.constant 0 : i32
        %dma_wait3A_896 = tpu.memref_slice %arg2[%dma_wait3A_894, %dma_wait3A_895] : memref<64x1000000xf32, #tpu.memory_space<hbm>> -> memref<64x128xf32, #tpu.memory_space<hbm>>
        tpu.wait_dma2 semaphore(%dma_wait3A_889 : memref<!tpu.dma_semaphore, #tpu.memory_space<semaphore_mem>>) src(%dma_wait3A_896 : memref<64x128xf32, #tpu.memory_space<hbm>>) dst(%dma_wait3A_893 : memref<64x128xf32, #tpu.memory_space<vmem>>)
      } else {
      }
      %eq3A_747 = arith.constant 1 : i32
      %eq3A_748 = arith.cmpi eq, %convert_element_type3A_741, %eq3A_747 : i32
      %jit3A_749 = arith.constant 10 : i32
      %eq3A_750 = arith.constant 0 : i32
      %eq3A_751 = arith.cmpi eq, %jit3A_749, %eq3A_750 : i32
      %jit3A_752 = arith.constant 1 : i32
      %select_n3A_753 = arith.select %eq3A_751, %jit3A_752, %jit3A_749 : i32
      %rem3A_754 = arith.remsi %add3A_735, %select_n3A_753 : i32
      %ne3A_755 = arith.constant 0 : i32
      %ne3A_756 = arith.cmpi ne, %rem3A_754, %ne3A_755 : i32
      %lt3A_757 = arith.constant 0 : i32
      %lt3A_758 = arith.cmpi slt, %rem3A_754, %lt3A_757 : i32
      %lt3A_759 = arith.constant 0 : i32
      %lt3A_760 = arith.cmpi slt, %select_n3A_753, %lt3A_759 : i32
      %ne3A_761 = arith.xori %lt3A_758, %lt3A_760 : i1
      %and3A_762 = arith.andi %ne3A_761, %ne3A_756 : i1
      %add3A_763 = arith.addi %rem3A_754, %select_n3A_753 : i32
      %select_n3A_764 = arith.select %and3A_762, %add3A_763, %rem3A_754 : i32
      %select_n3A_765 = arith.select %eq3A_748, %select_n3A_764, %select_n3A_640 : i32
      %broadcast_in_dim3A_766 = vector.broadcast %select_n3A_765 : i32 to vector<16xi32>
      %and3A_767 = arith.constant 127 : i32
      %and3A_768 = arith.andi %reduce_max3A_534, %and3A_767 : i32
      %broadcast_in_dim3A_769 = vector.broadcast %and3A_768 : i32 to vector<16xi32>
      %broadcast_in_dim3A_770 = vector.broadcast %add3A_737 : i32 to vector<16xi32>
      %add3A_771 = arith.constant 0 : i32
      %add3A_772 = vector.broadcast %add3A_771 : i32 to vector<16xi32>
      %add3A_773 = arith.addi %add3A_772, %iota3A : vector<16xi32>
      %gather3A_774 = tpu.vector_load_idx %arg14[%broadcast_in_dim3A_766, %add3A_773, %broadcast_in_dim3A_769] : memref<10x64x128xf32, #tpu.memory_space<vmem>>[vector<16xi32>, vector<16xi32>, vector<16xi32>], vector<16xf32>,
      %add3A_775 = arith.constant 0 : i32
      %add3A_776 = vector.broadcast %add3A_775 : i32 to vector<16xi32>
      %add3A_777 = arith.addi %add3A_776, %iota3A : vector<16xi32>
      tpu.vector_store_idx %arg15[%broadcast_in_dim3A_770, %add3A_777], %gather3A_774 : memref<128x128xf32, #tpu.memory_space<vmem>>[vector<16xi32>, vector<16xi32>], vector<16xf32>,
      %add3A_778 = arith.constant 16 : i32
      %add3A_779 = vector.broadcast %add3A_778 : i32 to vector<16xi32>
      %add3A_780 = arith.addi %add3A_779, %iota3A : vector<16xi32>
      %gather3A_781 = tpu.vector_load_idx %arg14[%broadcast_in_dim3A_766, %add3A_780, %broadcast_in_dim3A_769] : memref<10x64x128xf32, #tpu.memory_space<vmem>>[vector<16xi32>, vector<16xi32>, vector<16xi32>], vector<16xf32>,
      %add3A_782 = arith.constant 16 : i32
      %add3A_783 = vector.broadcast %add3A_782 : i32 to vector<16xi32>
      %add3A_784 = arith.addi %add3A_783, %iota3A : vector<16xi32>
      tpu.vector_store_idx %arg15[%broadcast_in_dim3A_770, %add3A_784], %gather3A_781 : memref<128x128xf32, #tpu.memory_space<vmem>>[vector<16xi32>, vector<16xi32>], vector<16xf32>,
      %add3A_785 = arith.constant 32 : i32
      %add3A_786 = vector.broadcast %add3A_785 : i32 to vector<16xi32>
      %add3A_787 = arith.addi %add3A_786, %iota3A : vector<16xi32>
      %gather3A_788 = tpu.vector_load_idx %arg14[%broadcast_in_dim3A_766, %add3A_787, %broadcast_in_dim3A_769] : memref<10x64x128xf32, #tpu.memory_space<vmem>>[vector<16xi32>, vector<16xi32>, vector<16xi32>], vector<16xf32>,
      %add3A_789 = arith.constant 32 : i32
      %add3A_790 = vector.broadcast %add3A_789 : i32 to vector<16xi32>
      %add3A_791 = arith.addi %add3A_790, %iota3A : vector<16xi32>
      tpu.vector_store_idx %arg15[%broadcast_in_dim3A_770, %add3A_791], %gather3A_788 : memref<128x128xf32, #tpu.memory_space<vmem>>[vector<16xi32>, vector<16xi32>], vector<16xf32>,
      %add3A_792 = arith.constant 48 : i32
      %add3A_793 = vector.broadcast %add3A_792 : i32 to vector<16xi32>
      %add3A_794 = arith.addi %add3A_793, %iota3A : vector<16xi32>
      %gather3A_795 = tpu.vector_load_idx %arg14[%broadcast_in_dim3A_766, %add3A_794, %broadcast_in_dim3A_769] : memref<10x64x128xf32, #tpu.memory_space<vmem>>[vector<16xi32>, vector<16xi32>, vector<16xi32>], vector<16xf32>,
      %add3A_796 = arith.constant 48 : i32
      %add3A_797 = vector.broadcast %add3A_796 : i32 to vector<16xi32>
      %add3A_798 = arith.addi %add3A_797, %iota3A : vector<16xi32>
      tpu.vector_store_idx %arg15[%broadcast_in_dim3A_770, %add3A_798], %gather3A_795 : memref<128x128xf32, #tpu.memory_space<vmem>>[vector<16xi32>, vector<16xi32>], vector<16xf32>,
      %add3A_799 = arith.addi %add3A_735, %convert_element_type3A_741 : i32
      %add3A_800 = arith.constant 1 : i32
      %add3A_801 = arith.addi %sub3A_612, %add3A_800 : i32
      %shift_right_arithmetic3A_802 = arith.constant 7 : i32
      %shift_right_arithmetic3A_803 = arith.shrsi %reduce_max3A_608, %shift_right_arithmetic3A_802 : i32
      %ne3A_804 = arith.cmpi ne, %shift_right_arithmetic3A_803, %shift_right_arithmetic3A_675 : i32
      %convert_element_type3A_805 = arith.extui %ne3A_804 : i1 to i32
      %eq3A_806 = arith.constant 1 : i32
      %eq3A_807 = arith.cmpi eq, %convert_element_type3A_805, %eq3A_806 : i32
      %convert_element_type3A_808 = arith.extui %eq3A_807 : i1 to i32
      %cond3A_809 = arith.constant 0 : i32
      %cond3A_810 = arith.cmpi ne, %convert_element_type3A_808, %cond3A_809 : i32
      scf.if %cond3A_810 {
        %jit3A_864 = arith.constant 10 : i32
        %eq3A_865 = arith.constant 0 : i32
        %eq3A_866 = arith.cmpi eq, %jit3A_864, %eq3A_865 : i32
        %jit3A_867 = arith.constant 1 : i32
        %select_n3A_868 = arith.select %eq3A_866, %jit3A_867, %jit3A_864 : i32
        %rem3A_869 = arith.remsi %add3A_799, %select_n3A_868 : i32
        %ne3A_870 = arith.constant 0 : i32
        %ne3A_871 = arith.cmpi ne, %rem3A_869, %ne3A_870 : i32
        %lt3A_872 = arith.constant 0 : i32
        %lt3A_873 = arith.cmpi slt, %rem3A_869, %lt3A_872 : i32
        %lt3A_874 = arith.constant 0 : i32
        %lt3A_875 = arith.cmpi slt, %select_n3A_868, %lt3A_874 : i32
        %ne3A_876 = arith.xori %lt3A_873, %lt3A_875 : i1
        %and3A_877 = arith.andi %ne3A_876, %ne3A_871 : i1
        %add3A_878 = arith.addi %rem3A_869, %select_n3A_868 : i32
        %select_n3A_879 = arith.select %and3A_877, %add3A_878, %rem3A_869 : i32
        %dma_wait3A_880 = arith.constant 0 : i32
        %dma_wait3A_881 = arith.constant 0 : i32
        %dma_wait3A_882 = arith.constant 0 : i32
        %dma_wait3A_883 = tpu.memref_slice %arg14[%dma_wait3A_880, %dma_wait3A_881, %dma_wait3A_882] : memref<10x64x128xf32, #tpu.memory_space<vmem>> -> memref<1x64x128xf32, #tpu.memory_space<vmem>>
        %dma_wait3A_884 = tpu.memref_squeeze %dma_wait3A_883 : memref<1x64x128xf32, #tpu.memory_space<vmem>> -> memref<64x128xf32, #tpu.memory_space<vmem>>
        %dma_wait3A_885 = arith.constant 0 : i32
        %dma_wait3A_886 = arith.constant 0 : i32
        %dma_wait3A_887 = tpu.memref_slice %arg2[%dma_wait3A_885, %dma_wait3A_886] : memref<64x1000000xf32, #tpu.memory_space<hbm>> -> memref<64x128xf32, #tpu.memory_space<hbm>>
        %dma_wait3A_888 = tpu.memref_slice %arg17[%select_n3A_879] : memref<10x!tpu.dma_semaphore, #tpu.memory_space<semaphore_mem>> -> memref<1x!tpu.dma_semaphore, #tpu.memory_space<semaphore_mem>>
        %dma_wait3A_889 = tpu.memref_squeeze %dma_wait3A_888 : memref<1x!tpu.dma_semaphore, #tpu.memory_space<semaphore_mem>> -> memref<!tpu.dma_semaphore, #tpu.memory_space<semaphore_mem>>
        %dma_wait3A_890 = arith.constant 0 : i32
        %dma_wait3A_891 = arith.constant 0 : i32
        %dma_wait3A_892 = tpu.memref_slice %arg14[%dma_wait3A_880, %dma_wait3A_890, %dma_wait3A_891] : memref<10x64x128xf32, #tpu.memory_space<vmem>> -> memref<1x64x128xf32, #tpu.memory_space<vmem>>
        %dma_wait3A_893 = tpu.memref_squeeze %dma_wait3A_892 : memref<1x64x128xf32, #tpu.memory_space<vmem>> -> memref<64x128xf32, #tpu.memory_space<vmem>>
        %dma_wait3A_894 = arith.constant 0 : i32
        %dma_wait3A_895 = arith.constant 0 : i32
        %dma_wait3A_896 = tpu.memref_slice %arg2[%dma_wait3A_894, %dma_wait3A_895] : memref<64x1000000xf32, #tpu.memory_space<hbm>> -> memref<64x128xf32, #tpu.memory_space<hbm>>
        tpu.wait_dma2 semaphore(%dma_wait3A_889 : memref<!tpu.dma_semaphore, #tpu.memory_space<semaphore_mem>>) src(%dma_wait3A_896 : memref<64x128xf32, #tpu.memory_space<hbm>>) dst(%dma_wait3A_893 : memref<64x128xf32, #tpu.memory_space<vmem>>)
      } else {
      }
      %eq3A_811 = arith.constant 1 : i32
      %eq3A_812 = arith.cmpi eq, %convert_element_type3A_805, %eq3A_811 : i32
      %jit3A_813 = arith.constant 10 : i32
      %eq3A_814 = arith.constant 0 : i32
      %eq3A_815 = arith.cmpi eq, %jit3A_813, %eq3A_814 : i32
      %jit3A_816 = arith.constant 1 : i32
      %select_n3A_817 = arith.select %eq3A_815, %jit3A_816, %jit3A_813 : i32
      %rem3A_818 = arith.remsi %add3A_799, %select_n3A_817 : i32
      %ne3A_819 = arith.constant 0 : i32
      %ne3A_820 = arith.cmpi ne, %rem3A_818, %ne3A_819 : i32
      %lt3A_821 = arith.constant 0 : i32
      %lt3A_822 = arith.cmpi slt, %rem3A_818, %lt3A_821 : i32
      %lt3A_823 = arith.constant 0 : i32
      %lt3A_824 = arith.cmpi slt, %select_n3A_817, %lt3A_823 : i32
      %ne3A_825 = arith.xori %lt3A_822, %lt3A_824 : i1
      %and3A_826 = arith.andi %ne3A_825, %ne3A_820 : i1
      %add3A_827 = arith.addi %rem3A_818, %select_n3A_817 : i32
      %select_n3A_828 = arith.select %and3A_826, %add3A_827, %rem3A_818 : i32
      %select_n3A_829 = arith.select %eq3A_812, %select_n3A_828, %select_n3A_701 : i32
      %broadcast_in_dim3A_830 = vector.broadcast %select_n3A_829 : i32 to vector<16xi32>
      %and3A_831 = arith.constant 127 : i32
      %and3A_832 = arith.andi %reduce_max3A_608, %and3A_831 : i32
      %broadcast_in_dim3A_833 = vector.broadcast %and3A_832 : i32 to vector<16xi32>
      %broadcast_in_dim3A_834 = vector.broadcast %add3A_801 : i32 to vector<16xi32>
      %add3A_835 = arith.constant 0 : i32
      %add3A_836 = vector.broadcast %add3A_835 : i32 to vector<16xi32>
      %add3A_837 = arith.addi %add3A_836, %iota3A : vector<16xi32>
      %gather3A_838 = tpu.vector_load_idx %arg14[%broadcast_in_dim3A_830, %add3A_837, %broadcast_in_dim3A_833] : memref<10x64x128xf32, #tpu.memory_space<vmem>>[vector<16xi32>, vector<16xi32>, vector<16xi32>], vector<16xf32>,
      %add3A_839 = arith.constant 0 : i32
      %add3A_840 = vector.broadcast %add3A_839 : i32 to vector<16xi32>
      %add3A_841 = arith.addi %add3A_840, %iota3A : vector<16xi32>
      tpu.vector_store_idx %arg16[%broadcast_in_dim3A_834, %add3A_841], %gather3A_838 : memref<128x128xf32, #tpu.memory_space<vmem>>[vector<16xi32>, vector<16xi32>], vector<16xf32>,
      %add3A_842 = arith.constant 16 : i32
      %add3A_843 = vector.broadcast %add3A_842 : i32 to vector<16xi32>
      %add3A_844 = arith.addi %add3A_843, %iota3A : vector<16xi32>
      %gather3A_845 = tpu.vector_load_idx %arg14[%broadcast_in_dim3A_830, %add3A_844, %broadcast_in_dim3A_833] : memref<10x64x128xf32, #tpu.memory_space<vmem>>[vector<16xi32>, vector<16xi32>, vector<16xi32>], vector<16xf32>,
      %add3A_846 = arith.constant 16 : i32
      %add3A_847 = vector.broadcast %add3A_846 : i32 to vector<16xi32>
      %add3A_848 = arith.addi %add3A_847, %iota3A : vector<16xi32>
      tpu.vector_store_idx %arg16[%broadcast_in_dim3A_834, %add3A_848], %gather3A_845 : memref<128x128xf32, #tpu.memory_space<vmem>>[vector<16xi32>, vector<16xi32>], vector<16xf32>,
      %add3A_849 = arith.constant 32 : i32
      %add3A_850 = vector.broadcast %add3A_849 : i32 to vector<16xi32>
      %add3A_851 = arith.addi %add3A_850, %iota3A : vector<16xi32>
      %gather3A_852 = tpu.vector_load_idx %arg14[%broadcast_in_dim3A_830, %add3A_851, %broadcast_in_dim3A_833] : memref<10x64x128xf32, #tpu.memory_space<vmem>>[vector<16xi32>, vector<16xi32>, vector<16xi32>], vector<16xf32>,
      %add3A_853 = arith.constant 32 : i32
      %add3A_854 = vector.broadcast %add3A_853 : i32 to vector<16xi32>
      %add3A_855 = arith.addi %add3A_854, %iota3A : vector<16xi32>
      tpu.vector_store_idx %arg16[%broadcast_in_dim3A_834, %add3A_855], %gather3A_852 : memref<128x128xf32, #tpu.memory_space<vmem>>[vector<16xi32>, vector<16xi32>], vector<16xf32>,
      %add3A_856 = arith.constant 48 : i32
      %add3A_857 = vector.broadcast %add3A_856 : i32 to vector<16xi32>
      %add3A_858 = arith.addi %add3A_857, %iota3A : vector<16xi32>
      %gather3A_859 = tpu.vector_load_idx %arg14[%broadcast_in_dim3A_830, %add3A_858, %broadcast_in_dim3A_833] : memref<10x64x128xf32, #tpu.memory_space<vmem>>[vector<16xi32>, vector<16xi32>, vector<16xi32>], vector<16xf32>,
      %add3A_860 = arith.constant 48 : i32
      %add3A_861 = vector.broadcast %add3A_860 : i32 to vector<16xi32>
      %add3A_862 = arith.addi %add3A_861, %iota3A : vector<16xi32>
      tpu.vector_store_idx %arg16[%broadcast_in_dim3A_834, %add3A_862], %gather3A_859 : memref<128x128xf32, #tpu.memory_space<vmem>>[vector<16xi32>, vector<16xi32>], vector<16xf32>,
      %add3A_863 = arith.addi %add3A_799, %convert_element_type3A_805 : i32
      scf.yield %shift_right_arithmetic3A_442, %shift_right_arithmetic3A_452, %add3A_460, %shift_right_arithmetic3A_739, %shift_right_arithmetic3A_803, %add3A_863, %select_n3A_765, %select_n3A_829 : i32, i32, i32, i32, i32, i32, i32, i32
    }
    %scan3A_176 = arith.constant 64 : i32
    %dma_start3A_177 = arith.constant 2 : i32
    %dma_start3A_178 = arith.constant 0 : i32
    %dma_start3A_179 = tpu.memref_slice %arg12[%dma_start3A_177, %dma_start3A_178] : memref<4x128xi32, #tpu.memory_space<vmem>> -> memref<1x128xi32, #tpu.memory_space<vmem>>
    %dma_start3A_180 = tpu.memref_squeeze %dma_start3A_179 : memref<1x128xi32, #tpu.memory_space<vmem>> -> memref<128xi32, #tpu.memory_space<vmem>>
    %dma_start3A_181 = arith.constant 0 : i32
    %dma_start3A_182 = arith.constant 0 : i32
    %dma_start3A_183 = tpu.memref_slice %arg8[%dma_start3A_181, %dma_start3A_182] : memref<16384x128xf32, #tpu.memory_space<hbm>> -> memref<16384x128xf32, #tpu.memory_space<hbm>>
    tpu.enqueue_indirect_dma source(%arg15 : memref<128x128xf32, #tpu.memory_space<vmem>>) target(%dma_start3A_183 : memref<16384x128xf32, #tpu.memory_space<hbm>>) offsets(%dma_start3A_180 : memref<128xi32, #tpu.memory_space<vmem>>) semaphore(%arg18 : memref<!tpu.dma_semaphore, #tpu.memory_space<semaphore_mem>>)
    %dma_start3A_184 = arith.constant 2 : i32
    %dma_start3A_185 = arith.constant 0 : i32
    %dma_start3A_186 = tpu.memref_slice %arg13[%dma_start3A_184, %dma_start3A_185] : memref<4x128xi32, #tpu.memory_space<vmem>> -> memref<1x128xi32, #tpu.memory_space<vmem>>
    %dma_start3A_187 = tpu.memref_squeeze %dma_start3A_186 : memref<1x128xi32, #tpu.memory_space<vmem>> -> memref<128xi32, #tpu.memory_space<vmem>>
    %dma_start3A_188 = arith.constant 0 : i32
    %dma_start3A_189 = arith.constant 0 : i32
    %dma_start3A_190 = tpu.memref_slice %arg9[%dma_start3A_188, %dma_start3A_189] : memref<16384x128xf32, #tpu.memory_space<hbm>> -> memref<16384x128xf32, #tpu.memory_space<hbm>>
    tpu.enqueue_indirect_dma source(%arg16 : memref<128x128xf32, #tpu.memory_space<vmem>>) target(%dma_start3A_190 : memref<16384x128xf32, #tpu.memory_space<hbm>>) offsets(%dma_start3A_187 : memref<128xi32, #tpu.memory_space<vmem>>) semaphore(%arg19 : memref<!tpu.dma_semaphore, #tpu.memory_space<semaphore_mem>>)
    %dma_wait3A_191 = arith.constant 2 : i32
    %dma_wait3A_192 = arith.constant 0 : i32
    %dma_wait3A_193 = tpu.memref_slice %arg12[%dma_wait3A_191, %dma_wait3A_192] : memref<4x128xi32, #tpu.memory_space<vmem>> -> memref<1x128xi32, #tpu.memory_space<vmem>>
    %dma_wait3A_194 = tpu.memref_squeeze %dma_wait3A_193 : memref<1x128xi32, #tpu.memory_space<vmem>> -> memref<128xi32, #tpu.memory_space<vmem>>
    %dma_wait3A_195 = arith.constant 0 : i32
    %dma_wait3A_196 = arith.constant 0 : i32
    %dma_wait3A_197 = tpu.memref_slice %arg8[%dma_wait3A_195, %dma_wait3A_196] : memref<16384x128xf32, #tpu.memory_space<hbm>> -> memref<16384x128xf32, #tpu.memory_space<hbm>>
    tpu.wait_indirect_dma semaphore(%arg18 : memref<!tpu.dma_semaphore, #tpu.memory_space<semaphore_mem>>) src(%arg15 : memref<128x128xf32, #tpu.memory_space<vmem>>) dst(%dma_wait3A_197 : memref<16384x128xf32, #tpu.memory_space<hbm>>)
    %dma_wait3A_198 = arith.constant 2 : i32
    %dma_wait3A_199 = arith.constant 0 : i32
    %dma_wait3A_200 = tpu.memref_slice %arg13[%dma_wait3A_198, %dma_wait3A_199] : memref<4x128xi32, #tpu.memory_space<vmem>> -> memref<1x128xi32, #tpu.memory_space<vmem>>
    %dma_wait3A_201 = tpu.memref_squeeze %dma_wait3A_200 : memref<1x128xi32, #tpu.memory_space<vmem>> -> memref<128xi32, #tpu.memory_space<vmem>>
    %dma_wait3A_202 = arith.constant 0 : i32
    %dma_wait3A_203 = arith.constant 0 : i32
    %dma_wait3A_204 = tpu.memref_slice %arg9[%dma_wait3A_202, %dma_wait3A_203] : memref<16384x128xf32, #tpu.memory_space<hbm>> -> memref<16384x128xf32, #tpu.memory_space<hbm>>
    tpu.wait_indirect_dma semaphore(%arg19 : memref<!tpu.dma_semaphore, #tpu.memory_space<semaphore_mem>>) src(%arg16 : memref<128x128xf32, #tpu.memory_space<vmem>>) dst(%dma_wait3A_204 : memref<16384x128xf32, #tpu.memory_space<hbm>>)
    %scan3A_205 = arith.constant 192 : i32
    %scan3A_206 = arith.constant 64 : i32
    %scan3A_207 = arith.addi %scan3A_205, %scan3A_206 : i32
    %scan3A_208 = arith.constant 1 : i32
    %scan3A_209:8 = scf.for %scan3A_239 = %scan3A_205 to %scan3A_207 step %scan3A_208 iter_args(%scan3A_240 = %scan3A_175#0, %scan3A_241 = %scan3A_175#1, %scan3A_242 = %scan3A_175#2, %scan3A_243 = %scan3A_175#3, %scan3A_244 = %scan3A_175#4, %scan3A_245 = %scan3A_175#5, %scan3A_246 = %scan3A_175#6, %scan3A_247 = %scan3A_175#7) -> (i32, i32, i32, i32, i32, i32, i32, i32)  : i32 {
      %add3A_248 = arith.constant 1 : i32
      %add3A_249 = arith.addi %scan3A_239, %add3A_248 : i32
      %min3A = arith.constant 255 : i32
      %min3A_250 = arith.minsi %add3A_249, %min3A : i32
      %jit3A_251 = arith.constant 8 : i32
      %div3A = arith.divsi %min3A_250, %jit3A_251 : i32
      %sign3A = arith.constant 0 : i32
      %sign3A_252 = arith.cmpi sgt, %min3A_250, %sign3A : i32
      %sign3A_253 = arith.extui %sign3A_252 : i1 to i32
      %sign3A_254 = arith.constant 0 : i32
      %sign3A_255 = arith.cmpi slt, %min3A_250, %sign3A_254 : i32
      %sign3A_256 = arith.extui %sign3A_255 : i1 to i32
      %sign3A_257 = arith.subi %sign3A_253, %sign3A_256 : i32
      %sign3A_258 = arith.constant 0 : i32
      %sign3A_259 = arith.cmpi sgt, %jit3A_251, %sign3A_258 : i32
      %sign3A_260 = arith.extui %sign3A_259 : i1 to i32
      %sign3A_261 = arith.constant 0 : i32
      %sign3A_262 = arith.cmpi slt, %jit3A_251, %sign3A_261 : i32
      %sign3A_263 = arith.extui %sign3A_262 : i1 to i32
      %sign3A_264 = arith.subi %sign3A_260, %sign3A_263 : i32
      %ne3A_265 = arith.cmpi ne, %sign3A_257, %sign3A_264 : i32
      %rem3A = arith.remsi %min3A_250, %jit3A_251 : i32
      %ne3A_266 = arith.constant 0 : i32
      %ne3A_267 = arith.cmpi ne, %rem3A, %ne3A_266 : i32
      %and3A = arith.andi %ne3A_265, %ne3A_267 : i1
      %sub3A = arith.constant 1 : i32
      %sub3A_268 = arith.subi %div3A, %sub3A : i32
      %select_n3A_269 = arith.select %and3A, %sub3A_268, %div3A : i32
      %mul3A_270 = arith.constant 16 : i32
      %mul3A_271 = arith.muli %select_n3A_269, %mul3A_270 : i32
      %get3A_272 = arith.index_cast %mul3A_271 : i32 to index
      %get3A_273 = tpu.vector_load %arg10[%get3A_272] {strides = array<i32>} : memref<512xi32, #tpu.memory_space<vmem>>, vector<16xi32>,
      %mul3A_274 = arith.constant 2 : i32
      %mul3A_275 = arith.muli %mul3A_274, %min3A_250 : i32
      %jit3A_276 = arith.constant 16 : i32
      %eq3A_277 = arith.constant 0 : i32
      %eq3A_278 = arith.cmpi eq, %jit3A_276, %eq3A_277 : i32
      %jit3A_279 = arith.constant 1 : i32
      %select_n3A_280 = arith.select %eq3A_278, %jit3A_279, %jit3A_276 : i32
      %rem3A_281 = arith.remsi %mul3A_275, %select_n3A_280 : i32
      %ne3A_282 = arith.constant 0 : i32
      %ne3A_283 = arith.cmpi ne, %rem3A_281, %ne3A_282 : i32
      %lt3A = arith.constant 0 : i32
      %lt3A_284 = arith.cmpi slt, %rem3A_281, %lt3A : i32
      %lt3A_285 = arith.constant 0 : i32
      %lt3A_286 = arith.cmpi slt, %select_n3A_280, %lt3A_285 : i32
      %ne3A_287 = arith.xori %lt3A_284, %lt3A_286 : i1
      %and3A_288 = arith.andi %ne3A_287, %ne3A_283 : i1
      %add3A_289 = arith.addi %rem3A_281, %select_n3A_280 : i32
      %select_n3A_290 = arith.select %and3A_288, %add3A_289, %rem3A_281 : i32
      %eq3A_291 = vector.broadcast %select_n3A_290 : i32 to vector<16xi32>
      %eq3A_292 = arith.cmpi eq, %iota3A, %eq3A_291 : vector<16xi32>
      %jit3A_293 = arith.constant 0 : i32
      %broadcast_in_dim3A_294 = vector.broadcast %jit3A_293 : i32 to vector<16xi32>
      %select_n3A_295 = arith.select %eq3A_292, %get3A_273, %broadcast_in_dim3A_294 : vector<16xi1>, vector<16xi32>
      %reduce_max3A_296 = arith.constant true
      %reduce_max3A_297 = vector.broadcast %reduce_max3A_296 : i1 to vector<16xi1>
      %reduce_max3A_298 = arith.constant -2147483648 : i32
      %reduce_max3A_299 = vector.broadcast %reduce_max3A_298 : i32 to vector<16xi32>
      %reduce_max3A_300 = arith.xori %select_n3A_295, %reduce_max3A_299 : vector<16xi32>
      %reduce_max3A_301 = tpu.scan <max>, %reduce_max3A_300 masked %reduce_max3A_297 : vector<16xi32>, vector<16xi1> -> vector<16xi32>
      %reduce_max3A_302 = arith.xori %reduce_max3A_301, %reduce_max3A_299 : vector<16xi32>
      %reduce_max3A_303 = vector.extract %reduce_max3A_302[15] : i32 from vector<16xi32>
      %add3A_304 = arith.constant 1 : i32
      %add3A_305 = arith.addi %select_n3A_290, %add3A_304 : i32
      %eq3A_306 = vector.broadcast %add3A_305 : i32 to vector<16xi32>
      %eq3A_307 = arith.cmpi eq, %iota3A, %eq3A_306 : vector<16xi32>
      %jit3A_308 = arith.constant 0 : i32
      %broadcast_in_dim3A_309 = vector.broadcast %jit3A_308 : i32 to vector<16xi32>
      %select_n3A_310 = arith.select %eq3A_307, %get3A_273, %broadcast_in_dim3A_309 : vector<16xi1>, vector<16xi32>
      %reduce_max3A_311 = arith.constant true
      %reduce_max3A_312 = vector.broadcast %reduce_max3A_311 : i1 to vector<16xi1>
      %reduce_max3A_313 = arith.constant -2147483648 : i32
      %reduce_max3A_314 = vector.broadcast %reduce_max3A_313 : i32 to vector<16xi32>
      %reduce_max3A_315 = arith.xori %select_n3A_310, %reduce_max3A_314 : vector<16xi32>
      %reduce_max3A_316 = tpu.scan <max>, %reduce_max3A_315 masked %reduce_max3A_312 : vector<16xi32>, vector<16xi1> -> vector<16xi32>
      %reduce_max3A_317 = arith.xori %reduce_max3A_316, %reduce_max3A_314 : vector<16xi32>
      %reduce_max3A_318 = vector.extract %reduce_max3A_317[15] : i32 from vector<16xi32>
      %add3A_319 = arith.constant 1 : i32
      %add3A_320 = arith.addi %scan3A_239, %add3A_319 : i32
      %min3A_321 = arith.constant 255 : i32
      %min3A_322 = arith.minsi %add3A_320, %min3A_321 : i32
      %jit3A_323 = arith.constant 8 : i32
      %div3A_324 = arith.divsi %min3A_322, %jit3A_323 : i32
      %sign3A_325 = arith.constant 0 : i32
      %sign3A_326 = arith.cmpi sgt, %min3A_322, %sign3A_325 : i32
      %sign3A_327 = arith.extui %sign3A_326 : i1 to i32
      %sign3A_328 = arith.constant 0 : i32
      %sign3A_329 = arith.cmpi slt, %min3A_322, %sign3A_328 : i32
      %sign3A_330 = arith.extui %sign3A_329 : i1 to i32
      %sign3A_331 = arith.subi %sign3A_327, %sign3A_330 : i32
      %sign3A_332 = arith.constant 0 : i32
      %sign3A_333 = arith.cmpi sgt, %jit3A_323, %sign3A_332 : i32
      %sign3A_334 = arith.extui %sign3A_333 : i1 to i32
      %sign3A_335 = arith.constant 0 : i32
      %sign3A_336 = arith.cmpi slt, %jit3A_323, %sign3A_335 : i32
      %sign3A_337 = arith.extui %sign3A_336 : i1 to i32
      %sign3A_338 = arith.subi %sign3A_334, %sign3A_337 : i32
      %ne3A_339 = arith.cmpi ne, %sign3A_331, %sign3A_338 : i32
      %rem3A_340 = arith.remsi %min3A_322, %jit3A_323 : i32
      %ne3A_341 = arith.constant 0 : i32
      %ne3A_342 = arith.cmpi ne, %rem3A_340, %ne3A_341 : i32
      %and3A_343 = arith.andi %ne3A_339, %ne3A_342 : i1
      %sub3A_344 = arith.constant 1 : i32
      %sub3A_345 = arith.subi %div3A_324, %sub3A_344 : i32
      %select_n3A_346 = arith.select %and3A_343, %sub3A_345, %div3A_324 : i32
      %mul3A_347 = arith.constant 16 : i32
      %mul3A_348 = arith.muli %select_n3A_346, %mul3A_347 : i32
      %get3A_349 = arith.index_cast %mul3A_348 : i32 to index
      %get3A_350 = tpu.vector_load %arg11[%get3A_349] {strides = array<i32>} : memref<512xi32, #tpu.memory_space<vmem>>, vector<16xi32>,
      %mul3A_351 = arith.constant 2 : i32
      %mul3A_352 = arith.muli %mul3A_351, %min3A_322 : i32
      %jit3A_353 = arith.constant 16 : i32
      %eq3A_354 = arith.constant 0 : i32
      %eq3A_355 = arith.cmpi eq, %jit3A_353, %eq3A_354 : i32
      %jit3A_356 = arith.constant 1 : i32
      %select_n3A_357 = arith.select %eq3A_355, %jit3A_356, %jit3A_353 : i32
      %rem3A_358 = arith.remsi %mul3A_352, %select_n3A_357 : i32
      %ne3A_359 = arith.constant 0 : i32
      %ne3A_360 = arith.cmpi ne, %rem3A_358, %ne3A_359 : i32
      %lt3A_361 = arith.constant 0 : i32
      %lt3A_362 = arith.cmpi slt, %rem3A_358, %lt3A_361 : i32
      %lt3A_363 = arith.constant 0 : i32
      %lt3A_364 = arith.cmpi slt, %select_n3A_357, %lt3A_363 : i32
      %ne3A_365 = arith.xori %lt3A_362, %lt3A_364 : i1
      %and3A_366 = arith.andi %ne3A_365, %ne3A_360 : i1
      %add3A_367 = arith.addi %rem3A_358, %select_n3A_357 : i32
      %select_n3A_368 = arith.select %and3A_366, %add3A_367, %rem3A_358 : i32
      %eq3A_369 = vector.broadcast %select_n3A_368 : i32 to vector<16xi32>
      %eq3A_370 = arith.cmpi eq, %iota3A, %eq3A_369 : vector<16xi32>
      %jit3A_371 = arith.constant 0 : i32
      %broadcast_in_dim3A_372 = vector.broadcast %jit3A_371 : i32 to vector<16xi32>
      %select_n3A_373 = arith.select %eq3A_370, %get3A_350, %broadcast_in_dim3A_372 : vector<16xi1>, vector<16xi32>
      %reduce_max3A_374 = arith.constant true
      %reduce_max3A_375 = vector.broadcast %reduce_max3A_374 : i1 to vector<16xi1>
      %reduce_max3A_376 = arith.constant -2147483648 : i32
      %reduce_max3A_377 = vector.broadcast %reduce_max3A_376 : i32 to vector<16xi32>
      %reduce_max3A_378 = arith.xori %select_n3A_373, %reduce_max3A_377 : vector<16xi32>
      %reduce_max3A_379 = tpu.scan <max>, %reduce_max3A_378 masked %reduce_max3A_375 : vector<16xi32>, vector<16xi1> -> vector<16xi32>
      %reduce_max3A_380 = arith.xori %reduce_max3A_379, %reduce_max3A_377 : vector<16xi32>
      %reduce_max3A_381 = vector.extract %reduce_max3A_380[15] : i32 from vector<16xi32>
      %add3A_382 = arith.constant 1 : i32
      %add3A_383 = arith.addi %select_n3A_368, %add3A_382 : i32
      %eq3A_384 = vector.broadcast %add3A_383 : i32 to vector<16xi32>
      %eq3A_385 = arith.cmpi eq, %iota3A, %eq3A_384 : vector<16xi32>
      %jit3A_386 = arith.constant 0 : i32
      %broadcast_in_dim3A_387 = vector.broadcast %jit3A_386 : i32 to vector<16xi32>
      %select_n3A_388 = arith.select %eq3A_385, %get3A_350, %broadcast_in_dim3A_387 : vector<16xi1>, vector<16xi32>
      %reduce_max3A_389 = arith.constant true
      %reduce_max3A_390 = vector.broadcast %reduce_max3A_389 : i1 to vector<16xi1>
      %reduce_max3A_391 = arith.constant -2147483648 : i32
      %reduce_max3A_392 = vector.broadcast %reduce_max3A_391 : i32 to vector<16xi32>
      %reduce_max3A_393 = arith.xori %select_n3A_388, %reduce_max3A_392 : vector<16xi32>
      %reduce_max3A_394 = tpu.scan <max>, %reduce_max3A_393 masked %reduce_max3A_390 : vector<16xi32>, vector<16xi1> -> vector<16xi32>
      %reduce_max3A_395 = arith.xori %reduce_max3A_394, %reduce_max3A_392 : vector<16xi32>
      %reduce_max3A_396 = vector.extract %reduce_max3A_395[15] : i32 from vector<16xi32>
      %add3A_397 = arith.constant 1 : i32
      %add3A_398 = arith.addi %scan3A_239, %add3A_397 : i32
      %lt3A_399 = arith.constant 256 : i32
      %lt3A_400 = arith.cmpi slt, %add3A_398, %lt3A_399 : i32
      %convert_element_type3A_401 = arith.extui %lt3A_400 : i1 to i32
      %eq3A_402 = arith.constant 1 : i32
      %eq3A_403 = arith.cmpi eq, %convert_element_type3A_401, %eq3A_402 : i32
      %shift_left3A = arith.constant 7 : i32
      %shift_left3A_404 = arith.shli %scan3A_240, %shift_left3A : i32
      %select_n3A_405 = arith.select %eq3A_403, %reduce_max3A_303, %shift_left3A_404 : i32
      %eq3A_406 = arith.constant 1 : i32
      %eq3A_407 = arith.cmpi eq, %convert_element_type3A_401, %eq3A_406 : i32
      %shift_left3A_408 = arith.constant 7 : i32
      %shift_left3A_409 = arith.shli %scan3A_241, %shift_left3A_408 : i32
      %select_n3A_410 = arith.select %eq3A_407, %reduce_max3A_381, %shift_left3A_409 : i32
      %eq3A_411 = arith.constant 1 : i32
      %eq3A_412 = arith.cmpi eq, %convert_element_type3A_401, %eq3A_411 : i32
      %shift_left3A_413 = arith.constant 7 : i32
      %shift_left3A_414 = arith.shli %scan3A_240, %shift_left3A_413 : i32
      %select_n3A_415 = arith.select %eq3A_412, %reduce_max3A_318, %shift_left3A_414 : i32
      %eq3A_416 = arith.constant 1 : i32
      %eq3A_417 = arith.cmpi eq, %convert_element_type3A_401, %eq3A_416 : i32
      %shift_left3A_418 = arith.constant 7 : i32
      %shift_left3A_419 = arith.shli %scan3A_241, %shift_left3A_418 : i32
      %select_n3A_420 = arith.select %eq3A_417, %reduce_max3A_396, %shift_left3A_419 : i32
      %shift_right_arithmetic3A_421 = arith.constant 7 : i32
      %shift_right_arithmetic3A_422 = arith.shrsi %select_n3A_405, %shift_right_arithmetic3A_421 : i32
      %ne3A_423 = arith.cmpi ne, %shift_right_arithmetic3A_422, %scan3A_240 : i32
      %convert_element_type3A_424 = arith.extui %ne3A_423 : i1 to i32
      %eq3A_425 = arith.constant 1 : i32
      %eq3A_426 = arith.cmpi eq, %convert_element_type3A_424, %eq3A_425 : i32
      %convert_element_type3A_427 = arith.extui %eq3A_426 : i1 to i32
      %cond3A_428 = arith.constant 0 : i32
      %cond3A_429 = arith.cmpi ne, %convert_element_type3A_427, %cond3A_428 : i32
      scf.if %cond3A_429 {
        %mul3A_864 = arith.constant 128 : i32
        %mul3A_865 = arith.muli %shift_right_arithmetic3A_422, %mul3A_864 : i32
        %multiple_of3A = tpu.assume_multiple %mul3A_865, 128 : i32
        %jit3A_866 = arith.constant 10 : i32
        %eq3A_867 = arith.constant 0 : i32
        %eq3A_868 = arith.cmpi eq, %jit3A_866, %eq3A_867 : i32
        %jit3A_869 = arith.constant 1 : i32
        %select_n3A_870 = arith.select %eq3A_868, %jit3A_869, %jit3A_866 : i32
        %rem3A_871 = arith.remsi %scan3A_242, %select_n3A_870 : i32
        %ne3A_872 = arith.constant 0 : i32
        %ne3A_873 = arith.cmpi ne, %rem3A_871, %ne3A_872 : i32
        %lt3A_874 = arith.constant 0 : i32
        %lt3A_875 = arith.cmpi slt, %rem3A_871, %lt3A_874 : i32
        %lt3A_876 = arith.constant 0 : i32
        %lt3A_877 = arith.cmpi slt, %select_n3A_870, %lt3A_876 : i32
        %ne3A_878 = arith.xori %lt3A_875, %lt3A_877 : i1
        %and3A_879 = arith.andi %ne3A_878, %ne3A_873 : i1
        %add3A_880 = arith.addi %rem3A_871, %select_n3A_870 : i32
        %select_n3A_881 = arith.select %and3A_879, %add3A_880, %rem3A_871 : i32
        %jit3A_882 = arith.constant 10 : i32
        %eq3A_883 = arith.constant 0 : i32
        %eq3A_884 = arith.cmpi eq, %jit3A_882, %eq3A_883 : i32
        %jit3A_885 = arith.constant 1 : i32
        %select_n3A_886 = arith.select %eq3A_884, %jit3A_885, %jit3A_882 : i32
        %rem3A_887 = arith.remsi %scan3A_242, %select_n3A_886 : i32
        %ne3A_888 = arith.constant 0 : i32
        %ne3A_889 = arith.cmpi ne, %rem3A_887, %ne3A_888 : i32
        %lt3A_890 = arith.constant 0 : i32
        %lt3A_891 = arith.cmpi slt, %rem3A_887, %lt3A_890 : i32
        %lt3A_892 = arith.constant 0 : i32
        %lt3A_893 = arith.cmpi slt, %select_n3A_886, %lt3A_892 : i32
        %ne3A_894 = arith.xori %lt3A_891, %lt3A_893 : i1
        %and3A_895 = arith.andi %ne3A_894, %ne3A_889 : i1
        %add3A_896 = arith.addi %rem3A_887, %select_n3A_886 : i32
        %select_n3A_897 = arith.select %and3A_895, %add3A_896, %rem3A_887 : i32
        %dma_start3A_898 = arith.constant 0 : i32
        %dma_start3A_899 = arith.constant 0 : i32
        %dma_start3A_900 = tpu.memref_slice %arg14[%select_n3A_881, %dma_start3A_898, %dma_start3A_899] : memref<10x64x128xf32, #tpu.memory_space<vmem>> -> memref<1x64x128xf32, #tpu.memory_space<vmem>>
        %dma_start3A_901 = tpu.memref_squeeze %dma_start3A_900 : memref<1x64x128xf32, #tpu.memory_space<vmem>> -> memref<64x128xf32, #tpu.memory_space<vmem>>
        %dma_start3A_902 = arith.constant 0 : i32
        %dma_start3A_903 = tpu.memref_slice %arg2[%dma_start3A_902, %multiple_of3A] : memref<64x1000000xf32, #tpu.memory_space<hbm>> -> memref<64x128xf32, #tpu.memory_space<hbm>>
        %dma_start3A_904 = tpu.memref_slice %arg17[%select_n3A_897] : memref<10x!tpu.dma_semaphore, #tpu.memory_space<semaphore_mem>> -> memref<1x!tpu.dma_semaphore, #tpu.memory_space<semaphore_mem>>
        %dma_start3A_905 = tpu.memref_squeeze %dma_start3A_904 : memref<1x!tpu.dma_semaphore, #tpu.memory_space<semaphore_mem>> -> memref<!tpu.dma_semaphore, #tpu.memory_space<semaphore_mem>>
        %dma_start3A_906 = arith.constant 0 : i32
        %dma_start3A_907 = arith.constant 0 : i32
        %dma_start3A_908 = tpu.memref_slice %arg14[%select_n3A_881, %dma_start3A_906, %dma_start3A_907] : memref<10x64x128xf32, #tpu.memory_space<vmem>> -> memref<1x64x128xf32, #tpu.memory_space<vmem>>
        %dma_start3A_909 = tpu.memref_squeeze %dma_start3A_908 : memref<1x64x128xf32, #tpu.memory_space<vmem>> -> memref<64x128xf32, #tpu.memory_space<vmem>>
        %dma_start3A_910 = arith.constant 0 : i32
        %dma_start3A_911 = tpu.memref_slice %arg2[%dma_start3A_910, %multiple_of3A] : memref<64x1000000xf32, #tpu.memory_space<hbm>> -> memref<64x128xf32, #tpu.memory_space<hbm>>
        tpu.enqueue_dma source(%dma_start3A_911 : memref<64x128xf32, #tpu.memory_space<hbm>>) target(%dma_start3A_909 : memref<64x128xf32, #tpu.memory_space<vmem>>) target_semaphore(%dma_start3A_905 : memref<!tpu.dma_semaphore, #tpu.memory_space<semaphore_mem>>)
      } else {
      }
      %add3A_430 = arith.addi %scan3A_242, %convert_element_type3A_424 : i32
      %shift_right_arithmetic3A_431 = arith.constant 7 : i32
      %shift_right_arithmetic3A_432 = arith.shrsi %select_n3A_410, %shift_right_arithmetic3A_431 : i32
      %ne3A_433 = arith.cmpi ne, %shift_right_arithmetic3A_432, %scan3A_241 : i32
      %convert_element_type3A_434 = arith.extui %ne3A_433 : i1 to i32
      %eq3A_435 = arith.constant 1 : i32
      %eq3A_436 = arith.cmpi eq, %convert_element_type3A_434, %eq3A_435 : i32
      %convert_element_type3A_437 = arith.extui %eq3A_436 : i1 to i32
      %cond3A_438 = arith.constant 0 : i32
      %cond3A_439 = arith.cmpi ne, %convert_element_type3A_437, %cond3A_438 : i32
      scf.if %cond3A_439 {
        %mul3A_864 = arith.constant 128 : i32
        %mul3A_865 = arith.muli %shift_right_arithmetic3A_432, %mul3A_864 : i32
        %multiple_of3A = tpu.assume_multiple %mul3A_865, 128 : i32
        %jit3A_866 = arith.constant 10 : i32
        %eq3A_867 = arith.constant 0 : i32
        %eq3A_868 = arith.cmpi eq, %jit3A_866, %eq3A_867 : i32
        %jit3A_869 = arith.constant 1 : i32
        %select_n3A_870 = arith.select %eq3A_868, %jit3A_869, %jit3A_866 : i32
        %rem3A_871 = arith.remsi %add3A_430, %select_n3A_870 : i32
        %ne3A_872 = arith.constant 0 : i32
        %ne3A_873 = arith.cmpi ne, %rem3A_871, %ne3A_872 : i32
        %lt3A_874 = arith.constant 0 : i32
        %lt3A_875 = arith.cmpi slt, %rem3A_871, %lt3A_874 : i32
        %lt3A_876 = arith.constant 0 : i32
        %lt3A_877 = arith.cmpi slt, %select_n3A_870, %lt3A_876 : i32
        %ne3A_878 = arith.xori %lt3A_875, %lt3A_877 : i1
        %and3A_879 = arith.andi %ne3A_878, %ne3A_873 : i1
        %add3A_880 = arith.addi %rem3A_871, %select_n3A_870 : i32
        %select_n3A_881 = arith.select %and3A_879, %add3A_880, %rem3A_871 : i32
        %jit3A_882 = arith.constant 10 : i32
        %eq3A_883 = arith.constant 0 : i32
        %eq3A_884 = arith.cmpi eq, %jit3A_882, %eq3A_883 : i32
        %jit3A_885 = arith.constant 1 : i32
        %select_n3A_886 = arith.select %eq3A_884, %jit3A_885, %jit3A_882 : i32
        %rem3A_887 = arith.remsi %add3A_430, %select_n3A_886 : i32
        %ne3A_888 = arith.constant 0 : i32
        %ne3A_889 = arith.cmpi ne, %rem3A_887, %ne3A_888 : i32
        %lt3A_890 = arith.constant 0 : i32
        %lt3A_891 = arith.cmpi slt, %rem3A_887, %lt3A_890 : i32
        %lt3A_892 = arith.constant 0 : i32
        %lt3A_893 = arith.cmpi slt, %select_n3A_886, %lt3A_892 : i32
        %ne3A_894 = arith.xori %lt3A_891, %lt3A_893 : i1
        %and3A_895 = arith.andi %ne3A_894, %ne3A_889 : i1
        %add3A_896 = arith.addi %rem3A_887, %select_n3A_886 : i32
        %select_n3A_897 = arith.select %and3A_895, %add3A_896, %rem3A_887 : i32
        %dma_start3A_898 = arith.constant 0 : i32
        %dma_start3A_899 = arith.constant 0 : i32
        %dma_start3A_900 = tpu.memref_slice %arg14[%select_n3A_881, %dma_start3A_898, %dma_start3A_899] : memref<10x64x128xf32, #tpu.memory_space<vmem>> -> memref<1x64x128xf32, #tpu.memory_space<vmem>>
        %dma_start3A_901 = tpu.memref_squeeze %dma_start3A_900 : memref<1x64x128xf32, #tpu.memory_space<vmem>> -> memref<64x128xf32, #tpu.memory_space<vmem>>
        %dma_start3A_902 = arith.constant 0 : i32
        %dma_start3A_903 = tpu.memref_slice %arg3[%dma_start3A_902, %multiple_of3A] : memref<64x1000000xf32, #tpu.memory_space<hbm>> -> memref<64x128xf32, #tpu.memory_space<hbm>>
        %dma_start3A_904 = tpu.memref_slice %arg17[%select_n3A_897] : memref<10x!tpu.dma_semaphore, #tpu.memory_space<semaphore_mem>> -> memref<1x!tpu.dma_semaphore, #tpu.memory_space<semaphore_mem>>
        %dma_start3A_905 = tpu.memref_squeeze %dma_start3A_904 : memref<1x!tpu.dma_semaphore, #tpu.memory_space<semaphore_mem>> -> memref<!tpu.dma_semaphore, #tpu.memory_space<semaphore_mem>>
        %dma_start3A_906 = arith.constant 0 : i32
        %dma_start3A_907 = arith.constant 0 : i32
        %dma_start3A_908 = tpu.memref_slice %arg14[%select_n3A_881, %dma_start3A_906, %dma_start3A_907] : memref<10x64x128xf32, #tpu.memory_space<vmem>> -> memref<1x64x128xf32, #tpu.memory_space<vmem>>
        %dma_start3A_909 = tpu.memref_squeeze %dma_start3A_908 : memref<1x64x128xf32, #tpu.memory_space<vmem>> -> memref<64x128xf32, #tpu.memory_space<vmem>>
        %dma_start3A_910 = arith.constant 0 : i32
        %dma_start3A_911 = tpu.memref_slice %arg3[%dma_start3A_910, %multiple_of3A] : memref<64x1000000xf32, #tpu.memory_space<hbm>> -> memref<64x128xf32, #tpu.memory_space<hbm>>
        tpu.enqueue_dma source(%dma_start3A_911 : memref<64x128xf32, #tpu.memory_space<hbm>>) target(%dma_start3A_909 : memref<64x128xf32, #tpu.memory_space<vmem>>) target_semaphore(%dma_start3A_905 : memref<!tpu.dma_semaphore, #tpu.memory_space<semaphore_mem>>)
      } else {
      }
      %add3A_440 = arith.addi %add3A_430, %convert_element_type3A_434 : i32
      %shift_right_arithmetic3A_441 = arith.constant 7 : i32
      %shift_right_arithmetic3A_442 = arith.shrsi %select_n3A_415, %shift_right_arithmetic3A_441 : i32
      %ne3A_443 = arith.cmpi ne, %shift_right_arithmetic3A_442, %shift_right_arithmetic3A_422 : i32
      %convert_element_type3A_444 = arith.extui %ne3A_443 : i1 to i32
      %eq3A_445 = arith.constant 1 : i32
      %eq3A_446 = arith.cmpi eq, %convert_element_type3A_444, %eq3A_445 : i32
      %convert_element_type3A_447 = arith.extui %eq3A_446 : i1 to i32
      %cond3A_448 = arith.constant 0 : i32
      %cond3A_449 = arith.cmpi ne, %convert_element_type3A_447, %cond3A_448 : i32
      scf.if %cond3A_449 {
        %mul3A_864 = arith.constant 128 : i32
        %mul3A_865 = arith.muli %shift_right_arithmetic3A_442, %mul3A_864 : i32
        %multiple_of3A = tpu.assume_multiple %mul3A_865, 128 : i32
        %jit3A_866 = arith.constant 10 : i32
        %eq3A_867 = arith.constant 0 : i32
        %eq3A_868 = arith.cmpi eq, %jit3A_866, %eq3A_867 : i32
        %jit3A_869 = arith.constant 1 : i32
        %select_n3A_870 = arith.select %eq3A_868, %jit3A_869, %jit3A_866 : i32
        %rem3A_871 = arith.remsi %add3A_440, %select_n3A_870 : i32
        %ne3A_872 = arith.constant 0 : i32
        %ne3A_873 = arith.cmpi ne, %rem3A_871, %ne3A_872 : i32
        %lt3A_874 = arith.constant 0 : i32
        %lt3A_875 = arith.cmpi slt, %rem3A_871, %lt3A_874 : i32
        %lt3A_876 = arith.constant 0 : i32
        %lt3A_877 = arith.cmpi slt, %select_n3A_870, %lt3A_876 : i32
        %ne3A_878 = arith.xori %lt3A_875, %lt3A_877 : i1
        %and3A_879 = arith.andi %ne3A_878, %ne3A_873 : i1
        %add3A_880 = arith.addi %rem3A_871, %select_n3A_870 : i32
        %select_n3A_881 = arith.select %and3A_879, %add3A_880, %rem3A_871 : i32
        %jit3A_882 = arith.constant 10 : i32
        %eq3A_883 = arith.constant 0 : i32
        %eq3A_884 = arith.cmpi eq, %jit3A_882, %eq3A_883 : i32
        %jit3A_885 = arith.constant 1 : i32
        %select_n3A_886 = arith.select %eq3A_884, %jit3A_885, %jit3A_882 : i32
        %rem3A_887 = arith.remsi %add3A_440, %select_n3A_886 : i32
        %ne3A_888 = arith.constant 0 : i32
        %ne3A_889 = arith.cmpi ne, %rem3A_887, %ne3A_888 : i32
        %lt3A_890 = arith.constant 0 : i32
        %lt3A_891 = arith.cmpi slt, %rem3A_887, %lt3A_890 : i32
        %lt3A_892 = arith.constant 0 : i32
        %lt3A_893 = arith.cmpi slt, %select_n3A_886, %lt3A_892 : i32
        %ne3A_894 = arith.xori %lt3A_891, %lt3A_893 : i1
        %and3A_895 = arith.andi %ne3A_894, %ne3A_889 : i1
        %add3A_896 = arith.addi %rem3A_887, %select_n3A_886 : i32
        %select_n3A_897 = arith.select %and3A_895, %add3A_896, %rem3A_887 : i32
        %dma_start3A_898 = arith.constant 0 : i32
        %dma_start3A_899 = arith.constant 0 : i32
        %dma_start3A_900 = tpu.memref_slice %arg14[%select_n3A_881, %dma_start3A_898, %dma_start3A_899] : memref<10x64x128xf32, #tpu.memory_space<vmem>> -> memref<1x64x128xf32, #tpu.memory_space<vmem>>
        %dma_start3A_901 = tpu.memref_squeeze %dma_start3A_900 : memref<1x64x128xf32, #tpu.memory_space<vmem>> -> memref<64x128xf32, #tpu.memory_space<vmem>>
        %dma_start3A_902 = arith.constant 0 : i32
        %dma_start3A_903 = tpu.memref_slice %arg2[%dma_start3A_902, %multiple_of3A] : memref<64x1000000xf32, #tpu.memory_space<hbm>> -> memref<64x128xf32, #tpu.memory_space<hbm>>
        %dma_start3A_904 = tpu.memref_slice %arg17[%select_n3A_897] : memref<10x!tpu.dma_semaphore, #tpu.memory_space<semaphore_mem>> -> memref<1x!tpu.dma_semaphore, #tpu.memory_space<semaphore_mem>>
        %dma_start3A_905 = tpu.memref_squeeze %dma_start3A_904 : memref<1x!tpu.dma_semaphore, #tpu.memory_space<semaphore_mem>> -> memref<!tpu.dma_semaphore, #tpu.memory_space<semaphore_mem>>
        %dma_start3A_906 = arith.constant 0 : i32
        %dma_start3A_907 = arith.constant 0 : i32
        %dma_start3A_908 = tpu.memref_slice %arg14[%select_n3A_881, %dma_start3A_906, %dma_start3A_907] : memref<10x64x128xf32, #tpu.memory_space<vmem>> -> memref<1x64x128xf32, #tpu.memory_space<vmem>>
        %dma_start3A_909 = tpu.memref_squeeze %dma_start3A_908 : memref<1x64x128xf32, #tpu.memory_space<vmem>> -> memref<64x128xf32, #tpu.memory_space<vmem>>
        %dma_start3A_910 = arith.constant 0 : i32
        %dma_start3A_911 = tpu.memref_slice %arg2[%dma_start3A_910, %multiple_of3A] : memref<64x1000000xf32, #tpu.memory_space<hbm>> -> memref<64x128xf32, #tpu.memory_space<hbm>>
        tpu.enqueue_dma source(%dma_start3A_911 : memref<64x128xf32, #tpu.memory_space<hbm>>) target(%dma_start3A_909 : memref<64x128xf32, #tpu.memory_space<vmem>>) target_semaphore(%dma_start3A_905 : memref<!tpu.dma_semaphore, #tpu.memory_space<semaphore_mem>>)
      } else {
      }
      %add3A_450 = arith.addi %add3A_440, %convert_element_type3A_444 : i32
      %shift_right_arithmetic3A_451 = arith.constant 7 : i32
      %shift_right_arithmetic3A_452 = arith.shrsi %select_n3A_420, %shift_right_arithmetic3A_451 : i32
      %ne3A_453 = arith.cmpi ne, %shift_right_arithmetic3A_452, %shift_right_arithmetic3A_432 : i32
      %convert_element_type3A_454 = arith.extui %ne3A_453 : i1 to i32
      %eq3A_455 = arith.constant 1 : i32
      %eq3A_456 = arith.cmpi eq, %convert_element_type3A_454, %eq3A_455 : i32
      %convert_element_type3A_457 = arith.extui %eq3A_456 : i1 to i32
      %cond3A_458 = arith.constant 0 : i32
      %cond3A_459 = arith.cmpi ne, %convert_element_type3A_457, %cond3A_458 : i32
      scf.if %cond3A_459 {
        %mul3A_864 = arith.constant 128 : i32
        %mul3A_865 = arith.muli %shift_right_arithmetic3A_452, %mul3A_864 : i32
        %multiple_of3A = tpu.assume_multiple %mul3A_865, 128 : i32
        %jit3A_866 = arith.constant 10 : i32
        %eq3A_867 = arith.constant 0 : i32
        %eq3A_868 = arith.cmpi eq, %jit3A_866, %eq3A_867 : i32
        %jit3A_869 = arith.constant 1 : i32
        %select_n3A_870 = arith.select %eq3A_868, %jit3A_869, %jit3A_866 : i32
        %rem3A_871 = arith.remsi %add3A_450, %select_n3A_870 : i32
        %ne3A_872 = arith.constant 0 : i32
        %ne3A_873 = arith.cmpi ne, %rem3A_871, %ne3A_872 : i32
        %lt3A_874 = arith.constant 0 : i32
        %lt3A_875 = arith.cmpi slt, %rem3A_871, %lt3A_874 : i32
        %lt3A_876 = arith.constant 0 : i32
        %lt3A_877 = arith.cmpi slt, %select_n3A_870, %lt3A_876 : i32
        %ne3A_878 = arith.xori %lt3A_875, %lt3A_877 : i1
        %and3A_879 = arith.andi %ne3A_878, %ne3A_873 : i1
        %add3A_880 = arith.addi %rem3A_871, %select_n3A_870 : i32
        %select_n3A_881 = arith.select %and3A_879, %add3A_880, %rem3A_871 : i32
        %jit3A_882 = arith.constant 10 : i32
        %eq3A_883 = arith.constant 0 : i32
        %eq3A_884 = arith.cmpi eq, %jit3A_882, %eq3A_883 : i32
        %jit3A_885 = arith.constant 1 : i32
        %select_n3A_886 = arith.select %eq3A_884, %jit3A_885, %jit3A_882 : i32
        %rem3A_887 = arith.remsi %add3A_450, %select_n3A_886 : i32
        %ne3A_888 = arith.constant 0 : i32
        %ne3A_889 = arith.cmpi ne, %rem3A_887, %ne3A_888 : i32
        %lt3A_890 = arith.constant 0 : i32
        %lt3A_891 = arith.cmpi slt, %rem3A_887, %lt3A_890 : i32
        %lt3A_892 = arith.constant 0 : i32
        %lt3A_893 = arith.cmpi slt, %select_n3A_886, %lt3A_892 : i32
        %ne3A_894 = arith.xori %lt3A_891, %lt3A_893 : i1
        %and3A_895 = arith.andi %ne3A_894, %ne3A_889 : i1
        %add3A_896 = arith.addi %rem3A_887, %select_n3A_886 : i32
        %select_n3A_897 = arith.select %and3A_895, %add3A_896, %rem3A_887 : i32
        %dma_start3A_898 = arith.constant 0 : i32
        %dma_start3A_899 = arith.constant 0 : i32
        %dma_start3A_900 = tpu.memref_slice %arg14[%select_n3A_881, %dma_start3A_898, %dma_start3A_899] : memref<10x64x128xf32, #tpu.memory_space<vmem>> -> memref<1x64x128xf32, #tpu.memory_space<vmem>>
        %dma_start3A_901 = tpu.memref_squeeze %dma_start3A_900 : memref<1x64x128xf32, #tpu.memory_space<vmem>> -> memref<64x128xf32, #tpu.memory_space<vmem>>
        %dma_start3A_902 = arith.constant 0 : i32
        %dma_start3A_903 = tpu.memref_slice %arg3[%dma_start3A_902, %multiple_of3A] : memref<64x1000000xf32, #tpu.memory_space<hbm>> -> memref<64x128xf32, #tpu.memory_space<hbm>>
        %dma_start3A_904 = tpu.memref_slice %arg17[%select_n3A_897] : memref<10x!tpu.dma_semaphore, #tpu.memory_space<semaphore_mem>> -> memref<1x!tpu.dma_semaphore, #tpu.memory_space<semaphore_mem>>
        %dma_start3A_905 = tpu.memref_squeeze %dma_start3A_904 : memref<1x!tpu.dma_semaphore, #tpu.memory_space<semaphore_mem>> -> memref<!tpu.dma_semaphore, #tpu.memory_space<semaphore_mem>>
        %dma_start3A_906 = arith.constant 0 : i32
        %dma_start3A_907 = arith.constant 0 : i32
        %dma_start3A_908 = tpu.memref_slice %arg14[%select_n3A_881, %dma_start3A_906, %dma_start3A_907] : memref<10x64x128xf32, #tpu.memory_space<vmem>> -> memref<1x64x128xf32, #tpu.memory_space<vmem>>
        %dma_start3A_909 = tpu.memref_squeeze %dma_start3A_908 : memref<1x64x128xf32, #tpu.memory_space<vmem>> -> memref<64x128xf32, #tpu.memory_space<vmem>>
        %dma_start3A_910 = arith.constant 0 : i32
        %dma_start3A_911 = tpu.memref_slice %arg3[%dma_start3A_910, %multiple_of3A] : memref<64x1000000xf32, #tpu.memory_space<hbm>> -> memref<64x128xf32, #tpu.memory_space<hbm>>
        tpu.enqueue_dma source(%dma_start3A_911 : memref<64x128xf32, #tpu.memory_space<hbm>>) target(%dma_start3A_909 : memref<64x128xf32, #tpu.memory_space<vmem>>) target_semaphore(%dma_start3A_905 : memref<!tpu.dma_semaphore, #tpu.memory_space<semaphore_mem>>)
      } else {
      }
      %add3A_460 = arith.addi %add3A_450, %convert_element_type3A_454 : i32
      %jit3A_461 = arith.constant 8 : i32
      %div3A_462 = arith.divsi %scan3A_239, %jit3A_461 : i32
      %sign3A_463 = arith.constant 0 : i32
      %sign3A_464 = arith.cmpi sgt, %scan3A_239, %sign3A_463 : i32
      %sign3A_465 = arith.extui %sign3A_464 : i1 to i32
      %sign3A_466 = arith.constant 0 : i32
      %sign3A_467 = arith.cmpi slt, %scan3A_239, %sign3A_466 : i32
      %sign3A_468 = arith.extui %sign3A_467 : i1 to i32
      %sign3A_469 = arith.subi %sign3A_465, %sign3A_468 : i32
      %sign3A_470 = arith.constant 0 : i32
      %sign3A_471 = arith.cmpi sgt, %jit3A_461, %sign3A_470 : i32
      %sign3A_472 = arith.extui %sign3A_471 : i1 to i32
      %sign3A_473 = arith.constant 0 : i32
      %sign3A_474 = arith.cmpi slt, %jit3A_461, %sign3A_473 : i32
      %sign3A_475 = arith.extui %sign3A_474 : i1 to i32
      %sign3A_476 = arith.subi %sign3A_472, %sign3A_475 : i32
      %ne3A_477 = arith.cmpi ne, %sign3A_469, %sign3A_476 : i32
      %rem3A_478 = arith.remsi %scan3A_239, %jit3A_461 : i32
      %ne3A_479 = arith.constant 0 : i32
      %ne3A_480 = arith.cmpi ne, %rem3A_478, %ne3A_479 : i32
      %and3A_481 = arith.andi %ne3A_477, %ne3A_480 : i1
      %sub3A_482 = arith.constant 1 : i32
      %sub3A_483 = arith.subi %div3A_462, %sub3A_482 : i32
      %select_n3A_484 = arith.select %and3A_481, %sub3A_483, %div3A_462 : i32
      %mul3A_485 = arith.constant 16 : i32
      %mul3A_486 = arith.muli %select_n3A_484, %mul3A_485 : i32
      %get3A_487 = arith.index_cast %mul3A_486 : i32 to index
      %get3A_488 = tpu.vector_load %arg10[%get3A_487] {strides = array<i32>} : memref<512xi32, #tpu.memory_space<vmem>>, vector<16xi32>,
      %mul3A_489 = arith.constant 2 : i32
      %mul3A_490 = arith.muli %mul3A_489, %scan3A_239 : i32
      %jit3A_491 = arith.constant 16 : i32
      %eq3A_492 = arith.constant 0 : i32
      %eq3A_493 = arith.cmpi eq, %jit3A_491, %eq3A_492 : i32
      %jit3A_494 = arith.constant 1 : i32
      %select_n3A_495 = arith.select %eq3A_493, %jit3A_494, %jit3A_491 : i32
      %rem3A_496 = arith.remsi %mul3A_490, %select_n3A_495 : i32
      %ne3A_497 = arith.constant 0 : i32
      %ne3A_498 = arith.cmpi ne, %rem3A_496, %ne3A_497 : i32
      %lt3A_499 = arith.constant 0 : i32
      %lt3A_500 = arith.cmpi slt, %rem3A_496, %lt3A_499 : i32
      %lt3A_501 = arith.constant 0 : i32
      %lt3A_502 = arith.cmpi slt, %select_n3A_495, %lt3A_501 : i32
      %ne3A_503 = arith.xori %lt3A_500, %lt3A_502 : i1
      %and3A_504 = arith.andi %ne3A_503, %ne3A_498 : i1
      %add3A_505 = arith.addi %rem3A_496, %select_n3A_495 : i32
      %select_n3A_506 = arith.select %and3A_504, %add3A_505, %rem3A_496 : i32
      %eq3A_507 = vector.broadcast %select_n3A_506 : i32 to vector<16xi32>
      %eq3A_508 = arith.cmpi eq, %iota3A, %eq3A_507 : vector<16xi32>
      %jit3A_509 = arith.constant 0 : i32
      %broadcast_in_dim3A_510 = vector.broadcast %jit3A_509 : i32 to vector<16xi32>
      %select_n3A_511 = arith.select %eq3A_508, %get3A_488, %broadcast_in_dim3A_510 : vector<16xi1>, vector<16xi32>
      %reduce_max3A_512 = arith.constant true
      %reduce_max3A_513 = vector.broadcast %reduce_max3A_512 : i1 to vector<16xi1>
      %reduce_max3A_514 = arith.constant -2147483648 : i32
      %reduce_max3A_515 = vector.broadcast %reduce_max3A_514 : i32 to vector<16xi32>
      %reduce_max3A_516 = arith.xori %select_n3A_511, %reduce_max3A_515 : vector<16xi32>
      %reduce_max3A_517 = tpu.scan <max>, %reduce_max3A_516 masked %reduce_max3A_513 : vector<16xi32>, vector<16xi1> -> vector<16xi32>
      %reduce_max3A_518 = arith.xori %reduce_max3A_517, %reduce_max3A_515 : vector<16xi32>
      %reduce_max3A_519 = vector.extract %reduce_max3A_518[15] : i32 from vector<16xi32>
      %add3A_520 = arith.constant 1 : i32
      %add3A_521 = arith.addi %select_n3A_506, %add3A_520 : i32
      %eq3A_522 = vector.broadcast %add3A_521 : i32 to vector<16xi32>
      %eq3A_523 = arith.cmpi eq, %iota3A, %eq3A_522 : vector<16xi32>
      %jit3A_524 = arith.constant 0 : i32
      %broadcast_in_dim3A_525 = vector.broadcast %jit3A_524 : i32 to vector<16xi32>
      %select_n3A_526 = arith.select %eq3A_523, %get3A_488, %broadcast_in_dim3A_525 : vector<16xi1>, vector<16xi32>
      %reduce_max3A_527 = arith.constant true
      %reduce_max3A_528 = vector.broadcast %reduce_max3A_527 : i1 to vector<16xi1>
      %reduce_max3A_529 = arith.constant -2147483648 : i32
      %reduce_max3A_530 = vector.broadcast %reduce_max3A_529 : i32 to vector<16xi32>
      %reduce_max3A_531 = arith.xori %select_n3A_526, %reduce_max3A_530 : vector<16xi32>
      %reduce_max3A_532 = tpu.scan <max>, %reduce_max3A_531 masked %reduce_max3A_528 : vector<16xi32>, vector<16xi1> -> vector<16xi32>
      %reduce_max3A_533 = arith.xori %reduce_max3A_532, %reduce_max3A_530 : vector<16xi32>
      %reduce_max3A_534 = vector.extract %reduce_max3A_533[15] : i32 from vector<16xi32>
      %jit3A_535 = arith.constant 8 : i32
      %div3A_536 = arith.divsi %scan3A_239, %jit3A_535 : i32
      %sign3A_537 = arith.constant 0 : i32
      %sign3A_538 = arith.cmpi sgt, %scan3A_239, %sign3A_537 : i32
      %sign3A_539 = arith.extui %sign3A_538 : i1 to i32
      %sign3A_540 = arith.constant 0 : i32
      %sign3A_541 = arith.cmpi slt, %scan3A_239, %sign3A_540 : i32
      %sign3A_542 = arith.extui %sign3A_541 : i1 to i32
      %sign3A_543 = arith.subi %sign3A_539, %sign3A_542 : i32
      %sign3A_544 = arith.constant 0 : i32
      %sign3A_545 = arith.cmpi sgt, %jit3A_535, %sign3A_544 : i32
      %sign3A_546 = arith.extui %sign3A_545 : i1 to i32
      %sign3A_547 = arith.constant 0 : i32
      %sign3A_548 = arith.cmpi slt, %jit3A_535, %sign3A_547 : i32
      %sign3A_549 = arith.extui %sign3A_548 : i1 to i32
      %sign3A_550 = arith.subi %sign3A_546, %sign3A_549 : i32
      %ne3A_551 = arith.cmpi ne, %sign3A_543, %sign3A_550 : i32
      %rem3A_552 = arith.remsi %scan3A_239, %jit3A_535 : i32
      %ne3A_553 = arith.constant 0 : i32
      %ne3A_554 = arith.cmpi ne, %rem3A_552, %ne3A_553 : i32
      %and3A_555 = arith.andi %ne3A_551, %ne3A_554 : i1
      %sub3A_556 = arith.constant 1 : i32
      %sub3A_557 = arith.subi %div3A_536, %sub3A_556 : i32
      %select_n3A_558 = arith.select %and3A_555, %sub3A_557, %div3A_536 : i32
      %mul3A_559 = arith.constant 16 : i32
      %mul3A_560 = arith.muli %select_n3A_558, %mul3A_559 : i32
      %get3A_561 = arith.index_cast %mul3A_560 : i32 to index
      %get3A_562 = tpu.vector_load %arg11[%get3A_561] {strides = array<i32>} : memref<512xi32, #tpu.memory_space<vmem>>, vector<16xi32>,
      %mul3A_563 = arith.constant 2 : i32
      %mul3A_564 = arith.muli %mul3A_563, %scan3A_239 : i32
      %jit3A_565 = arith.constant 16 : i32
      %eq3A_566 = arith.constant 0 : i32
      %eq3A_567 = arith.cmpi eq, %jit3A_565, %eq3A_566 : i32
      %jit3A_568 = arith.constant 1 : i32
      %select_n3A_569 = arith.select %eq3A_567, %jit3A_568, %jit3A_565 : i32
      %rem3A_570 = arith.remsi %mul3A_564, %select_n3A_569 : i32
      %ne3A_571 = arith.constant 0 : i32
      %ne3A_572 = arith.cmpi ne, %rem3A_570, %ne3A_571 : i32
      %lt3A_573 = arith.constant 0 : i32
      %lt3A_574 = arith.cmpi slt, %rem3A_570, %lt3A_573 : i32
      %lt3A_575 = arith.constant 0 : i32
      %lt3A_576 = arith.cmpi slt, %select_n3A_569, %lt3A_575 : i32
      %ne3A_577 = arith.xori %lt3A_574, %lt3A_576 : i1
      %and3A_578 = arith.andi %ne3A_577, %ne3A_572 : i1
      %add3A_579 = arith.addi %rem3A_570, %select_n3A_569 : i32
      %select_n3A_580 = arith.select %and3A_578, %add3A_579, %rem3A_570 : i32
      %eq3A_581 = vector.broadcast %select_n3A_580 : i32 to vector<16xi32>
      %eq3A_582 = arith.cmpi eq, %iota3A, %eq3A_581 : vector<16xi32>
      %jit3A_583 = arith.constant 0 : i32
      %broadcast_in_dim3A_584 = vector.broadcast %jit3A_583 : i32 to vector<16xi32>
      %select_n3A_585 = arith.select %eq3A_582, %get3A_562, %broadcast_in_dim3A_584 : vector<16xi1>, vector<16xi32>
      %reduce_max3A_586 = arith.constant true
      %reduce_max3A_587 = vector.broadcast %reduce_max3A_586 : i1 to vector<16xi1>
      %reduce_max3A_588 = arith.constant -2147483648 : i32
      %reduce_max3A_589 = vector.broadcast %reduce_max3A_588 : i32 to vector<16xi32>
      %reduce_max3A_590 = arith.xori %select_n3A_585, %reduce_max3A_589 : vector<16xi32>
      %reduce_max3A_591 = tpu.scan <max>, %reduce_max3A_590 masked %reduce_max3A_587 : vector<16xi32>, vector<16xi1> -> vector<16xi32>
      %reduce_max3A_592 = arith.xori %reduce_max3A_591, %reduce_max3A_589 : vector<16xi32>
      %reduce_max3A_593 = vector.extract %reduce_max3A_592[15] : i32 from vector<16xi32>
      %add3A_594 = arith.constant 1 : i32
      %add3A_595 = arith.addi %select_n3A_580, %add3A_594 : i32
      %eq3A_596 = vector.broadcast %add3A_595 : i32 to vector<16xi32>
      %eq3A_597 = arith.cmpi eq, %iota3A, %eq3A_596 : vector<16xi32>
      %jit3A_598 = arith.constant 0 : i32
      %broadcast_in_dim3A_599 = vector.broadcast %jit3A_598 : i32 to vector<16xi32>
      %select_n3A_600 = arith.select %eq3A_597, %get3A_562, %broadcast_in_dim3A_599 : vector<16xi1>, vector<16xi32>
      %reduce_max3A_601 = arith.constant true
      %reduce_max3A_602 = vector.broadcast %reduce_max3A_601 : i1 to vector<16xi1>
      %reduce_max3A_603 = arith.constant -2147483648 : i32
      %reduce_max3A_604 = vector.broadcast %reduce_max3A_603 : i32 to vector<16xi32>
      %reduce_max3A_605 = arith.xori %select_n3A_600, %reduce_max3A_604 : vector<16xi32>
      %reduce_max3A_606 = tpu.scan <max>, %reduce_max3A_605 masked %reduce_max3A_602 : vector<16xi32>, vector<16xi1> -> vector<16xi32>
      %reduce_max3A_607 = arith.xori %reduce_max3A_606, %reduce_max3A_604 : vector<16xi32>
      %reduce_max3A_608 = vector.extract %reduce_max3A_607[15] : i32 from vector<16xi32>
      %mul3A_609 = arith.constant 2 : i32
      %mul3A_610 = arith.muli %mul3A_609, %scan3A_239 : i32
      %sub3A_611 = arith.constant 384 : i32
      %sub3A_612 = arith.subi %mul3A_610, %sub3A_611 : i32
      %shift_right_arithmetic3A_613 = arith.constant 7 : i32
      %shift_right_arithmetic3A_614 = arith.shrsi %reduce_max3A_519, %shift_right_arithmetic3A_613 : i32
      %ne3A_615 = arith.cmpi ne, %shift_right_arithmetic3A_614, %scan3A_243 : i32
      %convert_element_type3A_616 = arith.extui %ne3A_615 : i1 to i32
      %eq3A_617 = arith.constant 1 : i32
      %eq3A_618 = arith.cmpi eq, %convert_element_type3A_616, %eq3A_617 : i32
      %convert_element_type3A_619 = arith.extui %eq3A_618 : i1 to i32
      %cond3A_620 = arith.constant 0 : i32
      %cond3A_621 = arith.cmpi ne, %convert_element_type3A_619, %cond3A_620 : i32
      scf.if %cond3A_621 {
        %jit3A_864 = arith.constant 10 : i32
        %eq3A_865 = arith.constant 0 : i32
        %eq3A_866 = arith.cmpi eq, %jit3A_864, %eq3A_865 : i32
        %jit3A_867 = arith.constant 1 : i32
        %select_n3A_868 = arith.select %eq3A_866, %jit3A_867, %jit3A_864 : i32
        %rem3A_869 = arith.remsi %scan3A_245, %select_n3A_868 : i32
        %ne3A_870 = arith.constant 0 : i32
        %ne3A_871 = arith.cmpi ne, %rem3A_869, %ne3A_870 : i32
        %lt3A_872 = arith.constant 0 : i32
        %lt3A_873 = arith.cmpi slt, %rem3A_869, %lt3A_872 : i32
        %lt3A_874 = arith.constant 0 : i32
        %lt3A_875 = arith.cmpi slt, %select_n3A_868, %lt3A_874 : i32
        %ne3A_876 = arith.xori %lt3A_873, %lt3A_875 : i1
        %and3A_877 = arith.andi %ne3A_876, %ne3A_871 : i1
        %add3A_878 = arith.addi %rem3A_869, %select_n3A_868 : i32
        %select_n3A_879 = arith.select %and3A_877, %add3A_878, %rem3A_869 : i32
        %dma_wait3A_880 = arith.constant 0 : i32
        %dma_wait3A_881 = arith.constant 0 : i32
        %dma_wait3A_882 = arith.constant 0 : i32
        %dma_wait3A_883 = tpu.memref_slice %arg14[%dma_wait3A_880, %dma_wait3A_881, %dma_wait3A_882] : memref<10x64x128xf32, #tpu.memory_space<vmem>> -> memref<1x64x128xf32, #tpu.memory_space<vmem>>
        %dma_wait3A_884 = tpu.memref_squeeze %dma_wait3A_883 : memref<1x64x128xf32, #tpu.memory_space<vmem>> -> memref<64x128xf32, #tpu.memory_space<vmem>>
        %dma_wait3A_885 = arith.constant 0 : i32
        %dma_wait3A_886 = arith.constant 0 : i32
        %dma_wait3A_887 = tpu.memref_slice %arg2[%dma_wait3A_885, %dma_wait3A_886] : memref<64x1000000xf32, #tpu.memory_space<hbm>> -> memref<64x128xf32, #tpu.memory_space<hbm>>
        %dma_wait3A_888 = tpu.memref_slice %arg17[%select_n3A_879] : memref<10x!tpu.dma_semaphore, #tpu.memory_space<semaphore_mem>> -> memref<1x!tpu.dma_semaphore, #tpu.memory_space<semaphore_mem>>
        %dma_wait3A_889 = tpu.memref_squeeze %dma_wait3A_888 : memref<1x!tpu.dma_semaphore, #tpu.memory_space<semaphore_mem>> -> memref<!tpu.dma_semaphore, #tpu.memory_space<semaphore_mem>>
        %dma_wait3A_890 = arith.constant 0 : i32
        %dma_wait3A_891 = arith.constant 0 : i32
        %dma_wait3A_892 = tpu.memref_slice %arg14[%dma_wait3A_880, %dma_wait3A_890, %dma_wait3A_891] : memref<10x64x128xf32, #tpu.memory_space<vmem>> -> memref<1x64x128xf32, #tpu.memory_space<vmem>>
        %dma_wait3A_893 = tpu.memref_squeeze %dma_wait3A_892 : memref<1x64x128xf32, #tpu.memory_space<vmem>> -> memref<64x128xf32, #tpu.memory_space<vmem>>
        %dma_wait3A_894 = arith.constant 0 : i32
        %dma_wait3A_895 = arith.constant 0 : i32
        %dma_wait3A_896 = tpu.memref_slice %arg2[%dma_wait3A_894, %dma_wait3A_895] : memref<64x1000000xf32, #tpu.memory_space<hbm>> -> memref<64x128xf32, #tpu.memory_space<hbm>>
        tpu.wait_dma2 semaphore(%dma_wait3A_889 : memref<!tpu.dma_semaphore, #tpu.memory_space<semaphore_mem>>) src(%dma_wait3A_896 : memref<64x128xf32, #tpu.memory_space<hbm>>) dst(%dma_wait3A_893 : memref<64x128xf32, #tpu.memory_space<vmem>>)
      } else {
      }
      %eq3A_622 = arith.constant 1 : i32
      %eq3A_623 = arith.cmpi eq, %convert_element_type3A_616, %eq3A_622 : i32
      %jit3A_624 = arith.constant 10 : i32
      %eq3A_625 = arith.constant 0 : i32
      %eq3A_626 = arith.cmpi eq, %jit3A_624, %eq3A_625 : i32
      %jit3A_627 = arith.constant 1 : i32
      %select_n3A_628 = arith.select %eq3A_626, %jit3A_627, %jit3A_624 : i32
      %rem3A_629 = arith.remsi %scan3A_245, %select_n3A_628 : i32
      %ne3A_630 = arith.constant 0 : i32
      %ne3A_631 = arith.cmpi ne, %rem3A_629, %ne3A_630 : i32
      %lt3A_632 = arith.constant 0 : i32
      %lt3A_633 = arith.cmpi slt, %rem3A_629, %lt3A_632 : i32
      %lt3A_634 = arith.constant 0 : i32
      %lt3A_635 = arith.cmpi slt, %select_n3A_628, %lt3A_634 : i32
      %ne3A_636 = arith.xori %lt3A_633, %lt3A_635 : i1
      %and3A_637 = arith.andi %ne3A_636, %ne3A_631 : i1
      %add3A_638 = arith.addi %rem3A_629, %select_n3A_628 : i32
      %select_n3A_639 = arith.select %and3A_637, %add3A_638, %rem3A_629 : i32
      %select_n3A_640 = arith.select %eq3A_623, %select_n3A_639, %scan3A_246 : i32
      %broadcast_in_dim3A_641 = vector.broadcast %select_n3A_640 : i32 to vector<16xi32>
      %and3A_642 = arith.constant 127 : i32
      %and3A_643 = arith.andi %reduce_max3A_519, %and3A_642 : i32
      %broadcast_in_dim3A_644 = vector.broadcast %and3A_643 : i32 to vector<16xi32>
      %broadcast_in_dim3A_645 = vector.broadcast %sub3A_612 : i32 to vector<16xi32>
      %add3A_646 = arith.constant 0 : i32
      %add3A_647 = vector.broadcast %add3A_646 : i32 to vector<16xi32>
      %add3A_648 = arith.addi %add3A_647, %iota3A : vector<16xi32>
      %gather3A = tpu.vector_load_idx %arg14[%broadcast_in_dim3A_641, %add3A_648, %broadcast_in_dim3A_644] : memref<10x64x128xf32, #tpu.memory_space<vmem>>[vector<16xi32>, vector<16xi32>, vector<16xi32>], vector<16xf32>,
      %add3A_649 = arith.constant 0 : i32
      %add3A_650 = vector.broadcast %add3A_649 : i32 to vector<16xi32>
      %add3A_651 = arith.addi %add3A_650, %iota3A : vector<16xi32>
      tpu.vector_store_idx %arg15[%broadcast_in_dim3A_645, %add3A_651], %gather3A : memref<128x128xf32, #tpu.memory_space<vmem>>[vector<16xi32>, vector<16xi32>], vector<16xf32>,
      %add3A_652 = arith.constant 16 : i32
      %add3A_653 = vector.broadcast %add3A_652 : i32 to vector<16xi32>
      %add3A_654 = arith.addi %add3A_653, %iota3A : vector<16xi32>
      %gather3A_655 = tpu.vector_load_idx %arg14[%broadcast_in_dim3A_641, %add3A_654, %broadcast_in_dim3A_644] : memref<10x64x128xf32, #tpu.memory_space<vmem>>[vector<16xi32>, vector<16xi32>, vector<16xi32>], vector<16xf32>,
      %add3A_656 = arith.constant 16 : i32
      %add3A_657 = vector.broadcast %add3A_656 : i32 to vector<16xi32>
      %add3A_658 = arith.addi %add3A_657, %iota3A : vector<16xi32>
      tpu.vector_store_idx %arg15[%broadcast_in_dim3A_645, %add3A_658], %gather3A_655 : memref<128x128xf32, #tpu.memory_space<vmem>>[vector<16xi32>, vector<16xi32>], vector<16xf32>,
      %add3A_659 = arith.constant 32 : i32
      %add3A_660 = vector.broadcast %add3A_659 : i32 to vector<16xi32>
      %add3A_661 = arith.addi %add3A_660, %iota3A : vector<16xi32>
      %gather3A_662 = tpu.vector_load_idx %arg14[%broadcast_in_dim3A_641, %add3A_661, %broadcast_in_dim3A_644] : memref<10x64x128xf32, #tpu.memory_space<vmem>>[vector<16xi32>, vector<16xi32>, vector<16xi32>], vector<16xf32>,
      %add3A_663 = arith.constant 32 : i32
      %add3A_664 = vector.broadcast %add3A_663 : i32 to vector<16xi32>
      %add3A_665 = arith.addi %add3A_664, %iota3A : vector<16xi32>
      tpu.vector_store_idx %arg15[%broadcast_in_dim3A_645, %add3A_665], %gather3A_662 : memref<128x128xf32, #tpu.memory_space<vmem>>[vector<16xi32>, vector<16xi32>], vector<16xf32>,
      %add3A_666 = arith.constant 48 : i32
      %add3A_667 = vector.broadcast %add3A_666 : i32 to vector<16xi32>
      %add3A_668 = arith.addi %add3A_667, %iota3A : vector<16xi32>
      %gather3A_669 = tpu.vector_load_idx %arg14[%broadcast_in_dim3A_641, %add3A_668, %broadcast_in_dim3A_644] : memref<10x64x128xf32, #tpu.memory_space<vmem>>[vector<16xi32>, vector<16xi32>, vector<16xi32>], vector<16xf32>,
      %add3A_670 = arith.constant 48 : i32
      %add3A_671 = vector.broadcast %add3A_670 : i32 to vector<16xi32>
      %add3A_672 = arith.addi %add3A_671, %iota3A : vector<16xi32>
      tpu.vector_store_idx %arg15[%broadcast_in_dim3A_645, %add3A_672], %gather3A_669 : memref<128x128xf32, #tpu.memory_space<vmem>>[vector<16xi32>, vector<16xi32>], vector<16xf32>,
      %add3A_673 = arith.addi %scan3A_245, %convert_element_type3A_616 : i32
      %shift_right_arithmetic3A_674 = arith.constant 7 : i32
      %shift_right_arithmetic3A_675 = arith.shrsi %reduce_max3A_593, %shift_right_arithmetic3A_674 : i32
      %ne3A_676 = arith.cmpi ne, %shift_right_arithmetic3A_675, %scan3A_244 : i32
      %convert_element_type3A_677 = arith.extui %ne3A_676 : i1 to i32
      %eq3A_678 = arith.constant 1 : i32
      %eq3A_679 = arith.cmpi eq, %convert_element_type3A_677, %eq3A_678 : i32
      %convert_element_type3A_680 = arith.extui %eq3A_679 : i1 to i32
      %cond3A_681 = arith.constant 0 : i32
      %cond3A_682 = arith.cmpi ne, %convert_element_type3A_680, %cond3A_681 : i32
      scf.if %cond3A_682 {
        %jit3A_864 = arith.constant 10 : i32
        %eq3A_865 = arith.constant 0 : i32
        %eq3A_866 = arith.cmpi eq, %jit3A_864, %eq3A_865 : i32
        %jit3A_867 = arith.constant 1 : i32
        %select_n3A_868 = arith.select %eq3A_866, %jit3A_867, %jit3A_864 : i32
        %rem3A_869 = arith.remsi %add3A_673, %select_n3A_868 : i32
        %ne3A_870 = arith.constant 0 : i32
        %ne3A_871 = arith.cmpi ne, %rem3A_869, %ne3A_870 : i32
        %lt3A_872 = arith.constant 0 : i32
        %lt3A_873 = arith.cmpi slt, %rem3A_869, %lt3A_872 : i32
        %lt3A_874 = arith.constant 0 : i32
        %lt3A_875 = arith.cmpi slt, %select_n3A_868, %lt3A_874 : i32
        %ne3A_876 = arith.xori %lt3A_873, %lt3A_875 : i1
        %and3A_877 = arith.andi %ne3A_876, %ne3A_871 : i1
        %add3A_878 = arith.addi %rem3A_869, %select_n3A_868 : i32
        %select_n3A_879 = arith.select %and3A_877, %add3A_878, %rem3A_869 : i32
        %dma_wait3A_880 = arith.constant 0 : i32
        %dma_wait3A_881 = arith.constant 0 : i32
        %dma_wait3A_882 = arith.constant 0 : i32
        %dma_wait3A_883 = tpu.memref_slice %arg14[%dma_wait3A_880, %dma_wait3A_881, %dma_wait3A_882] : memref<10x64x128xf32, #tpu.memory_space<vmem>> -> memref<1x64x128xf32, #tpu.memory_space<vmem>>
        %dma_wait3A_884 = tpu.memref_squeeze %dma_wait3A_883 : memref<1x64x128xf32, #tpu.memory_space<vmem>> -> memref<64x128xf32, #tpu.memory_space<vmem>>
        %dma_wait3A_885 = arith.constant 0 : i32
        %dma_wait3A_886 = arith.constant 0 : i32
        %dma_wait3A_887 = tpu.memref_slice %arg2[%dma_wait3A_885, %dma_wait3A_886] : memref<64x1000000xf32, #tpu.memory_space<hbm>> -> memref<64x128xf32, #tpu.memory_space<hbm>>
        %dma_wait3A_888 = tpu.memref_slice %arg17[%select_n3A_879] : memref<10x!tpu.dma_semaphore, #tpu.memory_space<semaphore_mem>> -> memref<1x!tpu.dma_semaphore, #tpu.memory_space<semaphore_mem>>
        %dma_wait3A_889 = tpu.memref_squeeze %dma_wait3A_888 : memref<1x!tpu.dma_semaphore, #tpu.memory_space<semaphore_mem>> -> memref<!tpu.dma_semaphore, #tpu.memory_space<semaphore_mem>>
        %dma_wait3A_890 = arith.constant 0 : i32
        %dma_wait3A_891 = arith.constant 0 : i32
        %dma_wait3A_892 = tpu.memref_slice %arg14[%dma_wait3A_880, %dma_wait3A_890, %dma_wait3A_891] : memref<10x64x128xf32, #tpu.memory_space<vmem>> -> memref<1x64x128xf32, #tpu.memory_space<vmem>>
        %dma_wait3A_893 = tpu.memref_squeeze %dma_wait3A_892 : memref<1x64x128xf32, #tpu.memory_space<vmem>> -> memref<64x128xf32, #tpu.memory_space<vmem>>
        %dma_wait3A_894 = arith.constant 0 : i32
        %dma_wait3A_895 = arith.constant 0 : i32
        %dma_wait3A_896 = tpu.memref_slice %arg2[%dma_wait3A_894, %dma_wait3A_895] : memref<64x1000000xf32, #tpu.memory_space<hbm>> -> memref<64x128xf32, #tpu.memory_space<hbm>>
        tpu.wait_dma2 semaphore(%dma_wait3A_889 : memref<!tpu.dma_semaphore, #tpu.memory_space<semaphore_mem>>) src(%dma_wait3A_896 : memref<64x128xf32, #tpu.memory_space<hbm>>) dst(%dma_wait3A_893 : memref<64x128xf32, #tpu.memory_space<vmem>>)
      } else {
      }
      %eq3A_683 = arith.constant 1 : i32
      %eq3A_684 = arith.cmpi eq, %convert_element_type3A_677, %eq3A_683 : i32
      %jit3A_685 = arith.constant 10 : i32
      %eq3A_686 = arith.constant 0 : i32
      %eq3A_687 = arith.cmpi eq, %jit3A_685, %eq3A_686 : i32
      %jit3A_688 = arith.constant 1 : i32
      %select_n3A_689 = arith.select %eq3A_687, %jit3A_688, %jit3A_685 : i32
      %rem3A_690 = arith.remsi %add3A_673, %select_n3A_689 : i32
      %ne3A_691 = arith.constant 0 : i32
      %ne3A_692 = arith.cmpi ne, %rem3A_690, %ne3A_691 : i32
      %lt3A_693 = arith.constant 0 : i32
      %lt3A_694 = arith.cmpi slt, %rem3A_690, %lt3A_693 : i32
      %lt3A_695 = arith.constant 0 : i32
      %lt3A_696 = arith.cmpi slt, %select_n3A_689, %lt3A_695 : i32
      %ne3A_697 = arith.xori %lt3A_694, %lt3A_696 : i1
      %and3A_698 = arith.andi %ne3A_697, %ne3A_692 : i1
      %add3A_699 = arith.addi %rem3A_690, %select_n3A_689 : i32
      %select_n3A_700 = arith.select %and3A_698, %add3A_699, %rem3A_690 : i32
      %select_n3A_701 = arith.select %eq3A_684, %select_n3A_700, %scan3A_247 : i32
      %broadcast_in_dim3A_702 = vector.broadcast %select_n3A_701 : i32 to vector<16xi32>
      %and3A_703 = arith.constant 127 : i32
      %and3A_704 = arith.andi %reduce_max3A_593, %and3A_703 : i32
      %broadcast_in_dim3A_705 = vector.broadcast %and3A_704 : i32 to vector<16xi32>
      %broadcast_in_dim3A_706 = vector.broadcast %sub3A_612 : i32 to vector<16xi32>
      %add3A_707 = arith.constant 0 : i32
      %add3A_708 = vector.broadcast %add3A_707 : i32 to vector<16xi32>
      %add3A_709 = arith.addi %add3A_708, %iota3A : vector<16xi32>
      %gather3A_710 = tpu.vector_load_idx %arg14[%broadcast_in_dim3A_702, %add3A_709, %broadcast_in_dim3A_705] : memref<10x64x128xf32, #tpu.memory_space<vmem>>[vector<16xi32>, vector<16xi32>, vector<16xi32>], vector<16xf32>,
      %add3A_711 = arith.constant 0 : i32
      %add3A_712 = vector.broadcast %add3A_711 : i32 to vector<16xi32>
      %add3A_713 = arith.addi %add3A_712, %iota3A : vector<16xi32>
      tpu.vector_store_idx %arg16[%broadcast_in_dim3A_706, %add3A_713], %gather3A_710 : memref<128x128xf32, #tpu.memory_space<vmem>>[vector<16xi32>, vector<16xi32>], vector<16xf32>,
      %add3A_714 = arith.constant 16 : i32
      %add3A_715 = vector.broadcast %add3A_714 : i32 to vector<16xi32>
      %add3A_716 = arith.addi %add3A_715, %iota3A : vector<16xi32>
      %gather3A_717 = tpu.vector_load_idx %arg14[%broadcast_in_dim3A_702, %add3A_716, %broadcast_in_dim3A_705] : memref<10x64x128xf32, #tpu.memory_space<vmem>>[vector<16xi32>, vector<16xi32>, vector<16xi32>], vector<16xf32>,
      %add3A_718 = arith.constant 16 : i32
      %add3A_719 = vector.broadcast %add3A_718 : i32 to vector<16xi32>
      %add3A_720 = arith.addi %add3A_719, %iota3A : vector<16xi32>
      tpu.vector_store_idx %arg16[%broadcast_in_dim3A_706, %add3A_720], %gather3A_717 : memref<128x128xf32, #tpu.memory_space<vmem>>[vector<16xi32>, vector<16xi32>], vector<16xf32>,
      %add3A_721 = arith.constant 32 : i32
      %add3A_722 = vector.broadcast %add3A_721 : i32 to vector<16xi32>
      %add3A_723 = arith.addi %add3A_722, %iota3A : vector<16xi32>
      %gather3A_724 = tpu.vector_load_idx %arg14[%broadcast_in_dim3A_702, %add3A_723, %broadcast_in_dim3A_705] : memref<10x64x128xf32, #tpu.memory_space<vmem>>[vector<16xi32>, vector<16xi32>, vector<16xi32>], vector<16xf32>,
      %add3A_725 = arith.constant 32 : i32
      %add3A_726 = vector.broadcast %add3A_725 : i32 to vector<16xi32>
      %add3A_727 = arith.addi %add3A_726, %iota3A : vector<16xi32>
      tpu.vector_store_idx %arg16[%broadcast_in_dim3A_706, %add3A_727], %gather3A_724 : memref<128x128xf32, #tpu.memory_space<vmem>>[vector<16xi32>, vector<16xi32>], vector<16xf32>,
      %add3A_728 = arith.constant 48 : i32
      %add3A_729 = vector.broadcast %add3A_728 : i32 to vector<16xi32>
      %add3A_730 = arith.addi %add3A_729, %iota3A : vector<16xi32>
      %gather3A_731 = tpu.vector_load_idx %arg14[%broadcast_in_dim3A_702, %add3A_730, %broadcast_in_dim3A_705] : memref<10x64x128xf32, #tpu.memory_space<vmem>>[vector<16xi32>, vector<16xi32>, vector<16xi32>], vector<16xf32>,
      %add3A_732 = arith.constant 48 : i32
      %add3A_733 = vector.broadcast %add3A_732 : i32 to vector<16xi32>
      %add3A_734 = arith.addi %add3A_733, %iota3A : vector<16xi32>
      tpu.vector_store_idx %arg16[%broadcast_in_dim3A_706, %add3A_734], %gather3A_731 : memref<128x128xf32, #tpu.memory_space<vmem>>[vector<16xi32>, vector<16xi32>], vector<16xf32>,
      %add3A_735 = arith.addi %add3A_673, %convert_element_type3A_677 : i32
      %add3A_736 = arith.constant 1 : i32
      %add3A_737 = arith.addi %sub3A_612, %add3A_736 : i32
      %shift_right_arithmetic3A_738 = arith.constant 7 : i32
      %shift_right_arithmetic3A_739 = arith.shrsi %reduce_max3A_534, %shift_right_arithmetic3A_738 : i32
      %ne3A_740 = arith.cmpi ne, %shift_right_arithmetic3A_739, %shift_right_arithmetic3A_614 : i32
      %convert_element_type3A_741 = arith.extui %ne3A_740 : i1 to i32
      %eq3A_742 = arith.constant 1 : i32
      %eq3A_743 = arith.cmpi eq, %convert_element_type3A_741, %eq3A_742 : i32
      %convert_element_type3A_744 = arith.extui %eq3A_743 : i1 to i32
      %cond3A_745 = arith.constant 0 : i32
      %cond3A_746 = arith.cmpi ne, %convert_element_type3A_744, %cond3A_745 : i32
      scf.if %cond3A_746 {
        %jit3A_864 = arith.constant 10 : i32
        %eq3A_865 = arith.constant 0 : i32
        %eq3A_866 = arith.cmpi eq, %jit3A_864, %eq3A_865 : i32
        %jit3A_867 = arith.constant 1 : i32
        %select_n3A_868 = arith.select %eq3A_866, %jit3A_867, %jit3A_864 : i32
        %rem3A_869 = arith.remsi %add3A_735, %select_n3A_868 : i32
        %ne3A_870 = arith.constant 0 : i32
        %ne3A_871 = arith.cmpi ne, %rem3A_869, %ne3A_870 : i32
        %lt3A_872 = arith.constant 0 : i32
        %lt3A_873 = arith.cmpi slt, %rem3A_869, %lt3A_872 : i32
        %lt3A_874 = arith.constant 0 : i32
        %lt3A_875 = arith.cmpi slt, %select_n3A_868, %lt3A_874 : i32
        %ne3A_876 = arith.xori %lt3A_873, %lt3A_875 : i1
        %and3A_877 = arith.andi %ne3A_876, %ne3A_871 : i1
        %add3A_878 = arith.addi %rem3A_869, %select_n3A_868 : i32
        %select_n3A_879 = arith.select %and3A_877, %add3A_878, %rem3A_869 : i32
        %dma_wait3A_880 = arith.constant 0 : i32
        %dma_wait3A_881 = arith.constant 0 : i32
        %dma_wait3A_882 = arith.constant 0 : i32
        %dma_wait3A_883 = tpu.memref_slice %arg14[%dma_wait3A_880, %dma_wait3A_881, %dma_wait3A_882] : memref<10x64x128xf32, #tpu.memory_space<vmem>> -> memref<1x64x128xf32, #tpu.memory_space<vmem>>
        %dma_wait3A_884 = tpu.memref_squeeze %dma_wait3A_883 : memref<1x64x128xf32, #tpu.memory_space<vmem>> -> memref<64x128xf32, #tpu.memory_space<vmem>>
        %dma_wait3A_885 = arith.constant 0 : i32
        %dma_wait3A_886 = arith.constant 0 : i32
        %dma_wait3A_887 = tpu.memref_slice %arg2[%dma_wait3A_885, %dma_wait3A_886] : memref<64x1000000xf32, #tpu.memory_space<hbm>> -> memref<64x128xf32, #tpu.memory_space<hbm>>
        %dma_wait3A_888 = tpu.memref_slice %arg17[%select_n3A_879] : memref<10x!tpu.dma_semaphore, #tpu.memory_space<semaphore_mem>> -> memref<1x!tpu.dma_semaphore, #tpu.memory_space<semaphore_mem>>
        %dma_wait3A_889 = tpu.memref_squeeze %dma_wait3A_888 : memref<1x!tpu.dma_semaphore, #tpu.memory_space<semaphore_mem>> -> memref<!tpu.dma_semaphore, #tpu.memory_space<semaphore_mem>>
        %dma_wait3A_890 = arith.constant 0 : i32
        %dma_wait3A_891 = arith.constant 0 : i32
        %dma_wait3A_892 = tpu.memref_slice %arg14[%dma_wait3A_880, %dma_wait3A_890, %dma_wait3A_891] : memref<10x64x128xf32, #tpu.memory_space<vmem>> -> memref<1x64x128xf32, #tpu.memory_space<vmem>>
        %dma_wait3A_893 = tpu.memref_squeeze %dma_wait3A_892 : memref<1x64x128xf32, #tpu.memory_space<vmem>> -> memref<64x128xf32, #tpu.memory_space<vmem>>
        %dma_wait3A_894 = arith.constant 0 : i32
        %dma_wait3A_895 = arith.constant 0 : i32
        %dma_wait3A_896 = tpu.memref_slice %arg2[%dma_wait3A_894, %dma_wait3A_895] : memref<64x1000000xf32, #tpu.memory_space<hbm>> -> memref<64x128xf32, #tpu.memory_space<hbm>>
        tpu.wait_dma2 semaphore(%dma_wait3A_889 : memref<!tpu.dma_semaphore, #tpu.memory_space<semaphore_mem>>) src(%dma_wait3A_896 : memref<64x128xf32, #tpu.memory_space<hbm>>) dst(%dma_wait3A_893 : memref<64x128xf32, #tpu.memory_space<vmem>>)
      } else {
      }
      %eq3A_747 = arith.constant 1 : i32
      %eq3A_748 = arith.cmpi eq, %convert_element_type3A_741, %eq3A_747 : i32
      %jit3A_749 = arith.constant 10 : i32
      %eq3A_750 = arith.constant 0 : i32
      %eq3A_751 = arith.cmpi eq, %jit3A_749, %eq3A_750 : i32
      %jit3A_752 = arith.constant 1 : i32
      %select_n3A_753 = arith.select %eq3A_751, %jit3A_752, %jit3A_749 : i32
      %rem3A_754 = arith.remsi %add3A_735, %select_n3A_753 : i32
      %ne3A_755 = arith.constant 0 : i32
      %ne3A_756 = arith.cmpi ne, %rem3A_754, %ne3A_755 : i32
      %lt3A_757 = arith.constant 0 : i32
      %lt3A_758 = arith.cmpi slt, %rem3A_754, %lt3A_757 : i32
      %lt3A_759 = arith.constant 0 : i32
      %lt3A_760 = arith.cmpi slt, %select_n3A_753, %lt3A_759 : i32
      %ne3A_761 = arith.xori %lt3A_758, %lt3A_760 : i1
      %and3A_762 = arith.andi %ne3A_761, %ne3A_756 : i1
      %add3A_763 = arith.addi %rem3A_754, %select_n3A_753 : i32
      %select_n3A_764 = arith.select %and3A_762, %add3A_763, %rem3A_754 : i32
      %select_n3A_765 = arith.select %eq3A_748, %select_n3A_764, %select_n3A_640 : i32
      %broadcast_in_dim3A_766 = vector.broadcast %select_n3A_765 : i32 to vector<16xi32>
      %and3A_767 = arith.constant 127 : i32
      %and3A_768 = arith.andi %reduce_max3A_534, %and3A_767 : i32
      %broadcast_in_dim3A_769 = vector.broadcast %and3A_768 : i32 to vector<16xi32>
      %broadcast_in_dim3A_770 = vector.broadcast %add3A_737 : i32 to vector<16xi32>
      %add3A_771 = arith.constant 0 : i32
      %add3A_772 = vector.broadcast %add3A_771 : i32 to vector<16xi32>
      %add3A_773 = arith.addi %add3A_772, %iota3A : vector<16xi32>
      %gather3A_774 = tpu.vector_load_idx %arg14[%broadcast_in_dim3A_766, %add3A_773, %broadcast_in_dim3A_769] : memref<10x64x128xf32, #tpu.memory_space<vmem>>[vector<16xi32>, vector<16xi32>, vector<16xi32>], vector<16xf32>,
      %add3A_775 = arith.constant 0 : i32
      %add3A_776 = vector.broadcast %add3A_775 : i32 to vector<16xi32>
      %add3A_777 = arith.addi %add3A_776, %iota3A : vector<16xi32>
      tpu.vector_store_idx %arg15[%broadcast_in_dim3A_770, %add3A_777], %gather3A_774 : memref<128x128xf32, #tpu.memory_space<vmem>>[vector<16xi32>, vector<16xi32>], vector<16xf32>,
      %add3A_778 = arith.constant 16 : i32
      %add3A_779 = vector.broadcast %add3A_778 : i32 to vector<16xi32>
      %add3A_780 = arith.addi %add3A_779, %iota3A : vector<16xi32>
      %gather3A_781 = tpu.vector_load_idx %arg14[%broadcast_in_dim3A_766, %add3A_780, %broadcast_in_dim3A_769] : memref<10x64x128xf32, #tpu.memory_space<vmem>>[vector<16xi32>, vector<16xi32>, vector<16xi32>], vector<16xf32>,
      %add3A_782 = arith.constant 16 : i32
      %add3A_783 = vector.broadcast %add3A_782 : i32 to vector<16xi32>
      %add3A_784 = arith.addi %add3A_783, %iota3A : vector<16xi32>
      tpu.vector_store_idx %arg15[%broadcast_in_dim3A_770, %add3A_784], %gather3A_781 : memref<128x128xf32, #tpu.memory_space<vmem>>[vector<16xi32>, vector<16xi32>], vector<16xf32>,
      %add3A_785 = arith.constant 32 : i32
      %add3A_786 = vector.broadcast %add3A_785 : i32 to vector<16xi32>
      %add3A_787 = arith.addi %add3A_786, %iota3A : vector<16xi32>
      %gather3A_788 = tpu.vector_load_idx %arg14[%broadcast_in_dim3A_766, %add3A_787, %broadcast_in_dim3A_769] : memref<10x64x128xf32, #tpu.memory_space<vmem>>[vector<16xi32>, vector<16xi32>, vector<16xi32>], vector<16xf32>,
      %add3A_789 = arith.constant 32 : i32
      %add3A_790 = vector.broadcast %add3A_789 : i32 to vector<16xi32>
      %add3A_791 = arith.addi %add3A_790, %iota3A : vector<16xi32>
      tpu.vector_store_idx %arg15[%broadcast_in_dim3A_770, %add3A_791], %gather3A_788 : memref<128x128xf32, #tpu.memory_space<vmem>>[vector<16xi32>, vector<16xi32>], vector<16xf32>,
      %add3A_792 = arith.constant 48 : i32
      %add3A_793 = vector.broadcast %add3A_792 : i32 to vector<16xi32>
      %add3A_794 = arith.addi %add3A_793, %iota3A : vector<16xi32>
      %gather3A_795 = tpu.vector_load_idx %arg14[%broadcast_in_dim3A_766, %add3A_794, %broadcast_in_dim3A_769] : memref<10x64x128xf32, #tpu.memory_space<vmem>>[vector<16xi32>, vector<16xi32>, vector<16xi32>], vector<16xf32>,
      %add3A_796 = arith.constant 48 : i32
      %add3A_797 = vector.broadcast %add3A_796 : i32 to vector<16xi32>
      %add3A_798 = arith.addi %add3A_797, %iota3A : vector<16xi32>
      tpu.vector_store_idx %arg15[%broadcast_in_dim3A_770, %add3A_798], %gather3A_795 : memref<128x128xf32, #tpu.memory_space<vmem>>[vector<16xi32>, vector<16xi32>], vector<16xf32>,
      %add3A_799 = arith.addi %add3A_735, %convert_element_type3A_741 : i32
      %add3A_800 = arith.constant 1 : i32
      %add3A_801 = arith.addi %sub3A_612, %add3A_800 : i32
      %shift_right_arithmetic3A_802 = arith.constant 7 : i32
      %shift_right_arithmetic3A_803 = arith.shrsi %reduce_max3A_608, %shift_right_arithmetic3A_802 : i32
      %ne3A_804 = arith.cmpi ne, %shift_right_arithmetic3A_803, %shift_right_arithmetic3A_675 : i32
      %convert_element_type3A_805 = arith.extui %ne3A_804 : i1 to i32
      %eq3A_806 = arith.constant 1 : i32
      %eq3A_807 = arith.cmpi eq, %convert_element_type3A_805, %eq3A_806 : i32
      %convert_element_type3A_808 = arith.extui %eq3A_807 : i1 to i32
      %cond3A_809 = arith.constant 0 : i32
      %cond3A_810 = arith.cmpi ne, %convert_element_type3A_808, %cond3A_809 : i32
      scf.if %cond3A_810 {
        %jit3A_864 = arith.constant 10 : i32
        %eq3A_865 = arith.constant 0 : i32
        %eq3A_866 = arith.cmpi eq, %jit3A_864, %eq3A_865 : i32
        %jit3A_867 = arith.constant 1 : i32
        %select_n3A_868 = arith.select %eq3A_866, %jit3A_867, %jit3A_864 : i32
        %rem3A_869 = arith.remsi %add3A_799, %select_n3A_868 : i32
        %ne3A_870 = arith.constant 0 : i32
        %ne3A_871 = arith.cmpi ne, %rem3A_869, %ne3A_870 : i32
        %lt3A_872 = arith.constant 0 : i32
        %lt3A_873 = arith.cmpi slt, %rem3A_869, %lt3A_872 : i32
        %lt3A_874 = arith.constant 0 : i32
        %lt3A_875 = arith.cmpi slt, %select_n3A_868, %lt3A_874 : i32
        %ne3A_876 = arith.xori %lt3A_873, %lt3A_875 : i1
        %and3A_877 = arith.andi %ne3A_876, %ne3A_871 : i1
        %add3A_878 = arith.addi %rem3A_869, %select_n3A_868 : i32
        %select_n3A_879 = arith.select %and3A_877, %add3A_878, %rem3A_869 : i32
        %dma_wait3A_880 = arith.constant 0 : i32
        %dma_wait3A_881 = arith.constant 0 : i32
        %dma_wait3A_882 = arith.constant 0 : i32
        %dma_wait3A_883 = tpu.memref_slice %arg14[%dma_wait3A_880, %dma_wait3A_881, %dma_wait3A_882] : memref<10x64x128xf32, #tpu.memory_space<vmem>> -> memref<1x64x128xf32, #tpu.memory_space<vmem>>
        %dma_wait3A_884 = tpu.memref_squeeze %dma_wait3A_883 : memref<1x64x128xf32, #tpu.memory_space<vmem>> -> memref<64x128xf32, #tpu.memory_space<vmem>>
        %dma_wait3A_885 = arith.constant 0 : i32
        %dma_wait3A_886 = arith.constant 0 : i32
        %dma_wait3A_887 = tpu.memref_slice %arg2[%dma_wait3A_885, %dma_wait3A_886] : memref<64x1000000xf32, #tpu.memory_space<hbm>> -> memref<64x128xf32, #tpu.memory_space<hbm>>
        %dma_wait3A_888 = tpu.memref_slice %arg17[%select_n3A_879] : memref<10x!tpu.dma_semaphore, #tpu.memory_space<semaphore_mem>> -> memref<1x!tpu.dma_semaphore, #tpu.memory_space<semaphore_mem>>
        %dma_wait3A_889 = tpu.memref_squeeze %dma_wait3A_888 : memref<1x!tpu.dma_semaphore, #tpu.memory_space<semaphore_mem>> -> memref<!tpu.dma_semaphore, #tpu.memory_space<semaphore_mem>>
        %dma_wait3A_890 = arith.constant 0 : i32
        %dma_wait3A_891 = arith.constant 0 : i32
        %dma_wait3A_892 = tpu.memref_slice %arg14[%dma_wait3A_880, %dma_wait3A_890, %dma_wait3A_891] : memref<10x64x128xf32, #tpu.memory_space<vmem>> -> memref<1x64x128xf32, #tpu.memory_space<vmem>>
        %dma_wait3A_893 = tpu.memref_squeeze %dma_wait3A_892 : memref<1x64x128xf32, #tpu.memory_space<vmem>> -> memref<64x128xf32, #tpu.memory_space<vmem>>
        %dma_wait3A_894 = arith.constant 0 : i32
        %dma_wait3A_895 = arith.constant 0 : i32
        %dma_wait3A_896 = tpu.memref_slice %arg2[%dma_wait3A_894, %dma_wait3A_895] : memref<64x1000000xf32, #tpu.memory_space<hbm>> -> memref<64x128xf32, #tpu.memory_space<hbm>>
        tpu.wait_dma2 semaphore(%dma_wait3A_889 : memref<!tpu.dma_semaphore, #tpu.memory_space<semaphore_mem>>) src(%dma_wait3A_896 : memref<64x128xf32, #tpu.memory_space<hbm>>) dst(%dma_wait3A_893 : memref<64x128xf32, #tpu.memory_space<vmem>>)
      } else {
      }
      %eq3A_811 = arith.constant 1 : i32
      %eq3A_812 = arith.cmpi eq, %convert_element_type3A_805, %eq3A_811 : i32
      %jit3A_813 = arith.constant 10 : i32
      %eq3A_814 = arith.constant 0 : i32
      %eq3A_815 = arith.cmpi eq, %jit3A_813, %eq3A_814 : i32
      %jit3A_816 = arith.constant 1 : i32
      %select_n3A_817 = arith.select %eq3A_815, %jit3A_816, %jit3A_813 : i32
      %rem3A_818 = arith.remsi %add3A_799, %select_n3A_817 : i32
      %ne3A_819 = arith.constant 0 : i32
      %ne3A_820 = arith.cmpi ne, %rem3A_818, %ne3A_819 : i32
      %lt3A_821 = arith.constant 0 : i32
      %lt3A_822 = arith.cmpi slt, %rem3A_818, %lt3A_821 : i32
      %lt3A_823 = arith.constant 0 : i32
      %lt3A_824 = arith.cmpi slt, %select_n3A_817, %lt3A_823 : i32
      %ne3A_825 = arith.xori %lt3A_822, %lt3A_824 : i1
      %and3A_826 = arith.andi %ne3A_825, %ne3A_820 : i1
      %add3A_827 = arith.addi %rem3A_818, %select_n3A_817 : i32
      %select_n3A_828 = arith.select %and3A_826, %add3A_827, %rem3A_818 : i32
      %select_n3A_829 = arith.select %eq3A_812, %select_n3A_828, %select_n3A_701 : i32
      %broadcast_in_dim3A_830 = vector.broadcast %select_n3A_829 : i32 to vector<16xi32>
      %and3A_831 = arith.constant 127 : i32
      %and3A_832 = arith.andi %reduce_max3A_608, %and3A_831 : i32
      %broadcast_in_dim3A_833 = vector.broadcast %and3A_832 : i32 to vector<16xi32>
      %broadcast_in_dim3A_834 = vector.broadcast %add3A_801 : i32 to vector<16xi32>
      %add3A_835 = arith.constant 0 : i32
      %add3A_836 = vector.broadcast %add3A_835 : i32 to vector<16xi32>
      %add3A_837 = arith.addi %add3A_836, %iota3A : vector<16xi32>
      %gather3A_838 = tpu.vector_load_idx %arg14[%broadcast_in_dim3A_830, %add3A_837, %broadcast_in_dim3A_833] : memref<10x64x128xf32, #tpu.memory_space<vmem>>[vector<16xi32>, vector<16xi32>, vector<16xi32>], vector<16xf32>,
      %add3A_839 = arith.constant 0 : i32
      %add3A_840 = vector.broadcast %add3A_839 : i32 to vector<16xi32>
      %add3A_841 = arith.addi %add3A_840, %iota3A : vector<16xi32>
      tpu.vector_store_idx %arg16[%broadcast_in_dim3A_834, %add3A_841], %gather3A_838 : memref<128x128xf32, #tpu.memory_space<vmem>>[vector<16xi32>, vector<16xi32>], vector<16xf32>,
      %add3A_842 = arith.constant 16 : i32
      %add3A_843 = vector.broadcast %add3A_842 : i32 to vector<16xi32>
      %add3A_844 = arith.addi %add3A_843, %iota3A : vector<16xi32>
      %gather3A_845 = tpu.vector_load_idx %arg14[%broadcast_in_dim3A_830, %add3A_844, %broadcast_in_dim3A_833] : memref<10x64x128xf32, #tpu.memory_space<vmem>>[vector<16xi32>, vector<16xi32>, vector<16xi32>], vector<16xf32>,
      %add3A_846 = arith.constant 16 : i32
      %add3A_847 = vector.broadcast %add3A_846 : i32 to vector<16xi32>
      %add3A_848 = arith.addi %add3A_847, %iota3A : vector<16xi32>
      tpu.vector_store_idx %arg16[%broadcast_in_dim3A_834, %add3A_848], %gather3A_845 : memref<128x128xf32, #tpu.memory_space<vmem>>[vector<16xi32>, vector<16xi32>], vector<16xf32>,
      %add3A_849 = arith.constant 32 : i32
      %add3A_850 = vector.broadcast %add3A_849 : i32 to vector<16xi32>
      %add3A_851 = arith.addi %add3A_850, %iota3A : vector<16xi32>
      %gather3A_852 = tpu.vector_load_idx %arg14[%broadcast_in_dim3A_830, %add3A_851, %broadcast_in_dim3A_833] : memref<10x64x128xf32, #tpu.memory_space<vmem>>[vector<16xi32>, vector<16xi32>, vector<16xi32>], vector<16xf32>,
      %add3A_853 = arith.constant 32 : i32
      %add3A_854 = vector.broadcast %add3A_853 : i32 to vector<16xi32>
      %add3A_855 = arith.addi %add3A_854, %iota3A : vector<16xi32>
      tpu.vector_store_idx %arg16[%broadcast_in_dim3A_834, %add3A_855], %gather3A_852 : memref<128x128xf32, #tpu.memory_space<vmem>>[vector<16xi32>, vector<16xi32>], vector<16xf32>,
      %add3A_856 = arith.constant 48 : i32
      %add3A_857 = vector.broadcast %add3A_856 : i32 to vector<16xi32>
      %add3A_858 = arith.addi %add3A_857, %iota3A : vector<16xi32>
      %gather3A_859 = tpu.vector_load_idx %arg14[%broadcast_in_dim3A_830, %add3A_858, %broadcast_in_dim3A_833] : memref<10x64x128xf32, #tpu.memory_space<vmem>>[vector<16xi32>, vector<16xi32>, vector<16xi32>], vector<16xf32>,
      %add3A_860 = arith.constant 48 : i32
      %add3A_861 = vector.broadcast %add3A_860 : i32 to vector<16xi32>
      %add3A_862 = arith.addi %add3A_861, %iota3A : vector<16xi32>
      tpu.vector_store_idx %arg16[%broadcast_in_dim3A_834, %add3A_862], %gather3A_859 : memref<128x128xf32, #tpu.memory_space<vmem>>[vector<16xi32>, vector<16xi32>], vector<16xf32>,
      %add3A_863 = arith.addi %add3A_799, %convert_element_type3A_805 : i32
      scf.yield %shift_right_arithmetic3A_442, %shift_right_arithmetic3A_452, %add3A_460, %shift_right_arithmetic3A_739, %shift_right_arithmetic3A_803, %add3A_863, %select_n3A_765, %select_n3A_829 : i32, i32, i32, i32, i32, i32, i32, i32
    }
    %scan3A_210 = arith.constant 64 : i32
    %dma_start3A_211 = arith.constant 3 : i32
    %dma_start3A_212 = arith.constant 0 : i32
    %dma_start3A_213 = tpu.memref_slice %arg12[%dma_start3A_211, %dma_start3A_212] : memref<4x128xi32, #tpu.memory_space<vmem>> -> memref<1x128xi32, #tpu.memory_space<vmem>>
    %dma_start3A_214 = tpu.memref_squeeze %dma_start3A_213 : memref<1x128xi32, #tpu.memory_space<vmem>> -> memref<128xi32, #tpu.memory_space<vmem>>
    %dma_start3A_215 = arith.constant 0 : i32
    %dma_start3A_216 = arith.constant 0 : i32
    %dma_start3A_217 = tpu.memref_slice %arg8[%dma_start3A_215, %dma_start3A_216] : memref<16384x128xf32, #tpu.memory_space<hbm>> -> memref<16384x128xf32, #tpu.memory_space<hbm>>
    tpu.enqueue_indirect_dma source(%arg15 : memref<128x128xf32, #tpu.memory_space<vmem>>) target(%dma_start3A_217 : memref<16384x128xf32, #tpu.memory_space<hbm>>) offsets(%dma_start3A_214 : memref<128xi32, #tpu.memory_space<vmem>>) semaphore(%arg18 : memref<!tpu.dma_semaphore, #tpu.memory_space<semaphore_mem>>)
    %dma_start3A_218 = arith.constant 3 : i32
    %dma_start3A_219 = arith.constant 0 : i32
    %dma_start3A_220 = tpu.memref_slice %arg13[%dma_start3A_218, %dma_start3A_219] : memref<4x128xi32, #tpu.memory_space<vmem>> -> memref<1x128xi32, #tpu.memory_space<vmem>>
    %dma_start3A_221 = tpu.memref_squeeze %dma_start3A_220 : memref<1x128xi32, #tpu.memory_space<vmem>> -> memref<128xi32, #tpu.memory_space<vmem>>
    %dma_start3A_222 = arith.constant 0 : i32
    %dma_start3A_223 = arith.constant 0 : i32
    %dma_start3A_224 = tpu.memref_slice %arg9[%dma_start3A_222, %dma_start3A_223] : memref<16384x128xf32, #tpu.memory_space<hbm>> -> memref<16384x128xf32, #tpu.memory_space<hbm>>
    tpu.enqueue_indirect_dma source(%arg16 : memref<128x128xf32, #tpu.memory_space<vmem>>) target(%dma_start3A_224 : memref<16384x128xf32, #tpu.memory_space<hbm>>) offsets(%dma_start3A_221 : memref<128xi32, #tpu.memory_space<vmem>>) semaphore(%arg19 : memref<!tpu.dma_semaphore, #tpu.memory_space<semaphore_mem>>)
    %dma_wait3A_225 = arith.constant 3 : i32
    %dma_wait3A_226 = arith.constant 0 : i32
    %dma_wait3A_227 = tpu.memref_slice %arg12[%dma_wait3A_225, %dma_wait3A_226] : memref<4x128xi32, #tpu.memory_space<vmem>> -> memref<1x128xi32, #tpu.memory_space<vmem>>
    %dma_wait3A_228 = tpu.memref_squeeze %dma_wait3A_227 : memref<1x128xi32, #tpu.memory_space<vmem>> -> memref<128xi32, #tpu.memory_space<vmem>>
    %dma_wait3A_229 = arith.constant 0 : i32
    %dma_wait3A_230 = arith.constant 0 : i32
    %dma_wait3A_231 = tpu.memref_slice %arg8[%dma_wait3A_229, %dma_wait3A_230] : memref<16384x128xf32, #tpu.memory_space<hbm>> -> memref<16384x128xf32, #tpu.memory_space<hbm>>
    tpu.wait_indirect_dma semaphore(%arg18 : memref<!tpu.dma_semaphore, #tpu.memory_space<semaphore_mem>>) src(%arg15 : memref<128x128xf32, #tpu.memory_space<vmem>>) dst(%dma_wait3A_231 : memref<16384x128xf32, #tpu.memory_space<hbm>>)
    %dma_wait3A_232 = arith.constant 3 : i32
    %dma_wait3A_233 = arith.constant 0 : i32
    %dma_wait3A_234 = tpu.memref_slice %arg13[%dma_wait3A_232, %dma_wait3A_233] : memref<4x128xi32, #tpu.memory_space<vmem>> -> memref<1x128xi32, #tpu.memory_space<vmem>>
    %dma_wait3A_235 = tpu.memref_squeeze %dma_wait3A_234 : memref<1x128xi32, #tpu.memory_space<vmem>> -> memref<128xi32, #tpu.memory_space<vmem>>
    %dma_wait3A_236 = arith.constant 0 : i32
    %dma_wait3A_237 = arith.constant 0 : i32
    %dma_wait3A_238 = tpu.memref_slice %arg9[%dma_wait3A_236, %dma_wait3A_237] : memref<16384x128xf32, #tpu.memory_space<hbm>> -> memref<16384x128xf32, #tpu.memory_space<hbm>>
    tpu.wait_indirect_dma semaphore(%arg19 : memref<!tpu.dma_semaphore, #tpu.memory_space<semaphore_mem>>) src(%arg16 : memref<128x128xf32, #tpu.memory_space<vmem>>) dst(%dma_wait3A_238 : memref<16384x128xf32, #tpu.memory_space<hbm>>)
    return
  }
}

module attributes {stable_mosaic.version = 14 : i64} {
  func.func @_mlp_body(%arg0: i32, %arg1: memref<4096x128xf32, #tpu.memory_space<vmem>>, %arg2: memref<4096x128xf32, #tpu.memory_space<vmem>>, %arg3: memref<4096x1xf32, #tpu.memory_space<vmem>>, %arg4: memref<4096x1xf32, #tpu.memory_space<vmem>>, %arg5: memref<130x256xf32, #tpu.memory_space<vmem>>, %arg6: memref<1x256xf32, #tpu.memory_space<vmem>>, %arg7: memref<256x1xf32, #tpu.memory_space<vmem>>, %arg8: memref<1x1xf32, #tpu.memory_space<vmem>>, %arg9: memref<4096x1xf32, #tpu.memory_space<vmem>>) attributes {dimension_semantics = [#tpu.dimension_semantics<arbitrary>], iteration_bounds = array<i64: 4>, scalar_prefetch = 0 : i64, scratch_operands = 0 : i64, tpu.core_type = #tpu.core_type<tc>, window_params = [{transform_indices = @transform_0, window_bounds = array<i64: 4096, 128>}, {transform_indices = @transform_1, window_bounds = array<i64: 4096, 128>}, {transform_indices = @transform_2, window_bounds = array<i64: 4096, 1>}, {transform_indices = @transform_3, window_bounds = array<i64: 4096, 1>}, {pipeline_mode = #tpu.pipeline_mode<synchronous>, transform_indices = @transform_4, window_bounds = array<i64: 130, 256>}, {pipeline_mode = #tpu.pipeline_mode<synchronous>, transform_indices = @transform_5, window_bounds = array<i64: 1, 256>}, {pipeline_mode = #tpu.pipeline_mode<synchronous>, transform_indices = @transform_6, window_bounds = array<i64: 256, 1>}, {pipeline_mode = #tpu.pipeline_mode<synchronous>, transform_indices = @transform_7, window_bounds = array<i64: 1, 1>}, {transform_indices = @transform_8, window_bounds = array<i64: 4096, 1>}]} {
    %get3A = arith.constant 0 : index
    %get3A_0 = arith.constant 0 : index
    %get3A_1 = vector.load %arg5[%get3A, %get3A_0] : memref<130x256xf32, #tpu.memory_space<vmem>>, vector<130x256xf32>
    %get3A_2 = arith.constant 0 : index
    %get3A_3 = arith.constant 0 : index
    %get3A_4 = vector.load %arg1[%get3A_2, %get3A_3] : memref<4096x128xf32, #tpu.memory_space<vmem>>, vector<4096x64xf32>
    %slice3A = vector.extract_strided_slice %get3A_1 {offsets = [0, 0], sizes = [64, 256], strides = [1, 1]} : vector<130x256xf32> to vector<64x256xf32>
    %dot_general3A = arith.constant dense<0.000000e+00> : vector<4096x256xf32>
    %dot_general3A_5 = tpu.matmul %get3A_4, %slice3A, %dot_general3A {dimension_numbers = #tpu.dot_dimension_numbers<[1], [0], [0], [1], [0, 0, 1, 1], [], []>, transpose_lhs_hint = false} : vector<4096x64xf32>, vector<64x256xf32>, vector<4096x256xf32> -> vector<4096x256xf32>
    %get3A_6 = arith.constant 0 : index
    %get3A_7 = arith.constant 0 : index
    %get3A_8 = vector.load %arg2[%get3A_6, %get3A_7] : memref<4096x128xf32, #tpu.memory_space<vmem>>, vector<4096x64xf32>
    %slice3A_9 = vector.extract_strided_slice %get3A_1 {offsets = [64, 0], sizes = [64, 256], strides = [1, 1]} : vector<130x256xf32> to vector<64x256xf32>
    %dot_general3A_10 = arith.constant dense<0.000000e+00> : vector<4096x256xf32>
    %dot_general3A_11 = tpu.matmul %get3A_8, %slice3A_9, %dot_general3A_10 {dimension_numbers = #tpu.dot_dimension_numbers<[1], [0], [0], [1], [0, 0, 1, 1], [], []>, transpose_lhs_hint = false} : vector<4096x64xf32>, vector<64x256xf32>, vector<4096x256xf32> -> vector<4096x256xf32>
    %add3A = arith.addf %dot_general3A_5, %dot_general3A_11 : vector<4096x256xf32>
    %get3A_12 = arith.constant 0 : index
    %get3A_13 = arith.constant 0 : index
    %get3A_14 = vector.load %arg3[%get3A_12, %get3A_13] : memref<4096x1xf32, #tpu.memory_space<vmem>>, vector<4096x1xf32>
    %slice3A_15 = vector.extract_strided_slice %get3A_1 {offsets = [128, 0], sizes = [1, 256], strides = [1, 1]} : vector<130x256xf32> to vector<1x256xf32>
    %mul3A = vector.broadcast %get3A_14 : vector<4096x1xf32> to vector<4096x256xf32>
    %mul3A_16 = vector.broadcast %slice3A_15 : vector<1x256xf32> to vector<4096x256xf32>
    %mul3A_17 = arith.mulf %mul3A, %mul3A_16 : vector<4096x256xf32>
    %add3A_18 = arith.addf %add3A, %mul3A_17 : vector<4096x256xf32>
    %get3A_19 = arith.constant 0 : index
    %get3A_20 = arith.constant 0 : index
    %get3A_21 = vector.load %arg4[%get3A_19, %get3A_20] : memref<4096x1xf32, #tpu.memory_space<vmem>>, vector<4096x1xf32>
    %slice3A_22 = vector.extract_strided_slice %get3A_1 {offsets = [129, 0], sizes = [1, 256], strides = [1, 1]} : vector<130x256xf32> to vector<1x256xf32>
    %mul3A_23 = vector.broadcast %get3A_21 : vector<4096x1xf32> to vector<4096x256xf32>
    %mul3A_24 = vector.broadcast %slice3A_22 : vector<1x256xf32> to vector<4096x256xf32>
    %mul3A_25 = arith.mulf %mul3A_23, %mul3A_24 : vector<4096x256xf32>
    %add3A_26 = arith.addf %add3A_18, %mul3A_25 : vector<4096x256xf32>
    %get3A_27 = arith.constant 0 : index
    %get3A_28 = arith.constant 0 : index
    %get3A_29 = vector.load %arg6[%get3A_27, %get3A_28] : memref<1x256xf32, #tpu.memory_space<vmem>>, vector<1x256xf32>
    %add3A_30 = vector.broadcast %get3A_29 : vector<1x256xf32> to vector<4096x256xf32>
    %add3A_31 = arith.addf %add3A_26, %add3A_30 : vector<4096x256xf32>
    %max3A = arith.constant 0.000000e+00 : f32
    %max3A_32 = vector.broadcast %max3A : f32 to vector<4096x256xf32>
    %max3A_33 = arith.maximumf %add3A_31, %max3A_32 : vector<4096x256xf32>
    %get3A_34 = arith.constant 0 : index
    %get3A_35 = arith.constant 0 : index
    %get3A_36 = vector.load %arg7[%get3A_34, %get3A_35] : memref<256x1xf32, #tpu.memory_space<vmem>>, vector<256x1xf32>
    %dot_general3A_37 = arith.constant dense<0.000000e+00> : vector<4096x1xf32>
    %dot_general3A_38 = tpu.matmul %max3A_33, %get3A_36, %dot_general3A_37 {dimension_numbers = #tpu.dot_dimension_numbers<[1], [0], [0], [1], [0, 0, 1, 1], [], []>, transpose_lhs_hint = false} : vector<4096x256xf32>, vector<256x1xf32>, vector<4096x1xf32> -> vector<4096x1xf32>
    %get3A_39 = arith.constant 0 : index
    %get3A_40 = arith.constant 0 : index
    %get3A_41 = vector.load %arg8[%get3A_39, %get3A_40] : memref<1x1xf32, #tpu.memory_space<vmem>>, vector<1x1xf32>
    %add3A_42 = vector.broadcast %get3A_41 : vector<1x1xf32> to vector<4096x1xf32>
    %add3A_43 = arith.addf %dot_general3A_38, %add3A_42 : vector<4096x1xf32>
    %logistic3A = arith.negf %add3A_43 : vector<4096x1xf32>
    %logistic3A_44 = math.exp %logistic3A : vector<4096x1xf32>
    %logistic3A_45 = arith.constant 1.000000e+00 : f32
    %logistic3A_46 = vector.broadcast %logistic3A_45 : f32 to vector<4096x1xf32>
    %logistic3A_47 = arith.addf %logistic3A_46, %logistic3A_44 : vector<4096x1xf32>
    %logistic3A_48 = arith.divf %logistic3A_46, %logistic3A_47 : vector<4096x1xf32>
    %swap3A = arith.constant 0 : index
    %swap3A_49 = arith.constant 0 : index
    %swap3A_50 = vector.load %arg9[%swap3A, %swap3A_49] : memref<4096x1xf32, #tpu.memory_space<vmem>>, vector<4096x1xf32>
    tpu.vector_store %arg9[%swap3A, %swap3A_49], %logistic3A_48 {strides = array<i32>} : memref<4096x1xf32, #tpu.memory_space<vmem>>, vector<4096x1xf32>,
    return
  }
  func.func @transform_0(%arg0: i32) -> (i32, i32) {
    %c0_i32 = arith.constant 0 : i32
    %c0_i32_0 = arith.constant 0 : i32
    return %arg0, %c0_i32 : i32, i32
  }
  func.func @transform_1(%arg0: i32) -> (i32, i32) {
    %c0_i32 = arith.constant 0 : i32
    %c0_i32_0 = arith.constant 0 : i32
    return %arg0, %c0_i32 : i32, i32
  }
  func.func @transform_2(%arg0: i32) -> (i32, i32) {
    %c0_i32 = arith.constant 0 : i32
    %c0_i32_0 = arith.constant 0 : i32
    return %arg0, %c0_i32 : i32, i32
  }
  func.func @transform_3(%arg0: i32) -> (i32, i32) {
    %c0_i32 = arith.constant 0 : i32
    %c0_i32_0 = arith.constant 0 : i32
    return %arg0, %c0_i32 : i32, i32
  }
  func.func @transform_4(%arg0: i32) -> (i32, i32) {
    %c0_i32 = arith.constant 0 : i32
    %c0_i32_0 = arith.constant 0 : i32
    %c0_i32_1 = arith.constant 0 : i32
    return %c0_i32, %c0_i32_0 : i32, i32
  }
  func.func @transform_5(%arg0: i32) -> (i32, i32) {
    %c0_i32 = arith.constant 0 : i32
    %c0_i32_0 = arith.constant 0 : i32
    %c0_i32_1 = arith.constant 0 : i32
    return %c0_i32, %c0_i32_0 : i32, i32
  }
  func.func @transform_6(%arg0: i32) -> (i32, i32) {
    %c0_i32 = arith.constant 0 : i32
    %c0_i32_0 = arith.constant 0 : i32
    %c0_i32_1 = arith.constant 0 : i32
    return %c0_i32, %c0_i32_0 : i32, i32
  }
  func.func @transform_7(%arg0: i32) -> (i32, i32) {
    %c0_i32 = arith.constant 0 : i32
    %c0_i32_0 = arith.constant 0 : i32
    %c0_i32_1 = arith.constant 0 : i32
    return %c0_i32, %c0_i32_0 : i32, i32
  }
  func.func @transform_8(%arg0: i32) -> (i32, i32) {
    %c0_i32 = arith.constant 0 : i32
    %c0_i32_0 = arith.constant 0 : i32
    return %arg0, %c0_i32 : i32, i32
  }
}

</mosaic_0001>

<sc_bundles>
// kernel: kernel.4.cloned.1.call-start
scs
__scs_entry_jumppad:
0x0: {  	(pc) =	sbr.rel $0x88, $3  }
0x1: {  	(tag) =	ssettag $0x0;
	lr =	simm.s32 $0x1  }
0x2: {  	[smem:$0x3F97] =	sst lr;
	_ =	strace $0xD0000000  }
0x3: {  	_ = 	snop  }
0x4: {  	_ = 	snop  }
0x5: {  	_ = 	snop  }
0x6: {  	_ = 	snop  }
0x7: {  	_ = 	snop  }
__scs_overlays_trampoline_lowered:
0x8: {  	[smem:$0x3FA6] =	sst s0  }
0x9: {  	[smem:$0x3FA7] =	sst s1  }
0xa: {  	[smem:$0x3FA8] =	sst s2  }
0xb: {  	[smem:$0x3FA9] =	sst s3  }
0xc: {  	[smem:$0x3FAA] =	sst s4  }
0xd: {  	[smem:$0x3FAB] =	sst s5  }
0xe: {  	[smem:$0x3FAC] =	sst s6  }
0xf: {  	[smem:$0x3FAD] =	sst s7  }
0x10: {  	[smem:$0x3FAE] =	sst s8  }
0x11: {  	[smem:$0x3FAF] =	sst s9;
	s0 =	simm.s32 @!p0 $0x0  }
0x12: {  	s1 =	sld [smem:$0x3F95];
	s0 =	simm.s32 @p0 $0x1  }
0x13: {  	[smem:$0x3FB0] =	sst s0;
	s0 =	simm.s32 @!p1 $0x0  }
0x14: {  	s2 =	sld [smem:$0x3F94];
	s0 =	simm.s32 @p1 $0x1  }
0x15: {  	[smem:$0x3FB1] =	sst s0;
	s0 =	simm.s32 @!p2 $0x0  }
0x16: {  	s3 =	sld [smem:$0x3FDB];
	s0 =	simm.s32 @p2 $0x1  }
0x17: {  	s4 =	simm.s32 $0x1BF5;
	[smem:$0x3FB3] =	sst s0  }
0x18: {  	s0 =	sld [smem:$0x3F96];
	_ =	swait.ge [sflag:s4], $0x0  }
0x19: {  	s7 =	sld [smem:$0x3F97]  }
0x1a: {  	s8 =	sadd.s32 $0xFFFFE003, lr  }
0x1b: {  	s9 =	sadd.s32 $0xFFFFFEF7, lr;
	s5 =	simm.s32 $0xFFFFFFFF;
	p2 =	slt.u32 s8, $0xFFFFF086  }
0x1c: {  	p1 =	slt.u32 s9, $0xF7A;
	s5 =	simm.s32 @!p2 $0x0  }
0x1d: {  	s5 =	simm.s32 @p1 $0x1;
	p0 =	seq.s32 s7, s2  }
0x1e: {  	s7 =	smul.u32 @!p0 $0xF7A, s2;
	p2 =	seq.s32 @!p0 s5, $0x0  }
0x1f: {  	s9 =	smul.u32 $0xF7A, s1;
	s8 =	simm.s32 @!p0 $0x1BF5;
	p2 =	por !p2, p0  }
0x20: {  	[sflag:s8] =	ssyncset.s32 @!p0 $0xFFFFF086;
	s6 =	sadd.s32 @!p0 s3, s7;
	s7 =	simm.s32 @!p0 $0x108  }
0x21: {  	s3 =	sadd.s32 s3, s9;
	s6 =	sadd.s32 @!p0 $0x88, s6;
	s7 =	simm.s32 @p2 $0x1082  }
0x22: {  	[simem:s7], [sflag:s8] =	dma.local @!p0 [hbm:s6], $0xF7A  }
0x23: {  	s9 =	sor.u32 $0xD0000000, s2;
	s6 =	simm.s32 $0x108;
	_ =	swait.ge @!p0 [sflag:s8], $0x0  }
0x24: {  	s3 =	sadd.s32 $0x88, s3;
	s6 =	simm.s32 @!p1 $0x1082;
	[sflag:s4] =	ssyncset.s32 $0xFFFFF086  }
0x25: {  	[simem:s6], [sflag:s4] =	dma.local [hbm:s3], $0xF7A  }
0x26: {  	[smem:$0x3F97] =	sst s1;
	(tag) =	ssettag s2;
	_ =	strace s9  }
0x27: {  	s1 =	sld [smem:$0x3FA7]  }
0x28: {  	s2 =	sld [smem:$0x3FA8]  }
0x29: {  	s4 =	sld [smem:$0x3FAA]  }
0x2a: {  	p0 =	seq.s32 s5, $0x0;
	s5 =	sld [smem:$0x3FAB]  }
0x2b: {  	s6 =	sld [smem:$0x3FAC]  }
0x2c: {  	s7 =	sld [smem:$0x3FAD]  }
0x2d: {  	s3 =	simm.s32 $0x108;
	s8 =	sld [smem:$0x3FAE]  }
0x2e: {  	s3 =	simm.s32 @!p0 $0x1082;
	s9 =	sld [smem:$0x3FAF]  }
0x2f: {  	lr =	sadd.s32 s0, s3;
	s0 =	sld [smem:$0x3FA6]  }
0x30: {  	s3 =	sld [smem:$0x3FA9]  }
0x31: {  	[smem:$0x3FB2] =	sst s10  }
0x32: {  	s10 =	sld [smem:$0x3FB0];
	_ =	sdelay $0x3  }
0x33: {  	p0 =	seq.s32 s10, $0x1;
	s10 =	sld [smem:$0x3FB2];
	_ =	sdelay $0x3  }
0x34: {  	[smem:$0x3FB2] =	sst s10  }
0x35: {  	s10 =	sld [smem:$0x3FB1];
	_ =	sdelay $0x3  }
0x36: {  	p1 =	seq.s32 s10, $0x1;
	s10 =	sld [smem:$0x3FB2];
	_ =	sdelay $0x3  }
0x37: {  	[smem:$0x3FB2] =	sst s10  }
0x38: {  	s10 =	sld [smem:$0x3FB3]  }
0x39: {  	_ = 	snop;
	(pc) =	sbr.ind lr, $3  }
0x3a: {  	_ = 	snop  }
0x3b: {  	_ = 	snop  }
0x3c: {  	p2 =	seq.s32 s10, $0x1;
	s10 =	sld [smem:$0x3FB2]  }
0x3d: {  	_ =	shalt  }
0x3e: {  	_ =	shalt  }
0x3f: {  	_ =	shalt  }
0x40: {  	_ =	shalt  }
0x41: {  	_ =	shalt  }
0x42: {  	_ =	shalt  }
0x43: {  	_ =	shalt  }
0x44: {  	_ =	shalt  }
0x45: {  	_ =	shalt  }
0x46: {  	_ =	shalt  }
0x47: {  	_ =	shalt  }
0x48: {  	_ =	shalt  }
0x49: {  	_ =	shalt  }
0x4a: {  	_ =	shalt  }
0x4b: {  	_ =	shalt  }
0x4c: {  	_ =	shalt  }
0x4d: {  	_ =	shalt  }
0x4e: {  	_ =	shalt  }
0x4f: {  	_ =	shalt  }
0x50: {  	_ =	shalt  }
0x51: {  	_ =	shalt  }
0x52: {  	_ =	shalt  }
0x53: {  	_ =	shalt  }
0x54: {  	_ =	shalt  }
0x55: {  	_ =	shalt  }
0x56: {  	_ =	shalt  }
0x57: {  	_ =	shalt  }
0x58: {  	_ =	shalt  }
0x59: {  	_ =	shalt  }
0x5a: {  	_ =	shalt  }
0x5b: {  	_ =	shalt  }
0x5c: {  	_ =	shalt  }
0x5d: {  	_ =	shalt  }
0x5e: {  	_ =	shalt  }
0x5f: {  	_ =	shalt  }
0x60: {  	_ =	shalt  }
0x61: {  	_ =	shalt  }
0x62: {  	_ =	shalt  }
0x63: {  	_ =	shalt  }
0x64: {  	_ =	shalt  }
0x65: {  	_ =	shalt  }
0x66: {  	_ =	shalt  }
0x67: {  	_ =	shalt  }
0x68: {  	_ =	shalt  }
0x69: {  	_ =	shalt  }
0x6a: {  	_ =	shalt  }
0x6b: {  	_ =	shalt  }
0x6c: {  	_ =	shalt  }
0x6d: {  	_ =	shalt  }
0x6e: {  	_ =	shalt  }
0x6f: {  	_ =	shalt  }
0x70: {  	_ =	shalt  }
0x71: {  	_ =	shalt  }
0x72: {  	_ =	shalt  }
0x73: {  	_ =	shalt  }
0x74: {  	_ =	shalt  }
0x75: {  	_ =	shalt  }
0x76: {  	_ =	shalt  }
0x77: {  	_ =	shalt  }
0x78: {  	_ =	shalt  }
0x79: {  	_ =	shalt  }
0x7a: {  	_ =	shalt  }
0x7b: {  	_ =	shalt  }
0x7c: {  	_ =	shalt  }
0x7d: {  	_ =	shalt  }
0x7e: {  	_ =	shalt  }
0x7f: {  	_ =	shalt  }
0x80: {  	_ =	shalt  }
0x81: {  	_ =	shalt  }
0x82: {  	_ =	shalt  }
0x83: {  	_ =	shalt  }
0x84: {  	_ =	shalt  }
0x85: {  	_ =	shalt  }
0x86: {  	_ =	shalt  }
0x87: {  	_ =	shalt  }
.Lfunc_end0:
.L_simem_size_0:
called_computation_lowered:
.L_overlay_start_0:
0x88: {  	s2 =	sld [smem:$0x3FD9]  }
0x89: {  	s3 =	sld [smem:$0x3FFE];
	_ =	sdelay $0x1  }
0x8a: {  	s1 =	srdreg.scid  }
0x8b: {  	s0 =	sand.u32 $0x1, s1  }
0x8c: {  	s17 =	sshll.u32 s0, $0xA;
	s2 =	sadd.s32 s3, s2  }
0x8d: {  	s2 =	sadd.s32 s2, s17  }
0x8e: {  	[smem:$0x3FBE] =	sst s2  }
0x8f: {  	_ = 	snop  }
0x90: {  	s2 =	sld [smem:$0x3FC5]  }
0x91: {  	s18 =	sld [smem:$0x3FC4]  }
0x92: {  	s4 =	sld [smem:$0x3FD0];
	(tm) =	ssettm $0x1  }
0x93: {  	s5 =	sld [smem:$0x3FFB];
	_ =	sdelay $0x3  }
0x94: {  	_ =	strace s5  }
0x95: {  	s5 =	sld [smem:$0x3FFC];
	_ =	sdelay $0x3  }
0x96: {  	_ =	strace s5  }
0x97: {  	s5 =	sld [smem:$0x3FFD];
	_ =	sdelay $0x3  }
0x98: {  	_ =	strace s5  }
0x99: {  	_ =	strace $0x8FFFFFFF  }
0x9a: {  	s19 =	sld [smem:$0x3FDB];
	_ =	sdelay $0x1  }
0x9b: {  	s6 =	simm.s32 $_scs_section_size  }
0x9c: {  	s7 =	simm.s32 $_size__tile_overlayer_lowered;
	s8 =	simm.s32 $_tile_overlayer_lowered  }
0x9d: {  	s22 =	simm.s32 $0x1BFF;
	s21 =	sshll.u32 s8, $0x1;
	s5 =	sadd.s32 s6, s19  }
0x9e: {  	s9 =	simm.s32 $0x0;
	s20 =	sshll.u32 s7, $0x1;
	s7 =	sadd.s32 s21, s5  }
0x9f: {  	[timem:s9], [sflag:s22] =	dma.local [hbm:s7], s20  }
0xa0: {  	_ =	swait.ge [sflag:s22], s20  }
0xa1: {  	s6 =	ssub.s32 $0x0, s20;
	[sflag:s22] =	ssyncset.done $0x0  }
0xa2: {  	[sflag:s22] =	ssyncadd.s32 s6;
	_ =	sdelay $0x1  }
0xa3: {  	s23 =	simm.s32 $0x1B8B  }
0xa4: {  	_ =	swait.ge [sflag:s23], $0x1  }
0xa5: {  	[sflag:s23] =	ssyncset.done $0x0  }
0xa6: {  	s25 =	simm.s32 $0x1B8E;
	s24 =	sld [smem:$0x3FFE];
	[sflag:s23] =	ssyncadd.s32 $0xFFFFFFFF  }
0xa7: {  	s26 =	simm.s32 $execute0_lowered;
	[smem:$0x3FD2] =	sst s25  }
0xa8: {  	s7 =	sshll.u32 s26, $0x1;
	_ =	strace $0x80000046;
	[dreg:$0x1] =	wrdreg $0xFFFFFFFF  }
0xa9: {  	s28 =	simm.s32 $_size_execute0_lowered;
	s5 =	sadd.s32 s5, s7;
	[dreg:$0x0] =	wrdreg $0x0  }
0xaa: {  	s7 =	sshll.u32 s28, $0x1;
	[dreg:$0x2] =	wrdreg s5  }
0xab: {  	[dreg:$0x3] =	wrdreg s7  }
0xac: {  	[dreg:$0x4] =	wrdreg $0xC0  }
0xad: {  	_ =	task [dreg:s9], $0x5FFFF  }
0xae: {  	[dreg:$0x1] =	wrdreg $0xFFFFFFFF  }
0xaf: {  	[dreg:$0x0] =	wrdreg $0x60  }
0xb0: {  	[dreg:$0x2] =	wrdreg s2  }
0xb1: {  	[dreg:$0x3] =	wrdreg s18  }
0xb2: {  	[dreg:$0x4] =	wrdreg s4  }
0xb3: {  	[dreg:$0x5] =	wrdreg s24  }
0xb4: {  	[dreg:$0x6] =	wrdreg $0x9  }
0xb5: {  	_ =	task.clear_ibuf [dreg:s9], $0x7FFFF;
	_ =	strace $0x90000046  }
0xb6: {  	s29 =	simm.s32 $0x9;
	_ =	strace $0x80000048  }
0xb7: {  	_ =	swait.ge [sflag:s29], $0x1  }
0xb8: {  	[sflag:s29] =	ssyncadd.s32 $0xFFFFFFFF  }
0xb9: {  	_ =	strace $0x90000048  }
0xba: {  	_ =	sfence  }
0xbb: {  	s30 =	sld [smem:$0x0];
	_ =	sdelay $0x2  }
0xbc: {  	s31 =	sshll.u32 s1, $0xD;
	s1 =	sshrl.u32 s1, $0x2  }
0xbd: {  	s3 =	sand.u32 $0x4000, s31;
	s1 =	sadd.s32 s1, s30  }
0xbe: {  	s0 =	sor.u32 s3, s0;
	s1 =	sshll.u32 s1, $0x11  }
0xbf: {  	s0 =	sor.u32 s1, s0  }
0xc0: {  	s0 =	sadd.s32 $0x8F2B, s0  }
0xc1: {  	[sflag:s0] =	ssyncadd.remote.s32 $0x1  }
0xc2: {  	_ =	sfence.sel $0xFFFF  }
0xc3: {  	[dreg:$0x0] =	wrdreg $0xFFFFFFFF;
	(pc) =	sbr.abs _section_cstart, $3  }
0xc4: {  	[dreg:$0x1] =	wrdreg $0xFFFFFFFF  }
0xc5: {  	_ =	task.clear_ibuf [dreg:s9], $0x2FFFF;
	_ =	strace $0x9FFFFFFF  }
0xc6: {  	(tm) =	ssettm $0x7FFFFFFF  }
0xc7: {  	_ =	shalt  }
tec
execute0_lowered:
.L_overlay_start_1:
0x0: {  	(tag) =	ssettag $0x1  }
0x1: {  	s1 =	rddreg [dreg:$0x0]  }
0x2: {  	s2 =	rddreg [dreg:$0x1]  }
0x3: {  	s0 =	rddreg [dreg:$0x2]  }
0x4: {  	s3 =	rddreg [dreg:$0x3];
	s4 =	simm.s32 $0x0;
	s5 =	srdreg.scid  }
0x5: {  	s25 =	stileid.u32;
	s12 =	simm.s32 $0x600;
	s16 =	simm.s32 $0x800  }
0x6: {  	[smem:$0x7FF] =	sst s4;
	s5 =	sand.u32 $0x1, s5;
	s6 =	sshll.u32 s25, $0x7  }
0x7: {  	s26 =	sadd.s32 $0x1800, s3;
	s28 =	sadd.s32 $0x41800, s3;
	s8 =	sshll.u32 s5, $0x6  }
0x8: {  	_ =	strace $0x80000047;
	[dreg:$0x5] =	wrdreg s26;
	s8 =	sor.u32 s8, s6  }
0x9: {  	s17 =	simm.s32 $0x14800;
	[dreg:$0x6] =	wrdreg s28;
	s0 =	sadd.s32 s0, s8  }
0xa: {  	s7 =	ssub.s32 $0x2, s5;
	s3 =	sadd.s32 s3, s8;
	[dreg:$0x8] =	wrdreg s0  }
0xb: {  	v0 =	vlaneseq.u32;
	s9 =	sshrl.u32 s7, $0x1;
	s29 =	sadd.s32 $0x1000, s3;
	[dreg:$0x7] =	wrdreg s3  }
0xc: {  	vm0 =	vmmov $0x1;
	vm1 =	vcmask $0x308;
	v1 =	vmul.u32 $0x80, v0;
	s7 =	ssub.s32 s7, s9;
	s30 =	sadd.s32 $0x800, s3;
	[dreg:$0x9] =	wrdreg s29  }
0xd: {  	s18 =	simm.s32 $0x18800;
	v3 =	vor.u32 $0x10, v0;
	v5 =	vor.u32 $0x20, v0;
	v7 =	vor.u32 $0x30, v0;
	s31 =	smax.u32 s7, $0x1;
	[dreg:$0xa] =	wrdreg s30  }
0xe: {  	s4 =	simm.s32 $0x0;
	s6 =	simm.s32 $0x400;
	v2 =	vor.u32 $0x800, v1;
	v4 =	vor.u32 $0x1000, v1;
	v6 =	vor.u32 $0x1800, v1;
	[dreg:$0xb] =	wrdreg s31  }
.LBB2_1:
0xf: {  	[dreg:$0xc] =	wrdreg s4  }
0x10: {  	s0 =	simm.s32 $0x0;
	s3 =	rddreg [dreg:$0x8];
	s22 =	simm.s32 $0xD  }
0x11: {  	[tilespmem:s0], [sflag:$0xD] =	stream.linear.gather [hbm4b:s3+s0], $0x200, $0x38;
	[tilespmem:$0x1C800] =	vst v63  }
0x12: {  	_ =	swait.ge [sflag:s22], $0x200  }
0x13: {  	[sflag:s22] =	ssyncset.done $0x0  }
0x14: {  	s5 =	simm.s32 $0x200;
	s23 =	rddreg [dreg:$0x7];
	[sflag:s22] =	ssyncadd.s32 $0xFFFFFE00  }
0x15: {  	[tilespmem:s5], [sflag:$0xD] =	stream.linear.gather [hbm4b:s23+s0], $0x200, $0x38;
	[tilespmem:$0x1C800] =	vst v63  }
0x16: {  	_ =	swait.ge [sflag:s22], $0x200  }
0x17: {  	[sflag:s22] =	ssyncset.done $0x0  }
0x18: {  	s24 =	rddreg [dreg:$0x9];
	[sflag:s22] =	ssyncadd.s32 $0xFFFFFE00  }
0x19: {  	[tilespmem:s6], [sflag:$0xD] =	stream.linear.gather [hbm4b:s24+s0], $0x200, $0x38;
	[tilespmem:$0x1C800] =	vst v63  }
0x1a: {  	_ =	swait.ge [sflag:s22], $0x200  }
0x1b: {  	[sflag:s22] =	ssyncset.done $0x0  }
0x1c: {  	s25 =	rddreg [dreg:$0xa];
	[sflag:s22] =	ssyncadd.s32 $0xFFFFFE00  }
0x1d: {  	[tilespmem:s12], [sflag:$0xD] =	stream.linear.gather [hbm4b:s25+s0], $0x200, $0x38;
	[tilespmem:$0x1C800] =	vst v63  }
0x1e: {  	_ =	swait.ge [sflag:s22], $0x200  }
0x1f: {  	[sflag:s22] =	ssyncset.done $0x0  }
0x20: {  	[sflag:s22] =	ssyncadd.s32 $0xFFFFFE00  }
0x21: {  	v8 =	vld [tilespmem:$0x0];
	_ =	sdelay $0x2  }
0x22: {  	v9 =	vld [tilespmem:$0x200];
	_ =	sdelay $0x1  }
0x23: {  	v10 =	vnsel vm0, $0x0, v8  }
0x24: {  	v10 =	vxor.u32 $0x80000000, v10  }
0x25: {  	v8 =	vsel vm1, $0x0, v8;
	(xrf0) =	vmax.scan.msk.u32 $0xffff, v10  }
0x26: {  	v63 =	vnsel vm0, $0x0, v9;
	v8 =	vxor.u32 $0x80000000, v8  }
0x27: {  	(xrf0) =	vmax.scan.msk.u32 $0xffff, v8;
	v8 =	vxor.u32 $0x80000000, v63  }
0x28: {  	(xrf0) =	vmax.scan.msk.u32 $0xffff, v8;
	_ =	sdelay $0x2  }
0x29: {  	v8, _, _ =	vpop (xrf0)  }
0x2a: {  	(v2sf) =	vpush v8, $0xF  }
0x2b: {  	v8, _, _ =	vpop (xrf0)  }
0x2c: {  	(v2sf) =	vpush v8, $0xF;
	v8, _, _ =	vpop (xrf0)  }
0x2d: {  	(v2sf) =	vpush v8, $0xF;
	_ =	sdelay $0x5  }
0x2e: {  	v8 =	vsel vm1, $0x0, v9  }
0x2f: {  	v8 =	vxor.u32 $0x80000000, v8  }
0x30: {  	(xrf0) =	vmax.scan.msk.u32 $0xffff, v8;
	_ =	sdelay $0x3  }
0x31: {  	s0 =	spop (v2sf)  }
0x32: {  	s30 =	simm.s32 $0x0;
	s3 =	sshra.s32 s0, $0x7  }
0x33: {  	s31 =	simm.s32 $0x0;
	v8, _, _ =	vpop (xrf0);
	s7 =	spop (v2sf);
	p0 =	seq.s32 s3, $0xFFFFFF  }
0x34: {  	(v2sf) =	vpush v8, $0xF;
	s8 =	spop (v2sf);
	s28 =	sshra.s32 s7, $0x7;
	s0 =	sand.u32 @!p0 $0x1FFFFF80, s0  }
0x35: {  	s9 =	simm.s32 @!p0 $0x400;
	s10 =	simm.s32 @!p0 $0x7A1400;
	s26 =	sshra.s32 s8, $0x7  }
0x36: {  	s11 =	simm.s32 @!p0 $0x800;
	s0 =	sadd.s32 @!p0 s1, s0;
	p1 =	sne.s32 s26, $0xFFFFFF  }
0x37: {  	[tilespmem:s11], [sflag:$0x1] =	stream.strided.gather @!p0 [hbm4b:s0+s9], $0x2000, s10, s9, $0x38;
	[tilespmem:$0x1C800] =	vst v63  }
0x38: {  	p0 =	sne.s32 s3, $0xFFFFFF;
	s0 =	simm.s32 $0x1;
	s10 =	simm.s32 $0x1  }
0x39: {  	s0 =	simm.s32 @!p0 $0x0;
	p0 =	seq.s32 s26, $0xFFFFFF;
	s10 =	simm.s32 @!p1 $0x0  }
0x3a: {  	p2 =	sne.s32 @!p0 s3, $0xFFFFFF;
	s11 =	simm.s32 @!p0 $0x2800;
	s13 =	sadd.s32 @!p0 $0x1, s0  }
0x3b: {  	s8 =	sand.u32 @!p0 $0x1FFFFF80, s8;
	s14 =	simm.s32 @!p0 $0x400;
	p1 =	por !p2, p0  }
0x3c: {  	s15 =	simm.s32 @!p0 $0x7A1400;
	s8 =	sadd.s32 @!p0 s2, s8;
	s11 =	simm.s32 @p1 $0x800  }
0x3d: {  	[tilespmem:s11], [sflag:s13] =	stream.strided.gather @!p0 [hbm4b:s8+s14], $0x2000, s15, s14, $0x38;
	[tilespmem:$0x1C800] =	vst v63  }
0x3e: {  	s23 =	simm.s32 $0xFFFFFFFF;
	s0 =	sadd.s32 s0, s10;
	p0 =	seq.s32 s28, s3  }
0x3f: {  	p1 =	sne.s32 s28, s3;
	s3 =	simm.s32 $0x1;
	s11 =	sshll.u32 @!p0 s0, $0xD  }
0x40: {  	s13 =	sadd.s32 @!p0 $0x1, s0;
	s7 =	sand.u32 @!p0 $0x1FFFFF80, s7;
	s14 =	simm.s32 @!p0 $0x400  }
0x41: {  	s15 =	simm.s32 @!p0 $0x7A1400;
	s11 =	sor.u32 @!p0 $0x800, s11;
	s7 =	sadd.s32 @!p0 s1, s7  }
0x42: {  	[tilespmem:s11], [sflag:s13] =	stream.strided.gather @!p0 [hbm4b:s7+s14], $0x2000, s15, s14, $0x38;
	[tilespmem:$0x1C800] =	vst v63  }
0x43: {  	s22 =	simm.s32 $0x0;
	s3 =	simm.s32 @!p1 $0x0;
	s10 =	spop (v2sf)  }
0x44: {  	s24 =	sxor.u32 $0xFF000000, s28;
	s3 =	sadd.s32 s3, s0;
	s29 =	sshra.s32 s10, $0x7  }
0x45: {  	s7 =	simm.s32 $0x1;
	p0 =	seq.s32 s29, s26;
	p1 =	sne.s32 s29, s26  }
0x46: {  	s0 =	sxor.u32 $0xFF000000, s29;
	s7 =	simm.s32 @!p1 $0x0;
	s9 =	sshll.u32 @!p0 s3, $0xD  }
0x47: {  	s11 =	sadd.s32 @!p0 $0x1, s3;
	s10 =	sand.u32 @!p0 $0x1FFFFF80, s10;
	s13 =	simm.s32 @!p0 $0x400  }
0x48: {  	s14 =	simm.s32 @!p0 $0x7A1400;
	s9 =	sor.u32 @!p0 $0x800, s9;
	s10 =	sadd.s32 @!p0 s2, s10  }
0x49: {  	[tilespmem:s9], [sflag:s11] =	stream.strided.gather @!p0 [hbm4b:s10+s13], $0x2000, s14, s13, $0x38;
	[tilespmem:$0x1C800] =	vst v63  }
0x4a: {  	s26 =	simm.s32 $0x0;
	s14 =	sadd.s32 s7, s3;
	s13 =	simm.s32 $0xFFFFFFFF  }
.LBB2_2:
0x4b: {  	s3 =	sadd.s32 $0x2, s26  }
0x4c: {  	s7 =	sand.u32 $0xF0, s3  }
0x4d: {  	v8 =	vld [tilespmem:s7+$0x0];
	_ =	sdelay $0x2  }
0x4e: {  	s8 =	sand.u32 $0xE, s3  }
0x4f: {  	v9 =	vmov s8  }
0x50: {  	vm3 =	veq.s32 v9, v0;
	v8 =	vxor.u32 $0x80000000, v8  }
0x51: {  	v9 =	vnsel vm3, $0x80000000, v8  }
0x52: {  	(xrf0) =	vmax.scan.msk.u32 $0xffff, v9;
	_ =	sdelay $0x3  }
0x53: {  	v37 =	vld [tilespmem:s7+$0x200];
	_ =	sdelay $0x1  }
0x54: {  	s29 =	sor.u32 $0x1, s8;
	v10, _, _ =	vpop (xrf0)  }
0x55: {  	v38 =	vmov s29;
	(v2sf) =	vpush v10, $0xF  }
0x56: {  	vm2 =	veq.s32 v38, v0  }
0x57: {  	v8 =	vnsel vm2, $0x80000000, v8;
	v9 =	vxor.u32 $0x80000000, v37  }
0x58: {  	(xrf0) =	vmax.scan.msk.u32 $0xffff, v8;
	v8 =	vnsel vm3, $0x80000000, v9  }
0x59: {  	(xrf0) =	vmax.scan.msk.u32 $0xffff, v8;
	_ =	sdelay $0x4  }
0x5a: {  	v8, _, _ =	vpop (xrf0)  }
0x5b: {  	(v2sf) =	vpush v8, $0xF;
	v8, _, _ =	vpop (xrf0)  }
0x5c: {  	(v2sf) =	vpush v8, $0xF;
	_ =	sdelay $0x3  }
0x5d: {  	s4 =	spop (v2sf)  }
0x5e: {  	s7 =	sshra.s32 s4, $0x7  }
0x5f: {  	s8 =	sxor.u32 $0xFF000000, s7  }
0x60: {  	p1 =	seq.s32 s8, s24  }
0x61: {  	s9 =	smulhi.u32 @!p1 $0x66666667, s14;
	s10 =	sshra.s32 @!p1 s14, $0x1F  }
0x62: {  	s10 =	smul.u32 @!p1 $0x66666667, s10;
	_ =	sdelay $0x1  }
0x63: {  	s9 =	sadd.s32 @!p1 s10, s9  }
0x64: {  	s10 =	sshrl.u32 @!p1 s9, $0x1F;
	s9 =	sshra.s32 @!p1 s9, $0x2  }
0x65: {  	s9 =	sadd.s32 @!p1 s10, s9  }
0x66: {  	s5 =	spop (v2sf);
	s9 =	smul.u32 @!p1 $0xA, s9  }
0x67: {  	s15 =	simm.s32 $0x1;
	s11 =	spop (v2sf);
	p0 =	sne.s32 s8, s24  }
0x68: {  	s25 =	sshra.s32 s11, $0x7;
	s15 =	simm.s32 @!p0 $0x0;
	s9 =	ssub.s32 @!p1 s14, s9  }
0x69: {  	s24 =	sxor.u32 $0xFF000000, s25;
	s14 =	sadd.s32 s15, s14;
	p0 =	slt.s32 @!p1 s9, $0x0  }
0x6a: {  	v8 =	vnsel vm2, $0x80000000, v9;
	s11 =	sadd.s32 @!p1 $0xA, s9;
	p2 =	por !p0, p1;
	p0 =	seq.s32 s24, s0  }
0x6b: {  	(xrf0) =	vmax.scan.msk.u32 $0xffff, v8;
	s11 =	smov.u32 @p2 s9;
	s9 =	smulhi.u32 @!p0 $0x66666667, s14;
	s15 =	sshra.s32 @!p0 s14, $0x1F  }
0x6c: {  	s8 =	sshll.u32 @!p1 s8, $0x7;
	s15 =	smul.u32 @!p0 $0x66666667, s15  }
0x6d: {  	s8 =	sand.u32 @!p1 $0x1FFFFF80, s8  }
0x6e: {  	s4 =	simm.s32 @!p1 $0x7A1400;
	s8 =	sadd.s32 @!p1 s1, s8;
	s9 =	sadd.s32 @!p0 s15, s9  }
0x6f: {  	s28 =	sshll.u32 @!p1 s11, $0xF;
	s15 =	sshrl.u32 @!p0 s9, $0x1F;
	s9 =	sshra.s32 @!p0 s9, $0x2  }
0x70: {  	s11 =	sadd.s32 @!p1 $0x1, s11;
	s28 =	sshra.s32 @!p1 s28, $0x2;
	s9 =	sadd.s32 @!p0 s15, s9  }
0x71: {  	v8, _, _ =	vpop (xrf0);
	s28 =	sor.u32 @!p1 $0x800, s28;
	s15 =	simm.s32 @!p1 $0x400;
	s9 =	smul.u32 @!p0 $0xA, s9  }
0x72: {  	(v2sf) =	vpush v8, $0xF;
	[tilespmem:s28], [sflag:s11] =	stream.strided.gather @!p1 [hbm4b:s8+s15], $0x2000, s4, s15, $0x38;
	[tilespmem:$0x1C800] =	vst v63  }
0x73: {  	s10 =	sshra.s32 s5, $0x7;
	s4 =	ssub.s32 @!p0 s14, s9  }
0x74: {  	s11 =	simm.s32 @!p0 $0x400;
	s9 =	sshll.u32 @!p0 s24, $0x7;
	p1 =	slt.s32 @!p0 s4, $0x0  }
0x75: {  	s8 =	sadd.s32 @!p0 $0xA, s4;
	s9 =	sand.u32 @!p0 $0x1FFFFF80, s9;
	p1 =	por !p1, p0  }
0x76: {  	s8 =	smov.u32 @p1 s4;
	p1 =	sne.s32 s24, s0;
	s0 =	simm.s32 $0x1  }
0x77: {  	s9 =	sadd.s32 @!p0 s2, s9;
	s24 =	simm.s32 @!p0 $0x7A1400;
	s0 =	simm.s32 @!p1 $0x0  }
0x78: {  	s4 =	sshll.u32 @!p0 s8, $0xF;
	p1 =	seq.s32 s10, s7;
	s0 =	sadd.s32 s0, s14  }
0x79: {  	s4 =	sshra.s32 @!p0 s4, $0x2;
	s14 =	smulhi.u32 @!p1 $0x66666667, s0;
	s15 =	sshra.s32 @!p1 s0, $0x1F  }
0x7a: {  	s8 =	sadd.s32 @!p0 $0x1, s8;
	s4 =	sor.u32 @!p0 $0x800, s4;
	s15 =	smul.u32 @!p1 $0x66666667, s15  }
0x7b: {  	[tilespmem:s4], [sflag:s8] =	stream.strided.gather @!p0 [hbm4b:s9+s11], $0x2000, s24, s11, $0x38;
	[tilespmem:$0x1C800] =	vst v63  }
0x7c: {  	s4 =	sadd.s32 @!p1 s15, s14  }
0x7d: {  	s8 =	sshrl.u32 @!p1 s4, $0x1F;
	s4 =	sshra.s32 @!p1 s4, $0x2  }
0x7e: {  	s4 =	sadd.s32 @!p1 s8, s4  }
0x7f: {  	s4 =	smul.u32 @!p1 $0xA, s4  }
0x80: {  	p0 =	sne.s32 s10, s7;
	s7 =	simm.s32 $0x1  }
0x81: {  	s7 =	simm.s32 @!p0 $0x0;
	s14 =	spop (v2sf);
	s4 =	ssub.s32 @!p1 s0, s4  }
0x82: {  	s28 =	sadd.s32 s7, s0;
	s14 =	sshra.s32 s14, $0x7;
	p0 =	slt.s32 @!p1 s4, $0x0  }
0x83: {  	s9 =	sadd.s32 @!p1 $0xA, s4;
	p2 =	por !p0, p1;
	p0 =	seq.s32 s14, s25  }
0x84: {  	s9 =	smov.u32 @p2 s4;
	s0 =	smulhi.u32 @!p0 $0x66666667, s28;
	s4 =	sshra.s32 @!p0 s28, $0x1F  }
0x85: {  	s4 =	smul.u32 @!p0 $0x66666667, s4  }
0x86: {  	s24 =	sxor.u32 $0xFF000000, s10;
	s10 =	simm.s32 @!p1 $0x7A1400;
	s7 =	sshll.u32 @!p1 s9, $0xF  }
0x87: {  	s8 =	sshll.u32 @!p1 s24, $0x7;
	s7 =	sshra.s32 @!p1 s7, $0x2;
	s0 =	sadd.s32 @!p0 s4, s0  }
0x88: {  	s4 =	sand.u32 @!p1 $0x1FFFFF80, s8;
	s8 =	sshrl.u32 @!p0 s0, $0x1F;
	s0 =	sshra.s32 @!p0 s0, $0x2  }
0x89: {  	s9 =	sadd.s32 @!p1 $0x1, s9;
	s7 =	sor.u32 @!p1 $0x800, s7;
	s0 =	sadd.s32 @!p0 s8, s0  }
0x8a: {  	s4 =	sadd.s32 @!p1 s1, s4;
	s8 =	simm.s32 @!p1 $0x400;
	s0 =	smul.u32 @!p0 $0xA, s0  }
0x8b: {  	[tilespmem:s7], [sflag:s9] =	stream.strided.gather @!p1 [hbm4b:s4+s8], $0x2000, s10, s8, $0x38;
	[tilespmem:$0x1C800] =	vst v63  }
0x8c: {  	s0 =	ssub.s32 @!p0 s28, s0  }
0x8d: {  	p1 =	slt.s32 @!p0 s0, $0x0  }
0x8e: {  	s4 =	sadd.s32 @!p0 $0xA, s0;
	p1 =	por !p1, p0  }
0x8f: {  	s15 =	sand.u32 $0x70, s26;
	s4 =	smov.u32 @p1 s0;
	s0 =	sxor.u32 $0xFF000000, s14  }
0x90: {  	s9 =	simm.s32 @!p0 $0x400;
	s7 =	sshll.u32 @!p0 s4, $0xF;
	s8 =	sshll.u32 @!p0 s0, $0x7  }
0x91: {  	s10 =	simm.s32 @!p0 $0x7A1400;
	s7 =	sshra.s32 @!p0 s7, $0x2;
	s8 =	sand.u32 @!p0 $0x1FFFFF80, s8  }
0x92: {  	s4 =	sadd.s32 @!p0 $0x1, s4;
	s7 =	sor.u32 @!p0 $0x800, s7;
	s8 =	sadd.s32 @!p0 s2, s8  }
0x93: {  	[tilespmem:s7], [sflag:s4] =	stream.strided.gather @!p0 [hbm4b:s8+s9], $0x2000, s10, s9, $0x38;
	[tilespmem:$0x1C800] =	vst v63  }
0x94: {  	v8 =	vld [tilespmem:s15+$0x0];
	_ =	sdelay $0x2  }
0x95: {  	s19 =	sand.u32 $0xE, s26  }
0x96: {  	v39 =	vmov s19  }
0x97: {  	vm2 =	veq.s32 v39, v0;
	v8 =	vxor.u32 $0x80000000, v8  }
0x98: {  	v9 =	vnsel vm2, $0x80000000, v8  }
0x99: {  	(xrf0) =	vmax.scan.msk.u32 $0xffff, v9;
	_ =	sdelay $0x3  }
0x9a: {  	v40 =	vld [tilespmem:s15+$0x200];
	_ =	sdelay $0x1  }
0x9b: {  	s20 =	sor.u32 $0x1, s19;
	v41, _, _ =	vpop (xrf0)  }
0x9c: {  	v42 =	vmov s20;
	(v2sf) =	vpush v41, $0xF  }
0x9d: {  	vm3 =	veq.s32 v42, v0  }
0x9e: {  	v8 =	vnsel vm3, $0x80000000, v8;
	v9 =	vxor.u32 $0x80000000, v40  }
0x9f: {  	(xrf0) =	vmax.scan.msk.u32 $0xffff, v8;
	v8 =	vnsel vm2, $0x80000000, v9  }
0xa0: {  	(xrf0) =	vmax.scan.msk.u32 $0xffff, v8;
	v8 =	vnsel vm3, $0x80000000, v9  }
0xa1: {  	(xrf0) =	vmax.scan.msk.u32 $0xffff, v8;
	_ =	sdelay $0x3  }
0xa2: {  	v8, _, _ =	vpop (xrf0)  }
0xa3: {  	s21 =	smulhi.u32 $0x66666667, s22;
	s29 =	sshra.s32 s22, $0x1F;
	v43, _, _ =	vpop (xrf0);
	(v2sf) =	vpush v8, $0xF  }
0xa4: {  	s7 =	smul.u32 $0x66666667, s29;
	(v2sf) =	vpush v43, $0xF;
	v8, _, _ =	vpop (xrf0)  }
0xa5: {  	(v2sf) =	vpush v8, $0xF  }
0xa6: {  	s4 =	sadd.s32 s7, s21  }
0xa7: {  	s7 =	sshrl.u32 s4, $0x1F;
	s4 =	sshra.s32 s4, $0x2  }
0xa8: {  	s4 =	sadd.s32 s7, s4;
	s5 =	spop (v2sf)  }
0xa9: {  	s4 =	smul.u32 $0xA, s4;
	s9 =	sshra.s32 s5, $0x7  }
0xaa: {  	s11 =	sxor.u32 s23, s9  }
0xab: {  	s4 =	ssub.s32 s22, s4;
	p0 =	sne.s32 s11, $0xFF000000  }
0xac: {  	p1 =	slt.s32 @p0 s4, $0x0;
	s7 =	sadd.s32 @p0 $0xA, s4  }
0xad: {  	s10 =	sadd.s32 @!p0 $0xA, s4;
	p1 =	por !p1, !p0;
	s11 =	smov.u32 s7  }
0xae: {  	s10 =	smov.u32 @p0 s7;
	s11 =	smov.u32 @p1 s4;
	p1 =	slt.s32 s4, $0x0  }
0xaf: {  	s4 =	smov.u32 @p1 s10  }
0xb0: {  	s31 =	smov.u32 @p0 s4  }
0xb1: {  	s15 =	sand.u32 $0x7F, s5;
	s19 =	sshll.u32 s31, $0xD  }
0xb2: {  	s10 =	spop (v2sf);
	s4 =	sor.u32 s15, s19  }
0xb3: {  	s20 =	spop (v2sf);
	v8 =	vor.u32 s4, v1  }
0xb4: {  	s8 =	sadd.s32 @p0 $0x1, s11;
	s15 =	spop (v2sf)  }
0xb5: {  	_ =	swait.ge @p0 [sflag:s8], $0x2000  }
0xb6: {  	[sflag:s8] =	ssyncset.done @p0 $0x0  }
0xb7: {  	s21 =	sshll.u32 s26, $0x7;
	[sflag:s8] =	ssyncadd.s32 @p0 $0xFFFFE000  }
0xb8: {  	v44 =	vor.u32 s21, v0;
	v8 =	vld.idx.msk [tilespmem:v8+s16+$0x0], $0xffff  }
0xb9: {  	v45 =	vor.u32 s4, v2;
	_ =	sdelay $0x1  }
0xba: {  	s8 =	simm.s32 $0x1  }
0xbb: {  	s8 =	simm.s32 @!p0 $0x0  }
0xbc: {  	s29 =	sadd.s32 s8, s22;
	[tilespmem:v44+s17+$0x0] =	vst.idx.msk $0xffff, v8  }
0xbd: {  	v46 =	vor.u32 s21, v3;
	s8 =	smulhi.u32 $0x66666667, s29;
	s5 =	sshra.s32 s29, $0x1F;
	v8 =	vld.idx.msk [tilespmem:v45+s16+$0x0], $0xffff  }
0xbe: {  	v11 =	vor.u32 s4, v4;
	s23 =	smul.u32 $0x66666667, s5;
	_ =	sdelay $0x1  }
0xbf: {  	s8 =	sadd.s32 s23, s8  }
0xc0: {  	s23 =	sshrl.u32 s8, $0x1F;
	s8 =	sshra.s32 s8, $0x2  }
0xc1: {  	s23 =	sadd.s32 s23, s8;
	[tilespmem:v46+s17+$0x0] =	vst.idx.msk $0xffff, v8  }
0xc2: {  	v47 =	vor.u32 s21, v5;
	s8 =	sshra.s32 s20, $0x7;
	s23 =	smul.u32 $0xA, s23;
	v8 =	vld.idx.msk [tilespmem:v11+s16+$0x0], $0xffff  }
0xc3: {  	v12 =	vor.u32 s4, v6;
	s19 =	sxor.u32 s13, s8  }
0xc4: {  	p0 =	sne.s32 s19, $0xFF000000;
	s4 =	ssub.s32 s29, s23  }
0xc5: {  	p1 =	slt.s32 @p0 s4, $0x0;
	s13 =	sadd.s32 @p0 $0xA, s4  }
0xc6: {  	s5 =	sadd.s32 @!p0 $0xA, s4;
	p1 =	por !p1, !p0;
	s23 =	smov.u32 s13  }
0xc7: {  	s5 =	smov.u32 @p0 s13;
	s23 =	smov.u32 @p1 s4;
	p1 =	slt.s32 s4, $0x0;
	[tilespmem:v47+s17+$0x0] =	vst.idx.msk $0xffff, v8  }
0xc8: {  	v48 =	vor.u32 s21, v7;
	s4 =	smov.u32 @p1 s5;
	v8 =	vld.idx.msk [tilespmem:v12+s16+$0x0], $0xffff  }
0xc9: {  	s30 =	smov.u32 @p0 s4  }
0xca: {  	s20 =	sand.u32 $0x7F, s20;
	s21 =	sshll.u32 s30, $0xD  }
0xcb: {  	s4 =	sor.u32 s20, s21  }
0xcc: {  	v13 =	vor.u32 s4, v1  }
0xcd: {  	s5 =	sadd.s32 @p0 $0x1, s23;
	[tilespmem:v48+s17+$0x0] =	vst.idx.msk $0xffff, v8  }
0xce: {  	_ =	swait.ge @p0 [sflag:s5], $0x2000  }
0xcf: {  	[sflag:s5] =	ssyncset.done @p0 $0x0  }
0xd0: {  	[sflag:s5] =	ssyncadd.s32 @p0 $0xFFFFE000  }
0xd1: {  	v8 =	vld.idx.msk [tilespmem:v13+s16+$0x0], $0xffff  }
0xd2: {  	v49 =	vor.u32 s4, v2;
	_ =	sdelay $0x1  }
0xd3: {  	s5 =	simm.s32 $0x1  }
0xd4: {  	s5 =	simm.s32 @!p0 $0x0  }
0xd5: {  	s5 =	sadd.s32 s5, s29;
	[tilespmem:v44+s18+$0x0] =	vst.idx.msk $0xffff, v8  }
0xd6: {  	s29 =	smulhi.u32 $0x66666667, s5;
	s13 =	sshra.s32 s5, $0x1F;
	v8 =	vld.idx.msk [tilespmem:v49+s16+$0x0], $0xffff  }
0xd7: {  	v50 =	vor.u32 s4, v4;
	s11 =	smul.u32 $0x66666667, s13;
	_ =	sdelay $0x1  }
0xd8: {  	s7 =	sadd.s32 s11, s29  }
0xd9: {  	s11 =	sshrl.u32 s7, $0x1F;
	s7 =	sshra.s32 s7, $0x2  }
0xda: {  	s7 =	sadd.s32 s11, s7;
	[tilespmem:v46+s18+$0x0] =	vst.idx.msk $0xffff, v8  }
0xdb: {  	s7 =	smul.u32 $0xA, s7;
	v8 =	vld.idx.msk [tilespmem:v50+s16+$0x0], $0xffff  }
0xdc: {  	v51 =	vor.u32 s4, v6;
	s11 =	sshra.s32 s10, $0x7  }
0xdd: {  	p0 =	sne.s32 s11, s9;
	s4 =	ssub.s32 s5, s7  }
0xde: {  	p1 =	slt.s32 @p0 s4, $0x0;
	s7 =	sadd.s32 @p0 $0xA, s4  }
0xdf: {  	s13 =	sadd.s32 @!p0 $0xA, s4;
	p1 =	por !p1, !p0;
	s9 =	smov.u32 s7  }
0xe0: {  	s13 =	smov.u32 @p0 s7;
	s9 =	smov.u32 @p1 s4;
	p1 =	slt.s32 s4, $0x0;
	[tilespmem:v47+s18+$0x0] =	vst.idx.msk $0xffff, v8  }
0xe1: {  	s4 =	smov.u32 @p1 s13;
	v8 =	vld.idx.msk [tilespmem:v51+s16+$0x0], $0xffff  }
0xe2: {  	s31 =	smov.u32 @p0 s4  }
0xe3: {  	s19 =	sand.u32 $0x7F, s10;
	s20 =	sshll.u32 s31, $0xD  }
0xe4: {  	s4 =	sor.u32 s19, s20  }
0xe5: {  	v52 =	vor.u32 s4, v1  }
0xe6: {  	s7 =	sadd.s32 @p0 $0x1, s9;
	[tilespmem:v48+s18+$0x0] =	vst.idx.msk $0xffff, v8  }
0xe7: {  	_ =	swait.ge @p0 [sflag:s7], $0x2000  }
0xe8: {  	s21 =	sadd.s32 $0x1, s26;
	[sflag:s7] =	ssyncset.done @p0 $0x0  }
0xe9: {  	s22 =	sshll.u32 s21, $0x7;
	[sflag:s7] =	ssyncadd.s32 @p0 $0xFFFFE000  }
0xea: {  	v53 =	vor.u32 s22, v0;
	v8 =	vld.idx.msk [tilespmem:v52+s16+$0x0], $0xffff  }
0xeb: {  	v54 =	vor.u32 s4, v2;
	_ =	sdelay $0x1  }
0xec: {  	s9 =	simm.s32 $0x1  }
0xed: {  	s9 =	simm.s32 @!p0 $0x0  }
0xee: {  	s5 =	sadd.s32 s9, s5;
	[tilespmem:v53+s17+$0x0] =	vst.idx.msk $0xffff, v8  }
0xef: {  	v55 =	vor.u32 s22, v3;
	s9 =	smulhi.u32 $0x66666667, s5;
	s23 =	sshra.s32 s5, $0x1F;
	v8 =	vld.idx.msk [tilespmem:v54+s16+$0x0], $0xffff  }
0xf0: {  	v56 =	vor.u32 s4, v4;
	s10 =	smul.u32 $0x66666667, s23;
	_ =	sdelay $0x1  }
0xf1: {  	s9 =	sadd.s32 s10, s9  }
0xf2: {  	s10 =	sshrl.u32 s9, $0x1F;
	s9 =	sshra.s32 s9, $0x2  }
0xf3: {  	s9 =	sadd.s32 s10, s9;
	[tilespmem:v55+s17+$0x0] =	vst.idx.msk $0xffff, v8  }
0xf4: {  	v57 =	vor.u32 s22, v5;
	s9 =	smul.u32 $0xA, s9;
	v8 =	vld.idx.msk [tilespmem:v56+s16+$0x0], $0xffff  }
0xf5: {  	s26 =	sshra.s32 s15, $0x7;
	v58 =	vor.u32 s4, v6  }
0xf6: {  	p0 =	sne.s32 s26, s8;
	s8 =	ssub.s32 s5, s9  }
0xf7: {  	p1 =	slt.s32 @p0 s8, $0x0;
	s9 =	sadd.s32 @p0 $0xA, s8  }
0xf8: {  	s13 =	sadd.s32 @!p0 $0xA, s8;
	p1 =	por !p1, !p0;
	s10 =	smov.u32 s9  }
0xf9: {  	s13 =	smov.u32 @p0 s9;
	s10 =	smov.u32 @p1 s8;
	p1 =	slt.s32 s8, $0x0;
	[tilespmem:v57+s17+$0x0] =	vst.idx.msk $0xffff, v8  }
0xfa: {  	v59 =	vor.u32 s22, v7;
	s8 =	smov.u32 @p1 s13;
	v8 =	vld.idx.msk [tilespmem:v58+s16+$0x0], $0xffff  }
0xfb: {  	s30 =	smov.u32 @p0 s8  }
0xfc: {  	s29 =	sand.u32 $0x7F, s15;
	s8 =	sshll.u32 s30, $0xD  }
0xfd: {  	s7 =	sor.u32 s29, s8  }
0xfe: {  	v60 =	vor.u32 s7, v1  }
0xff: {  	s8 =	sadd.s32 @p0 $0x1, s10;
	[tilespmem:v59+s17+$0x0] =	vst.idx.msk $0xffff, v8  }
0x100: {  	_ =	swait.ge @p0 [sflag:s8], $0x2000  }
0x101: {  	[sflag:s8] =	ssyncset.done @p0 $0x0  }
0x102: {  	[sflag:s8] =	ssyncadd.s32 @p0 $0xFFFFE000  }
0x103: {  	v8 =	vld.idx.msk [tilespmem:v60+s16+$0x0], $0xffff  }
0x104: {  	v61 =	vor.u32 s7, v2;
	_ =	sdelay $0x3  }
0x105: {  	[tilespmem:v53+s18+$0x0] =	vst.idx.msk $0xffff, v8  }
0x106: {  	v8 =	vld.idx.msk [tilespmem:v61+s16+$0x0], $0xffff  }
0x107: {  	v62 =	vor.u32 s7, v4;
	_ =	sdelay $0x3  }
0x108: {  	[tilespmem:v55+s18+$0x0] =	vst.idx.msk $0xffff, v8  }
0x109: {  	v8 =	vld.idx.msk [tilespmem:v62+s16+$0x0], $0xffff  }
0x10a: {  	v63 =	vor.u32 s7, v6;
	_ =	sdelay $0x3  }
0x10b: {  	s8 =	simm.s32 $0x1;
	[tilespmem:v57+s18+$0x0] =	vst.idx.msk $0xffff, v8  }
0x10c: {  	s8 =	simm.s32 @!p0 $0x0;
	p0 =	sne.s32 s3, $0x80;
	v8 =	vld.idx.msk [tilespmem:v63+s16+$0x0], $0xffff  }
.Ltmp0:
0x10d: {  	_ = 	snop;
	(pc) =	sbr.rel @p0 .LBB2_2-.Ltmp0, $4  }
0x10e: {  	_ = 	snop  }
0x10f: {  	p1 =	sne.s32 s14, s25;
	s7 =	simm.s32 $0x1  }
0x110: {  	s23 =	sxor.u32 $0xFF000000, s11;
	s13 =	sxor.u32 $0xFF000000, s26;
	s7 =	simm.s32 @!p1 $0x0  }
0x111: {  	s26 =	smov.u32 s3;
	s14 =	sadd.s32 s7, s28;
	s22 =	sadd.s32 s8, s5;
	[tilespmem:v59+s18+$0x0] =	vst.idx.msk $0xffff, v8  }
0x112: {  	s3 =	rddreg [dreg:$0x5];
	s4 =	simm.s32 $0x80  }
0x113: {  	[hbm4b:s3+s4] =	stream.indirect.scatter [tilespmem:s17], [sflag:$0xB], $0x80, s6, s4, $0xb8;
	[tilespmem:$0x1C800] =	vst v63  }
0x114: {  	s10 =	rddreg [dreg:$0x6];
	s11 =	simm.s32 $0xB  }
0x115: {  	[hbm4b:s10+s4] =	stream.indirect.scatter [tilespmem:s18], [sflag:$0xC], $0x80, s12, s4, $0xb8;
	[tilespmem:$0x1C800] =	vst v63  }
0x116: {  	_ =	swait.ge [sflag:s11], $0x4000  }
0x117: {  	[sflag:s11] =	ssyncset.done $0x0  }
0x118: {  	s12 =	simm.s32 $0xC;
	[sflag:s11] =	ssyncadd.s32 $0xFFFFC000  }
0x119: {  	_ =	swait.ge [sflag:s12], $0x4000  }
0x11a: {  	s15 =	simm.s32 $0x82;
	[sflag:s12] =	ssyncset.done $0x0  }
0x11b: {  	s19 =	sand.u32 $0x1F0, s15;
	[sflag:s12] =	ssyncadd.s32 $0xFFFFC000  }
0x11c: {  	v8 =	vld [tilespmem:s19+$0x0];
	_ =	sdelay $0x2  }
0x11d: {  	s3 =	sand.u32 $0xE, s15  }
0x11e: {  	v9 =	vmov s3  }
0x11f: {  	vm2 =	veq.s32 v9, v0;
	v8 =	vxor.u32 $0x80000000, v8  }
0x120: {  	v9 =	vnsel vm2, $0x80000000, v8  }
0x121: {  	(xrf0) =	vmax.scan.msk.u32 $0xffff, v9;
	_ =	sdelay $0x4  }
0x122: {  	v9 =	vld [tilespmem:s19+$0x200]  }
0x123: {  	v10, _, _ =	vpop (xrf0)  }
0x124: {  	s3 =	sor.u32 $0x1, s3;
	(v2sf) =	vpush v10, $0xF  }
0x125: {  	v11 =	vmov s3  }
0x126: {  	vm3 =	veq.s32 v11, v0  }
0x127: {  	v8 =	vnsel vm3, $0x80000000, v8;
	v9 =	vxor.u32 $0x80000000, v9  }
0x128: {  	(xrf0) =	vmax.scan.msk.u32 $0xffff, v8;
	v8 =	vnsel vm2, $0x80000000, v9  }
0x129: {  	(xrf0) =	vmax.scan.msk.u32 $0xffff, v8;
	v8 =	vnsel vm3, $0x80000000, v9  }
0x12a: {  	(xrf0) =	vmax.scan.msk.u32 $0xffff, v8;
	_ =	sdelay $0x3  }
0x12b: {  	v8, _, _ =	vpop (xrf0)  }
0x12c: {  	(v2sf) =	vpush v8, $0xF;
	v8, _, _ =	vpop (xrf0)  }
0x12d: {  	(v2sf) =	vpush v8, $0xF;
	v8, _, _ =	vpop (xrf0)  }
0x12e: {  	(v2sf) =	vpush v8, $0xF;
	_ =	sdelay $0x1  }
0x12f: {  	s20 =	spop (v2sf)  }
0x130: {  	s3 =	sshra.s32 s20, $0x7  }
0x131: {  	s4 =	sxor.u32 $0xFF000000, s3  }
0x132: {  	p0 =	seq.s32 s4, s24  }
0x133: {  	s5 =	sshra.s32 @!p0 s14, $0x1F;
	s7 =	smulhi.u32 @!p0 $0x66666667, s14  }
0x134: {  	s5 =	smul.u32 @!p0 $0x66666667, s5;
	_ =	sdelay $0x1  }
0x135: {  	s5 =	sadd.s32 @!p0 s5, s7  }
0x136: {  	s7 =	sshrl.u32 @!p0 s5, $0x1F;
	s5 =	sshra.s32 @!p0 s5, $0x2  }
0x137: {  	s9 =	simm.s32 $0x1;
	p1 =	sne.s32 s4, s24;
	s5 =	sadd.s32 @!p0 s7, s5  }
0x138: {  	s9 =	simm.s32 @!p1 $0x0;
	s5 =	smul.u32 @!p0 $0xA, s5  }
0x139: {  	s4 =	sshll.u32 @!p0 s4, $0x7;
	s9 =	sadd.s32 s9, s14;
	s8 =	spop (v2sf)  }
0x13a: {  	s21 =	sshra.s32 s8, $0x7;
	s28 =	spop (v2sf);
	s5 =	ssub.s32 @!p0 s14, s5  }
0x13b: {  	s24 =	sshra.s32 s28, $0x7;
	s10 =	spop (v2sf);
	p1 =	slt.s32 @!p0 s5, $0x0  }
0x13c: {  	s8 =	sxor.u32 $0xFF000000, s24;
	s11 =	sadd.s32 @!p0 $0xA, s5;
	p1 =	por !p1, p0  }
0x13d: {  	s26 =	sshra.s32 s10, $0x7;
	p2 =	seq.s32 s8, s0;
	s11 =	smov.u32 @p1 s5  }
0x13e: {  	p1 =	sne.s32 s8, s0;
	s0 =	sand.u32 @!p0 $0x1FFFFF80, s4;
	s4 =	sshll.u32 @!p0 s11, $0xF  }
0x13f: {  	s14 =	simm.s32 @!p0 $0x7A1400;
	s0 =	sadd.s32 @!p0 s1, s0;
	s4 =	sshra.s32 @!p0 s4, $0x2  }
0x140: {  	s5 =	sadd.s32 @!p0 $0x1, s11;
	s11 =	simm.s32 @!p0 $0x400;
	s4 =	sor.u32 @!p0 $0x800, s4  }
0x141: {  	[tilespmem:s4], [sflag:s5] =	stream.strided.gather @!p0 [hbm4b:s0+s11], $0x2000, s14, s11, $0x38;
	[tilespmem:$0x1C800] =	vst v63  }
0x142: {  	s0 =	sshra.s32 @!p2 s9, $0x1F;
	s4 =	simm.s32 $0x1;
	s5 =	smulhi.u32 @!p2 $0x66666667, s9  }
0x143: {  	s8 =	sshll.u32 @!p2 s8, $0x7;
	s4 =	simm.s32 @!p1 $0x0;
	s0 =	smul.u32 @!p2 $0x66666667, s0  }
0x144: {  	p0 =	sne.s32 s21, s3;
	p1 =	seq.s32 s21, s3;
	s4 =	sadd.s32 s4, s9  }
0x145: {  	s3 =	simm.s32 $0x1;
	s11 =	sshra.s32 @!p1 s4, $0x1F;
	s0 =	sadd.s32 @!p2 s0, s5  }
0x146: {  	s5 =	smulhi.u32 @!p1 $0x66666667, s4;
	s14 =	sshrl.u32 @!p2 s0, $0x1F;
	s0 =	sshra.s32 @!p2 s0, $0x2  }
0x147: {  	s3 =	simm.s32 @!p0 $0x0;
	s10 =	smul.u32 @!p1 $0x66666667, s11;
	s0 =	sadd.s32 @!p2 s14, s0  }
0x148: {  	p0 =	seq.s32 s26, s24;
	s25 =	sadd.s32 s3, s4;
	s0 =	smul.u32 @!p2 $0xA, s0  }
0x149: {  	s8 =	sand.u32 @!p2 $0x1FFFFF80, s8;
	s3 =	sshra.s32 @!p0 s25, $0x1F;
	s5 =	sadd.s32 @!p1 s10, s5  }
0x14a: {  	s0 =	ssub.s32 @!p2 s9, s0;
	s9 =	sshrl.u32 @!p1 s5, $0x1F;
	s5 =	sshra.s32 @!p1 s5, $0x2  }
0x14b: {  	s7 =	smulhi.u32 @!p0 $0x66666667, s25;
	p3 =	slt.s32 @!p2 s0, $0x0;
	s5 =	sadd.s32 @!p1 s9, s5  }
0x14c: {  	s9 =	sadd.s32 @!p2 $0xA, s0;
	p3 =	por !p3, p2;
	s5 =	smul.u32 @!p1 $0xA, s5  }
0x14d: {  	s8 =	sadd.s32 @!p2 s2, s8;
	s3 =	smul.u32 @!p0 $0x66666667, s3;
	s9 =	smov.u32 @p3 s0  }
0x14e: {  	s10 =	simm.s32 @!p2 $0x400;
	s4 =	ssub.s32 @!p1 s4, s5;
	s5 =	sshll.u32 @!p2 s9, $0xF  }
0x14f: {  	s3 =	sadd.s32 @!p0 s3, s7;
	s0 =	sxor.u32 $0xFF000000, s21;
	s5 =	sshra.s32 @!p2 s5, $0x2  }
0x150: {  	s7 =	sadd.s32 @!p2 $0x1, s9;
	s9 =	simm.s32 @!p2 $0x7A1400;
	s5 =	sor.u32 @!p2 $0x800, s5  }
0x151: {  	[tilespmem:s5], [sflag:s7] =	stream.strided.gather @!p2 [hbm4b:s8+s10], $0x2000, s9, s10, $0x38;
	[tilespmem:$0x1C800] =	vst v63  }
0x152: {  	p2 =	slt.s32 @!p1 s4, $0x0;
	s5 =	sshra.s32 @!p0 s3, $0x2;
	s3 =	sshrl.u32 @!p0 s3, $0x1F  }
0x153: {  	s7 =	sadd.s32 @!p1 $0xA, s4;
	p2 =	por !p2, p1;
	s3 =	sadd.s32 @!p0 s3, s5  }
0x154: {  	s9 =	simm.s32 @!p1 $0x400;
	s7 =	smov.u32 @p2 s4;
	s3 =	smul.u32 @!p0 $0xA, s3  }
0x155: {  	s4 =	sshll.u32 @!p1 s0, $0x7;
	s5 =	sadd.s32 @!p1 $0x1, s7;
	s7 =	sshll.u32 @!p1 s7, $0xF  }
0x156: {  	s4 =	sand.u32 @!p1 $0x1FFFFF80, s4;
	s8 =	ssub.s32 @!p0 s25, s3;
	s3 =	sshra.s32 @!p1 s7, $0x2  }
0x157: {  	s4 =	sadd.s32 @!p1 s1, s4;
	s7 =	simm.s32 @!p1 $0x7A1400;
	s3 =	sor.u32 @!p1 $0x800, s3  }
0x158: {  	[tilespmem:s3], [sflag:s5] =	stream.strided.gather @!p1 [hbm4b:s4+s9], $0x2000, s7, s9, $0x38;
	[tilespmem:$0x1C800] =	vst v63  }
0x159: {  	p1 =	slt.s32 @!p0 s8, $0x0  }
0x15a: {  	s29 =	simm.s32 $0x80;
	s5 =	sadd.s32 @!p0 $0xA, s8;
	p1 =	por !p1, p0  }
0x15b: {  	s6 =	sand.u32 $0xF0, s29;
	s3 =	sxor.u32 $0xFF000000, s26;
	s5 =	smov.u32 @p1 s8  }
0x15c: {  	s10 =	simm.s32 @!p0 $0x400;
	s4 =	sshll.u32 @!p0 s3, $0x7;
	s7 =	sshll.u32 @!p0 s5, $0xF  }
0x15d: {  	s4 =	sand.u32 @!p0 $0x1FFFFF80, s4;
	s8 =	simm.s32 @!p0 $0x7A1400;
	s7 =	sshra.s32 @!p0 s7, $0x2  }
0x15e: {  	s4 =	sadd.s32 @!p0 s2, s4;
	s5 =	sadd.s32 @!p0 $0x1, s5;
	s7 =	sor.u32 @!p0 $0x800, s7  }
0x15f: {  	[tilespmem:s7], [sflag:s5] =	stream.strided.gather @!p0 [hbm4b:s4+s10], $0x2000, s8, s10, $0x38;
	[tilespmem:$0x1C800] =	vst v63  }
0x160: {  	v8 =	vld [tilespmem:s6+$0x0];
	_ =	sdelay $0x2  }
0x161: {  	s7 =	sand.u32 $0xE, s29  }
0x162: {  	v9 =	vmov s7  }
0x163: {  	vm2 =	veq.s32 v9, v0;
	v8 =	vxor.u32 $0x80000000, v8  }
0x164: {  	v9 =	vnsel vm2, $0x80000000, v8  }
0x165: {  	(xrf0) =	vmax.scan.msk.u32 $0xffff, v9;
	_ =	sdelay $0x4  }
0x166: {  	v9 =	vld [tilespmem:s6+$0x200]  }
0x167: {  	v10, _, _ =	vpop (xrf0)  }
0x168: {  	(v2sf) =	vpush v10, $0xF  }
0x169: {  	s8 =	sor.u32 $0x1, s7  }
0x16a: {  	v10 =	vmov s8  }
0x16b: {  	v9 =	vxor.u32 $0x80000000, v9;
	vm3 =	veq.s32 v10, v0  }
0x16c: {  	v10 =	vnsel vm3, $0x80000000, v9  }
0x16d: {  	(xrf0) =	vmax.scan.msk.u32 $0xffff, v10;
	_ =	sdelay $0x4  }
0x16e: {  	s9 =	smulhi.u32 $0x66666667, s22;
	s10 =	sshra.s32 s22, $0x1F  }
0x16f: {  	s5 =	smul.u32 $0x66666667, s10;
	v10, _, _ =	vpop (xrf0)  }
0x170: {  	(v2sf) =	vpush v10, $0xF  }
0x171: {  	s4 =	sadd.s32 s5, s9  }
0x172: {  	s5 =	sshrl.u32 s4, $0x1F;
	s4 =	sshra.s32 s4, $0x2  }
0x173: {  	s4 =	sadd.s32 s5, s4;
	s11 =	spop (v2sf)  }
0x174: {  	s4 =	smul.u32 $0xA, s4;
	s8 =	sshra.s32 s11, $0x7  }
0x175: {  	s12 =	sxor.u32 s23, s8  }
0x176: {  	s4 =	ssub.s32 s22, s4;
	v8 =	vnsel vm3, $0x80000000, v8;
	p0 =	sne.s32 s12, $0xFF000000  }
0x177: {  	v9 =	vnsel vm2, $0x80000000, v9;
	(xrf0) =	vmax.scan.msk.u32 $0xffff, v8;
	p1 =	slt.s32 @p0 s4, $0x0  }
0x178: {  	(xrf0) =	vmax.scan.msk.u32 $0xffff, v9;
	s7 =	sadd.s32 @p0 $0xA, s4;
	s9 =	sadd.s32 @!p0 $0xA, s4;
	p1 =	por !p1, !p0  }
0x179: {  	s9 =	smov.u32 @p0 s7;
	s7 =	smov.u32 @p1 s4;
	p1 =	slt.s32 s4, $0x0  }
0x17a: {  	s4 =	smov.u32 @p1 s9  }
0x17b: {  	s31 =	smov.u32 @p0 s4  }
0x17c: {  	s14 =	sand.u32 $0x7F, s11;
	s15 =	sshll.u32 s31, $0xD  }
0x17d: {  	v8, _, _ =	vpop (xrf0);
	s4 =	sor.u32 s14, s15  }
0x17e: {  	v9, _, _ =	vpop (xrf0);
	v10 =	vor.u32 s4, v1  }
0x17f: {  	(v2sf) =	vpush v9, $0xF;
	s5 =	sadd.s32 @p0 $0x1, s7;
	s14 =	spop (v2sf)  }
0x180: {  	_ =	swait.ge @p0 [sflag:s5], $0x2000  }
0x181: {  	[sflag:s5] =	ssyncset.done @p0 $0x0  }
0x182: {  	s19 =	simm.s32 $0x0;
	[sflag:s5] =	ssyncadd.s32 @p0 $0xFFFFE000  }
0x183: {  	v9 =	vld.idx.msk [tilespmem:v10+s16+$0x0], $0xffff;
	v10 =	vor.u32 s19, v0  }
0x184: {  	v11 =	vor.u32 s4, v2;
	_ =	sdelay $0x1  }
0x185: {  	s7 =	simm.s32 $0x1  }
0x186: {  	s7 =	simm.s32 @!p0 $0x0  }
0x187: {  	s7 =	sadd.s32 s7, s22;
	[tilespmem:v10+s17+$0x0] =	vst.idx.msk $0xffff, v9  }
0x188: {  	s20 =	sshra.s32 s7, $0x1F;
	s21 =	smulhi.u32 $0x66666667, s7;
	v9 =	vld.idx.msk [tilespmem:v11+s16+$0x0], $0xffff;
	v11 =	vor.u32 s19, v3  }
0x189: {  	s9 =	smul.u32 $0x66666667, s20;
	v12 =	vor.u32 s4, v4  }
0x18a: {  	(v2sf) =	vpush v8, $0xF  }
0x18b: {  	s9 =	sadd.s32 s9, s21  }
0x18c: {  	s10 =	sshrl.u32 s9, $0x1F;
	s9 =	sshra.s32 s9, $0x2  }
0x18d: {  	s10 =	sadd.s32 s10, s9;
	s22 =	spop (v2sf);
	[tilespmem:v11+s17+$0x0] =	vst.idx.msk $0xffff, v9  }
0x18e: {  	s10 =	smul.u32 $0xA, s10;
	s9 =	sshra.s32 s22, $0x7;
	v9 =	vor.u32 s19, v5;
	v8 =	vld.idx.msk [tilespmem:v12+s16+$0x0], $0xffff  }
0x18f: {  	s13 =	sxor.u32 s13, s9;
	v12 =	vor.u32 s4, v6  }
0x190: {  	p0 =	sne.s32 s13, $0xFF000000;
	s4 =	ssub.s32 s7, s10  }
0x191: {  	p1 =	slt.s32 @p0 s4, $0x0  }
0x192: {  	s10 =	sadd.s32 @p0 $0xA, s4;
	s13 =	sadd.s32 @!p0 $0xA, s4;
	p1 =	por !p1, !p0  }
0x193: {  	s13 =	smov.u32 @p0 s10;
	s10 =	smov.u32 @p1 s4;
	p1 =	slt.s32 s4, $0x0;
	[tilespmem:v9+s17+$0x0] =	vst.idx.msk $0xffff, v8  }
0x194: {  	s4 =	smov.u32 @p1 s13;
	v8 =	vld.idx.msk [tilespmem:v12+s16+$0x0], $0xffff;
	v12 =	vor.u32 s19, v7  }
0x195: {  	s30 =	smov.u32 @p0 s4  }
0x196: {  	s23 =	sand.u32 $0x7F, s22;
	s28 =	sshll.u32 s30, $0xD  }
0x197: {  	s4 =	sor.u32 s23, s28  }
0x198: {  	v13 =	vor.u32 s4, v1  }
0x199: {  	s29 =	spop (v2sf);
	s10 =	sadd.s32 @p0 $0x1, s10;
	[tilespmem:v12+s17+$0x0] =	vst.idx.msk $0xffff, v8  }
0x19a: {  	_ =	swait.ge @p0 [sflag:s10], $0x2000  }
0x19b: {  	[sflag:s10] =	ssyncset.done @p0 $0x0  }
0x19c: {  	[sflag:s10] =	ssyncadd.s32 @p0 $0xFFFFE000  }
0x19d: {  	v8 =	vld.idx.msk [tilespmem:v13+s16+$0x0], $0xffff  }
0x19e: {  	v13 =	vor.u32 s4, v2;
	_ =	sdelay $0x1  }
0x19f: {  	s10 =	simm.s32 $0x1  }
0x1a0: {  	s10 =	simm.s32 @!p0 $0x0  }
0x1a1: {  	s10 =	sadd.s32 s10, s7;
	[tilespmem:v10+s18+$0x0] =	vst.idx.msk $0xffff, v8  }
0x1a2: {  	s7 =	smulhi.u32 $0x66666667, s10;
	s6 =	sshra.s32 s10, $0x1F;
	v8 =	vld.idx.msk [tilespmem:v13+s16+$0x0], $0xffff  }
0x1a3: {  	s11 =	smul.u32 $0x66666667, s6;
	v10 =	vor.u32 s4, v4;
	_ =	sdelay $0x1  }
0x1a4: {  	s7 =	sadd.s32 s11, s7  }
0x1a5: {  	s11 =	sshrl.u32 s7, $0x1F;
	s7 =	sshra.s32 s7, $0x2  }
0x1a6: {  	s7 =	sadd.s32 s11, s7;
	[tilespmem:v11+s18+$0x0] =	vst.idx.msk $0xffff, v8  }
0x1a7: {  	s11 =	smul.u32 $0xA, s7;
	v8 =	vld.idx.msk [tilespmem:v10+s16+$0x0], $0xffff  }
0x1a8: {  	s12 =	sshra.s32 s29, $0x7;
	v10 =	vor.u32 s4, v6  }
0x1a9: {  	p0 =	sne.s32 s12, s8;
	s4 =	ssub.s32 s10, s11  }
0x1aa: {  	p1 =	slt.s32 @p0 s4, $0x0  }
0x1ab: {  	s8 =	sadd.s32 @p0 $0xA, s4;
	s11 =	sadd.s32 @!p0 $0xA, s4;
	p1 =	por !p1, !p0  }
0x1ac: {  	s11 =	smov.u32 @p0 s8;
	s8 =	smov.u32 @p1 s4;
	p1 =	slt.s32 s4, $0x0;
	[tilespmem:v9+s18+$0x0] =	vst.idx.msk $0xffff, v8  }
0x1ad: {  	s4 =	smov.u32 @p1 s11;
	v8 =	vld.idx.msk [tilespmem:v10+s16+$0x0], $0xffff  }
0x1ae: {  	s31 =	smov.u32 @p0 s4  }
0x1af: {  	s15 =	sand.u32 $0x7F, s29;
	s19 =	sshll.u32 s31, $0xD  }
0x1b0: {  	s4 =	sor.u32 s15, s19  }
0x1b1: {  	v9 =	vor.u32 s4, v1  }
0x1b2: {  	s5 =	sadd.s32 @p0 $0x1, s8;
	[tilespmem:v12+s18+$0x0] =	vst.idx.msk $0xffff, v8  }
0x1b3: {  	_ =	swait.ge @p0 [sflag:s5], $0x2000  }
0x1b4: {  	[sflag:s5] =	ssyncset.done @p0 $0x0  }
0x1b5: {  	s20 =	simm.s32 $0x80;
	[sflag:s5] =	ssyncadd.s32 @p0 $0xFFFFE000  }
0x1b6: {  	v8 =	vor.u32 s20, v0;
	v9 =	vld.idx.msk [tilespmem:v9+s16+$0x0], $0xffff  }
0x1b7: {  	v10 =	vor.u32 s4, v2;
	_ =	sdelay $0x1  }
0x1b8: {  	s8 =	simm.s32 $0x1  }
0x1b9: {  	s8 =	simm.s32 @!p0 $0x0  }
0x1ba: {  	s8 =	sadd.s32 s8, s10;
	[tilespmem:v8+s17+$0x0] =	vst.idx.msk $0xffff, v9  }
0x1bb: {  	s10 =	smulhi.u32 $0x66666667, s8;
	s21 =	sshra.s32 s8, $0x1F;
	v9 =	vor.u32 s20, v3;
	v10 =	vld.idx.msk [tilespmem:v10+s16+$0x0], $0xffff  }
0x1bc: {  	s11 =	smul.u32 $0x66666667, s21;
	v11 =	vor.u32 s4, v4;
	_ =	sdelay $0x1  }
0x1bd: {  	s10 =	sadd.s32 s11, s10  }
0x1be: {  	s11 =	sshrl.u32 s10, $0x1F;
	s10 =	sshra.s32 s10, $0x2  }
0x1bf: {  	s10 =	sadd.s32 s11, s10;
	[tilespmem:v9+s17+$0x0] =	vst.idx.msk $0xffff, v10  }
0x1c0: {  	s10 =	smul.u32 $0xA, s10;
	v10 =	vor.u32 s20, v5;
	v11 =	vld.idx.msk [tilespmem:v11+s16+$0x0], $0xffff  }
0x1c1: {  	s22 =	sshra.s32 s14, $0x7;
	v12 =	vor.u32 s4, v6  }
0x1c2: {  	p0 =	sne.s32 s22, s9;
	s4 =	ssub.s32 s8, s10  }
0x1c3: {  	p1 =	slt.s32 @p0 s4, $0x0  }
0x1c4: {  	s9 =	sadd.s32 @p0 $0xA, s4;
	s10 =	sadd.s32 @!p0 $0xA, s4;
	p1 =	por !p1, !p0  }
0x1c5: {  	s10 =	smov.u32 @p0 s9;
	s9 =	smov.u32 @p1 s4;
	p1 =	slt.s32 s4, $0x0;
	[tilespmem:v10+s17+$0x0] =	vst.idx.msk $0xffff, v11  }
0x1c6: {  	s4 =	smov.u32 @p1 s10;
	v11 =	vor.u32 s20, v7;
	v12 =	vld.idx.msk [tilespmem:v12+s16+$0x0], $0xffff  }
0x1c7: {  	s30 =	smov.u32 @p0 s4  }
0x1c8: {  	s28 =	sand.u32 $0x7F, s14;
	s29 =	sshll.u32 s30, $0xD  }
0x1c9: {  	s14 =	sor.u32 s28, s29  }
0x1ca: {  	v13 =	vor.u32 s14, v1  }
0x1cb: {  	s5 =	simm.s32 $0x1;
	s4 =	sadd.s32 @p0 $0x1, s9;
	[tilespmem:v11+s17+$0x0] =	vst.idx.msk $0xffff, v12  }
0x1cc: {  	p1 =	sne.s32 s26, s24;
	s24 =	simm.s32 $0x2;
	_ =	swait.ge @p0 [sflag:s4], $0x2000  }
0x1cd: {  	s26 =	sxor.u32 $0xFF000000, s22;
	s9 =	simm.s32 $0x1;
	[sflag:s4] =	ssyncset.done @p0 $0x0  }
0x1ce: {  	s5 =	simm.s32 @!p1 $0x0;
	s9 =	simm.s32 @!p0 $0x0;
	[sflag:s4] =	ssyncadd.s32 @p0 $0xFFFFE000  }
0x1cf: {  	s22 =	sxor.u32 $0xFF000000, s12;
	s13 =	sadd.s32 s5, s25;
	s23 =	sadd.s32 s9, s8;
	v12 =	vor.u32 s14, v2;
	v13 =	vld.idx.msk [tilespmem:v13+s16+$0x0], $0xffff  }
.LBB2_4:
0x1d0: {  	_ =	sdelay $0x3  }
0x1d1: {  	[tilespmem:v8+s18+$0x0] =	vst.idx.msk $0xffff, v13  }
0x1d2: {  	v8 =	vld.idx.msk [tilespmem:v12+s16+$0x0], $0xffff  }
0x1d3: {  	v12 =	vor.u32 s14, v4;
	_ =	sdelay $0x3  }
0x1d4: {  	[tilespmem:v9+s18+$0x0] =	vst.idx.msk $0xffff, v8  }
0x1d5: {  	v8 =	vld.idx.msk [tilespmem:v12+s16+$0x0], $0xffff  }
0x1d6: {  	v9 =	vor.u32 s14, v6;
	_ =	sdelay $0x3  }
0x1d7: {  	[tilespmem:v10+s18+$0x0] =	vst.idx.msk $0xffff, v8  }
0x1d8: {  	v8 =	vld.idx.msk [tilespmem:v9+s16+$0x0], $0xffff;
	_ =	sdelay $0x2  }
0x1d9: {  	s25 =	smov.u32 s24  }
0x1da: {  	s15 =	sadd.s32 $0x82, s25  }
0x1db: {  	s24 =	sadd.s32 $0x2, s24;
	s5 =	sand.u32 $0x1F0, s15;
	[tilespmem:v11+s18+$0x0] =	vst.idx.msk $0xffff, v8  }
0x1dc: {  	p0 =	sne.s32 s24, $0x80;
	v8 =	vld [tilespmem:s5+$0x0]  }
0x1dd: {  	s4 =	simm.s32 @!p0 $0x0  }
0x1de: {  	s4 =	simm.s32 @p0 $0x1  }
0x1df: {  	[smem:$0x7FD] =	sst s4;
	s4 =	sand.u32 $0xE, s15;
	v11 =	vld [tilespmem:s5+$0x200]  }
0x1e0: {  	v9 =	vmov s4  }
0x1e1: {  	s4 =	sor.u32 $0x1, s4;
	vm2 =	veq.s32 v9, v0;
	v8 =	vxor.u32 $0x80000000, v8  }
0x1e2: {  	v10 =	vmov s4;
	v9 =	vnsel vm2, $0x80000000, v8  }
0x1e3: {  	vm3 =	veq.s32 v10, v0;
	(xrf0) =	vmax.scan.msk.u32 $0xffff, v9  }
0x1e4: {  	v10 =	vxor.u32 $0x80000000, v11;
	v8 =	vnsel vm3, $0x80000000, v8  }
0x1e5: {  	v9 =	vnsel vm2, $0x80000000, v10;
	(xrf0) =	vmax.scan.msk.u32 $0xffff, v8  }
0x1e6: {  	(xrf0) =	vmax.scan.msk.u32 $0xffff, v9  }
0x1e7: {  	v10 =	vnsel vm3, $0x80000000, v10  }
0x1e8: {  	(xrf0) =	vmax.scan.msk.u32 $0xffff, v10  }
0x1e9: {  	v8, _, _ =	vpop (xrf0)  }
0x1ea: {  	(v2sf) =	vpush v8, $0xF  }
0x1eb: {  	v8, _, _ =	vpop (xrf0)  }
0x1ec: {  	(v2sf) =	vpush v8, $0xF;
	v8, _, _ =	vpop (xrf0)  }
0x1ed: {  	(v2sf) =	vpush v8, $0xF  }
0x1ee: {  	v8, _, _ =	vpop (xrf0)  }
0x1ef: {  	(v2sf) =	vpush v8, $0xF;
	_ =	sdelay $0x9  }
0x1f0: {  	s19 =	spop (v2sf)  }
0x1f1: {  	s4 =	sshra.s32 s19, $0x7  }
0x1f2: {  	s28 =	smov.u32 s26;
	s20 =	spop (v2sf);
	s7 =	sxor.u32 $0xFF000000, s4  }
0x1f3: {  	s5 =	sshra.s32 s20, $0x7;
	s8 =	spop (v2sf);
	p1 =	seq.s32 s7, s0  }
0x1f4: {  	p2 =	sne.s32 s7, s0;
	s11 =	sshra.s32 s8, $0x7;
	s0 =	simm.s32 $0x1  }
0x1f5: {  	s21 =	spop (v2sf);
	p5 =	sne.s32 s5, s4;
	p3 =	seq.s32 s5, s4  }
0x1f6: {  	s4 =	simm.s32 $0x1;
	s0 =	simm.s32 @!p2 $0x0;
	s15 =	sxor.u32 $0xFF000000, s11  }
0x1f7: {  	s9 =	sshra.s32 @!p1 s13, $0x1F;
	s7 =	sshll.u32 @!p1 s7, $0x7;
	s19 =	sshra.s32 s21, $0x7  }
0x1f8: {  	s14 =	sadd.s32 s0, s13;
	p2 =	seq.s32 s15, s3;
	p4 =	sne.s32 s15, s3  }
0x1f9: {  	s26 =	smul.u32 @!p1 $0x66666667, s9;
	s3 =	sand.u32 @!p1 $0x1FFFFF80, s7;
	s7 =	simm.s32 $0x1  }
0x1fa: {  	p0 =	sne.s32 s19, s11;
	s0 =	sshra.s32 @!p2 s14, $0x1F;
	s4 =	simm.s32 @!p4 $0x0  }
0x1fb: {  	s7 =	simm.s32 @!p5 $0x0;
	s6 =	smulhi.u32 @!p2 $0x66666667, s14;
	s8 =	simm.s32 @!p2 $0x400  }
0x1fc: {  	p4 =	seq.s32 s19, s11;
	s9 =	sadd.s32 @!p1 s1, s3;
	s3 =	sxor.u32 $0xFF000000, s19  }
0x1fd: {  	s11 =	simm.s32 @!p0 $0x0;
	s4 =	sadd.s32 s4, s14;
	s0 =	smul.u32 @!p2 $0x66666667, s0  }
0x1fe: {  	s12 =	sshra.s32 @!p3 s4, $0x1F;
	s10 =	sadd.s32 s7, s4;
	s7 =	smulhi.u32 @!p1 $0x66666667, s13  }
0x1ff: {  	s6 =	sadd.s32 @!p2 s0, s6;
	s0 =	sxor.u32 $0xFF000000, s5;
	s5 =	smulhi.u32 @!p3 $0x66666667, s4  }
0x200: {  	s15 =	sshll.u32 @!p2 s15, $0x7;
	s11 =	simm.s32 @p0 $0x1;
	s12 =	smul.u32 @!p3 $0x66666667, s12  }
0x201: {  	[smem:$0x7FC] =	sst s11;
	s20 =	sshra.s32 @!p4 s10, $0x1F;
	s29 =	smulhi.u32 @!p4 $0x66666667, s10  }
0x202: {  	s7 =	sadd.s32 @!p1 s26, s7;
	s26 =	sshrl.u32 @!p2 s6, $0x1F;
	s6 =	sshra.s32 @!p2 s6, $0x2  }
0x203: {  	s21 =	sshrl.u32 @!p1 s7, $0x1F;
	s7 =	sshra.s32 @!p1 s7, $0x2;
	s5 =	sadd.s32 @!p3 s12, s5  }
0x204: {  	s12 =	smul.u32 @!p4 $0x66666667, s20;
	s20 =	sshll.u32 @!p3 s0, $0x7;
	s6 =	sadd.s32 @!p2 s26, s6  }
0x205: {  	s21 =	sadd.s32 @!p1 s21, s7;
	s7 =	sshrl.u32 @!p3 s5, $0x1F;
	s5 =	sshra.s32 @!p3 s5, $0x2  }
0x206: {  	s26 =	sshll.u32 @!p4 s3, $0x7;
	s6 =	smul.u32 @!p2 $0xA, s6;
	s5 =	sadd.s32 @!p3 s7, s5  }
0x207: {  	s7 =	sand.u32 @!p2 $0x1FFFFF80, s15;
	s15 =	sand.u32 @!p4 $0x1FFFFF80, s26;
	s26 =	sld [smem:$0x7FC]  }
0x208: {  	s5 =	smul.u32 @!p3 $0xA, s5;
	s7 =	sadd.s32 @!p2 s2, s7;
	s11 =	sadd.s32 @!p4 s2, s15  }
0x209: {  	s15 =	smul.u32 @!p1 $0xA, s21;
	s6 =	ssub.s32 @!p2 s14, s6;
	s14 =	sand.u32 @!p3 $0x1FFFFF80, s20  }
0x20a: {  	p6 =	slt.s32 @!p2 s6, $0x0;
	s14 =	sadd.s32 @!p3 s1, s14;
	s4 =	ssub.s32 @!p3 s4, s5  }
0x20b: {  	s5 =	sadd.s32 @!p2 $0xA, s6;
	s13 =	ssub.s32 @!p1 s13, s15;
	p5 =	por !p6, p2  }
0x20c: {  	p0 =	slt.s32 @!p3 s4, $0x0;
	s5 =	smov.u32 @p5 s6;
	s6 =	sadd.s32 @!p4 s12, s29  }
0x20d: {  	s15 =	sadd.s32 @!p3 $0xA, s4;
	s20 =	sadd.s32 @!p1 $0xA, s13;
	s29 =	simm.s32 @!p1 $0x7A1400  }
0x20e: {  	p6 =	por !p0, p3;
	p0 =	slt.s32 @!p1 s13, $0x0;
	s12 =	sshll.u32 @!p2 s5, $0xF  }
0x20f: {  	s19 =	sshra.s32 @!p4 s6, $0x2;
	s6 =	sshrl.u32 @!p4 s6, $0x1F;
	s5 =	sadd.s32 @!p2 $0x1, s5  }
0x210: {  	p0 =	por !p0, p1;
	s12 =	sshra.s32 @!p2 s12, $0x2;
	s6 =	sadd.s32 @!p4 s6, s19  }
0x211: {  	s15 =	smov.u32 @p6 s4;
	s4 =	simm.s32 $0x1;
	s12 =	sor.u32 @!p2 $0x800, s12  }
0x212: {  	s20 =	smov.u32 @p0 s13;
	s6 =	smul.u32 @!p4 $0xA, s6;
	p0 =	seq.s32 s26, $0x1  }
0x213: {  	s21 =	sadd.s32 @!p3 $0x1, s15;
	s26 =	simm.s32 @!p1 $0x400;
	s13 =	sshll.u32 @!p1 s20, $0xF  }
0x214: {  	s19 =	sadd.s32 @!p1 $0x1, s20;
	s4 =	simm.s32 @!p0 $0x0;
	s13 =	sshra.s32 @!p1 s13, $0x2  }
0x215: {  	s6 =	ssub.s32 @!p4 s10, s6;
	s20 =	sor.u32 @!p1 $0x800, s13;
	s13 =	sadd.s32 s4, s10  }
0x216: {  	s4 =	sshll.u32 @!p3 s15, $0xF;
	p0 =	slt.s32 @!p4 s6, $0x0;
	s10 =	sadd.s32 @!p4 $0xA, s6  }
0x217: {  	s15 =	simm.s32 @!p3 $0x7A1400;
	s4 =	sshra.s32 @!p3 s4, $0x2;
	p0 =	por !p0, p4  }
0x218: {  	[tilespmem:s20], [sflag:s19] =	stream.strided.gather @!p1 [hbm4b:s9+s26], $0x2000, s29, s26, $0x38;
	[tilespmem:$0x1C800] =	vst v63  }
0x219: {  	s19 =	simm.s32 @!p2 $0x7A1400;
	s29 =	sadd.s32 $0x80, s25;
	s10 =	smov.u32 @p0 s6  }
0x21a: {  	s4 =	sor.u32 @!p3 $0x800, s4;
	s20 =	sand.u32 $0xF0, s29;
	s6 =	sshll.u32 @!p4 s10, $0xF  }
0x21b: {  	[tilespmem:s12], [sflag:s5] =	stream.strided.gather @!p2 [hbm4b:s7+s8], $0x2000, s19, s8, $0x38;
	[tilespmem:$0x1C800] =	vst v63  }
0x21c: {  	s9 =	sadd.s32 @!p4 $0x1, s10;
	s5 =	simm.s32 @!p3 $0x400;
	s6 =	sshra.s32 @!p4 s6, $0x2  }
0x21d: {  	[tilespmem:s4], [sflag:s21] =	stream.strided.gather @!p3 [hbm4b:s14+s5], $0x2000, s15, s5, $0x38;
	[tilespmem:$0x1C800] =	vst v63  }
0x21e: {  	s10 =	simm.s32 @!p4 $0x7A1400;
	s6 =	sor.u32 @!p4 $0x800, s6;
	s4 =	simm.s32 @!p4 $0x400  }
0x21f: {  	[tilespmem:s6], [sflag:s9] =	stream.strided.gather @!p4 [hbm4b:s11+s4], $0x2000, s10, s4, $0x38;
	[tilespmem:$0x1C800] =	vst v63  }
0x220: {  	v10 =	vld [tilespmem:s20+$0x0];
	_ =	sdelay $0x1  }
0x221: {  	s19 =	sand.u32 $0xE, s29  }
0x222: {  	s7 =	sor.u32 $0x1, s19  }
0x223: {  	v8 =	vmov s19;
	v9 =	vmov s7  }
0x224: {  	vm3 =	veq.s32 v8, v0;
	vm2 =	veq.s32 v9, v0;
	v9 =	vld [tilespmem:s20+$0x200];
	v8 =	vxor.u32 $0x80000000, v10  }
0x225: {  	v10 =	vnsel vm3, $0x80000000, v8  }
0x226: {  	(xrf0) =	vmax.scan.msk.u32 $0xffff, v10;
	_ =	sdelay $0x2  }
0x227: {  	v9 =	vxor.u32 $0x80000000, v9;
	v8 =	vnsel vm2, $0x80000000, v8  }
0x228: {  	v11 =	vnsel vm3, $0x80000000, v9;
	v9 =	vnsel vm2, $0x80000000, v9  }
0x229: {  	(xrf0) =	vmax.scan.msk.u32 $0xffff, v9  }
0x22a: {  	(xrf0) =	vmax.scan.msk.u32 $0xffff, v8;
	v8, _, _ =	vpop (xrf0)  }
0x22b: {  	(v2sf) =	vpush v8, $0xF;
	_ =	sdelay $0x3  }
0x22c: {  	v8, _, _ =	vpop (xrf0)  }
0x22d: {  	v9, _, _ =	vpop (xrf0);
	(xrf0) =	vmax.scan.msk.u32 $0xffff, v11;
	_ =	sdelay $0x3  }
0x22e: {  	(v2sf) =	vpush v8, $0xF  }
0x22f: {  	s26 =	sshra.s32 s23, $0x1F;
	s21 =	smulhi.u32 $0x66666667, s23  }
0x230: {  	s5 =	smul.u32 $0x66666667, s26;
	v8, _, _ =	vpop (xrf0)  }
0x231: {  	(v2sf) =	vpush v8, $0xF  }
0x232: {  	s4 =	sadd.s32 s5, s21  }
0x233: {  	s5 =	sshrl.u32 s4, $0x1F;
	s4 =	sshra.s32 s4, $0x2  }
0x234: {  	s4 =	sadd.s32 s5, s4;
	s29 =	spop (v2sf)  }
0x235: {  	s4 =	smul.u32 $0xA, s4;
	s9 =	sshra.s32 s29, $0x7  }
0x236: {  	s10 =	sxor.u32 s22, s9  }
0x237: {  	s8 =	simm.s32 $0x1;
	s4 =	ssub.s32 s23, s4;
	p1 =	sne.s32 s10, $0xFF000000  }
0x238: {  	p0 =	slt.s32 s4, $0x0;
	p2 =	slt.s32 @p1 s4, $0x0;
	s6 =	sadd.s32 @p1 $0xA, s4  }
0x239: {  	s7 =	sadd.s32 @!p1 $0xA, s4;
	s8 =	simm.s32 @!p1 $0x0;
	p2 =	por !p2, !p1  }
0x23a: {  	s7 =	smov.u32 @p1 s6;
	s8 =	sadd.s32 s8, s23;
	s6 =	smov.u32 @p2 s4  }
0x23b: {  	s4 =	smov.u32 @p0 s7;
	s11 =	sshra.s32 s8, $0x1F;
	s19 =	smulhi.u32 $0x66666667, s8  }
0x23c: {  	s31 =	smov.u32 @p1 s4;
	s4 =	smul.u32 $0x66666667, s11  }
0x23d: {  	s14 =	spop (v2sf);
	s5 =	sand.u32 $0x7F, s29;
	s6 =	sadd.s32 @p1 $0x1, s6  }
0x23e: {  	s12 =	sshll.u32 s31, $0xD;
	_ =	swait.ge @p1 [sflag:s6], $0x2000;
	s4 =	sadd.s32 s4, s19  }
0x23f: {  	s11 =	sor.u32 s5, s12;
	s5 =	sshrl.u32 s4, $0x1F;
	s4 =	sshra.s32 s4, $0x2  }
0x240: {  	(v2sf) =	vpush v9, $0xF;
	s20 =	spop (v2sf);
	v8 =	vor.u32 s11, v1;
	s4 =	sadd.s32 s5, s4  }
0x241: {  	s10 =	sshra.s32 s20, $0x7;
	s4 =	smul.u32 $0xA, s4  }
0x242: {  	s7 =	sshll.u32 s25, $0x7;
	[sflag:s6] =	ssyncset.done @p1 $0x0;
	s21 =	sxor.u32 s28, s10  }
0x243: {  	[sflag:s6] =	ssyncadd.s32 @p1 $0xFFFFE000;
	p3 =	sne.s32 s21, $0xFF000000;
	s4 =	ssub.s32 s8, s4  }
0x244: {  	p0 =	slt.s32 @p3 s4, $0x0;
	s23 =	sadd.s32 @p3 $0xA, s4;
	s6 =	sadd.s32 @!p3 $0xA, s4  }
0x245: {  	v9 =	vor.u32 s7, v0;
	v8 =	vld.idx.msk [tilespmem:v8+s16+$0x0], $0xffff;
	p1 =	slt.s32 s4, $0x0;
	p0 =	por !p0, !p3;
	s6 =	smov.u32 @p3 s23  }
0x246: {  	v10 =	vor.u32 s11, v2;
	s23 =	smov.u32 @p0 s4;
	s4 =	smov.u32 @p1 s6;
	s6 =	simm.s32 $0x1  }
0x247: {  	s6 =	simm.s32 @!p3 $0x0  }
0x248: {  	s6 =	sadd.s32 s6, s8  }
0x249: {  	s29 =	smulhi.u32 $0x66666667, s6;
	s12 =	sshra.s32 s6, $0x1F  }
0x24a: {  	[tilespmem:v9+s17+$0x0] =	vst.idx.msk $0xffff, v8;
	s5 =	smul.u32 $0x66666667, s12  }
0x24b: {  	v8 =	vld.idx.msk [tilespmem:v10+s16+$0x0], $0xffff;
	v10 =	vor.u32 s7, v3  }
0x24c: {  	v11 =	vor.u32 s11, v4;
	s30 =	smov.u32 @p3 s4;
	s4 =	sadd.s32 s5, s29  }
0x24d: {  	s5 =	sshrl.u32 s4, $0x1F;
	s4 =	sshra.s32 s4, $0x2  }
0x24e: {  	s4 =	sadd.s32 s5, s4  }
0x24f: {  	s19 =	spop (v2sf);
	s4 =	smul.u32 $0xA, s4  }
0x250: {  	s22 =	sand.u32 $0x7F, s20;
	s20 =	sshra.s32 s19, $0x7;
	[tilespmem:v10+s17+$0x0] =	vst.idx.msk $0xffff, v8  }
0x251: {  	p2 =	sne.s32 s20, s9;
	v8 =	vld.idx.msk [tilespmem:v11+s16+$0x0], $0xffff;
	v11 =	vor.u32 s7, v5;
	s4 =	ssub.s32 s6, s4  }
0x252: {  	v12 =	vor.u32 s11, v6;
	p0 =	slt.s32 @p2 s4, $0x0;
	s11 =	sadd.s32 @p2 $0xA, s4;
	s9 =	sadd.s32 @!p2 $0xA, s4  }
0x253: {  	p1 =	slt.s32 s4, $0x0;
	p0 =	por !p0, !p2;
	s9 =	smov.u32 @p2 s11  }
0x254: {  	s11 =	smov.u32 @p0 s4;
	s4 =	smov.u32 @p1 s9;
	s9 =	simm.s32 $0x1  }
0x255: {  	s9 =	simm.s32 @!p2 $0x0  }
0x256: {  	[tilespmem:v11+s17+$0x0] =	vst.idx.msk $0xffff, v8;
	s6 =	sadd.s32 s9, s6  }
0x257: {  	v8 =	vld.idx.msk [tilespmem:v12+s16+$0x0], $0xffff;
	v12 =	vor.u32 s7, v7;
	s9 =	smulhi.u32 $0x66666667, s6;
	s12 =	sshra.s32 s6, $0x1F  }
0x258: {  	s5 =	smul.u32 $0x66666667, s12  }
0x259: {  	s28 =	sshll.u32 s30, $0xD  }
0x25a: {  	s8 =	sor.u32 s22, s28;
	s31 =	smov.u32 @p2 s4;
	s4 =	sadd.s32 s5, s9  }
0x25b: {  	v13 =	vor.u32 s8, v1;
	s5 =	sshrl.u32 s4, $0x1F;
	s4 =	sshra.s32 s4, $0x2  }
0x25c: {  	[tilespmem:v12+s17+$0x0] =	vst.idx.msk $0xffff, v8;
	s4 =	sadd.s32 s5, s4;
	s5 =	sadd.s32 @p3 $0x1, s23  }
0x25d: {  	_ =	swait.ge @p3 [sflag:s5], $0x2000  }
0x25e: {  	[sflag:s5] =	ssyncset.done @p3 $0x0  }
0x25f: {  	[sflag:s5] =	ssyncadd.s32 @p3 $0xFFFFE000  }
0x260: {  	v8 =	vld.idx.msk [tilespmem:v13+s16+$0x0], $0xffff  }
0x261: {  	v13 =	vor.u32 s8, v2;
	_ =	sdelay $0x3  }
0x262: {  	[tilespmem:v9+s18+$0x0] =	vst.idx.msk $0xffff, v8  }
0x263: {  	v8 =	vld.idx.msk [tilespmem:v13+s16+$0x0], $0xffff  }
0x264: {  	v9 =	vor.u32 s8, v4;
	_ =	sdelay $0x3  }
0x265: {  	[tilespmem:v10+s18+$0x0] =	vst.idx.msk $0xffff, v8  }
0x266: {  	v8 =	vld.idx.msk [tilespmem:v9+s16+$0x0], $0xffff  }
0x267: {  	v9 =	vor.u32 s8, v6;
	_ =	sdelay $0x3  }
0x268: {  	[tilespmem:v11+s18+$0x0] =	vst.idx.msk $0xffff, v8  }
0x269: {  	s4 =	smul.u32 $0xA, s4;
	v8 =	vld.idx.msk [tilespmem:v9+s16+$0x0], $0xffff  }
0x26a: {  	s15 =	sshra.s32 s14, $0x7;
	s21 =	sand.u32 $0x7F, s19;
	s28 =	sshll.u32 s31, $0xD  }
0x26b: {  	p1 =	sne.s32 s15, s10;
	s29 =	sor.u32 s21, s28;
	s4 =	ssub.s32 s6, s4  }
0x26c: {  	s9 =	sadd.s32 @p1 $0xA, s4;
	s5 =	sadd.s32 @!p1 $0xA, s4;
	p0 =	slt.s32 @p1 s4, $0x0  }
0x26d: {  	p3 =	slt.s32 s4, $0x0;
	s10 =	smov.u32 s4;
	p0 =	por !p0, !p1;
	v9 =	vor.u32 s29, v1  }
0x26e: {  	s5 =	smov.u32 @p1 s9;
	s9 =	smov.u32 @p0 s4;
	s4 =	sadd.s32 @p2 $0x1, s11;
	[tilespmem:v12+s18+$0x0] =	vst.idx.msk $0xffff, v8  }
0x26f: {  	_ =	swait.ge @p2 [sflag:s4], $0x2000  }
0x270: {  	s21 =	sadd.s32 $0x1, s25;
	[sflag:s4] =	ssyncset.done @p2 $0x0  }
0x271: {  	s25 =	sshll.u32 s21, $0x7;
	[sflag:s4] =	ssyncadd.s32 @p2 $0xFFFFE000  }
0x272: {  	v8 =	vor.u32 s25, v0;
	v9 =	vld.idx.msk [tilespmem:v9+s16+$0x0], $0xffff  }
0x273: {  	v10 =	vor.u32 s29, v2;
	_ =	sdelay $0x3  }
0x274: {  	[tilespmem:v8+s17+$0x0] =	vst.idx.msk $0xffff, v9  }
0x275: {  	v9 =	vor.u32 s25, v3;
	v10 =	vld.idx.msk [tilespmem:v10+s16+$0x0], $0xffff  }
0x276: {  	v11 =	vor.u32 s29, v4;
	_ =	sdelay $0x3  }
0x277: {  	[tilespmem:v9+s17+$0x0] =	vst.idx.msk $0xffff, v10  }
0x278: {  	v10 =	vor.u32 s25, v5;
	v11 =	vld.idx.msk [tilespmem:v11+s16+$0x0], $0xffff  }
0x279: {  	v12 =	vor.u32 s29, v6;
	_ =	sdelay $0x3  }
0x27a: {  	[tilespmem:v10+s17+$0x0] =	vst.idx.msk $0xffff, v11  }
0x27b: {  	v11 =	vor.u32 s25, v7;
	v12 =	vld.idx.msk [tilespmem:v12+s16+$0x0], $0xffff;
	_ =	sdelay $0x4  }
0x27c: {  	s4 =	sadd.s32 @p1 $0x1, s9;
	[tilespmem:v11+s17+$0x0] =	vst.idx.msk $0xffff, v12  }
0x27d: {  	s10 =	smov.u32 @p3 s5;
	_ =	swait.ge @p1 [sflag:s4], $0x2000  }
0x27e: {  	s30 =	smov.u32 @p1 s10;
	s29 =	sld [smem:$0x7FD]  }
0x27f: {  	s19 =	sand.u32 $0x7F, s14;
	s22 =	sxor.u32 $0xFF000000, s20;
	s20 =	sshll.u32 s30, $0xD  }
0x280: {  	s14 =	sor.u32 s19, s20  }
0x281: {  	v13 =	vor.u32 s14, v1;
	p0 =	seq.s32 s29, $0x1  }
.Ltmp1:
0x282: {  	_ = 	snop;
	(pc) =	sbr.rel @p0 .LBB2_4-.Ltmp1, $4  }
0x283: {  	_ = 	snop  }
0x284: {  	s7 =	simm.s32 $0x1;
	[sflag:s4] =	ssyncset.done @p1 $0x0  }
0x285: {  	s7 =	simm.s32 @!p1 $0x0;
	[sflag:s4] =	ssyncadd.s32 @p1 $0xFFFFE000  }
0x286: {  	s26 =	sxor.u32 $0xFF000000, s15;
	s23 =	sadd.s32 s7, s6;
	v12 =	vor.u32 s14, v2;
	v13 =	vld.idx.msk [tilespmem:v13+s16+$0x0], $0xffff  }
0x287: {  	_ =	sdelay $0x3  }
0x288: {  	[tilespmem:v8+s18+$0x0] =	vst.idx.msk $0xffff, v13  }
0x289: {  	v8 =	vld.idx.msk [tilespmem:v12+s16+$0x0], $0xffff  }
0x28a: {  	v12 =	vor.u32 s14, v4;
	_ =	sdelay $0x3  }
0x28b: {  	[tilespmem:v9+s18+$0x0] =	vst.idx.msk $0xffff, v8  }
0x28c: {  	v8 =	vld.idx.msk [tilespmem:v12+s16+$0x0], $0xffff  }
0x28d: {  	v9 =	vor.u32 s14, v6;
	_ =	sdelay $0x3  }
0x28e: {  	[tilespmem:v10+s18+$0x0] =	vst.idx.msk $0xffff, v8  }
0x28f: {  	v8 =	vld.idx.msk [tilespmem:v9+s16+$0x0], $0xffff;
	_ =	sdelay $0x4  }
0x290: {  	s4 =	rddreg [dreg:$0x5];
	s5 =	simm.s32 $0x80;
	s6 =	simm.s32 $0x480;
	[tilespmem:v11+s18+$0x0] =	vst.idx.msk $0xffff, v8  }
0x291: {  	[hbm4b:s4+s5] =	stream.indirect.scatter [tilespmem:s17], [sflag:$0xB], $0x80, s6, s5, $0xb8;
	[tilespmem:$0x1C800] =	vst v63  }
0x292: {  	s10 =	rddreg [dreg:$0x6];
	s11 =	simm.s32 $0x680;
	s12 =	simm.s32 $0xB  }
0x293: {  	[hbm4b:s10+s5] =	stream.indirect.scatter [tilespmem:s18], [sflag:$0xC], $0x80, s11, s5, $0xb8;
	[tilespmem:$0x1C800] =	vst v63  }
0x294: {  	_ =	swait.ge [sflag:s12], $0x4000  }
0x295: {  	[sflag:s12] =	ssyncset.done $0x0  }
0x296: {  	s14 =	simm.s32 $0xC;
	[sflag:s12] =	ssyncadd.s32 $0xFFFFC000  }
0x297: {  	_ =	swait.ge [sflag:s14], $0x4000  }
0x298: {  	s15 =	simm.s32 $0x102;
	[sflag:s14] =	ssyncset.done $0x0  }
0x299: {  	s19 =	sand.u32 $0x1F0, s15;
	[sflag:s14] =	ssyncadd.s32 $0xFFFFC000  }
0x29a: {  	v8 =	vld [tilespmem:s19+$0x0];
	_ =	sdelay $0x2  }
0x29b: {  	s4 =	sand.u32 $0xE, s15  }
0x29c: {  	v9 =	vmov s4  }
0x29d: {  	vm2 =	veq.s32 v9, v0;
	v8 =	vxor.u32 $0x80000000, v8  }
0x29e: {  	v9 =	vnsel vm2, $0x80000000, v8  }
0x29f: {  	(xrf0) =	vmax.scan.msk.u32 $0xffff, v9;
	_ =	sdelay $0x4  }
0x2a0: {  	v9 =	vld [tilespmem:s19+$0x200]  }
0x2a1: {  	v10, _, _ =	vpop (xrf0)  }
0x2a2: {  	s4 =	sor.u32 $0x1, s4;
	(v2sf) =	vpush v10, $0xF  }
0x2a3: {  	v11 =	vmov s4  }
0x2a4: {  	vm3 =	veq.s32 v11, v0  }
0x2a5: {  	v8 =	vnsel vm3, $0x80000000, v8;
	v9 =	vxor.u32 $0x80000000, v9  }
0x2a6: {  	(xrf0) =	vmax.scan.msk.u32 $0xffff, v8;
	v8 =	vnsel vm2, $0x80000000, v9  }
0x2a7: {  	(xrf0) =	vmax.scan.msk.u32 $0xffff, v8;
	_ =	sdelay $0x1  }
0x2a8: {  	v8 =	vnsel vm3, $0x80000000, v9  }
0x2a9: {  	(xrf0) =	vmax.scan.msk.u32 $0xffff, v8;
	_ =	sdelay $0x1  }
0x2aa: {  	v8, _, _ =	vpop (xrf0)  }
0x2ab: {  	(v2sf) =	vpush v8, $0xF;
	v8, _, _ =	vpop (xrf0)  }
0x2ac: {  	(v2sf) =	vpush v8, $0xF;
	_ =	sdelay $0x1  }
0x2ad: {  	v8, _, _ =	vpop (xrf0)  }
0x2ae: {  	(v2sf) =	vpush v8, $0xF;
	s20 =	spop (v2sf)  }
0x2af: {  	s4 =	sshra.s32 s20, $0x7  }
0x2b0: {  	s5 =	sxor.u32 $0xFF000000, s4  }
0x2b1: {  	p0 =	seq.s32 s5, s0  }
0x2b2: {  	s6 =	sshra.s32 @!p0 s13, $0x1F;
	s7 =	smulhi.u32 @!p0 $0x66666667, s13  }
0x2b3: {  	s6 =	smul.u32 @!p0 $0x66666667, s6;
	_ =	sdelay $0x1  }
0x2b4: {  	s6 =	sadd.s32 @!p0 s6, s7  }
0x2b5: {  	s7 =	sshrl.u32 @!p0 s6, $0x1F;
	s6 =	sshra.s32 @!p0 s6, $0x2  }
0x2b6: {  	s9 =	simm.s32 $0x1;
	p1 =	sne.s32 s5, s0;
	s6 =	sadd.s32 @!p0 s7, s6  }
0x2b7: {  	s9 =	simm.s32 @!p1 $0x0;
	s6 =	smul.u32 @!p0 $0xA, s6  }
0x2b8: {  	s5 =	sshll.u32 @!p0 s5, $0x7;
	s12 =	simm.s32 @!p0 $0x7A1400;
	s8 =	spop (v2sf)  }
0x2b9: {  	s9 =	sadd.s32 s9, s13;
	s28 =	spop (v2sf);
	s6 =	ssub.s32 @!p0 s13, s6  }
0x2ba: {  	s21 =	sshra.s32 s8, $0x7;
	s0 =	sshra.s32 s28, $0x7;
	p1 =	slt.s32 @!p0 s6, $0x0  }
0x2bb: {  	s8 =	sxor.u32 $0xFF000000, s0;
	s11 =	sadd.s32 @!p0 $0xA, s6;
	p1 =	por !p1, p0  }
0x2bc: {  	s10 =	spop (v2sf);
	p2 =	seq.s32 s8, s3;
	s11 =	smov.u32 @p1 s6  }
0x2bd: {  	p1 =	sne.s32 s8, s3;
	s3 =	sand.u32 @!p0 $0x1FFFFF80, s5;
	s5 =	sshll.u32 @!p0 s11, $0xF  }
0x2be: {  	s25 =	sshra.s32 s10, $0x7;
	s3 =	sadd.s32 @!p0 s1, s3;
	s5 =	sshra.s32 @!p0 s5, $0x2  }
0x2bf: {  	s6 =	sadd.s32 @!p0 $0x1, s11;
	s11 =	simm.s32 @!p0 $0x400;
	s5 =	sor.u32 @!p0 $0x800, s5  }
0x2c0: {  	[tilespmem:s5], [sflag:s6] =	stream.strided.gather @!p0 [hbm4b:s3+s11], $0x2000, s12, s11, $0x38;
	[tilespmem:$0x1C800] =	vst v63  }
0x2c1: {  	s3 =	sshra.s32 @!p2 s9, $0x1F;
	s5 =	simm.s32 $0x1;
	s6 =	smulhi.u32 @!p2 $0x66666667, s9  }
0x2c2: {  	s8 =	sshll.u32 @!p2 s8, $0x7;
	s5 =	simm.s32 @!p1 $0x0;
	s3 =	smul.u32 @!p2 $0x66666667, s3  }
0x2c3: {  	p0 =	sne.s32 s21, s4;
	p1 =	seq.s32 s21, s4;
	s5 =	sadd.s32 s5, s9  }
0x2c4: {  	s4 =	simm.s32 $0x1;
	s11 =	sshra.s32 @!p1 s5, $0x1F;
	s3 =	sadd.s32 @!p2 s3, s6  }
0x2c5: {  	s6 =	smulhi.u32 @!p1 $0x66666667, s5;
	s12 =	sshrl.u32 @!p2 s3, $0x1F;
	s3 =	sshra.s32 @!p2 s3, $0x2  }
0x2c6: {  	s4 =	simm.s32 @!p0 $0x0;
	s10 =	smul.u32 @!p1 $0x66666667, s11;
	s3 =	sadd.s32 @!p2 s12, s3  }
0x2c7: {  	p0 =	seq.s32 s25, s0;
	s24 =	sadd.s32 s4, s5;
	s3 =	smul.u32 @!p2 $0xA, s3  }
0x2c8: {  	s8 =	sand.u32 @!p2 $0x1FFFFF80, s8;
	s4 =	sshra.s32 @!p0 s24, $0x1F;
	s6 =	sadd.s32 @!p1 s10, s6  }
0x2c9: {  	s3 =	ssub.s32 @!p2 s9, s3;
	s9 =	sshrl.u32 @!p1 s6, $0x1F;
	s6 =	sshra.s32 @!p1 s6, $0x2  }
0x2ca: {  	s7 =	smulhi.u32 @!p0 $0x66666667, s24;
	p3 =	slt.s32 @!p2 s3, $0x0;
	s6 =	sadd.s32 @!p1 s9, s6  }
0x2cb: {  	s9 =	sadd.s32 @!p2 $0xA, s3;
	p3 =	por !p3, p2;
	s6 =	smul.u32 @!p1 $0xA, s6  }
0x2cc: {  	s8 =	sadd.s32 @!p2 s2, s8;
	s4 =	smul.u32 @!p0 $0x66666667, s4;
	s9 =	smov.u32 @p3 s3  }
0x2cd: {  	s10 =	simm.s32 @!p2 $0x400;
	s5 =	ssub.s32 @!p1 s5, s6;
	s6 =	sshll.u32 @!p2 s9, $0xF  }
0x2ce: {  	s4 =	sadd.s32 @!p0 s4, s7;
	s3 =	sxor.u32 $0xFF000000, s21;
	s6 =	sshra.s32 @!p2 s6, $0x2  }
0x2cf: {  	s7 =	sadd.s32 @!p2 $0x1, s9;
	s9 =	simm.s32 @!p2 $0x7A1400;
	s6 =	sor.u32 @!p2 $0x800, s6  }
0x2d0: {  	[tilespmem:s6], [sflag:s7] =	stream.strided.gather @!p2 [hbm4b:s8+s10], $0x2000, s9, s10, $0x38;
	[tilespmem:$0x1C800] =	vst v63  }
0x2d1: {  	p2 =	slt.s32 @!p1 s5, $0x0;
	s6 =	sshra.s32 @!p0 s4, $0x2;
	s4 =	sshrl.u32 @!p0 s4, $0x1F  }
0x2d2: {  	s7 =	sadd.s32 @!p1 $0xA, s5;
	s8 =	simm.s32 @!p1 $0x7A1400;
	p2 =	por !p2, p1  }
0x2d3: {  	s4 =	sadd.s32 @!p0 s4, s6;
	s7 =	smov.u32 @p2 s5;
	s5 =	sshll.u32 @!p1 s3, $0x7  }
0x2d4: {  	s4 =	smul.u32 @!p0 $0xA, s4;
	s6 =	sadd.s32 @!p1 $0x1, s7;
	s7 =	sshll.u32 @!p1 s7, $0xF  }
0x2d5: {  	s9 =	simm.s32 @!p1 $0x400;
	s5 =	sand.u32 @!p1 $0x1FFFFF80, s5;
	s7 =	sshra.s32 @!p1 s7, $0x2  }
0x2d6: {  	s5 =	sadd.s32 @!p1 s1, s5;
	s4 =	ssub.s32 @!p0 s24, s4;
	s7 =	sor.u32 @!p1 $0x800, s7  }
0x2d7: {  	[tilespmem:s7], [sflag:s6] =	stream.strided.gather @!p1 [hbm4b:s5+s9], $0x2000, s8, s9, $0x38;
	[tilespmem:$0x1C800] =	vst v63  }
0x2d8: {  	s13 =	sxor.u32 $0xFF000000, s25;
	p1 =	slt.s32 @!p0 s4, $0x0  }
0x2d9: {  	s5 =	sshll.u32 @!p0 s13, $0x7;
	s6 =	sadd.s32 @!p0 $0xA, s4;
	p1 =	por !p1, p0  }
0x2da: {  	s5 =	sand.u32 @!p0 $0x1FFFFF80, s5;
	s6 =	smov.u32 @p1 s4  }
0x2db: {  	s4 =	sadd.s32 @!p0 s2, s5;
	s5 =	sshll.u32 @!p0 s6, $0xF  }
0x2dc: {  	s29 =	simm.s32 $0x100;
	s7 =	simm.s32 @!p0 $0x7A1400;
	s5 =	sshra.s32 @!p0 s5, $0x2  }
0x2dd: {  	s9 =	simm.s32 @!p0 $0x400;
	s6 =	sadd.s32 @!p0 $0x1, s6;
	s5 =	sor.u32 @!p0 $0x800, s5  }
0x2de: {  	[tilespmem:s5], [sflag:s6] =	stream.strided.gather @!p0 [hbm4b:s4+s9], $0x2000, s7, s9, $0x38;
	[tilespmem:$0x1C800] =	vst v63  }
0x2df: {  	s7 =	sand.u32 $0x1F0, s29  }
0x2e0: {  	v8 =	vld [tilespmem:s7+$0x0];
	_ =	sdelay $0x2  }
0x2e1: {  	s8 =	sand.u32 $0xE, s29  }
0x2e2: {  	v9 =	vmov s8  }
0x2e3: {  	vm2 =	veq.s32 v9, v0;
	v8 =	vxor.u32 $0x80000000, v8  }
0x2e4: {  	v9 =	vnsel vm2, $0x80000000, v8  }
0x2e5: {  	(xrf0) =	vmax.scan.msk.u32 $0xffff, v9;
	_ =	sdelay $0x4  }
0x2e6: {  	v9 =	vld [tilespmem:s7+$0x200]  }
0x2e7: {  	v10, _, _ =	vpop (xrf0)  }
0x2e8: {  	(v2sf) =	vpush v10, $0xF  }
0x2e9: {  	s9 =	sor.u32 $0x1, s8  }
0x2ea: {  	v10 =	vmov s9  }
0x2eb: {  	v9 =	vxor.u32 $0x80000000, v9;
	vm3 =	veq.s32 v10, v0  }
0x2ec: {  	v10 =	vnsel vm3, $0x80000000, v9  }
0x2ed: {  	(xrf0) =	vmax.scan.msk.u32 $0xffff, v10;
	_ =	sdelay $0x4  }
0x2ee: {  	s11 =	sshra.s32 s23, $0x1F;
	s10 =	smulhi.u32 $0x66666667, s23  }
0x2ef: {  	s5 =	smul.u32 $0x66666667, s11;
	v10, _, _ =	vpop (xrf0)  }
0x2f0: {  	(v2sf) =	vpush v10, $0xF  }
0x2f1: {  	s4 =	sadd.s32 s5, s10  }
0x2f2: {  	s5 =	sshrl.u32 s4, $0x1F;
	s4 =	sshra.s32 s4, $0x2  }
0x2f3: {  	s4 =	sadd.s32 s5, s4;
	s12 =	spop (v2sf)  }
0x2f4: {  	s4 =	smul.u32 $0xA, s4;
	s8 =	sshra.s32 s12, $0x7  }
0x2f5: {  	s14 =	sxor.u32 s22, s8  }
0x2f6: {  	s4 =	ssub.s32 s23, s4;
	v8 =	vnsel vm3, $0x80000000, v8;
	p0 =	sne.s32 s14, $0xFF000000  }
0x2f7: {  	v9 =	vnsel vm2, $0x80000000, v9;
	(xrf0) =	vmax.scan.msk.u32 $0xffff, v8;
	p1 =	slt.s32 @p0 s4, $0x0  }
0x2f8: {  	(xrf0) =	vmax.scan.msk.u32 $0xffff, v9;
	s6 =	sadd.s32 @p0 $0xA, s4;
	s7 =	sadd.s32 @!p0 $0xA, s4;
	p1 =	por !p1, !p0  }
0x2f9: {  	s7 =	smov.u32 @p0 s6;
	s6 =	smov.u32 @p1 s4;
	p1 =	slt.s32 s4, $0x0  }
0x2fa: {  	s4 =	smov.u32 @p1 s7  }
0x2fb: {  	s31 =	smov.u32 @p0 s4  }
0x2fc: {  	s15 =	sand.u32 $0x7F, s12;
	s19 =	sshll.u32 s31, $0xD  }
0x2fd: {  	v8, _, _ =	vpop (xrf0);
	s4 =	sor.u32 s15, s19  }
0x2fe: {  	v9, _, _ =	vpop (xrf0);
	v10 =	vor.u32 s4, v1  }
0x2ff: {  	(v2sf) =	vpush v9, $0xF;
	s5 =	sadd.s32 @p0 $0x1, s6;
	s14 =	spop (v2sf)  }
0x300: {  	_ =	swait.ge @p0 [sflag:s5], $0x2000  }
0x301: {  	[sflag:s5] =	ssyncset.done @p0 $0x0  }
0x302: {  	s20 =	simm.s32 $0x0;
	[sflag:s5] =	ssyncadd.s32 @p0 $0xFFFFE000  }
0x303: {  	v9 =	vld.idx.msk [tilespmem:v10+s16+$0x0], $0xffff;
	v10 =	vor.u32 s20, v0  }
0x304: {  	v11 =	vor.u32 s4, v2;
	_ =	sdelay $0x1  }
0x305: {  	s6 =	simm.s32 $0x1  }
0x306: {  	s6 =	simm.s32 @!p0 $0x0  }
0x307: {  	s6 =	sadd.s32 s6, s23;
	[tilespmem:v10+s17+$0x0] =	vst.idx.msk $0xffff, v9  }
0x308: {  	s21 =	sshra.s32 s6, $0x1F;
	s22 =	smulhi.u32 $0x66666667, s6;
	v9 =	vld.idx.msk [tilespmem:v11+s16+$0x0], $0xffff;
	v11 =	vor.u32 s20, v3  }
0x309: {  	s7 =	smul.u32 $0x66666667, s21;
	v12 =	vor.u32 s4, v4  }
0x30a: {  	(v2sf) =	vpush v8, $0xF  }
0x30b: {  	s7 =	sadd.s32 s7, s22  }
0x30c: {  	s9 =	sshrl.u32 s7, $0x1F;
	s7 =	sshra.s32 s7, $0x2  }
0x30d: {  	s7 =	sadd.s32 s9, s7;
	s23 =	spop (v2sf);
	[tilespmem:v11+s17+$0x0] =	vst.idx.msk $0xffff, v9  }
0x30e: {  	s7 =	smul.u32 $0xA, s7;
	s28 =	sshra.s32 s23, $0x7;
	v9 =	vor.u32 s20, v5;
	v8 =	vld.idx.msk [tilespmem:v12+s16+$0x0], $0xffff  }
0x30f: {  	s29 =	sxor.u32 s26, s28;
	v12 =	vor.u32 s4, v6  }
0x310: {  	p0 =	sne.s32 s29, $0xFF000000;
	s4 =	ssub.s32 s6, s7  }
0x311: {  	p1 =	slt.s32 @p0 s4, $0x0  }
0x312: {  	s7 =	sadd.s32 @p0 $0xA, s4;
	s11 =	sadd.s32 @!p0 $0xA, s4;
	p1 =	por !p1, !p0  }
0x313: {  	s11 =	smov.u32 @p0 s7;
	s7 =	smov.u32 @p1 s4;
	p1 =	slt.s32 s4, $0x0;
	[tilespmem:v9+s17+$0x0] =	vst.idx.msk $0xffff, v8  }
0x314: {  	s4 =	smov.u32 @p1 s11;
	v8 =	vld.idx.msk [tilespmem:v12+s16+$0x0], $0xffff;
	v12 =	vor.u32 s20, v7  }
0x315: {  	s30 =	smov.u32 @p0 s4  }
0x316: {  	s10 =	sand.u32 $0x7F, s23;
	s11 =	sshll.u32 s30, $0xD  }
0x317: {  	s4 =	sor.u32 s10, s11  }
0x318: {  	v13 =	vor.u32 s4, v1  }
0x319: {  	s12 =	spop (v2sf);
	s7 =	sadd.s32 @p0 $0x1, s7;
	[tilespmem:v12+s17+$0x0] =	vst.idx.msk $0xffff, v8  }
0x31a: {  	_ =	swait.ge @p0 [sflag:s7], $0x2000  }
0x31b: {  	[sflag:s7] =	ssyncset.done @p0 $0x0  }
0x31c: {  	[sflag:s7] =	ssyncadd.s32 @p0 $0xFFFFE000  }
0x31d: {  	v8 =	vld.idx.msk [tilespmem:v13+s16+$0x0], $0xffff  }
0x31e: {  	v13 =	vor.u32 s4, v2;
	_ =	sdelay $0x1  }
0x31f: {  	s7 =	simm.s32 $0x1  }
0x320: {  	s7 =	simm.s32 @!p0 $0x0  }
0x321: {  	s6 =	sadd.s32 s7, s6;
	[tilespmem:v10+s18+$0x0] =	vst.idx.msk $0xffff, v8  }
0x322: {  	s7 =	smulhi.u32 $0x66666667, s6;
	s15 =	sshra.s32 s6, $0x1F;
	v8 =	vld.idx.msk [tilespmem:v13+s16+$0x0], $0xffff  }
0x323: {  	s10 =	smul.u32 $0x66666667, s15;
	v10 =	vor.u32 s4, v4;
	_ =	sdelay $0x1  }
0x324: {  	s7 =	sadd.s32 s10, s7  }
0x325: {  	s10 =	sshrl.u32 s7, $0x1F;
	s7 =	sshra.s32 s7, $0x2  }
0x326: {  	s7 =	sadd.s32 s10, s7;
	[tilespmem:v11+s18+$0x0] =	vst.idx.msk $0xffff, v8  }
0x327: {  	s10 =	smul.u32 $0xA, s7;
	v8 =	vld.idx.msk [tilespmem:v10+s16+$0x0], $0xffff  }
0x328: {  	s19 =	sshra.s32 s12, $0x7;
	v10 =	vor.u32 s4, v6  }
0x329: {  	p0 =	sne.s32 s19, s8;
	s4 =	ssub.s32 s6, s10  }
0x32a: {  	p1 =	slt.s32 @p0 s4, $0x0  }
0x32b: {  	s8 =	sadd.s32 @p0 $0xA, s4;
	s10 =	sadd.s32 @!p0 $0xA, s4;
	p1 =	por !p1, !p0  }
0x32c: {  	s10 =	smov.u32 @p0 s8;
	s8 =	smov.u32 @p1 s4;
	p1 =	slt.s32 s4, $0x0;
	[tilespmem:v9+s18+$0x0] =	vst.idx.msk $0xffff, v8  }
0x32d: {  	s4 =	smov.u32 @p1 s10;
	v8 =	vld.idx.msk [tilespmem:v10+s16+$0x0], $0xffff  }
0x32e: {  	s31 =	smov.u32 @p0 s4  }
0x32f: {  	s20 =	sand.u32 $0x7F, s12;
	s21 =	sshll.u32 s31, $0xD  }
0x330: {  	s4 =	sor.u32 s20, s21  }
0x331: {  	v9 =	vor.u32 s4, v1  }
0x332: {  	s5 =	sadd.s32 @p0 $0x1, s8;
	[tilespmem:v12+s18+$0x0] =	vst.idx.msk $0xffff, v8  }
0x333: {  	_ =	swait.ge @p0 [sflag:s5], $0x2000  }
0x334: {  	[sflag:s5] =	ssyncset.done @p0 $0x0  }
0x335: {  	s22 =	simm.s32 $0x80;
	[sflag:s5] =	ssyncadd.s32 @p0 $0xFFFFE000  }
0x336: {  	v8 =	vor.u32 s22, v0;
	v9 =	vld.idx.msk [tilespmem:v9+s16+$0x0], $0xffff  }
0x337: {  	v10 =	vor.u32 s4, v2;
	_ =	sdelay $0x1  }
0x338: {  	s8 =	simm.s32 $0x1  }
0x339: {  	s8 =	simm.s32 @!p0 $0x0  }
0x33a: {  	s6 =	sadd.s32 s8, s6;
	[tilespmem:v8+s17+$0x0] =	vst.idx.msk $0xffff, v9  }
0x33b: {  	s8 =	smulhi.u32 $0x66666667, s6;
	s23 =	sshra.s32 s6, $0x1F;
	v9 =	vor.u32 s22, v3;
	v10 =	vld.idx.msk [tilespmem:v10+s16+$0x0], $0xffff  }
0x33c: {  	s10 =	smul.u32 $0x66666667, s23;
	v11 =	vor.u32 s4, v4;
	_ =	sdelay $0x1  }
0x33d: {  	s8 =	sadd.s32 s10, s8  }
0x33e: {  	s10 =	sshrl.u32 s8, $0x1F;
	s8 =	sshra.s32 s8, $0x2  }
0x33f: {  	s8 =	sadd.s32 s10, s8;
	[tilespmem:v9+s17+$0x0] =	vst.idx.msk $0xffff, v10  }
0x340: {  	s8 =	smul.u32 $0xA, s8;
	v10 =	vor.u32 s22, v5;
	v11 =	vld.idx.msk [tilespmem:v11+s16+$0x0], $0xffff  }
0x341: {  	s26 =	sshra.s32 s14, $0x7;
	v12 =	vor.u32 s4, v6  }
0x342: {  	p0 =	sne.s32 s26, s28;
	s4 =	ssub.s32 s6, s8  }
0x343: {  	p1 =	slt.s32 @p0 s4, $0x0  }
0x344: {  	s8 =	sadd.s32 @p0 $0xA, s4;
	s9 =	sadd.s32 @!p0 $0xA, s4;
	p1 =	por !p1, !p0  }
0x345: {  	s9 =	smov.u32 @p0 s8;
	s8 =	smov.u32 @p1 s4;
	p1 =	slt.s32 s4, $0x0;
	[tilespmem:v10+s17+$0x0] =	vst.idx.msk $0xffff, v11  }
0x346: {  	s4 =	smov.u32 @p1 s9;
	v11 =	vor.u32 s22, v7;
	v12 =	vld.idx.msk [tilespmem:v12+s16+$0x0], $0xffff  }
0x347: {  	s30 =	smov.u32 @p0 s4  }
0x348: {  	s28 =	sand.u32 $0x7F, s14;
	s29 =	sshll.u32 s30, $0xD  }
0x349: {  	s14 =	sor.u32 s28, s29  }
0x34a: {  	v13 =	vor.u32 s14, v1  }
0x34b: {  	p1 =	sne.s32 s25, s0;
	s0 =	sadd.s32 @p0 $0x1, s8;
	[tilespmem:v11+s17+$0x0] =	vst.idx.msk $0xffff, v12  }
0x34c: {  	s23 =	sxor.u32 $0xFF000000, s19;
	s5 =	simm.s32 $0x1;
	_ =	swait.ge @p0 [sflag:s0], $0x2000  }
0x34d: {  	s26 =	sxor.u32 $0xFF000000, s26;
	s4 =	simm.s32 $0x1;
	[sflag:s0] =	ssyncset.done @p0 $0x0  }
0x34e: {  	s5 =	simm.s32 @!p0 $0x0;
	s4 =	simm.s32 @!p1 $0x0;
	[sflag:s0] =	ssyncadd.s32 @p0 $0xFFFFE000  }
0x34f: {  	s22 =	sadd.s32 s4, s24;
	s24 =	sadd.s32 s5, s6;
	v12 =	vor.u32 s14, v2;
	s0 =	simm.s32 $0x2;
	v13 =	vld.idx.msk [tilespmem:v13+s16+$0x0], $0xffff  }
.LBB2_6:
0x350: {  	_ =	sdelay $0x3  }
0x351: {  	[tilespmem:v8+s18+$0x0] =	vst.idx.msk $0xffff, v13  }
0x352: {  	v8 =	vld.idx.msk [tilespmem:v12+s16+$0x0], $0xffff  }
0x353: {  	v12 =	vor.u32 s14, v4;
	_ =	sdelay $0x3  }
0x354: {  	[tilespmem:v9+s18+$0x0] =	vst.idx.msk $0xffff, v8  }
0x355: {  	v8 =	vld.idx.msk [tilespmem:v12+s16+$0x0], $0xffff  }
0x356: {  	v9 =	vor.u32 s14, v6;
	_ =	sdelay $0x3  }
0x357: {  	[tilespmem:v10+s18+$0x0] =	vst.idx.msk $0xffff, v8  }
0x358: {  	v8 =	vld.idx.msk [tilespmem:v9+s16+$0x0], $0xffff;
	_ =	sdelay $0x2  }
0x359: {  	s25 =	smov.u32 s0  }
0x35a: {  	s19 =	sadd.s32 $0x102, s25  }
0x35b: {  	s0 =	sadd.s32 $0x2, s0;
	s5 =	sand.u32 $0x1F0, s19;
	[tilespmem:v11+s18+$0x0] =	vst.idx.msk $0xffff, v8  }
0x35c: {  	p0 =	sne.s32 s0, $0x80;
	v8 =	vld [tilespmem:s5+$0x0]  }
0x35d: {  	s4 =	simm.s32 @!p0 $0x0  }
0x35e: {  	s4 =	simm.s32 @p0 $0x1;
	v11 =	vld [tilespmem:s5+$0x200]  }
0x35f: {  	[smem:$0x7FB] =	sst s4;
	s4 =	sand.u32 $0xE, s19  }
0x360: {  	v9 =	vmov s4;
	s4 =	sor.u32 $0x1, s4  }
0x361: {  	v10 =	vmov s4;
	vm2 =	veq.s32 v9, v0;
	v8 =	vxor.u32 $0x80000000, v8  }
0x362: {  	vm3 =	veq.s32 v10, v0;
	v9 =	vnsel vm2, $0x80000000, v8  }
0x363: {  	v10 =	vxor.u32 $0x80000000, v11;
	v8 =	vnsel vm3, $0x80000000, v8;
	(xrf0) =	vmax.scan.msk.u32 $0xffff, v9  }
0x364: {  	v9 =	vnsel vm2, $0x80000000, v10;
	(xrf0) =	vmax.scan.msk.u32 $0xffff, v8  }
0x365: {  	(xrf0) =	vmax.scan.msk.u32 $0xffff, v9  }
0x366: {  	v10 =	vnsel vm3, $0x80000000, v10  }
0x367: {  	(xrf0) =	vmax.scan.msk.u32 $0xffff, v10;
	_ =	sdelay $0x1  }
0x368: {  	v8, _, _ =	vpop (xrf0)  }
0x369: {  	(v2sf) =	vpush v8, $0xF;
	v8, _, _ =	vpop (xrf0)  }
0x36a: {  	(v2sf) =	vpush v8, $0xF;
	v8, _, _ =	vpop (xrf0)  }
0x36b: {  	(v2sf) =	vpush v8, $0xF  }
0x36c: {  	v8, _, _ =	vpop (xrf0)  }
0x36d: {  	(v2sf) =	vpush v8, $0xF;
	_ =	sdelay $0xa  }
0x36e: {  	s28 =	smov.u32 s26;
	s20 =	spop (v2sf)  }
0x36f: {  	s10 =	simm.s32 $0x1;
	s4 =	sshra.s32 s20, $0x7;
	s21 =	spop (v2sf)  }
0x370: {  	s6 =	sxor.u32 $0xFF000000, s4;
	s5 =	sshra.s32 s21, $0x7;
	s7 =	spop (v2sf)  }
0x371: {  	p1 =	seq.s32 s6, s3;
	p2 =	sne.s32 s6, s3;
	s11 =	sshra.s32 s7, $0x7  }
0x372: {  	s3 =	simm.s32 $0x1;
	s8 =	spop (v2sf);
	p5 =	sne.s32 s5, s4  }
0x373: {  	p3 =	seq.s32 s5, s4;
	s3 =	simm.s32 @!p2 $0x0;
	s7 =	sxor.u32 $0xFF000000, s11  }
0x374: {  	s9 =	sshra.s32 @!p1 s22, $0x1F;
	s6 =	sshll.u32 @!p1 s6, $0x7;
	s10 =	simm.s32 @!p5 $0x0  }
0x375: {  	s15 =	sshra.s32 s8, $0x7;
	s19 =	smulhi.u32 @!p1 $0x66666667, s22;
	s14 =	sadd.s32 s3, s22  }
0x376: {  	p2 =	seq.s32 s7, s13;
	p4 =	sne.s32 s7, s13;
	s12 =	smul.u32 @!p1 $0x66666667, s9  }
0x377: {  	s4 =	sand.u32 @!p1 $0x1FFFFF80, s6;
	s6 =	simm.s32 $0x1;
	p0 =	sne.s32 s15, s11  }
0x378: {  	s3 =	sshra.s32 @!p2 s14, $0x1F;
	s6 =	simm.s32 @!p4 $0x0;
	s13 =	smulhi.u32 @!p2 $0x66666667, s14  }
0x379: {  	s8 =	simm.s32 @!p2 $0x400;
	p4 =	seq.s32 s15, s11;
	s9 =	sadd.s32 @!p1 s1, s4  }
0x37a: {  	s7 =	sshll.u32 @!p2 s7, $0x7;
	s11 =	simm.s32 @!p0 $0x0;
	s6 =	sadd.s32 s6, s14  }
0x37b: {  	s3 =	smul.u32 @!p2 $0x66666667, s3;
	s12 =	sadd.s32 @!p1 s12, s19;
	s7 =	sand.u32 @!p2 $0x1FFFFF80, s7  }
0x37c: {  	s11 =	simm.s32 @p0 $0x1;
	s4 =	sshra.s32 @!p3 s6, $0x1F;
	s10 =	sadd.s32 s10, s6  }
0x37d: {  	s26 =	sshrl.u32 @!p1 s12, $0x1F;
	s12 =	sshra.s32 @!p1 s12, $0x2;
	s7 =	sadd.s32 @!p2 s2, s7  }
0x37e: {  	s20 =	sadd.s32 @!p2 s3, s13;
	s3 =	sxor.u32 $0xFF000000, s5;
	s5 =	smulhi.u32 @!p3 $0x66666667, s6  }
0x37f: {  	[smem:$0x7FA] =	sst s11;
	s13 =	sxor.u32 $0xFF000000, s15;
	s4 =	smul.u32 @!p3 $0x66666667, s4  }
0x380: {  	s21 =	sshra.s32 @!p4 s10, $0x1F;
	s12 =	sadd.s32 @!p1 s26, s12;
	s29 =	smulhi.u32 @!p4 $0x66666667, s10  }
0x381: {  	s19 =	sshrl.u32 @!p2 s20, $0x1F;
	s20 =	sshra.s32 @!p2 s20, $0x2;
	s12 =	smul.u32 @!p1 $0xA, s12  }
0x382: {  	s26 =	sshll.u32 @!p3 s3, $0x7;
	s4 =	sadd.s32 @!p3 s4, s5;
	s5 =	smul.u32 @!p4 $0x66666667, s21  }
0x383: {  	s19 =	sadd.s32 @!p2 s19, s20;
	s20 =	sshll.u32 @!p4 s13, $0x7;
	s15 =	sand.u32 @!p3 $0x1FFFFF80, s26  }
0x384: {  	s26 =	sld [smem:$0x7FA];
	s21 =	sshrl.u32 @!p3 s4, $0x1F;
	s4 =	sshra.s32 @!p3 s4, $0x2  }
0x385: {  	s19 =	smul.u32 @!p2 $0xA, s19;
	s20 =	sand.u32 @!p4 $0x1FFFFF80, s20;
	s12 =	ssub.s32 @!p1 s22, s12  }
0x386: {  	s15 =	sadd.s32 @!p3 s1, s15;
	s4 =	sadd.s32 @!p3 s21, s4;
	s11 =	sadd.s32 @!p4 s2, s20  }
0x387: {  	s5 =	sadd.s32 @!p4 s5, s29;
	s21 =	sadd.s32 @!p1 $0xA, s12;
	s4 =	smul.u32 @!p3 $0xA, s4  }
0x388: {  	s14 =	ssub.s32 @!p2 s14, s19;
	s20 =	sshra.s32 @!p4 s5, $0x2;
	s5 =	sshrl.u32 @!p4 s5, $0x1F  }
0x389: {  	s29 =	simm.s32 @!p1 $0x7A1400;
	p6 =	slt.s32 @!p2 s14, $0x0;
	s5 =	sadd.s32 @!p4 s5, s20  }
0x38a: {  	s4 =	ssub.s32 @!p3 s6, s4;
	s6 =	sadd.s32 @!p2 $0xA, s14;
	p5 =	por !p6, p2  }
0x38b: {  	s5 =	smul.u32 @!p4 $0xA, s5;
	p0 =	slt.s32 @!p3 s4, $0x0;
	s6 =	smov.u32 @p5 s14  }
0x38c: {  	s19 =	sadd.s32 @!p3 $0xA, s4;
	p6 =	por !p0, p3;
	p0 =	slt.s32 @!p1 s12, $0x0  }
0x38d: {  	s14 =	sshll.u32 @!p2 s6, $0xF;
	s6 =	sadd.s32 @!p2 $0x1, s6;
	s5 =	ssub.s32 @!p4 s10, s5  }
0x38e: {  	p0 =	por !p0, p1;
	s14 =	sshra.s32 @!p2 s14, $0x2;
	s19 =	smov.u32 @p6 s4  }
0x38f: {  	s4 =	simm.s32 $0x1;
	s14 =	sor.u32 @!p2 $0x800, s14;
	s21 =	smov.u32 @p0 s12  }
0x390: {  	p0 =	seq.s32 s26, $0x1;
	s26 =	simm.s32 @!p1 $0x400;
	s12 =	sshll.u32 @!p1 s21, $0xF  }
0x391: {  	s20 =	sadd.s32 @!p1 $0x1, s21;
	s4 =	simm.s32 @!p0 $0x0;
	s21 =	sadd.s32 @!p3 $0x1, s19  }
0x392: {  	p0 =	slt.s32 @!p4 s5, $0x0;
	s12 =	sshra.s32 @!p1 s12, $0x2;
	s22 =	sadd.s32 s4, s10  }
0x393: {  	s4 =	sshll.u32 @!p3 s19, $0xF;
	s10 =	sadd.s32 @!p4 $0xA, s5;
	p0 =	por !p0, p4  }
0x394: {  	s12 =	sor.u32 @!p1 $0x800, s12;
	s4 =	sshra.s32 @!p3 s4, $0x2;
	s10 =	smov.u32 @p0 s5  }
0x395: {  	[tilespmem:s12], [sflag:s20] =	stream.strided.gather @!p1 [hbm4b:s9+s26], $0x2000, s29, s26, $0x38;
	[tilespmem:$0x1C800] =	vst v63  }
0x396: {  	s19 =	simm.s32 @!p3 $0x7A1400;
	s4 =	sor.u32 @!p3 $0x800, s4;
	s5 =	sshll.u32 @!p4 s10, $0xF  }
0x397: {  	s9 =	sadd.s32 @!p4 $0x1, s10;
	s10 =	simm.s32 @!p4 $0x7A1400;
	s12 =	simm.s32 @!p2 $0x7A1400  }
0x398: {  	[tilespmem:s14], [sflag:s6] =	stream.strided.gather @!p2 [hbm4b:s7+s8], $0x2000, s12, s8, $0x38;
	[tilespmem:$0x1C800] =	vst v63  }
0x399: {  	s29 =	sadd.s32 $0x100, s25;
	s5 =	sshra.s32 @!p4 s5, $0x2;
	s6 =	simm.s32 @!p3 $0x400  }
0x39a: {  	[tilespmem:s4], [sflag:s21] =	stream.strided.gather @!p3 [hbm4b:s15+s6], $0x2000, s19, s6, $0x38;
	[tilespmem:$0x1C800] =	vst v63  }
0x39b: {  	s20 =	sand.u32 $0x1F0, s29;
	s5 =	sor.u32 @!p4 $0x800, s5;
	s4 =	simm.s32 @!p4 $0x400  }
0x39c: {  	[tilespmem:s5], [sflag:s9] =	stream.strided.gather @!p4 [hbm4b:s11+s4], $0x2000, s10, s4, $0x38;
	[tilespmem:$0x1C800] =	vst v63  }
0x39d: {  	v10 =	vld [tilespmem:s20+$0x0];
	_ =	sdelay $0x1  }
0x39e: {  	s14 =	sand.u32 $0xE, s29  }
0x39f: {  	s7 =	sor.u32 $0x1, s14  }
0x3a0: {  	v8 =	vmov s14;
	v9 =	vmov s7  }
0x3a1: {  	vm3 =	veq.s32 v8, v0;
	vm2 =	veq.s32 v9, v0;
	v9 =	vld [tilespmem:s20+$0x200];
	v8 =	vxor.u32 $0x80000000, v10  }
0x3a2: {  	v10 =	vnsel vm3, $0x80000000, v8  }
0x3a3: {  	(xrf0) =	vmax.scan.msk.u32 $0xffff, v10;
	_ =	sdelay $0x2  }
0x3a4: {  	v9 =	vxor.u32 $0x80000000, v9;
	v8 =	vnsel vm2, $0x80000000, v8  }
0x3a5: {  	v11 =	vnsel vm3, $0x80000000, v9;
	v9 =	vnsel vm2, $0x80000000, v9  }
0x3a6: {  	(xrf0) =	vmax.scan.msk.u32 $0xffff, v9  }
0x3a7: {  	(xrf0) =	vmax.scan.msk.u32 $0xffff, v8;
	v8, _, _ =	vpop (xrf0)  }
0x3a8: {  	(v2sf) =	vpush v8, $0xF;
	_ =	sdelay $0x3  }
0x3a9: {  	v8, _, _ =	vpop (xrf0)  }
0x3aa: {  	v9, _, _ =	vpop (xrf0);
	(xrf0) =	vmax.scan.msk.u32 $0xffff, v11;
	_ =	sdelay $0x3  }
0x3ab: {  	(v2sf) =	vpush v8, $0xF  }
0x3ac: {  	s26 =	sshra.s32 s24, $0x1F;
	s21 =	smulhi.u32 $0x66666667, s24  }
0x3ad: {  	s5 =	smul.u32 $0x66666667, s26;
	v8, _, _ =	vpop (xrf0)  }
0x3ae: {  	(v2sf) =	vpush v8, $0xF  }
0x3af: {  	s4 =	sadd.s32 s5, s21  }
0x3b0: {  	s5 =	sshrl.u32 s4, $0x1F;
	s4 =	sshra.s32 s4, $0x2  }
0x3b1: {  	s4 =	sadd.s32 s5, s4;
	s29 =	spop (v2sf)  }
0x3b2: {  	s4 =	smul.u32 $0xA, s4;
	s9 =	sshra.s32 s29, $0x7  }
0x3b3: {  	s10 =	sxor.u32 s23, s9  }
0x3b4: {  	s8 =	simm.s32 $0x1;
	s4 =	ssub.s32 s24, s4;
	p1 =	sne.s32 s10, $0xFF000000  }
0x3b5: {  	p0 =	slt.s32 s4, $0x0;
	p2 =	slt.s32 @p1 s4, $0x0;
	s6 =	sadd.s32 @p1 $0xA, s4  }
0x3b6: {  	s7 =	sadd.s32 @!p1 $0xA, s4;
	s8 =	simm.s32 @!p1 $0x0;
	p2 =	por !p2, !p1  }
0x3b7: {  	s7 =	smov.u32 @p1 s6;
	s8 =	sadd.s32 s8, s24;
	s6 =	smov.u32 @p2 s4  }
0x3b8: {  	s4 =	smov.u32 @p0 s7;
	s11 =	sshra.s32 s8, $0x1F;
	s19 =	smulhi.u32 $0x66666667, s8  }
0x3b9: {  	s31 =	smov.u32 @p1 s4;
	s4 =	smul.u32 $0x66666667, s11  }
0x3ba: {  	s14 =	spop (v2sf);
	s5 =	sand.u32 $0x7F, s29;
	s6 =	sadd.s32 @p1 $0x1, s6  }
0x3bb: {  	s12 =	sshll.u32 s31, $0xD;
	_ =	swait.ge @p1 [sflag:s6], $0x2000;
	s4 =	sadd.s32 s4, s19  }
0x3bc: {  	s11 =	sor.u32 s5, s12;
	s5 =	sshrl.u32 s4, $0x1F;
	s4 =	sshra.s32 s4, $0x2  }
0x3bd: {  	(v2sf) =	vpush v9, $0xF;
	s20 =	spop (v2sf);
	v8 =	vor.u32 s11, v1;
	s4 =	sadd.s32 s5, s4  }
0x3be: {  	s10 =	sshra.s32 s20, $0x7;
	s4 =	smul.u32 $0xA, s4  }
0x3bf: {  	s7 =	sshll.u32 s25, $0x7;
	[sflag:s6] =	ssyncset.done @p1 $0x0;
	s21 =	sxor.u32 s28, s10  }
0x3c0: {  	[sflag:s6] =	ssyncadd.s32 @p1 $0xFFFFE000;
	p3 =	sne.s32 s21, $0xFF000000;
	s4 =	ssub.s32 s8, s4  }
0x3c1: {  	p0 =	slt.s32 @p3 s4, $0x0;
	s24 =	sadd.s32 @p3 $0xA, s4;
	s6 =	sadd.s32 @!p3 $0xA, s4  }
0x3c2: {  	v9 =	vor.u32 s7, v0;
	v8 =	vld.idx.msk [tilespmem:v8+s16+$0x0], $0xffff;
	p1 =	slt.s32 s4, $0x0;
	p0 =	por !p0, !p3;
	s6 =	smov.u32 @p3 s24  }
0x3c3: {  	v10 =	vor.u32 s11, v2;
	s24 =	smov.u32 @p0 s4;
	s4 =	smov.u32 @p1 s6;
	s6 =	simm.s32 $0x1  }
0x3c4: {  	s6 =	simm.s32 @!p3 $0x0  }
0x3c5: {  	s6 =	sadd.s32 s6, s8  }
0x3c6: {  	s29 =	smulhi.u32 $0x66666667, s6;
	s12 =	sshra.s32 s6, $0x1F  }
0x3c7: {  	[tilespmem:v9+s17+$0x0] =	vst.idx.msk $0xffff, v8;
	s5 =	smul.u32 $0x66666667, s12  }
0x3c8: {  	v8 =	vld.idx.msk [tilespmem:v10+s16+$0x0], $0xffff;
	v10 =	vor.u32 s7, v3  }
0x3c9: {  	v11 =	vor.u32 s11, v4;
	s30 =	smov.u32 @p3 s4;
	s4 =	sadd.s32 s5, s29  }
0x3ca: {  	s5 =	sshrl.u32 s4, $0x1F;
	s4 =	sshra.s32 s4, $0x2  }
0x3cb: {  	s4 =	sadd.s32 s5, s4  }
0x3cc: {  	s19 =	spop (v2sf);
	s4 =	smul.u32 $0xA, s4  }
0x3cd: {  	s23 =	sand.u32 $0x7F, s20;
	s20 =	sshra.s32 s19, $0x7;
	[tilespmem:v10+s17+$0x0] =	vst.idx.msk $0xffff, v8  }
0x3ce: {  	p2 =	sne.s32 s20, s9;
	v8 =	vld.idx.msk [tilespmem:v11+s16+$0x0], $0xffff;
	v11 =	vor.u32 s7, v5;
	s4 =	ssub.s32 s6, s4  }
0x3cf: {  	v12 =	vor.u32 s11, v6;
	p0 =	slt.s32 @p2 s4, $0x0;
	s11 =	sadd.s32 @p2 $0xA, s4;
	s9 =	sadd.s32 @!p2 $0xA, s4  }
0x3d0: {  	p1 =	slt.s32 s4, $0x0;
	p0 =	por !p0, !p2;
	s9 =	smov.u32 @p2 s11  }
0x3d1: {  	s11 =	smov.u32 @p0 s4;
	s4 =	smov.u32 @p1 s9;
	s9 =	simm.s32 $0x1  }
0x3d2: {  	s9 =	simm.s32 @!p2 $0x0  }
0x3d3: {  	[tilespmem:v11+s17+$0x0] =	vst.idx.msk $0xffff, v8;
	s6 =	sadd.s32 s9, s6  }
0x3d4: {  	v8 =	vld.idx.msk [tilespmem:v12+s16+$0x0], $0xffff;
	v12 =	vor.u32 s7, v7;
	s9 =	smulhi.u32 $0x66666667, s6;
	s12 =	sshra.s32 s6, $0x1F  }
0x3d5: {  	s5 =	smul.u32 $0x66666667, s12  }
0x3d6: {  	s28 =	sshll.u32 s30, $0xD  }
0x3d7: {  	s8 =	sor.u32 s23, s28;
	s31 =	smov.u32 @p2 s4;
	s4 =	sadd.s32 s5, s9  }
0x3d8: {  	v13 =	vor.u32 s8, v1;
	s5 =	sshrl.u32 s4, $0x1F;
	s4 =	sshra.s32 s4, $0x2  }
0x3d9: {  	[tilespmem:v12+s17+$0x0] =	vst.idx.msk $0xffff, v8;
	s4 =	sadd.s32 s5, s4;
	s5 =	sadd.s32 @p3 $0x1, s24  }
0x3da: {  	_ =	swait.ge @p3 [sflag:s5], $0x2000  }
0x3db: {  	[sflag:s5] =	ssyncset.done @p3 $0x0  }
0x3dc: {  	[sflag:s5] =	ssyncadd.s32 @p3 $0xFFFFE000  }
0x3dd: {  	v8 =	vld.idx.msk [tilespmem:v13+s16+$0x0], $0xffff  }
0x3de: {  	v13 =	vor.u32 s8, v2;
	_ =	sdelay $0x3  }
0x3df: {  	[tilespmem:v9+s18+$0x0] =	vst.idx.msk $0xffff, v8  }
0x3e0: {  	v8 =	vld.idx.msk [tilespmem:v13+s16+$0x0], $0xffff  }
0x3e1: {  	v9 =	vor.u32 s8, v4;
	_ =	sdelay $0x3  }
0x3e2: {  	[tilespmem:v10+s18+$0x0] =	vst.idx.msk $0xffff, v8  }
0x3e3: {  	v8 =	vld.idx.msk [tilespmem:v9+s16+$0x0], $0xffff  }
0x3e4: {  	v9 =	vor.u32 s8, v6;
	_ =	sdelay $0x3  }
0x3e5: {  	[tilespmem:v11+s18+$0x0] =	vst.idx.msk $0xffff, v8  }
0x3e6: {  	s4 =	smul.u32 $0xA, s4;
	v8 =	vld.idx.msk [tilespmem:v9+s16+$0x0], $0xffff  }
0x3e7: {  	s15 =	sshra.s32 s14, $0x7;
	s21 =	sand.u32 $0x7F, s19;
	s28 =	sshll.u32 s31, $0xD  }
0x3e8: {  	p1 =	sne.s32 s15, s10;
	s29 =	sor.u32 s21, s28;
	s4 =	ssub.s32 s6, s4  }
0x3e9: {  	s9 =	sadd.s32 @p1 $0xA, s4;
	s5 =	sadd.s32 @!p1 $0xA, s4;
	p0 =	slt.s32 @p1 s4, $0x0  }
0x3ea: {  	p3 =	slt.s32 s4, $0x0;
	s10 =	smov.u32 s4;
	p0 =	por !p0, !p1;
	v9 =	vor.u32 s29, v1  }
0x3eb: {  	s5 =	smov.u32 @p1 s9;
	s9 =	smov.u32 @p0 s4;
	s4 =	sadd.s32 @p2 $0x1, s11;
	[tilespmem:v12+s18+$0x0] =	vst.idx.msk $0xffff, v8  }
0x3ec: {  	_ =	swait.ge @p2 [sflag:s4], $0x2000  }
0x3ed: {  	s21 =	sadd.s32 $0x1, s25;
	[sflag:s4] =	ssyncset.done @p2 $0x0  }
0x3ee: {  	s25 =	sshll.u32 s21, $0x7;
	[sflag:s4] =	ssyncadd.s32 @p2 $0xFFFFE000  }
0x3ef: {  	v8 =	vor.u32 s25, v0;
	v9 =	vld.idx.msk [tilespmem:v9+s16+$0x0], $0xffff  }
0x3f0: {  	v10 =	vor.u32 s29, v2;
	_ =	sdelay $0x3  }
0x3f1: {  	[tilespmem:v8+s17+$0x0] =	vst.idx.msk $0xffff, v9  }
0x3f2: {  	v9 =	vor.u32 s25, v3;
	v10 =	vld.idx.msk [tilespmem:v10+s16+$0x0], $0xffff  }
0x3f3: {  	v11 =	vor.u32 s29, v4;
	_ =	sdelay $0x3  }
0x3f4: {  	[tilespmem:v9+s17+$0x0] =	vst.idx.msk $0xffff, v10  }
0x3f5: {  	v10 =	vor.u32 s25, v5;
	v11 =	vld.idx.msk [tilespmem:v11+s16+$0x0], $0xffff  }
0x3f6: {  	v12 =	vor.u32 s29, v6;
	_ =	sdelay $0x3  }
0x3f7: {  	[tilespmem:v10+s17+$0x0] =	vst.idx.msk $0xffff, v11  }
0x3f8: {  	v11 =	vor.u32 s25, v7;
	v12 =	vld.idx.msk [tilespmem:v12+s16+$0x0], $0xffff;
	_ =	sdelay $0x4  }
0x3f9: {  	s4 =	sadd.s32 @p1 $0x1, s9;
	[tilespmem:v11+s17+$0x0] =	vst.idx.msk $0xffff, v12  }
0x3fa: {  	s10 =	smov.u32 @p3 s5;
	_ =	swait.ge @p1 [sflag:s4], $0x2000  }
0x3fb: {  	s30 =	smov.u32 @p1 s10;
	s29 =	sld [smem:$0x7FB]  }
0x3fc: {  	s19 =	sand.u32 $0x7F, s14;
	s23 =	sxor.u32 $0xFF000000, s20;
	s20 =	sshll.u32 s30, $0xD  }
0x3fd: {  	s14 =	sor.u32 s19, s20  }
0x3fe: {  	v13 =	vor.u32 s14, v1;
	p0 =	seq.s32 s29, $0x1  }
.Ltmp2:
0x3ff: {  	_ = 	snop;
	(pc) =	sbr.rel @p0 .LBB2_6-.Ltmp2, $4  }
0x400: {  	_ = 	snop  }
0x401: {  	s7 =	simm.s32 $0x1;
	[sflag:s4] =	ssyncset.done @p1 $0x0  }
0x402: {  	s7 =	simm.s32 @!p1 $0x0;
	[sflag:s4] =	ssyncadd.s32 @p1 $0xFFFFE000  }
0x403: {  	s26 =	sxor.u32 $0xFF000000, s15;
	s24 =	sadd.s32 s7, s6;
	v12 =	vor.u32 s14, v2;
	v13 =	vld.idx.msk [tilespmem:v13+s16+$0x0], $0xffff  }
0x404: {  	_ =	sdelay $0x3  }
0x405: {  	[tilespmem:v8+s18+$0x0] =	vst.idx.msk $0xffff, v13  }
0x406: {  	v8 =	vld.idx.msk [tilespmem:v12+s16+$0x0], $0xffff  }
0x407: {  	v56 =	vor.u32 s14, v4;
	_ =	sdelay $0x3  }
0x408: {  	[tilespmem:v9+s18+$0x0] =	vst.idx.msk $0xffff, v8  }
0x409: {  	v8 =	vld.idx.msk [tilespmem:v56+s16+$0x0], $0xffff  }
0x40a: {  	v9 =	vor.u32 s14, v6;
	_ =	sdelay $0x3  }
0x40b: {  	[tilespmem:v10+s18+$0x0] =	vst.idx.msk $0xffff, v8  }
0x40c: {  	v8 =	vld.idx.msk [tilespmem:v9+s16+$0x0], $0xffff;
	_ =	sdelay $0x4  }
0x40d: {  	s0 =	rddreg [dreg:$0x5];
	s4 =	simm.s32 $0x80;
	s5 =	simm.s32 $0x500;
	[tilespmem:v11+s18+$0x0] =	vst.idx.msk $0xffff, v8  }
0x40e: {  	[hbm4b:s0+s4] =	stream.indirect.scatter [tilespmem:s17], [sflag:$0xB], $0x80, s5, s4, $0xb8;
	[tilespmem:$0x1C800] =	vst v63  }
0x40f: {  	s9 =	rddreg [dreg:$0x6];
	s10 =	simm.s32 $0x700;
	s11 =	simm.s32 $0xB  }
0x410: {  	[hbm4b:s9+s4] =	stream.indirect.scatter [tilespmem:s18], [sflag:$0xC], $0x80, s10, s4, $0xb8;
	[tilespmem:$0x1C800] =	vst v63  }
0x411: {  	_ =	swait.ge [sflag:s11], $0x4000  }
0x412: {  	[sflag:s11] =	ssyncset.done $0x0  }
0x413: {  	s12 =	simm.s32 $0xC;
	s0 =	simm.s32 $0xC1;
	[sflag:s11] =	ssyncadd.s32 $0xFFFFC000  }
0x414: {  	s14 =	smin.u32 s0, $0xFF;
	_ =	swait.ge [sflag:s12], $0x4000  }
0x415: {  	s4 =	sshll.u32 s14, $0x1;
	[sflag:s12] =	ssyncset.done $0x0  }
0x416: {  	s15 =	sand.u32 $0x1F0, s4;
	[sflag:s12] =	ssyncadd.s32 $0xFFFFC000  }
0x417: {  	v8 =	vld [tilespmem:s15+$0x200]  }
0x418: {  	v9 =	vld [tilespmem:s15+$0x0];
	_ =	sdelay $0x1  }
0x419: {  	s4 =	sand.u32 $0xE, s4  }
0x41a: {  	v10 =	vmov s4  }
0x41b: {  	vm2 =	veq.s32 v10, v0;
	v8 =	vxor.u32 $0x80000000, v8  }
0x41c: {  	v9 =	vxor.u32 $0x80000000, v9;
	v10 =	vnsel vm2, $0x80000000, v8  }
0x41d: {  	v11 =	vnsel vm2, $0x80000000, v9;
	(xrf0) =	vmax.scan.msk.u32 $0xffff, v10  }
0x41e: {  	(xrf0) =	vmax.scan.msk.u32 $0xffff, v11;
	_ =	sdelay $0x4  }
0x41f: {  	v10, _, _ =	vpop (xrf0)  }
0x420: {  	v11, _, _ =	vpop (xrf0);
	(v2sf) =	vpush v10, $0xF  }
0x421: {  	(v2sf) =	vpush v11, $0xF;
	_ =	sdelay $0xd  }
0x422: {  	s19 =	spop (v2sf)  }
0x423: {  	s4 =	sor.u32 $0x1, s4;
	s6 =	spop (v2sf)  }
0x424: {  	v10 =	vmov s4;
	s6 =	sshra.s32 s6, $0x7  }
0x425: {  	p0 =	por $0x0, $0x0;
	vm2 =	veq.s32 v10, v0;
	s7 =	sxor.u32 $0xFF000000, s6  }
0x426: {  	v8 =	vnsel vm2, $0x80000000, v8;
	s7 =	smov.u32 @p0 s3  }
0x427: {  	v9 =	vnsel vm2, $0x80000000, v9;
	(xrf0) =	vmax.scan.msk.u32 $0xffff, v8;
	p1 =	seq.s32 s7, s3  }
0x428: {  	(xrf0) =	vmax.scan.msk.u32 $0xffff, v9;
	s6 =	sshra.s32 @!p1 s22, $0x1F  }
0x429: {  	s4 =	smul.u32 @!p1 $0x66666667, s6  }
0x42a: {  	s6 =	smulhi.u32 @!p1 $0x66666667, s22;
	_ =	sdelay $0x1  }
0x42b: {  	s5 =	sshra.s32 s19, $0x7;
	s4 =	sadd.s32 @!p1 s4, s6  }
0x42c: {  	v8, _, _ =	vpop (xrf0);
	s25 =	sxor.u32 $0xFF000000, s5;
	s5 =	sshrl.u32 @!p1 s4, $0x1F;
	s4 =	sshra.s32 @!p1 s4, $0x2  }
0x42d: {  	v9, _, _ =	vpop (xrf0);
	(v2sf) =	vpush v8, $0xF;
	s4 =	sadd.s32 @!p1 s5, s4  }
0x42e: {  	(v2sf) =	vpush v9, $0xF;
	p2 =	sne.s32 s7, s3;
	s6 =	simm.s32 $0x1;
	s4 =	smul.u32 @!p1 $0xA, s4  }
0x42f: {  	s25 =	smov.u32 @p0 s13;
	s9 =	sshll.u32 @!p1 s7, $0x7;
	s6 =	simm.s32 @!p2 $0x0  }
0x430: {  	p2 =	seq.s32 s25, s13;
	s5 =	sadd.s32 s6, s22;
	s4 =	ssub.s32 @!p1 s22, s4  }
0x431: {  	s6 =	smulhi.u32 @!p2 $0x66666667, s5;
	s8 =	sshra.s32 @!p2 s5, $0x1F;
	p3 =	slt.s32 @!p1 s4, $0x0  }
0x432: {  	s8 =	smul.u32 @!p2 $0x66666667, s8;
	s10 =	sadd.s32 @!p1 $0xA, s4;
	p3 =	por !p3, p1  }
0x433: {  	s9 =	sand.u32 @!p1 $0x1FFFFF80, s9;
	s10 =	smov.u32 @p3 s4  }
0x434: {  	s6 =	sadd.s32 @!p2 s8, s6;
	s4 =	sadd.s32 @!p1 s1, s9;
	s9 =	sshll.u32 @!p1 s10, $0xF  }
0x435: {  	s8 =	sshra.s32 @!p1 s9, $0x2;
	s9 =	sshrl.u32 @!p2 s6, $0x1F;
	s6 =	sshra.s32 @!p2 s6, $0x2  }
0x436: {  	s11 =	simm.s32 @!p1 $0x7A1400;
	s10 =	sadd.s32 @!p1 $0x1, s10;
	s6 =	sadd.s32 @!p2 s9, s6  }
0x437: {  	s8 =	sor.u32 @!p1 $0x800, s8;
	s9 =	simm.s32 @!p1 $0x400;
	s6 =	smul.u32 @!p2 $0xA, s6  }
0x438: {  	[tilespmem:s8], [sflag:s10] =	stream.strided.gather @!p1 [hbm4b:s4+s9], $0x2000, s11, s9, $0x38;
	[tilespmem:$0x1C800] =	vst v63  }
0x439: {  	s4 =	ssub.s32 @!p2 s5, s6  }
0x43a: {  	p1 =	slt.s32 @!p2 s4, $0x0  }
0x43b: {  	s6 =	sadd.s32 @!p2 $0xA, s4;
	p1 =	por !p1, p2  }
0x43c: {  	s20 =	spop (v2sf);
	s8 =	sshll.u32 @!p2 s25, $0x7;
	s6 =	smov.u32 @p1 s4  }
0x43d: {  	s21 =	spop (v2sf);
	s4 =	sand.u32 @!p2 $0x1FFFFF80, s8;
	s8 =	sshll.u32 @!p2 s6, $0xF  }
0x43e: {  	s9 =	simm.s32 @!p2 $0x7A1400;
	s10 =	simm.s32 @!p2 $0x400;
	s8 =	sshra.s32 @!p2 s8, $0x2  }
0x43f: {  	s4 =	sadd.s32 @!p2 s2, s4;
	s6 =	sadd.s32 @!p2 $0x1, s6;
	s8 =	sor.u32 @!p2 $0x800, s8  }
0x440: {  	[tilespmem:s8], [sflag:s6] =	stream.strided.gather @!p2 [hbm4b:s4+s10], $0x2000, s9, s10, $0x38;
	[tilespmem:$0x1C800] =	vst v63  }
0x441: {  	s6 =	sshra.s32 s21, $0x7  }
0x442: {  	p2 =	sne.s32 s25, s13;
	s8 =	sxor.u32 $0xFF000000, s6;
	s6 =	simm.s32 $0x1  }
0x443: {  	s22 =	sshra.s32 s20, $0x7;
	s8 =	smov.u32 @p0 s3;
	s6 =	simm.s32 @!p2 $0x0  }
0x444: {  	s3 =	sxor.u32 $0xFF000000, s22;
	p3 =	sne.s32 s8, s7;
	p1 =	seq.s32 s8, s7  }
0x445: {  	s4 =	sadd.s32 s6, s5;
	s5 =	simm.s32 $0x1;
	s3 =	smov.u32 @p0 s13  }
0x446: {  	s5 =	simm.s32 @!p3 $0x0;
	s6 =	sshra.s32 @!p1 s4, $0x1F;
	s7 =	smulhi.u32 @!p1 $0x66666667, s4  }
0x447: {  	p0 =	seq.s32 s3, s25;
	s13 =	sadd.s32 s5, s4;
	s5 =	smul.u32 @!p1 $0x66666667, s6  }
0x448: {  	s6 =	sshra.s32 @!p0 s13, $0x1F;
	s9 =	smulhi.u32 @!p0 $0x66666667, s13  }
0x449: {  	s6 =	smul.u32 @!p0 $0x66666667, s6;
	s5 =	sadd.s32 @!p1 s5, s7  }
0x44a: {  	s7 =	sshra.s32 @!p1 s5, $0x2;
	s5 =	sshrl.u32 @!p1 s5, $0x1F  }
0x44b: {  	s6 =	sadd.s32 @!p0 s6, s9;
	s5 =	sadd.s32 @!p1 s5, s7  }
0x44c: {  	s7 =	sshrl.u32 @!p0 s6, $0x1F;
	s6 =	sshra.s32 @!p0 s6, $0x2;
	s5 =	smul.u32 @!p1 $0xA, s5  }
0x44d: {  	s6 =	sadd.s32 @!p0 s7, s6  }
0x44e: {  	s7 =	sshll.u32 @!p1 s8, $0x7;
	s6 =	smul.u32 @!p0 $0xA, s6;
	s4 =	ssub.s32 @!p1 s4, s5  }
0x44f: {  	s29 =	simm.s32 $0x180;
	s5 =	sand.u32 @!p1 $0x1FFFFF80, s7;
	p2 =	slt.s32 @!p1 s4, $0x0  }
0x450: {  	s7 =	sadd.s32 @!p1 $0xA, s4;
	s6 =	ssub.s32 @!p0 s13, s6;
	p2 =	por !p2, p1  }
0x451: {  	s10 =	simm.s32 @!p1 $0x7A1400;
	p3 =	slt.s32 @!p0 s6, $0x0;
	s7 =	smov.u32 @p2 s4  }
0x452: {  	s4 =	sadd.s32 @!p0 $0xA, s6;
	p2 =	por !p3, p0;
	s9 =	sshll.u32 @!p1 s7, $0xF  }
0x453: {  	s4 =	smov.u32 @p2 s6;
	s6 =	sadd.s32 @!p1 $0x1, s7;
	s7 =	sshra.s32 @!p1 s9, $0x2  }
0x454: {  	s5 =	sadd.s32 @!p1 s1, s5;
	s9 =	simm.s32 @!p1 $0x400;
	s7 =	sor.u32 @!p1 $0x800, s7  }
0x455: {  	[tilespmem:s7], [sflag:s6] =	stream.strided.gather @!p1 [hbm4b:s5+s9], $0x2000, s10, s9, $0x38;
	[tilespmem:$0x1C800] =	vst v63  }
0x456: {  	s5 =	sshll.u32 @!p0 s3, $0x7;
	s6 =	sshll.u32 @!p0 s4, $0xF;
	s4 =	sadd.s32 @!p0 $0x1, s4  }
0x457: {  	s7 =	simm.s32 @!p0 $0x400;
	s5 =	sand.u32 @!p0 $0x1FFFFF80, s5;
	s6 =	sshra.s32 @!p0 s6, $0x2  }
0x458: {  	s9 =	simm.s32 @!p0 $0x7A1400;
	s5 =	sadd.s32 @!p0 s2, s5;
	s6 =	sor.u32 @!p0 $0x800, s6  }
0x459: {  	[tilespmem:s6], [sflag:s4] =	stream.strided.gather @!p0 [hbm4b:s5+s7], $0x2000, s9, s7, $0x38;
	[tilespmem:$0x1C800] =	vst v63  }
0x45a: {  	s7 =	sand.u32 $0x1F0, s29  }
0x45b: {  	v8 =	vld [tilespmem:s7+$0x0];
	_ =	sdelay $0x2  }
0x45c: {  	s9 =	sand.u32 $0xE, s29  }
0x45d: {  	v9 =	vmov s9  }
0x45e: {  	vm2 =	veq.s32 v9, v0;
	v8 =	vxor.u32 $0x80000000, v8  }
0x45f: {  	v9 =	vnsel vm2, $0x80000000, v8  }
0x460: {  	(xrf0) =	vmax.scan.msk.u32 $0xffff, v9;
	_ =	sdelay $0x2  }
0x461: {  	v9 =	vld [tilespmem:s7+$0x200];
	_ =	sdelay $0x2  }
0x462: {  	v10, _, _ =	vpop (xrf0)  }
0x463: {  	s10 =	sor.u32 $0x1, s9;
	(v2sf) =	vpush v10, $0xF  }
0x464: {  	v9 =	vxor.u32 $0x80000000, v9;
	v10 =	vmov s10  }
0x465: {  	vm3 =	veq.s32 v10, v0;
	v10 =	vnsel vm2, $0x80000000, v9  }
0x466: {  	v9 =	vnsel vm3, $0x80000000, v9;
	(xrf0) =	vmax.scan.msk.u32 $0xffff, v10  }
0x467: {  	(xrf0) =	vmax.scan.msk.u32 $0xffff, v9;
	_ =	sdelay $0x4  }
0x468: {  	v9, _, _ =	vpop (xrf0)  }
0x469: {  	s12 =	sshra.s32 s24, $0x1F;
	s11 =	smulhi.u32 $0x66666667, s24;
	(v2sf) =	vpush v9, $0xF;
	v9, _, _ =	vpop (xrf0)  }
0x46a: {  	s5 =	smul.u32 $0x66666667, s12;
	(v2sf) =	vpush v9, $0xF;
	_ =	sdelay $0x1  }
0x46b: {  	s4 =	sadd.s32 s5, s11  }
0x46c: {  	s5 =	sshrl.u32 s4, $0x1F;
	s4 =	sshra.s32 s4, $0x2  }
0x46d: {  	s4 =	sadd.s32 s5, s4;
	s14 =	spop (v2sf)  }
0x46e: {  	s4 =	smul.u32 $0xA, s4;
	s9 =	sshra.s32 s14, $0x7  }
0x46f: {  	s15 =	sxor.u32 s23, s9  }
0x470: {  	s4 =	ssub.s32 s24, s4;
	p0 =	sne.s32 s15, $0xFF000000  }
0x471: {  	v8 =	vnsel vm3, $0x80000000, v8;
	s6 =	sadd.s32 @p0 $0xA, s4;
	s7 =	sadd.s32 @!p0 $0xA, s4;
	p1 =	slt.s32 @p0 s4, $0x0  }
0x472: {  	p2 =	slt.s32 s4, $0x0;
	(xrf0) =	vmax.scan.msk.u32 $0xffff, v8;
	s7 =	smov.u32 @p0 s6;
	p1 =	por !p1, !p0  }
0x473: {  	s6 =	smov.u32 @p1 s4;
	s4 =	smov.u32 @p2 s7  }
0x474: {  	s31 =	smov.u32 @p0 s4  }
0x475: {  	s19 =	sand.u32 $0x7F, s14;
	s20 =	sshll.u32 s31, $0xD  }
0x476: {  	s4 =	sor.u32 s19, s20  }
0x477: {  	s21 =	spop (v2sf);
	v8 =	vor.u32 s4, v1  }
0x478: {  	v9, _, _ =	vpop (xrf0);
	s6 =	sadd.s32 @p0 $0x1, s6;
	s14 =	spop (v2sf)  }
0x479: {  	_ =	swait.ge @p0 [sflag:s6], $0x2000  }
0x47a: {  	[sflag:s6] =	ssyncset.done @p0 $0x0  }
0x47b: {  	s22 =	simm.s32 $0x0;
	[sflag:s6] =	ssyncadd.s32 @p0 $0xFFFFE000  }
0x47c: {  	v10 =	vor.u32 s22, v0;
	v8 =	vld.idx.msk [tilespmem:v8+s16+$0x0], $0xffff  }
0x47d: {  	v11 =	vor.u32 s4, v2;
	_ =	sdelay $0x2  }
0x47e: {  	s7 =	simm.s32 $0x1  }
0x47f: {  	s7 =	simm.s32 @!p0 $0x0;
	[tilespmem:v10+s17+$0x0] =	vst.idx.msk $0xffff, v8  }
0x480: {  	s7 =	sadd.s32 s7, s24;
	v8 =	vld.idx.msk [tilespmem:v11+s16+$0x0], $0xffff;
	v11 =	vor.u32 s22, v3  }
0x481: {  	s23 =	sshra.s32 s7, $0x1F;
	s24 =	smulhi.u32 $0x66666667, s7;
	v57 =	vor.u32 s4, v4  }
0x482: {  	s10 =	smul.u32 $0x66666667, s23;
	(v2sf) =	vpush v9, $0xF;
	_ =	sdelay $0x1  }
0x483: {  	s10 =	sadd.s32 s10, s24  }
0x484: {  	s11 =	sshrl.u32 s10, $0x1F;
	s10 =	sshra.s32 s10, $0x2;
	[tilespmem:v11+s17+$0x0] =	vst.idx.msk $0xffff, v8  }
0x485: {  	v9 =	vor.u32 s22, v5;
	s11 =	sadd.s32 s11, s10;
	v8 =	vld.idx.msk [tilespmem:v57+s16+$0x0], $0xffff  }
0x486: {  	s29 =	sshra.s32 s21, $0x7;
	v58 =	vor.u32 s4, v6;
	s11 =	smul.u32 $0xA, s11  }
0x487: {  	s12 =	sxor.u32 s26, s29  }
0x488: {  	p0 =	sne.s32 s12, $0xFF000000;
	s4 =	ssub.s32 s7, s11  }
0x489: {  	p1 =	slt.s32 @p0 s4, $0x0;
	s11 =	sadd.s32 @p0 $0xA, s4;
	s12 =	sadd.s32 @!p0 $0xA, s4  }
0x48a: {  	p2 =	slt.s32 s4, $0x0;
	p1 =	por !p1, !p0;
	s12 =	smov.u32 @p0 s11;
	[tilespmem:v9+s17+$0x0] =	vst.idx.msk $0xffff, v8  }
0x48b: {  	v59 =	vor.u32 s22, v7;
	s11 =	smov.u32 @p1 s4;
	s4 =	smov.u32 @p2 s12;
	v8 =	vld.idx.msk [tilespmem:v58+s16+$0x0], $0xffff  }
0x48c: {  	s30 =	smov.u32 @p0 s4  }
0x48d: {  	s5 =	sand.u32 $0x7F, s21;
	s6 =	sshll.u32 s30, $0xD  }
0x48e: {  	s4 =	sor.u32 s5, s6  }
0x48f: {  	v60 =	vor.u32 s4, v1  }
0x490: {  	s6 =	sadd.s32 @p0 $0x1, s11;
	s12 =	spop (v2sf);
	[tilespmem:v59+s17+$0x0] =	vst.idx.msk $0xffff, v8  }
0x491: {  	_ =	swait.ge @p0 [sflag:s6], $0x2000  }
0x492: {  	[sflag:s6] =	ssyncset.done @p0 $0x0  }
0x493: {  	[sflag:s6] =	ssyncadd.s32 @p0 $0xFFFFE000  }
0x494: {  	v8 =	vld.idx.msk [tilespmem:v60+s16+$0x0], $0xffff  }
0x495: {  	v61 =	vor.u32 s4, v2;
	_ =	sdelay $0x2  }
0x496: {  	s6 =	simm.s32 $0x1  }
0x497: {  	s6 =	simm.s32 @!p0 $0x0;
	[tilespmem:v10+s18+$0x0] =	vst.idx.msk $0xffff, v8  }
0x498: {  	s6 =	sadd.s32 s6, s7;
	v8 =	vld.idx.msk [tilespmem:v61+s16+$0x0], $0xffff  }
0x499: {  	s7 =	sshra.s32 s6, $0x1F;
	s15 =	smulhi.u32 $0x66666667, s6;
	v10 =	vor.u32 s4, v4  }
0x49a: {  	s7 =	smul.u32 $0x66666667, s7;
	_ =	sdelay $0x1  }
0x49b: {  	s7 =	sadd.s32 s7, s15  }
0x49c: {  	s11 =	sshrl.u32 s7, $0x1F;
	s7 =	sshra.s32 s7, $0x2;
	[tilespmem:v11+s18+$0x0] =	vst.idx.msk $0xffff, v8  }
0x49d: {  	s7 =	sadd.s32 s11, s7;
	v8 =	vld.idx.msk [tilespmem:v10+s16+$0x0], $0xffff  }
0x49e: {  	s11 =	smul.u32 $0xA, s7;
	v10 =	vor.u32 s4, v6  }
0x49f: {  	s19 =	sshra.s32 s12, $0x7  }
0x4a0: {  	p0 =	sne.s32 s19, s9;
	s4 =	ssub.s32 s6, s11  }
0x4a1: {  	p1 =	slt.s32 @p0 s4, $0x0;
	s9 =	sadd.s32 @p0 $0xA, s4;
	s11 =	sadd.s32 @!p0 $0xA, s4  }
0x4a2: {  	p2 =	slt.s32 s4, $0x0;
	p1 =	por !p1, !p0;
	s11 =	smov.u32 @p0 s9;
	[tilespmem:v9+s18+$0x0] =	vst.idx.msk $0xffff, v8  }
0x4a3: {  	s9 =	smov.u32 @p1 s4;
	s4 =	smov.u32 @p2 s11;
	v8 =	vld.idx.msk [tilespmem:v10+s16+$0x0], $0xffff  }
0x4a4: {  	s31 =	smov.u32 @p0 s4  }
0x4a5: {  	s20 =	sand.u32 $0x7F, s12;
	s21 =	sshll.u32 s31, $0xD  }
0x4a6: {  	s4 =	sor.u32 s20, s21  }
0x4a7: {  	v9 =	vor.u32 s4, v1  }
0x4a8: {  	s5 =	sadd.s32 @p0 $0x1, s9;
	[tilespmem:v59+s18+$0x0] =	vst.idx.msk $0xffff, v8  }
0x4a9: {  	_ =	swait.ge @p0 [sflag:s5], $0x2000  }
0x4aa: {  	[sflag:s5] =	ssyncset.done @p0 $0x0  }
0x4ab: {  	s22 =	simm.s32 $0x80;
	[sflag:s5] =	ssyncadd.s32 @p0 $0xFFFFE000  }
0x4ac: {  	v62 =	vor.u32 s22, v0;
	v8 =	vld.idx.msk [tilespmem:v9+s16+$0x0], $0xffff  }
0x4ad: {  	v9 =	vor.u32 s4, v2;
	_ =	sdelay $0x2  }
0x4ae: {  	s9 =	simm.s32 $0x1  }
0x4af: {  	s9 =	simm.s32 @!p0 $0x0;
	[tilespmem:v62+s17+$0x0] =	vst.idx.msk $0xffff, v8  }
0x4b0: {  	s6 =	sadd.s32 s9, s6;
	v8 =	vor.u32 s22, v3;
	v9 =	vld.idx.msk [tilespmem:v9+s16+$0x0], $0xffff  }
0x4b1: {  	s9 =	smulhi.u32 $0x66666667, s6;
	s23 =	sshra.s32 s6, $0x1F;
	v10 =	vor.u32 s4, v4  }
0x4b2: {  	s11 =	smul.u32 $0x66666667, s23;
	_ =	sdelay $0x1  }
0x4b3: {  	s9 =	sadd.s32 s11, s9  }
0x4b4: {  	s11 =	sshrl.u32 s9, $0x1F;
	s9 =	sshra.s32 s9, $0x2;
	[tilespmem:v8+s17+$0x0] =	vst.idx.msk $0xffff, v9  }
0x4b5: {  	s9 =	sadd.s32 s11, s9;
	v9 =	vor.u32 s22, v5;
	v10 =	vld.idx.msk [tilespmem:v10+s16+$0x0], $0xffff  }
0x4b6: {  	v11 =	vor.u32 s4, v6;
	s9 =	smul.u32 $0xA, s9  }
0x4b7: {  	s24 =	sshra.s32 s14, $0x7  }
0x4b8: {  	p0 =	sne.s32 s24, s29;
	s9 =	ssub.s32 s6, s9  }
0x4b9: {  	s10 =	sadd.s32 @p0 $0xA, s9;
	s11 =	sadd.s32 @!p0 $0xA, s9  }
0x4ba: {  	p1 =	slt.s32 s9, $0x0;
	s12 =	smov.u32 s9;
	s11 =	smov.u32 @p0 s10;
	[tilespmem:v9+s17+$0x0] =	vst.idx.msk $0xffff, v10  }
0x4bb: {  	s12 =	smov.u32 @p1 s11;
	v10 =	vor.u32 s22, v7;
	v11 =	vld.idx.msk [tilespmem:v11+s16+$0x0], $0xffff  }
0x4bc: {  	s30 =	smov.u32 @p0 s12  }
0x4bd: {  	s26 =	sand.u32 $0x7F, s14;
	p1 =	slt.s32 @p0 s9, $0x0;
	s29 =	sshll.u32 s30, $0xD  }
0x4be: {  	p1 =	por !p1, !p0;
	s14 =	sor.u32 s26, s29  }
0x4bf: {  	s10 =	smov.u32 @p1 s9;
	v63 =	vor.u32 s14, v1  }
0x4c0: {  	s5 =	sadd.s32 @p0 $0x1, s10;
	[tilespmem:v10+s17+$0x0] =	vst.idx.msk $0xffff, v11  }
0x4c1: {  	_ =	swait.ge @p0 [sflag:s5], $0x2000  }
0x4c2: {  	[sflag:s5] =	ssyncset.done @p0 $0x0  }
0x4c3: {  	[sflag:s5] =	ssyncadd.s32 @p0 $0xFFFFE000  }
0x4c4: {  	v13 =	vld.idx.msk [tilespmem:v63+s16+$0x0], $0xffff;
	_ =	sdelay $0x1  }
0x4c5: {  	s23 =	sxor.u32 $0xFF000000, s24;
	v11 =	vor.u32 s14, v2  }
0x4c6: {  	p1 =	sne.s32 s3, s25;
	s9 =	simm.s32 $0x1;
	s5 =	simm.s32 $0x1  }
0x4c7: {  	s9 =	simm.s32 @!p0 $0x0;
	s26 =	sxor.u32 $0xFF000000, s19;
	s5 =	simm.s32 @!p1 $0x0  }
0x4c8: {  	s28 =	sadd.s32 s9, s6;
	s25 =	sadd.s32 s5, s13;
	s13 =	simm.s32 $0x2;
	[tilespmem:v62+s18+$0x0] =	vst.idx.msk $0xffff, v13  }
.LBB2_8:
0x4c9: {  	s22 =	smov.u32 s8;
	s15 =	smov.u32 s3  }
0x4ca: {  	s0 =	sadd.s32 $0x1, s0;
	s24 =	smov.u32 s13;
	s13 =	sadd.s32 $0x2, s13;
	v11 =	vld.idx.msk [tilespmem:v11+s16+$0x0], $0xffff  }
0x4cb: {  	p0 =	sne.s32 s13, $0x80  }
0x4cc: {  	v12 =	vor.u32 s14, v4;
	_ =	sdelay $0x3  }
0x4cd: {  	[tilespmem:v8+s18+$0x0] =	vst.idx.msk $0xffff, v11  }
0x4ce: {  	v8 =	vld.idx.msk [tilespmem:v12+s16+$0x0], $0xffff;
	_ =	sdelay $0x1  }
0x4cf: {  	v11 =	vor.u32 s14, v6;
	_ =	sdelay $0x3  }
0x4d0: {  	[tilespmem:v9+s18+$0x0] =	vst.idx.msk $0xffff, v8  }
0x4d1: {  	v8 =	vld.idx.msk [tilespmem:v11+s16+$0x0], $0xffff;
	_ =	sdelay $0x2  }
0x4d2: {  	s3 =	smin.u32 s0, $0xFF  }
0x4d3: {  	s3 =	sshll.u32 s3, $0x1  }
0x4d4: {  	s4 =	sand.u32 $0x1F0, s3;
	s3 =	sand.u32 $0xE, s3  }
0x4d5: {  	v9 =	vmov s3;
	s3 =	sor.u32 $0x1, s3;
	[tilespmem:v10+s18+$0x0] =	vst.idx.msk $0xffff, v8  }
0x4d6: {  	v8 =	vmov s3;
	v10 =	vld [tilespmem:s4+$0x200]  }
0x4d7: {  	v11 =	vld [tilespmem:s4+$0x0];
	_ =	sdelay $0x2  }
0x4d8: {  	vm2 =	veq.s32 v9, v0;
	vm3 =	veq.s32 v8, v0  }
0x4d9: {  	v8 =	vxor.u32 $0x80000000, v10  }
0x4da: {  	v9 =	vxor.u32 $0x80000000, v11;
	v10 =	vnsel vm2, $0x80000000, v8;
	v8 =	vnsel vm3, $0x80000000, v8  }
0x4db: {  	v11 =	vnsel vm2, $0x80000000, v9;
	v9 =	vnsel vm3, $0x80000000, v9;
	(xrf0) =	vmax.scan.msk.u32 $0xffff, v10  }
0x4dc: {  	(xrf0) =	vmax.scan.msk.u32 $0xffff, v11  }
0x4dd: {  	(xrf0) =	vmax.scan.msk.u32 $0xffff, v8  }
0x4de: {  	(xrf0) =	vmax.scan.msk.u32 $0xffff, v9;
	_ =	sdelay $0x2  }
0x4df: {  	v8, _, _ =	vpop (xrf0)  }
0x4e0: {  	v9, _, _ =	vpop (xrf0);
	(v2sf) =	vpush v8, $0xF  }
0x4e1: {  	(v2sf) =	vpush v9, $0xF;
	v8, _, _ =	vpop (xrf0)  }
0x4e2: {  	v9, _, _ =	vpop (xrf0);
	(v2sf) =	vpush v8, $0xF  }
0x4e3: {  	(v2sf) =	vpush v9, $0xF;
	_ =	sdelay $0xb  }
0x4e4: {  	p3 =	seq.s32 s24, $0x7E;
	s3 =	spop (v2sf)  }
0x4e5: {  	s9 =	simm.s32 $0x1;
	s4 =	spop (v2sf)  }
0x4e6: {  	s12 =	simm.s32 $0x1;
	s3 =	sshra.s32 s3, $0x7;
	s4 =	sshra.s32 s4, $0x7  }
0x4e7: {  	s14 =	sxor.u32 $0xFF000000, s3;
	s3 =	spop (v2sf);
	s4 =	sxor.u32 $0xFF000000, s4  }
0x4e8: {  	s14 =	smov.u32 @p3 s15;
	s5 =	spop (v2sf);
	s4 =	smov.u32 @p3 s8  }
0x4e9: {  	p5 =	sne.s32 s14, s15;
	s5 =	sshra.s32 s5, $0x7;
	p4 =	seq.s32 s4, s8  }
0x4ea: {  	p1 =	sne.s32 s4, s8;
	s8 =	sxor.u32 $0xFF000000, s5;
	s5 =	simm.s32 $0x1  }
0x4eb: {  	s5 =	simm.s32 @!p1 $0x0;
	s6 =	sshra.s32 @!p4 s25, $0x1F;
	s8 =	smov.u32 @p3 s22  }
0x4ec: {  	s6 =	smul.u32 @!p4 $0x66666667, s6;
	s7 =	sadd.s32 s5, s25;
	p6 =	sne.s32 s8, s4  }
0x4ed: {  	s3 =	sshra.s32 s3, $0x7;
	p2 =	seq.s32 s14, s15;
	p1 =	seq.s32 s8, s4  }
0x4ee: {  	s3 =	sxor.u32 $0xFF000000, s3;
	s5 =	smulhi.u32 @!p2 $0x66666667, s7;
	s11 =	sshra.s32 @!p2 s7, $0x1F  }
0x4ef: {  	s9 =	simm.s32 @!p5 $0x0;
	s10 =	smulhi.u32 @!p4 $0x66666667, s25;
	s4 =	sshll.u32 @!p4 s4, $0x7  }
0x4f0: {  	s3 =	smov.u32 @p3 s15;
	s9 =	sadd.s32 s9, s7;
	s12 =	simm.s32 @!p6 $0x0  }
0x4f1: {  	p3 =	seq.s32 s3, s14;
	s6 =	sadd.s32 @!p4 s6, s10;
	s10 =	sshra.s32 @!p1 s9, $0x1F  }
0x4f2: {  	s15 =	sadd.s32 s12, s9;
	s19 =	sshrl.u32 @!p4 s6, $0x1F;
	s6 =	sshra.s32 @!p4 s6, $0x2  }
0x4f3: {  	s12 =	smul.u32 @!p1 $0x66666667, s10;
	s10 =	sshra.s32 @!p3 s15, $0x1F;
	s6 =	sadd.s32 @!p4 s19, s6  }
0x4f4: {  	s4 =	sand.u32 @!p4 $0x1FFFFF80, s4;
	s19 =	sshll.u32 @!p2 s14, $0x7;
	s6 =	smul.u32 @!p4 $0xA, s6  }
0x4f5: {  	s4 =	sadd.s32 @!p4 s1, s4;
	s20 =	smul.u32 @!p3 $0x66666667, s10;
	s19 =	sand.u32 @!p2 $0x1FFFFF80, s19  }
0x4f6: {  	s10 =	sadd.s32 @!p2 s2, s19;
	s19 =	smulhi.u32 @!p3 $0x66666667, s15;
	s6 =	ssub.s32 @!p4 s25, s6  }
0x4f7: {  	s22 =	smulhi.u32 @!p1 $0x66666667, s9;
	p5 =	slt.s32 @!p4 s6, $0x0;
	s21 =	sadd.s32 @!p4 $0xA, s6  }
0x4f8: {  	s19 =	sadd.s32 @!p3 s20, s19;
	s20 =	sshll.u32 @!p3 s3, $0x7;
	p5 =	por !p5, p4  }
0x4f9: {  	s21 =	smov.u32 @p5 s6;
	s6 =	smul.u32 @!p2 $0x66666667, s11;
	s11 =	sadd.s32 @!p1 s12, s22  }
0x4fa: {  	s12 =	sshll.u32 @!p4 s21, $0xF;
	s21 =	sadd.s32 @!p4 $0x1, s21;
	s22 =	sshra.s32 @!p1 s11, $0x2  }
0x4fb: {  	s12 =	sshra.s32 @!p4 s12, $0x2;
	s5 =	sadd.s32 @!p2 s6, s5;
	s6 =	sshrl.u32 @!p3 s19, $0x1F  }
0x4fc: {  	s12 =	sor.u32 @!p4 $0x800, s12;
	s25 =	sshrl.u32 @!p2 s5, $0x1F;
	s5 =	sshra.s32 @!p2 s5, $0x2  }
0x4fd: {  	s20 =	sand.u32 @!p3 $0x1FFFFF80, s20;
	s11 =	sshrl.u32 @!p1 s11, $0x1F;
	s19 =	sshra.s32 @!p3 s19, $0x2  }
0x4fe: {  	s6 =	sadd.s32 @!p3 s6, s19;
	s5 =	sadd.s32 @!p2 s25, s5;
	s25 =	sshll.u32 @!p1 s8, $0x7  }
0x4ff: {  	s29 =	simm.s32 @!p4 $0x7A1400;
	s19 =	simm.s32 @!p4 $0x400;
	s5 =	smul.u32 @!p2 $0xA, s5  }
0x500: {  	[tilespmem:s12], [sflag:s21] =	stream.strided.gather @!p4 [hbm4b:s4+s19], $0x2000, s29, s19, $0x38;
	[tilespmem:$0x1C800] =	vst v63  }
0x501: {  	s6 =	smul.u32 @!p3 $0xA, s6;
	s4 =	ssub.s32 @!p2 s7, s5;
	s5 =	simm.s32 @!p2 $0x7A1400  }
0x502: {  	s12 =	sand.u32 @!p1 $0x1FFFFF80, s25;
	p4 =	slt.s32 @!p2 s4, $0x0;
	s7 =	sadd.s32 @!p2 $0xA, s4  }
0x503: {  	s11 =	sadd.s32 @!p1 s11, s22;
	s6 =	ssub.s32 @!p3 s15, s6;
	p4 =	por !p4, p2  }
0x504: {  	s7 =	smov.u32 @p4 s4;
	s4 =	smul.u32 @!p1 $0xA, s11;
	p4 =	slt.s32 @!p3 s6, $0x0  }
0x505: {  	s12 =	sadd.s32 @!p1 s1, s12;
	s11 =	sshll.u32 @!p2 s7, $0xF;
	s7 =	sadd.s32 @!p2 $0x1, s7  }
0x506: {  	s11 =	sshra.s32 @!p2 s11, $0x2;
	s4 =	ssub.s32 @!p1 s9, s4;
	s9 =	sadd.s32 @!p3 $0xA, s6  }
0x507: {  	p6 =	por !p4, p3;
	s11 =	sor.u32 @!p2 $0x800, s11;
	p5 =	slt.s32 @!p1 s4, $0x0  }
0x508: {  	p4 =	sne.s32 s3, s14;
	s19 =	sadd.s32 @!p1 $0xA, s4  }
0x509: {  	s9 =	smov.u32 @p6 s6;
	s6 =	sadd.s32 @!p3 s2, s20;
	p5 =	por !p5, p1  }
0x50a: {  	s19 =	smov.u32 @p5 s4;
	s4 =	sshll.u32 @!p3 s9, $0xF;
	s9 =	sadd.s32 @!p3 $0x1, s9  }
0x50b: {  	s14 =	sshll.u32 @!p1 s19, $0xF;
	s19 =	sadd.s32 @!p1 $0x1, s19;
	s4 =	sshra.s32 @!p3 s4, $0x2  }
0x50c: {  	s20 =	simm.s32 @!p2 $0x400;
	s14 =	sshra.s32 @!p1 s14, $0x2;
	s4 =	sor.u32 @!p3 $0x800, s4  }
0x50d: {  	[tilespmem:s11], [sflag:s7] =	stream.strided.gather @!p2 [hbm4b:s10+s20], $0x2000, s5, s20, $0x38;
	[tilespmem:$0x1C800] =	vst v63  }
0x50e: {  	s5 =	sor.u32 @!p1 $0x800, s14;
	s7 =	simm.s32 @!p1 $0x400;
	s10 =	simm.s32 @!p1 $0x7A1400  }
0x50f: {  	s11 =	simm.s32 @!p3 $0x400;
	s14 =	simm.s32 @!p3 $0x7A1400;
	s20 =	sadd.s32 $0x180, s24  }
0x510: {  	[tilespmem:s5], [sflag:s19] =	stream.strided.gather @!p1 [hbm4b:s12+s7], $0x2000, s10, s7, $0x38;
	[tilespmem:$0x1C800] =	vst v63  }
0x511: {  	s5 =	simm.s32 $0x1  }
0x512: {  	s7 =	sand.u32 $0x1F0, s20;
	s10 =	sand.u32 $0xE, s20;
	s5 =	simm.s32 @!p4 $0x0  }
0x513: {  	v8 =	vmov s10;
	[tilespmem:s4], [sflag:s9] =	stream.strided.gather @!p3 [hbm4b:s6+s11], $0x2000, s14, s11, $0x38;
	[tilespmem:$0x1C800] =	vst v63  }
0x514: {  	s25 =	sadd.s32 s5, s15;
	v9 =	vld [tilespmem:s7+$0x0]  }
0x515: {  	v10 =	vld [tilespmem:s7+$0x200]  }
0x516: {  	s4 =	sor.u32 $0x1, s10  }
0x517: {  	vm2 =	veq.s32 v8, v0;
	v8 =	vmov s4  }
0x518: {  	vm3 =	veq.s32 v8, v0  }
0x519: {  	v8 =	vxor.u32 $0x80000000, v9  }
0x51a: {  	v9 =	vnsel vm2, $0x80000000, v8;
	v8 =	vnsel vm3, $0x80000000, v8;
	v10 =	vxor.u32 $0x80000000, v10  }
0x51b: {  	v11 =	vnsel vm2, $0x80000000, v10;
	v10 =	vnsel vm3, $0x80000000, v10;
	(xrf0) =	vmax.scan.msk.u32 $0xffff, v9  }
0x51c: {  	(xrf0) =	vmax.scan.msk.u32 $0xffff, v11  }
0x51d: {  	(xrf0) =	vmax.scan.msk.u32 $0xffff, v10;
	_ =	sdelay $0x3  }
0x51e: {  	v9, _, _ =	vpop (xrf0)  }
0x51f: {  	(v2sf) =	vpush v9, $0xF;
	v9, _, _ =	vpop (xrf0)  }
0x520: {  	(v2sf) =	vpush v9, $0xF;
	v9, _, _ =	vpop (xrf0)  }
0x521: {  	(v2sf) =	vpush v9, $0xF;
	_ =	sdelay $0x5  }
0x522: {  	s5 =	sshra.s32 s28, $0x1F;
	s4 =	smulhi.u32 $0x66666667, s28  }
0x523: {  	s5 =	smul.u32 $0x66666667, s5;
	_ =	sdelay $0x1  }
0x524: {  	s4 =	sadd.s32 s5, s4  }
0x525: {  	s5 =	sshrl.u32 s4, $0x1F;
	s4 =	sshra.s32 s4, $0x2  }
0x526: {  	s4 =	sadd.s32 s5, s4  }
0x527: {  	s4 =	smul.u32 $0xA, s4  }
0x528: {  	s11 =	simm.s32 $0x1;
	s5 =	spop (v2sf)  }
0x529: {  	s4 =	ssub.s32 s28, s4;
	s10 =	sshra.s32 s5, $0x7;
	s9 =	spop (v2sf)  }
0x52a: {  	s6 =	sxor.u32 s26, s10;
	s15 =	sshra.s32 s9, $0x7;
	s14 =	spop (v2sf)  }
0x52b: {  	p2 =	slt.s32 s4, $0x0;
	s5 =	sand.u32 $0x7F, s5;
	p1 =	sne.s32 s6, $0xFF000000  }
0x52c: {  	s12 =	smov.u32 s4;
	s6 =	sadd.s32 @p1 $0xA, s4;
	s7 =	sadd.s32 @!p1 $0xA, s4  }
0x52d: {  	s11 =	simm.s32 @!p1 $0x0;
	p3 =	slt.s32 @p1 s4, $0x0;
	s7 =	smov.u32 @p1 s6;
	(xrf0) =	vmax.scan.msk.u32 $0xffff, v8  }
0x52e: {  	p3 =	por !p3, !p1;
	s19 =	sadd.s32 s11, s28;
	s12 =	smov.u32 @p2 s7  }
0x52f: {  	s6 =	smov.u32 @p3 s4;
	s4 =	sshra.s32 s19, $0x1F;
	s31 =	smov.u32 @p1 s12  }
0x530: {  	s6 =	sadd.s32 @p1 $0x1, s6;
	s4 =	smul.u32 $0x66666667, s4;
	s7 =	sshll.u32 s31, $0xD  }
0x531: {  	s11 =	sor.u32 s5, s7;
	s5 =	sxor.u32 s23, s15;
	s7 =	smulhi.u32 $0x66666667, s19  }
0x532: {  	s22 =	sshra.s32 s14, $0x7;
	v8 =	vor.u32 s11, v1  }
0x533: {  	s23 =	sxor.u32 $0xFF000000, s22;
	s4 =	sadd.s32 s4, s7;
	v9, _, _ =	vpop (xrf0)  }
0x534: {  	_ =	swait.ge @p1 [sflag:s6], $0x2000;
	s7 =	sshrl.u32 s4, $0x1F;
	s4 =	sshra.s32 s4, $0x2  }
0x535: {  	(v2sf) =	vpush v9, $0xF;
	s4 =	sadd.s32 s7, s4  }
0x536: {  	[sflag:s6] =	ssyncset.done @p1 $0x0;
	s4 =	smul.u32 $0xA, s4  }
0x537: {  	[sflag:s6] =	ssyncadd.s32 @p1 $0xFFFFE000  }
0x538: {  	p3 =	sne.s32 s5, $0xFF000000;
	s7 =	sshll.u32 s24, $0x7;
	v9 =	vld.idx.msk [tilespmem:v8+s16+$0x0], $0xffff;
	s4 =	ssub.s32 s19, s4  }
0x539: {  	s6 =	simm.s32 $0x1;
	v8 =	vor.u32 s7, v0;
	p1 =	slt.s32 @p3 s4, $0x0  }
0x53a: {  	v10 =	vor.u32 s11, v2;
	s28 =	sadd.s32 @p3 $0xA, s4;
	s5 =	sadd.s32 @!p3 $0xA, s4;
	p2 =	slt.s32 s4, $0x0  }
0x53b: {  	s12 =	smov.u32 s4;
	p1 =	por !p1, !p3;
	s5 =	smov.u32 @p3 s28  }
0x53c: {  	s6 =	simm.s32 @!p3 $0x0;
	s12 =	smov.u32 @p2 s5  }
0x53d: {  	s28 =	smov.u32 @p1 s4;
	s4 =	sadd.s32 s6, s19;
	s30 =	smov.u32 @p3 s12  }
0x53e: {  	s5 =	sand.u32 $0x7F, s9;
	s12 =	sshra.s32 s4, $0x1F;
	s6 =	sshll.u32 s30, $0xD;
	[tilespmem:v8+s17+$0x0] =	vst.idx.msk $0xffff, v9  }
0x53f: {  	s9 =	sor.u32 s5, s6;
	s5 =	smul.u32 $0x66666667, s12;
	v9 =	vld.idx.msk [tilespmem:v10+s16+$0x0], $0xffff  }
0x540: {  	s6 =	smulhi.u32 $0x66666667, s4;
	v10 =	vor.u32 s7, v3  }
0x541: {  	v11 =	vor.u32 s11, v4  }
0x542: {  	s5 =	sadd.s32 s5, s6  }
0x543: {  	s6 =	sshrl.u32 s5, $0x1F;
	s5 =	sshra.s32 s5, $0x2  }
0x544: {  	s5 =	sadd.s32 s6, s5;
	s6 =	spop (v2sf)  }
0x545: {  	s5 =	smul.u32 $0xA, s5;
	[tilespmem:v10+s17+$0x0] =	vst.idx.msk $0xffff, v9;
	s12 =	sshra.s32 s6, $0x7  }
0x546: {  	v9 =	vld.idx.msk [tilespmem:v11+s16+$0x0], $0xffff;
	s26 =	sxor.u32 $0xFF000000, s12;
	p2 =	sne.s32 s12, s10;
	s10 =	simm.s32 $0x1  }
0x547: {  	s5 =	ssub.s32 s4, s5;
	v11 =	vor.u32 s7, v5;
	s10 =	simm.s32 @!p2 $0x0  }
0x548: {  	v12 =	vor.u32 s11, v6;
	p1 =	slt.s32 @p2 s5, $0x0;
	s11 =	sadd.s32 @p2 $0xA, s5;
	s12 =	sadd.s32 @!p2 $0xA, s5  }
0x549: {  	p4 =	slt.s32 s5, $0x0;
	p1 =	por !p1, !p2;
	s12 =	smov.u32 @p2 s11  }
0x54a: {  	s4 =	sadd.s32 s10, s4;
	s11 =	smov.u32 @p1 s5;
	s5 =	smov.u32 @p4 s12  }
0x54b: {  	s10 =	sshra.s32 s4, $0x1F;
	s31 =	smov.u32 @p2 s5;
	s5 =	smulhi.u32 $0x66666667, s4  }
0x54c: {  	s6 =	sand.u32 $0x7F, s6;
	s19 =	smul.u32 $0x66666667, s10;
	s12 =	sshll.u32 s31, $0xD;
	[tilespmem:v11+s17+$0x0] =	vst.idx.msk $0xffff, v9  }
0x54d: {  	s10 =	sor.u32 s6, s12;
	v9 =	vld.idx.msk [tilespmem:v12+s16+$0x0], $0xffff  }
0x54e: {  	s5 =	sadd.s32 s19, s5;
	v12 =	vor.u32 s7, v7  }
0x54f: {  	s6 =	sshrl.u32 s5, $0x1F;
	s5 =	sshra.s32 s5, $0x2  }
0x550: {  	s5 =	sadd.s32 s6, s5  }
0x551: {  	s5 =	smul.u32 $0xA, s5  }
0x552: {  	v13 =	vor.u32 s9, v1  }
0x553: {  	p1 =	sne.s32 s22, s15;
	s6 =	sadd.s32 @p3 $0x1, s28;
	s5 =	ssub.s32 s4, s5;
	[tilespmem:v12+s17+$0x0] =	vst.idx.msk $0xffff, v9  }
0x554: {  	s15 =	sadd.s32 @p1 $0xA, s5;
	s7 =	sadd.s32 @!p1 $0xA, s5;
	_ =	swait.ge @p3 [sflag:s6], $0x2000  }
0x555: {  	p4 =	slt.s32 s5, $0x0;
	s7 =	smov.u32 @p1 s15;
	[sflag:s6] =	ssyncset.done @p3 $0x0  }
0x556: {  	[sflag:s6] =	ssyncadd.s32 @p3 $0xFFFFE000;
	s6 =	smov.u32 s5  }
0x557: {  	p3 =	slt.s32 @p1 s5, $0x0;
	s6 =	smov.u32 @p4 s7;
	s7 =	simm.s32 $0x1  }
0x558: {  	p3 =	por !p3, !p1;
	v9 =	vld.idx.msk [tilespmem:v13+s16+$0x0], $0xffff;
	s7 =	simm.s32 @!p1 $0x0;
	s30 =	smov.u32 @p1 s6  }
0x559: {  	s15 =	smov.u32 @p3 s5;
	s5 =	sand.u32 $0x7F, s14;
	s6 =	sshll.u32 s30, $0xD  }
0x55a: {  	v13 =	vor.u32 s9, v2;
	s28 =	sadd.s32 s7, s4;
	s14 =	sor.u32 s5, s6;
	_ =	sdelay $0x3  }
0x55b: {  	[tilespmem:v8+s18+$0x0] =	vst.idx.msk $0xffff, v9  }
0x55c: {  	v8 =	vld.idx.msk [tilespmem:v13+s16+$0x0], $0xffff;
	_ =	sdelay $0x1  }
0x55d: {  	v9 =	vor.u32 s9, v4;
	_ =	sdelay $0x3  }
0x55e: {  	[tilespmem:v10+s18+$0x0] =	vst.idx.msk $0xffff, v8  }
0x55f: {  	v8 =	vld.idx.msk [tilespmem:v9+s16+$0x0], $0xffff;
	_ =	sdelay $0x1  }
0x560: {  	v9 =	vor.u32 s9, v6;
	_ =	sdelay $0x3  }
0x561: {  	[tilespmem:v11+s18+$0x0] =	vst.idx.msk $0xffff, v8  }
0x562: {  	v8 =	vld.idx.msk [tilespmem:v9+s16+$0x0], $0xffff;
	_ =	sdelay $0x4  }
0x563: {  	v9 =	vor.u32 s10, v1  }
0x564: {  	s4 =	sadd.s32 @p2 $0x1, s11;
	[tilespmem:v12+s18+$0x0] =	vst.idx.msk $0xffff, v8  }
0x565: {  	_ =	swait.ge @p2 [sflag:s4], $0x2000  }
0x566: {  	[sflag:s4] =	ssyncset.done @p2 $0x0  }
0x567: {  	s5 =	sadd.s32 $0x1, s24;
	[sflag:s4] =	ssyncadd.s32 @p2 $0xFFFFE000  }
0x568: {  	s4 =	sshll.u32 s5, $0x7;
	v8 =	vld.idx.msk [tilespmem:v9+s16+$0x0], $0xffff  }
0x569: {  	v12 =	vor.u32 s4, v0  }
0x56a: {  	v9 =	vor.u32 s10, v2;
	_ =	sdelay $0x3  }
0x56b: {  	[tilespmem:v12+s17+$0x0] =	vst.idx.msk $0xffff, v8  }
0x56c: {  	v9 =	vld.idx.msk [tilespmem:v9+s16+$0x0], $0xffff  }
0x56d: {  	v8 =	vor.u32 s4, v3  }
0x56e: {  	v10 =	vor.u32 s10, v4;
	_ =	sdelay $0x3  }
0x56f: {  	[tilespmem:v8+s17+$0x0] =	vst.idx.msk $0xffff, v9  }
0x570: {  	v10 =	vld.idx.msk [tilespmem:v10+s16+$0x0], $0xffff  }
0x571: {  	v9 =	vor.u32 s4, v5  }
0x572: {  	v11 =	vor.u32 s10, v6;
	_ =	sdelay $0x3  }
0x573: {  	[tilespmem:v9+s17+$0x0] =	vst.idx.msk $0xffff, v10  }
0x574: {  	v11 =	vld.idx.msk [tilespmem:v11+s16+$0x0], $0xffff  }
0x575: {  	v10 =	vor.u32 s4, v7;
	_ =	sdelay $0x3  }
0x576: {  	v13 =	vor.u32 s14, v1  }
0x577: {  	s4 =	sadd.s32 @p1 $0x1, s15;
	[tilespmem:v10+s17+$0x0] =	vst.idx.msk $0xffff, v11  }
0x578: {  	_ =	swait.ge @p1 [sflag:s4], $0x2000  }
0x579: {  	[sflag:s4] =	ssyncset.done @p1 $0x0  }
0x57a: {  	[sflag:s4] =	ssyncadd.s32 @p1 $0xFFFFE000  }
0x57b: {  	v13 =	vld.idx.msk [tilespmem:v13+s16+$0x0], $0xffff;
	_ =	sdelay $0x1  }
.Ltmp3:
0x57c: {  	v11 =	vor.u32 s14, v2;
	(pc) =	sbr.rel @p0 .LBB2_8-.Ltmp3, $2  }
0x57d: {  	_ =	sdelay $0x2  }
0x57e: {  	[tilespmem:v12+s18+$0x0] =	vst.idx.msk $0xffff, v13  }
0x57f: {  	_ =	sdelay $0x3  }
0x580: {  	v11 =	vld.idx.msk [tilespmem:v11+s16+$0x0], $0xffff  }
0x581: {  	v12 =	vor.u32 s14, v4;
	_ =	sdelay $0x3  }
0x582: {  	[tilespmem:v8+s18+$0x0] =	vst.idx.msk $0xffff, v11  }
0x583: {  	v8 =	vld.idx.msk [tilespmem:v12+s16+$0x0], $0xffff  }
0x584: {  	v63 =	vor.u32 s14, v6;
	_ =	sdelay $0x3  }
0x585: {  	[tilespmem:v9+s18+$0x0] =	vst.idx.msk $0xffff, v8  }
0x586: {  	v8 =	vld.idx.msk [tilespmem:v63+s16+$0x0], $0xffff;
	_ =	sdelay $0x4  }
0x587: {  	s0 =	rddreg [dreg:$0x5];
	s3 =	simm.s32 $0x80;
	s4 =	simm.s32 $0x580;
	[tilespmem:v10+s18+$0x0] =	vst.idx.msk $0xffff, v8  }
0x588: {  	[hbm4b:s0+s3] =	stream.indirect.scatter [tilespmem:s17], [sflag:$0xB], $0x80, s4, s3, $0xb8;
	[tilespmem:$0x1C800] =	vst v63  }
0x589: {  	s25 =	rddreg [dreg:$0x6];
	s26 =	simm.s32 $0x780;
	s28 =	simm.s32 $0xB  }
0x58a: {  	[hbm4b:s25+s3] =	stream.indirect.scatter [tilespmem:s18], [sflag:$0xC], $0x80, s26, s3, $0xb8;
	[tilespmem:$0x1C800] =	vst v63  }
0x58b: {  	_ =	swait.ge [sflag:s28], $0x4000  }
0x58c: {  	[sflag:s28] =	ssyncset.done $0x0  }
0x58d: {  	s29 =	simm.s32 $0xC;
	[sflag:s28] =	ssyncadd.s32 $0xFFFFC000  }
0x58e: {  	_ =	swait.ge [sflag:s29], $0x4000  }
0x58f: {  	s30 =	rddreg [dreg:$0xc]  }
0x590: {  	s31 =	rddreg [dreg:$0xb];
	s4 =	sadd.s32 $0x1, s30  }
0x591: {  	p0 =	sne.s32 s4, s31  }
.Ltmp4:
0x592: {  	_ = 	snop;
	(pc) =	sbr.rel @p0 .LBB2_1-.Ltmp4, $3  }
0x593: {  	_ =	sdelay $0x1  }
0x594: {  	[sflag:s29] =	ssyncset.done $0x0  }
0x595: {  	s6 =	simm.s32 $0x400;
	s12 =	simm.s32 $0x600;
	[sflag:s29] =	ssyncadd.s32 $0xFFFFC000  }
0x596: {  	_ =	sfence.sel $0x180000  }
0x597: {  	[bflag:$0x0] =	sbarrier.arrive $0xFFFF  }
0x598: {  	_ =	strace $0x90000047  }
0x599: {  	s0 =	stileid.u32;
	[bflag:$0x2] =	sbarrier.arrive $0xFFFF  }
0x59a: {  	p0 =	sne.s32 s0, $0x0;
	s0 =	rddreg [dreg:$0x4]  }
0x59b: {  	s0 =	sadd.s32 @!p0 $0x100000, s0  }
0x59c: {  	[sflag:s0] =	ssyncadd.tile.s32 @!p0 $0x1;
	_ =	shalt  }
.Lfunc_end2:
_tile_overlayer_lowered:
.L_overlay_start_2:
0x59d: {  	(tag) =	ssettag $0x2  }
0x59e: {  	s0 =	rddreg [dreg:$0x0];
	s2 =	stileid.u32  }
0x59f: {  	s1 =	rddreg [dreg:$0x1];
	p0 =	sne.s32 s2, $0x0  }
0x5a0: {  	s3 =	rddreg [dreg:$0x2];
	[bflag:$0x3] =	sbarrier.arrive $0xFFFF;
	s2 =	simm.s32 @!p0 $0x1C0D  }
0x5a1: {  	[timem:s3], [sflag:s2] =	dma.local @!p0 [hbm:s0], s1  }
0x5a2: {  	s0 =	simm.s32 @!p0 $0xD  }
0x5a3: {  	_ =	swait.ge @!p0 [sflag:s0], s1  }
0x5a4: {  	s1 =	ssub.s32 @!p0 $0x0, s1;
	[sflag:s0] =	ssyncset.done @!p0 $0x0  }
0x5a5: {  	[sflag:s0] =	ssyncadd.s32 @!p0 s1  }
0x5a6: {  	[bflag:$0x3] =	sbarrier.arrive $0xFFFF  }
0x5a7: {  	_ =	shalt  }

</sc_bundles>
